<compile_context>
chip_gen: v7x
topology: tpu7x:2x2x1
jax: 0.10.2.dev20260603
libtpu: 0.0.44.dev20260713+nightly
codegen_flags: <defaults>
</compile_context>

<pallas_src>
import functools

import jax
import jax.numpy as jnp
from jax import lax
from jax.experimental import pallas as pl
from jax.experimental.pallas import tpu as pltpu
from jax.experimental.pallas import tpu_sc as plsc

N = 10000
E = 320000
E_SUB = 100000
NUM_RELS = 16
REL_DIM = 32

NW = 32
CH = 128
N1 = 10240
EC = 80
E_PAD = NW * EC * CH
ESC = 25
ES_PAD = NW * ESC * CH
HF = N1 * NUM_RELS
HPT = HF // 16
RPT = N1 // 16
OUT_FULL_CHUNKS = E_SUB // CH
OUT_TAIL = E_SUB - OUT_FULL_CHUNKS * CH

_MESH = plsc.VectorSubcoreMesh(core_axis_name="c", subcore_axis_name="s")
_f32 = jnp.float32
_i32 = jnp.int32


def _wid():
    return lax.axis_index("s") * 2 + lax.axis_index("c")


@functools.partial(
    pl.kernel,
    out_type=(jax.ShapeDtypeStruct((HF,), _f32),
              jax.ShapeDtypeStruct((HF,), _f32),
              jax.ShapeDtypeStruct((HF,), _f32),
              jax.ShapeDtypeStruct((HF,), _f32)),
    mesh=_MESH,
    scratch_types=[
        pltpu.VMEM_SHARED((HF,), _f32),
        pltpu.VMEM_SHARED((HF,), _f32),
        pltpu.VMEM((EC, CH), _i32),
        pltpu.VMEM((EC, CH), _i32),
        pltpu.VMEM((EC, CH), _i32),
        pltpu.VMEM((EC, CH), _i32),
        pltpu.VMEM((EC, CH), _i32),
        pltpu.VMEM((CH,), _f32),
        pltpu.SemaphoreType.DMA,
        pltpu.SemaphoreType.DMA,
    ],
)
def _hist(src_h, dst_h, typ_h, zh_h, co0_h, co1_h, ci0_h, ci1_h,
          acc_o, acc_i, sbuf, dbuf, tbuf, iob, iib, ones, osem, isem):
    cid = lax.axis_index("c")
    sid = lax.axis_index("s")
    wid = _wid()
    pltpu.sync_copy(zh_h.at[pl.ds(sid * HPT, HPT)],
                    acc_o.at[pl.ds(sid * HPT, HPT)])
    pltpu.sync_copy(zh_h.at[pl.ds(sid * HPT, HPT)],
                    acc_i.at[pl.ds(sid * HPT, HPT)])
    pltpu.sync_copy(src_h.at[wid], sbuf)
    pltpu.sync_copy(dst_h.at[wid], dbuf)
    pltpu.sync_copy(typ_h.at[wid], tbuf)
    for k in range(8):
        ones[pl.ds(k * 16, 16)] = jnp.full((16,), 1.0, _f32)

    def cbody(j, carry):
        for k in range(8):
            s = sbuf[j, pl.ds(k * 16, 16)]
            d = dbuf[j, pl.ds(k * 16, 16)]
            t = tbuf[j, pl.ds(k * 16, 16)]
            iob[j, pl.ds(k * 16, 16)] = t * N1 + s
            iib[j, pl.ds(k * 16, 16)] = t * N1 + d
        return carry

    lax.fori_loop(0, EC, cbody, 0)
    plsc.subcore_barrier()

    def swait_pair(j):
        pltpu.make_async_copy(ones, acc_o.at[iob.at[j]], osem).wait()
        pltpu.make_async_copy(ones, acc_i.at[iib.at[j]], isem).wait()

    def sbody(j, carry):
        @pl.when(j >= 8)
        def _():
            swait_pair(j - 8)

        pltpu.async_copy(ones, acc_o.at[iob.at[j]], osem, add=True)
        pltpu.async_copy(ones, acc_i.at[iib.at[j]], isem, add=True)
        return carry

    lax.fori_loop(0, EC, sbody, 0)

    def dbody(j, carry):
        swait_pair(j)
        return carry

    lax.fori_loop(EC - 8, EC, dbody, 0)
    plsc.subcore_barrier()

    @pl.when(cid == 0)
    def _():
        pltpu.sync_copy(acc_o.at[pl.ds(sid * HPT, HPT)],
                        co0_h.at[pl.ds(sid * HPT, HPT)])
        pltpu.sync_copy(acc_i.at[pl.ds(sid * HPT, HPT)],
                        ci0_h.at[pl.ds(sid * HPT, HPT)])

    @pl.when(cid == 1)
    def _():
        pltpu.sync_copy(acc_o.at[pl.ds(sid * HPT, HPT)],
                        co1_h.at[pl.ds(sid * HPT, HPT)])
        pltpu.sync_copy(acc_i.at[pl.ds(sid * HPT, HPT)],
                        ci1_h.at[pl.ds(sid * HPT, HPT)])


_ECH = EC // 2


def _make_scatter(D):
    @functools.partial(
        pl.kernel,
        out_type=jax.ShapeDtypeStruct((2, N1, D), _f32),
        mesh=_MESH,
        scratch_types=[
            pltpu.VMEM_SHARED((N1, D), _f32),
            pltpu.VMEM((_ECH, CH), _i32),
            pltpu.VMEM((_ECH, CH), _i32),
            pltpu.VMEM((2, CH, D), _f32),
            pltpu.SemaphoreType.DMA,
            pltpu.SemaphoreType.DMA,
        ],
    )
    def _scat(h_h, src_h, dst_h, z_h, out_h, acc, sbuf, dbuf, rbuf,
              gsem, ssem):
        cid = lax.axis_index("c")
        sid = lax.axis_index("s")
        wid = _wid()
        pltpu.sync_copy(z_h.at[pl.ds(sid * RPT, RPT)],
                        acc.at[pl.ds(sid * RPT, RPT)])
        plsc.subcore_barrier()

        def gstart(j, b):
            pltpu.async_copy(h_h.at[sbuf.at[j]], rbuf.at[b], gsem)

        def gwait(b):
            pltpu.make_async_copy(h_h.at[sbuf.at[0]], rbuf.at[b],
                                  gsem).wait()

        def swait(b, j):
            pltpu.make_async_copy(rbuf.at[b], acc.at[dbuf.at[j]],
                                  ssem).wait()

        for h in range(2):
            pltpu.sync_copy(src_h.at[wid, pl.ds(h * _ECH, _ECH)], sbuf)
            pltpu.sync_copy(dst_h.at[wid, pl.ds(h * _ECH, _ECH)], dbuf)
            gstart(0, 0)

            def body(j, carry):
                cur = lax.rem(j, 2)
                gwait(cur)

                @pl.when(j >= 1)
                def _():
                    swait(1 - cur, j - 1)

                @pl.when(j + 1 < _ECH)
                def _():
                    gstart(j + 1, 1 - cur)

                pltpu.async_copy(rbuf.at[cur], acc.at[dbuf.at[j]], ssem,
                                 add=True)
                return carry

            lax.fori_loop(0, _ECH, body, 0)
            swait(lax.rem(_ECH - 1, 2), _ECH - 1)
        plsc.subcore_barrier()
        pltpu.sync_copy(acc.at[pl.ds(sid * RPT, RPT)],
                        out_h.at[cid, pl.ds(sid * RPT, RPT)])

    return _scat


_scat128 = _make_scatter(128)


@functools.partial(
    pl.kernel,
    out_type=jax.ShapeDtypeStruct((E_SUB, 128), _f32),
    mesh=_MESH,
    scratch_types=[
        pltpu.VMEM((ESC, CH), _i32),
        pltpu.VMEM((ESC, CH), _i32),
        pltpu.VMEM((2, CH, 128), _f32),
        pltpu.VMEM((2, CH, 128), _f32),
        pltpu.SemaphoreType.DMA,
        pltpu.SemaphoreType.DMA,
    ],
)
def _final(xs_h, xd_h, ss_h, sd_h, out_h, ssb, sdb, b1, b2, gsem, osem):
    del osem
    wid = _wid()
    c0 = wid * ESC
    pltpu.sync_copy(ss_h.at[wid], ssb)
    pltpu.sync_copy(sd_h.at[wid], sdb)

    def gstart(j, b):
        pltpu.async_copy(xs_h.at[ssb.at[j]], b1.at[b], gsem)
        pltpu.async_copy(xd_h.at[sdb.at[j]], b2.at[b], gsem)

    def gwait(b):
        pltpu.make_async_copy(xs_h.at[ssb.at[0]], b1.at[b], gsem).wait()
        pltpu.make_async_copy(xd_h.at[sdb.at[0]], b2.at[b], gsem).wait()

    def compute_store(j, b):
        def radd(r, c2):
            for k in range(8):
                b1[b, r, pl.ds(k * 16, 16)] = (
                    b1[b, r, pl.ds(k * 16, 16)] +
                    b2[b, r, pl.ds(k * 16, 16)])
            return c2

        lax.fori_loop(0, CH, radd, 0)
        gbase = (c0 + j) * CH

        @pl.when(gbase + CH <= E_SUB)
        def _full():
            pltpu.sync_copy(b1.at[b], out_h.at[pl.ds(gbase, CH)])

        @pl.when(jnp.logical_and(gbase < E_SUB, gbase + CH > E_SUB))
        def _tail():
            pltpu.sync_copy(b1.at[b].at[pl.ds(0, OUT_TAIL)],
                            out_h.at[pl.ds(gbase, OUT_TAIL)])

    gstart(0, 0)

    def body(jj, carry):
        j0 = jj * 2
        gwait(0)
        gstart(j0 + 1, 1)
        compute_store(j0, 0)
        gwait(1)

        @pl.when(j0 + 2 < ESC)
        def _():
            gstart(j0 + 2, 0)

        compute_store(j0 + 1, 1)
        return carry

    lax.fori_loop(0, ESC // 2, body, 0)
    gwait(0)
    compute_store(ESC - 1, 0)


_BR = 2048
_GRID = N1 // _BR


def _cnt(c0_r, c1_r):
    return c0_r[...] + c1_r[...]


def _colsum(cT):
    return lax.dot_general(cT, jnp.ones((NUM_RELS, 1), _f32),
                           (((0,), (0,)), ((), ())),
                           precision=lax.Precision.HIGHEST)


def _cmat(cT, rel):
    return lax.dot_general(cT, rel, (((0,), (0,)), ((), ())),
                           precision=lax.Precision.HIGHEST)


_CNT_SPEC = pl.BlockSpec((NUM_RELS, _BR), lambda i: (0, i))


def _dense1_body(co0_r, co1_r, ci0_r, ci1_r, re_r, wo_r, bo_r, wi_r,
                 bi_r, w0_r, h0_r):
    co = _cnt(co0_r, co1_r)
    ci = _cnt(ci0_r, ci1_r)
    dout = _colsum(co)
    din = _colsum(ci)
    orel = jnp.dot(re_r[...], wo_r[...],
                   precision=lax.Precision.HIGHEST) + bo_r[...]
    irel = jnp.dot(re_r[...], wi_r[...],
                   precision=lax.Precision.HIGHEST) + bi_r[...]
    oa = _cmat(co, orel) / jnp.maximum(dout, 1.0)
    ia = _cmat(ci, irel) / jnp.maximum(din, 1.0)
    a = lax.rsqrt(jnp.maximum(dout, 1.0))
    x0 = jnp.concatenate([oa, ia], axis=1) * a
    h0_r[...] = jnp.dot(x0, w0_r[...], precision=lax.Precision.HIGHEST)


def _dense1(co0, co1, ci0, ci1, re, wo, bo, wi, bi, w0):
    return pl.pallas_call(
        _dense1_body,
        grid=(_GRID,),
        in_specs=[
            _CNT_SPEC, _CNT_SPEC, _CNT_SPEC, _CNT_SPEC,
            pl.BlockSpec((NUM_RELS, REL_DIM), lambda i: (0, 0)),
            pl.BlockSpec((REL_DIM, REL_DIM), lambda i: (0, 0)),
            pl.BlockSpec((1, REL_DIM), lambda i: (0, 0)),
            pl.BlockSpec((REL_DIM, REL_DIM), lambda i: (0, 0)),
            pl.BlockSpec((1, REL_DIM), lambda i: (0, 0)),
            pl.BlockSpec((2 * REL_DIM, 128), lambda i: (0, 0)),
        ],
        out_specs=pl.BlockSpec((_BR, 128), lambda i: (i, 0)),
        out_shape=jax.ShapeDtypeStruct((N1, 128), _f32),
    )(co0, co1, ci0, ci1, re, wo, bo, wi, bi, w0)


def _dense2_body(ap, co0_r, co1_r, ci0_r, ci1_r, b0_r, w1_r, h1_r):
    dout = _colsum(_cnt(co0_r, co1_r))
    din = _colsum(_cnt(ci0_r, ci1_r))
    agg = (ap[0] + ap[1]) * lax.rsqrt(jnp.maximum(din, 1.0))
    x1 = jnp.maximum(agg + b0_r[...], 0.0)
    h1_r[...] = jnp.dot(x1 * lax.rsqrt(jnp.maximum(dout, 1.0)), w1_r[...],
                        precision=lax.Precision.HIGHEST)


def _dense2(ap, co0, co1, ci0, ci1, b0, w1):
    return pl.pallas_call(
        _dense2_body,
        grid=(_GRID,),
        in_specs=[
            pl.BlockSpec((2, _BR, 128), lambda i: (0, i, 0)),
            _CNT_SPEC, _CNT_SPEC, _CNT_SPEC, _CNT_SPEC,
            pl.BlockSpec((1, 128), lambda i: (0, 0)),
            pl.BlockSpec((128, 128), lambda i: (0, 0)),
        ],
        out_specs=pl.BlockSpec((_BR, 128), lambda i: (i, 0)),
        out_shape=jax.ShapeDtypeStruct((N1, 128), _f32),
    )(ap, co0, co1, ci0, ci1, b0, w1)


def _dense3_body(qp, ci0_r, ci1_r, b1_r, fs_r, fd_r, fb_r, xs_r, xd_r):
    din = _colsum(_cnt(ci0_r, ci1_r))
    agg = (qp[0] + qp[1]) * lax.rsqrt(jnp.maximum(din, 1.0))
    x2 = jnp.maximum(agg + b1_r[...], 0.0)
    xs_r[...] = jnp.dot(x2, fs_r[...], precision=lax.Precision.HIGHEST)
    xd_r[...] = jnp.dot(x2, fd_r[...],
                        precision=lax.Precision.HIGHEST) + fb_r[...]


def _dense3(qp, ci0, ci1, b1, fs, fd, fb):
    return pl.pallas_call(
        _dense3_body,
        grid=(_GRID,),
        in_specs=[
            pl.BlockSpec((2, _BR, 128), lambda i: (0, i, 0)),
            _CNT_SPEC, _CNT_SPEC,
            pl.BlockSpec((1, 128), lambda i: (0, 0)),
            pl.BlockSpec((128, 128), lambda i: (0, 0)),
            pl.BlockSpec((128, 128), lambda i: (0, 0)),
            pl.BlockSpec((1, 128), lambda i: (0, 0)),
        ],
        out_specs=[
            pl.BlockSpec((_BR, 128), lambda i: (i, 0)),
            pl.BlockSpec((_BR, 128), lambda i: (i, 0)),
        ],
        out_shape=[
            jax.ShapeDtypeStruct((N1, 128), _f32),
            jax.ShapeDtypeStruct((N1, 128), _f32),
        ],
    )(qp, ci0, ci1, b1, fs, fd, fb)


def _pad_idx(x, total):
    npad = total - x.shape[0]
    fill = N + (jnp.arange(npad, dtype=_i32) % 128)
    return jnp.concatenate([x.astype(_i32), fill])


@jax.jit
def _impl(input_nodes, edge_index, edge_type, sub_edge_index, rel_emb,
          W_out, b_out, W_in, b_in, gcn_W0, gcn_b0, gcn_W1, gcn_b1,
          fc_W, fc_b):
    del input_nodes
    src2d = _pad_idx(edge_index[0], E_PAD).reshape(NW, EC, CH)
    dst2d = _pad_idx(edge_index[1], E_PAD).reshape(NW, EC, CH)
    typ2d = jnp.concatenate(
        [edge_type.astype(_i32),
         jnp.zeros((E_PAD - E,), _i32)]).reshape(NW, EC, CH)
    ss2d = _pad_idx(sub_edge_index[0], ES_PAD).reshape(NW, ESC, CH)
    sd2d = _pad_idx(sub_edge_index[1], ES_PAD).reshape(NW, ESC, CH)
    zh = jnp.zeros((HF,), _f32)
    z128 = jnp.zeros((N1, 128), _f32)

    co0_f, co1_f, ci0_f, ci1_f = _hist(src2d, dst2d, typ2d, zh)
    co0 = co0_f.reshape(NUM_RELS, N1)
    co1 = co1_f.reshape(NUM_RELS, N1)
    ci0 = ci0_f.reshape(NUM_RELS, N1)
    ci1 = ci1_f.reshape(NUM_RELS, N1)

    h0 = _dense1(co0, co1, ci0, ci1, rel_emb,
                 W_out, b_out.reshape(1, REL_DIM),
                 W_in, b_in.reshape(1, REL_DIM), gcn_W0)
    ap = _scat128(h0, src2d, dst2d, z128)
    h1 = _dense2(ap, co0, co1, ci0, ci1, gcn_b0.reshape(1, 128), gcn_W1)
    qp = _scat128(h1, src2d, dst2d, z128)
    xs, xd = _dense3(qp, ci0, ci1, gcn_b1.reshape(1, 128),
                     fc_W[:128], fc_W[128:], fc_b.reshape(1, 128))
    return _final(xs, xd, ss2d, sd2d)


def kernel(input_nodes, edge_index, edge_type, sub_edge_index, rel_emb,
           W_out, b_out, W_in, b_in, gcn_W0, gcn_b0, gcn_W1, gcn_b1,
           fc_W, fc_b):
    return _impl(input_nodes, edge_index, edge_type, sub_edge_index,
                 rel_emb, W_out, b_out, W_in, b_in, gcn_W0, gcn_b0,
                 gcn_W1, gcn_b1, fc_W, fc_b)

# --- scband reference (transcript-rebuilt; emitter-appended) ---
"""Pipeline reference for scband-gcnnet-1056561954976 (READ-ONLY COPY).

The authoritative reference and input builder live on the scoring server;
editing this copy changes nothing except your own understanding.
"""

import jax, jax.numpy as jnp
import numpy as np

N = 10000
E = 320000
E_SUB = 100000
NUM_RELS = 16
REL_DIM = 32
HIDDEN = [128, 128]
OUT_DIM = 128


def _glorot(k, shape):
    lim = np.sqrt(6.0 / (shape[0] + shape[1]))
    return jax.random.uniform(k, shape, jnp.float32, -lim, lim)


def setup_inputs(seed: int = 0) -> dict:
    key = jax.random.key(seed)
    ks = jax.random.split(key, 16)
    inp = {}
    inp["input_nodes"] = jax.random.randint(ks[0], (N,), 0, N)
    inp["edge_index"] = jax.random.randint(ks[1], (2, E), 0, N)
    inp["edge_type"] = jax.random.randint(ks[2], (E,), 0, NUM_RELS)
    inp["sub_edge_index"] = jax.random.randint(ks[3], (2, E_SUB), 0, N)
    inp["rel_emb"] = jax.random.normal(ks[4], (NUM_RELS, REL_DIM), jnp.float32)
    inp["W_out"] = _glorot(ks[5], (REL_DIM, REL_DIM))
    inp["b_out"] = jnp.zeros((REL_DIM,), jnp.float32)
    inp["W_in"] = _glorot(ks[6], (REL_DIM, REL_DIM))
    inp["b_in"] = jnp.zeros((REL_DIM,), jnp.float32)
    inp["gcn_W0"] = _glorot(ks[7], (2 * REL_DIM, HIDDEN[0]))
    inp["gcn_b0"] = jnp.zeros((HIDDEN[0],), jnp.float32)
    inp["gcn_W1"] = _glorot(ks[8], (HIDDEN[0], HIDDEN[1]))
    inp["gcn_b1"] = jnp.zeros((HIDDEN[1],), jnp.float32)
    inp["fc_W"] = _glorot(ks[9], (2 * HIDDEN[1], OUT_DIM))
    inp["fc_b"] = jnp.zeros((OUT_DIM,), jnp.float32)
    return inp


def reference(input_nodes, edge_index, edge_type, sub_edge_index, rel_emb, W_out, b_out, W_in, b_in, gcn_W0, gcn_b0, gcn_W1, gcn_b1, fc_W, fc_b):
    n = input_nodes.shape[0]
    src = edge_index[0]
    dst = edge_index[1]
    # relation embedding lookup + linear transforms
    e = jnp.take(rel_emb, edge_type, axis=0)
    out_e = e @ W_out + b_out
    in_e = e @ W_in + b_in
    ones = jnp.ones((src.shape[0],), jnp.float32)
    out_deg = jax.ops.segment_sum(ones, src, num_segments=n)
    in_deg = jax.ops.segment_sum(ones, dst, num_segments=n)
    # inc('out') @ edge_emb / out_degree  (mean of outgoing edge embeddings per src node)
    out_agg = jax.ops.segment_sum(out_e, src, num_segments=n) / jnp.maximum(out_deg, 1.0)[:, None]
    # inc('in') @ edge_emb / in_degree (mean of incoming edge embeddings per dst node)
    in_agg = jax.ops.segment_sum(in_e, dst, num_segments=n) / jnp.maximum(in_deg, 1.0)[:, None]
    x = jnp.concatenate([out_agg, in_agg], axis=1)  # [N, 64]
    # DGL GraphConv with norm='both': D_dst^{-1/2} A D_src^{-1/2} X W + b
    inv_sqrt_out = 1.0 / jnp.sqrt(jnp.maximum(out_deg, 1.0))
    inv_sqrt_in = 1.0 / jnp.sqrt(jnp.maximum(in_deg, 1.0))

    def gcn(h, W, b):
        h = h * inv_sqrt_out[:, None]
        agg = jax.ops.segment_sum(jnp.take(h, src, axis=0), dst, num_segments=n)
        agg = agg * inv_sqrt_in[:, None]
        return agg @ W + b

    x = jax.nn.relu(gcn(x, gcn_W0, gcn_b0))
    x = jax.nn.relu(gcn(x, gcn_W1, gcn_b1))
    # edge_subg apply_edges: concat src/dst node features, then fc
    ssrc = sub_edge_index[0]
    sdst = sub_edge_index[1]
    edge_emb = jnp.concatenate([jnp.take(x, ssrc, axis=0), jnp.take(x, sdst, axis=0)], axis=1)
    return edge_emb @ fc_W + fc_b

if __name__ == "__main__":
    import jax
    _d = setup_inputs()
    print(jax.jit(kernel)(*tuple(_d.values())))

</pallas_src>

<mosaic_0001>
#map = affine_map<(d0, d1) -> (0, 0)>
#map1 = affine_map<(d0, d1) -> (0, 0, 0)>
module attributes {stable_mosaic.version = 14 : i64} {
  func.func @_scat(%arg0: i32, %arg1: i32, %arg2: memref<10240x128xf32, #tpu.memory_space<hbm>>, %arg3: memref<32x80x128xi32, #tpu.memory_space<hbm>>, %arg4: memref<32x80x128xi32, #tpu.memory_space<hbm>>, %arg5: memref<10240x128xf32, #tpu.memory_space<hbm>>, %arg6: memref<2x10240x128xf32, #tpu.memory_space<hbm>>, %arg7: memref<10240x128xf32, #tpu.memory_space<vmem_shared>>, %arg8: memref<40x128xi32, #tpu.memory_space<vmem>>, %arg9: memref<40x128xi32, #tpu.memory_space<vmem>>, %arg10: memref<2x128x128xf32, #tpu.memory_space<vmem>>, %arg11: memref<!tpu.dma_semaphore, #tpu.memory_space<semaphore_mem>>, %arg12: memref<!tpu.dma_semaphore, #tpu.memory_space<semaphore_mem>>) attributes {dimension_semantics = [#tpu.dimension_semantics<core_parallel>, #tpu.dimension_semantics<subcore_parallel>], iteration_bounds = array<i64: 2, 16>, scalar_prefetch = 0 : i64, scratch_operands = 6 : i64, tpu.core_type = #tpu.core_type<sc_vector_subcore>, window_params = [{transform_indices = #map}, {transform_indices = #map1}, {transform_indices = #map1}, {transform_indices = #map}, {transform_indices = #map1}]} {
    %mul3A = arith.constant 2 : i32
    %mul3A_0 = arith.muli %arg1, %mul3A : i32
    %add3A = arith.addi %mul3A_0, %arg0 : i32
    %mul3A_1 = arith.constant 640 : i32
    %mul3A_2 = arith.muli %arg1, %mul3A_1 : i32
    %mul3A_3 = arith.constant 640 : i32
    %mul3A_4 = arith.muli %arg1, %mul3A_3 : i32
    "tpu.region"() ({
      %run_scoped3A = tpu.sem_alloc : memref<!tpu.dma_semaphore, #tpu.memory_space<semaphore_mem>>
      %dma_start3A_70 = arith.constant 0 : i32
      %dma_start3A_71 = tpu.memref_slice %arg7[%mul3A_4, %dma_start3A_70] : memref<10240x128xf32, #tpu.memory_space<vmem_shared>> -> memref<640x128xf32, #tpu.memory_space<vmem_shared>>
      %dma_start3A_72 = arith.constant 0 : i32
      %dma_start3A_73 = tpu.memref_slice %arg5[%mul3A_2, %dma_start3A_72] : memref<10240x128xf32, #tpu.memory_space<hbm>> -> memref<640x128xf32, #tpu.memory_space<hbm>>
      tpu.enqueue_dma source(%dma_start3A_73 : memref<640x128xf32, #tpu.memory_space<hbm>>) target(%dma_start3A_71 : memref<640x128xf32, #tpu.memory_space<vmem_shared>>) target_semaphore(%run_scoped3A : memref<!tpu.dma_semaphore, #tpu.memory_space<semaphore_mem>>)
      %dma_wait3A_74 = arith.constant 0 : i32
      %dma_wait3A_75 = tpu.memref_slice %arg7[%mul3A_4, %dma_wait3A_74] : memref<10240x128xf32, #tpu.memory_space<vmem_shared>> -> memref<640x128xf32, #tpu.memory_space<vmem_shared>>
      %dma_wait3A_76 = arith.constant 0 : i32
      %dma_wait3A_77 = tpu.memref_slice %arg5[%mul3A_2, %dma_wait3A_76] : memref<10240x128xf32, #tpu.memory_space<hbm>> -> memref<640x128xf32, #tpu.memory_space<hbm>>
      tpu.wait_dma2 semaphore(%run_scoped3A : memref<!tpu.dma_semaphore, #tpu.memory_space<semaphore_mem>>) src(%dma_wait3A_77 : memref<640x128xf32, #tpu.memory_space<hbm>>) dst(%dma_wait3A_75 : memref<640x128xf32, #tpu.memory_space<vmem_shared>>)
      tpu.yield
    }) : () -> ()
    %barrier3A = arith.constant 0 : index
    tpu.barrier barrier_id(%barrier3A)
    "tpu.region"() ({
      %run_scoped3A = tpu.sem_alloc : memref<!tpu.dma_semaphore, #tpu.memory_space<semaphore_mem>>
      %dma_start3A_70 = arith.constant 0 : i32
      %dma_start3A_71 = arith.constant 0 : i32
      %dma_start3A_72 = tpu.memref_slice %arg3[%add3A, %dma_start3A_70, %dma_start3A_71] : memref<32x80x128xi32, #tpu.memory_space<hbm>> -> memref<1x40x128xi32, #tpu.memory_space<hbm>>
      %dma_start3A_73 = tpu.memref_squeeze %dma_start3A_72 : memref<1x40x128xi32, #tpu.memory_space<hbm>> -> memref<40x128xi32, #tpu.memory_space<hbm>>
      %dma_start3A_74 = arith.constant 0 : i32
      %dma_start3A_75 = arith.constant 0 : i32
      %dma_start3A_76 = tpu.memref_slice %arg3[%add3A, %dma_start3A_74, %dma_start3A_75] : memref<32x80x128xi32, #tpu.memory_space<hbm>> -> memref<1x40x128xi32, #tpu.memory_space<hbm>>
      %dma_start3A_77 = tpu.memref_squeeze %dma_start3A_76 : memref<1x40x128xi32, #tpu.memory_space<hbm>> -> memref<40x128xi32, #tpu.memory_space<hbm>>
      tpu.enqueue_dma source(%dma_start3A_77 : memref<40x128xi32, #tpu.memory_space<hbm>>) target(%arg8 : memref<40x128xi32, #tpu.memory_space<vmem>>) target_semaphore(%run_scoped3A : memref<!tpu.dma_semaphore, #tpu.memory_space<semaphore_mem>>)
      %dma_wait3A_78 = arith.constant 0 : i32
      %dma_wait3A_79 = arith.constant 0 : i32
      %dma_wait3A_80 = tpu.memref_slice %arg3[%add3A, %dma_wait3A_78, %dma_wait3A_79] : memref<32x80x128xi32, #tpu.memory_space<hbm>> -> memref<1x40x128xi32, #tpu.memory_space<hbm>>
      %dma_wait3A_81 = tpu.memref_squeeze %dma_wait3A_80 : memref<1x40x128xi32, #tpu.memory_space<hbm>> -> memref<40x128xi32, #tpu.memory_space<hbm>>
      %dma_wait3A_82 = arith.constant 0 : i32
      %dma_wait3A_83 = arith.constant 0 : i32
      %dma_wait3A_84 = tpu.memref_slice %arg3[%add3A, %dma_wait3A_82, %dma_wait3A_83] : memref<32x80x128xi32, #tpu.memory_space<hbm>> -> memref<1x40x128xi32, #tpu.memory_space<hbm>>
      %dma_wait3A_85 = tpu.memref_squeeze %dma_wait3A_84 : memref<1x40x128xi32, #tpu.memory_space<hbm>> -> memref<40x128xi32, #tpu.memory_space<hbm>>
      tpu.wait_dma2 semaphore(%run_scoped3A : memref<!tpu.dma_semaphore, #tpu.memory_space<semaphore_mem>>) src(%dma_wait3A_85 : memref<40x128xi32, #tpu.memory_space<hbm>>) dst(%arg8 : memref<40x128xi32, #tpu.memory_space<vmem>>)
      tpu.yield
    }) : () -> ()
    "tpu.region"() ({
      %run_scoped3A = tpu.sem_alloc : memref<!tpu.dma_semaphore, #tpu.memory_space<semaphore_mem>>
      %dma_start3A_70 = arith.constant 0 : i32
      %dma_start3A_71 = arith.constant 0 : i32
      %dma_start3A_72 = tpu.memref_slice %arg4[%add3A, %dma_start3A_70, %dma_start3A_71] : memref<32x80x128xi32, #tpu.memory_space<hbm>> -> memref<1x40x128xi32, #tpu.memory_space<hbm>>
      %dma_start3A_73 = tpu.memref_squeeze %dma_start3A_72 : memref<1x40x128xi32, #tpu.memory_space<hbm>> -> memref<40x128xi32, #tpu.memory_space<hbm>>
      %dma_start3A_74 = arith.constant 0 : i32
      %dma_start3A_75 = arith.constant 0 : i32
      %dma_start3A_76 = tpu.memref_slice %arg4[%add3A, %dma_start3A_74, %dma_start3A_75] : memref<32x80x128xi32, #tpu.memory_space<hbm>> -> memref<1x40x128xi32, #tpu.memory_space<hbm>>
      %dma_start3A_77 = tpu.memref_squeeze %dma_start3A_76 : memref<1x40x128xi32, #tpu.memory_space<hbm>> -> memref<40x128xi32, #tpu.memory_space<hbm>>
      tpu.enqueue_dma source(%dma_start3A_77 : memref<40x128xi32, #tpu.memory_space<hbm>>) target(%arg9 : memref<40x128xi32, #tpu.memory_space<vmem>>) target_semaphore(%run_scoped3A : memref<!tpu.dma_semaphore, #tpu.memory_space<semaphore_mem>>)
      %dma_wait3A_78 = arith.constant 0 : i32
      %dma_wait3A_79 = arith.constant 0 : i32
      %dma_wait3A_80 = tpu.memref_slice %arg4[%add3A, %dma_wait3A_78, %dma_wait3A_79] : memref<32x80x128xi32, #tpu.memory_space<hbm>> -> memref<1x40x128xi32, #tpu.memory_space<hbm>>
      %dma_wait3A_81 = tpu.memref_squeeze %dma_wait3A_80 : memref<1x40x128xi32, #tpu.memory_space<hbm>> -> memref<40x128xi32, #tpu.memory_space<hbm>>
      %dma_wait3A_82 = arith.constant 0 : i32
      %dma_wait3A_83 = arith.constant 0 : i32
      %dma_wait3A_84 = tpu.memref_slice %arg4[%add3A, %dma_wait3A_82, %dma_wait3A_83] : memref<32x80x128xi32, #tpu.memory_space<hbm>> -> memref<1x40x128xi32, #tpu.memory_space<hbm>>
      %dma_wait3A_85 = tpu.memref_squeeze %dma_wait3A_84 : memref<1x40x128xi32, #tpu.memory_space<hbm>> -> memref<40x128xi32, #tpu.memory_space<hbm>>
      tpu.wait_dma2 semaphore(%run_scoped3A : memref<!tpu.dma_semaphore, #tpu.memory_space<semaphore_mem>>) src(%dma_wait3A_85 : memref<40x128xi32, #tpu.memory_space<hbm>>) dst(%arg9 : memref<40x128xi32, #tpu.memory_space<vmem>>)
      tpu.yield
    }) : () -> ()
    %dma_start3A = arith.constant 0 : i32
    %dma_start3A_5 = arith.constant 0 : i32
    %dma_start3A_6 = arith.constant 0 : i32
    %dma_start3A_7 = arith.constant 0 : i32
    %dma_start3A_8 = tpu.memref_slice %arg10[%dma_start3A_5, %dma_start3A_6, %dma_start3A_7] : memref<2x128x128xf32, #tpu.memory_space<vmem>> -> memref<1x128x128xf32, #tpu.memory_space<vmem>>
    %dma_start3A_9 = tpu.memref_squeeze %dma_start3A_8 : memref<1x128x128xf32, #tpu.memory_space<vmem>> -> memref<128x128xf32, #tpu.memory_space<vmem>>
    %dma_start3A_10 = arith.constant 0 : i32
    %dma_start3A_11 = tpu.memref_slice %arg8[%dma_start3A, %dma_start3A_10] : memref<40x128xi32, #tpu.memory_space<vmem>> -> memref<1x128xi32, #tpu.memory_space<vmem>>
    %dma_start3A_12 = tpu.memref_squeeze %dma_start3A_11 : memref<1x128xi32, #tpu.memory_space<vmem>> -> memref<128xi32, #tpu.memory_space<vmem>>
    %dma_start3A_13 = arith.constant 0 : i32
    %dma_start3A_14 = arith.constant 0 : i32
    %dma_start3A_15 = tpu.memref_slice %arg2[%dma_start3A_13, %dma_start3A_14] : memref<10240x128xf32, #tpu.memory_space<hbm>> -> memref<10240x128xf32, #tpu.memory_space<hbm>>
    tpu.enqueue_indirect_dma source(%dma_start3A_15 : memref<10240x128xf32, #tpu.memory_space<hbm>>) target(%dma_start3A_9 : memref<128x128xf32, #tpu.memory_space<vmem>>) offsets(%dma_start3A_12 : memref<128xi32, #tpu.memory_space<vmem>>) semaphore(%arg11 : memref<!tpu.dma_semaphore, #tpu.memory_space<semaphore_mem>>)
    %scan3A = arith.constant 0 : i32
    %scan3A_16 = arith.constant 0 : i32
    %scan3A_17 = arith.constant 40 : i32
    %scan3A_18 = arith.addi %scan3A_16, %scan3A_17 : i32
    %scan3A_19 = arith.constant 1 : i32
    scf.for %scan3A_70 = %scan3A_16 to %scan3A_18 step %scan3A_19  : i32 {
      %rem3A_71 = arith.constant 2 : i32
      %rem3A_72 = arith.remsi %scan3A_70, %rem3A_71 : i32
      %dma_wait3A_73 = arith.constant 0 : i32
      %dma_wait3A_74 = arith.constant 0 : i32
      %dma_wait3A_75 = arith.constant 0 : i32
      %dma_wait3A_76 = tpu.memref_slice %arg10[%rem3A_72, %dma_wait3A_74, %dma_wait3A_75] : memref<2x128x128xf32, #tpu.memory_space<vmem>> -> memref<1x128x128xf32, #tpu.memory_space<vmem>>
      %dma_wait3A_77 = tpu.memref_squeeze %dma_wait3A_76 : memref<1x128x128xf32, #tpu.memory_space<vmem>> -> memref<128x128xf32, #tpu.memory_space<vmem>>
      %dma_wait3A_78 = arith.constant 0 : i32
      %dma_wait3A_79 = tpu.memref_slice %arg8[%dma_wait3A_73, %dma_wait3A_78] : memref<40x128xi32, #tpu.memory_space<vmem>> -> memref<1x128xi32, #tpu.memory_space<vmem>>
      %dma_wait3A_80 = tpu.memref_squeeze %dma_wait3A_79 : memref<1x128xi32, #tpu.memory_space<vmem>> -> memref<128xi32, #tpu.memory_space<vmem>>
      %dma_wait3A_81 = arith.constant 0 : i32
      %dma_wait3A_82 = arith.constant 0 : i32
      %dma_wait3A_83 = tpu.memref_slice %arg2[%dma_wait3A_81, %dma_wait3A_82] : memref<10240x128xf32, #tpu.memory_space<hbm>> -> memref<10240x128xf32, #tpu.memory_space<hbm>>
      tpu.wait_indirect_dma semaphore(%arg11 : memref<!tpu.dma_semaphore, #tpu.memory_space<semaphore_mem>>) src(%dma_wait3A_83 : memref<10240x128xf32, #tpu.memory_space<hbm>>) dst(%dma_wait3A_77 : memref<128x128xf32, #tpu.memory_space<vmem>>)
      %ge3A = arith.constant 1 : i32
      %ge3A_84 = arith.cmpi sge, %scan3A_70, %ge3A : i32
      %convert_element_type3A = arith.extui %ge3A_84 : i1 to i32
      %cond3A = arith.constant 0 : i32
      %cond3A_85 = arith.cmpi ne, %convert_element_type3A, %cond3A : i32
      scf.if %cond3A_85 {
        %sub3A = arith.constant 1 : i32
        %sub3A_102 = arith.subi %sub3A, %rem3A_72 : i32
        %sub3A_103 = arith.constant 1 : i32
        %sub3A_104 = arith.subi %scan3A_70, %sub3A_103 : i32
        %dma_wait3A_105 = arith.constant 0 : i32
        %dma_wait3A_106 = arith.constant 0 : i32
        %dma_wait3A_107 = tpu.memref_slice %arg10[%sub3A_102, %dma_wait3A_105, %dma_wait3A_106] : memref<2x128x128xf32, #tpu.memory_space<vmem>> -> memref<1x128x128xf32, #tpu.memory_space<vmem>>
        %dma_wait3A_108 = tpu.memref_squeeze %dma_wait3A_107 : memref<1x128x128xf32, #tpu.memory_space<vmem>> -> memref<128x128xf32, #tpu.memory_space<vmem>>
        %dma_wait3A_109 = arith.constant 0 : i32
        %dma_wait3A_110 = tpu.memref_slice %arg9[%sub3A_104, %dma_wait3A_109] : memref<40x128xi32, #tpu.memory_space<vmem>> -> memref<1x128xi32, #tpu.memory_space<vmem>>
        %dma_wait3A_111 = tpu.memref_squeeze %dma_wait3A_110 : memref<1x128xi32, #tpu.memory_space<vmem>> -> memref<128xi32, #tpu.memory_space<vmem>>
        %dma_wait3A_112 = arith.constant 0 : i32
        %dma_wait3A_113 = arith.constant 0 : i32
        %dma_wait3A_114 = tpu.memref_slice %arg7[%dma_wait3A_112, %dma_wait3A_113] : memref<10240x128xf32, #tpu.memory_space<vmem_shared>> -> memref<10240x128xf32, #tpu.memory_space<vmem_shared>>
        tpu.wait_indirect_dma semaphore(%arg12 : memref<!tpu.dma_semaphore, #tpu.memory_space<semaphore_mem>>) src(%dma_wait3A_108 : memref<128x128xf32, #tpu.memory_space<vmem>>) dst(%dma_wait3A_114 : memref<10240x128xf32, #tpu.memory_space<vmem_shared>>)
      } else {
      }
      %add3A_86 = arith.constant 1 : i32
      %add3A_87 = arith.addi %scan3A_70, %add3A_86 : i32
      %lt3A = arith.constant 40 : i32
      %lt3A_88 = arith.cmpi slt, %add3A_87, %lt3A : i32
      %convert_element_type3A_89 = arith.extui %lt3A_88 : i1 to i32
      %cond3A_90 = arith.constant 0 : i32
      %cond3A_91 = arith.cmpi ne, %convert_element_type3A_89, %cond3A_90 : i32
      scf.if %cond3A_91 {
        %add3A_102 = arith.constant 1 : i32
        %add3A_103 = arith.addi %scan3A_70, %add3A_102 : i32
        %sub3A = arith.constant 1 : i32
        %sub3A_104 = arith.subi %sub3A, %rem3A_72 : i32
        %dma_start3A_105 = arith.constant 0 : i32
        %dma_start3A_106 = arith.constant 0 : i32
        %dma_start3A_107 = tpu.memref_slice %arg10[%sub3A_104, %dma_start3A_105, %dma_start3A_106] : memref<2x128x128xf32, #tpu.memory_space<vmem>> -> memref<1x128x128xf32, #tpu.memory_space<vmem>>
        %dma_start3A_108 = tpu.memref_squeeze %dma_start3A_107 : memref<1x128x128xf32, #tpu.memory_space<vmem>> -> memref<128x128xf32, #tpu.memory_space<vmem>>
        %dma_start3A_109 = arith.constant 0 : i32
        %dma_start3A_110 = tpu.memref_slice %arg8[%add3A_103, %dma_start3A_109] : memref<40x128xi32, #tpu.memory_space<vmem>> -> memref<1x128xi32, #tpu.memory_space<vmem>>
        %dma_start3A_111 = tpu.memref_squeeze %dma_start3A_110 : memref<1x128xi32, #tpu.memory_space<vmem>> -> memref<128xi32, #tpu.memory_space<vmem>>
        %dma_start3A_112 = arith.constant 0 : i32
        %dma_start3A_113 = arith.constant 0 : i32
        %dma_start3A_114 = tpu.memref_slice %arg2[%dma_start3A_112, %dma_start3A_113] : memref<10240x128xf32, #tpu.memory_space<hbm>> -> memref<10240x128xf32, #tpu.memory_space<hbm>>
        tpu.enqueue_indirect_dma source(%dma_start3A_114 : memref<10240x128xf32, #tpu.memory_space<hbm>>) target(%dma_start3A_108 : memref<128x128xf32, #tpu.memory_space<vmem>>) offsets(%dma_start3A_111 : memref<128xi32, #tpu.memory_space<vmem>>) semaphore(%arg11 : memref<!tpu.dma_semaphore, #tpu.memory_space<semaphore_mem>>)
      } else {
      }
      %dma_start3A_92 = arith.constant 0 : i32
      %dma_start3A_93 = arith.constant 0 : i32
      %dma_start3A_94 = tpu.memref_slice %arg10[%rem3A_72, %dma_start3A_92, %dma_start3A_93] : memref<2x128x128xf32, #tpu.memory_space<vmem>> -> memref<1x128x128xf32, #tpu.memory_space<vmem>>
      %dma_start3A_95 = tpu.memref_squeeze %dma_start3A_94 : memref<1x128x128xf32, #tpu.memory_space<vmem>> -> memref<128x128xf32, #tpu.memory_space<vmem>>
      %dma_start3A_96 = arith.constant 0 : i32
      %dma_start3A_97 = tpu.memref_slice %arg9[%scan3A_70, %dma_start3A_96] : memref<40x128xi32, #tpu.memory_space<vmem>> -> memref<1x128xi32, #tpu.memory_space<vmem>>
      %dma_start3A_98 = tpu.memref_squeeze %dma_start3A_97 : memref<1x128xi32, #tpu.memory_space<vmem>> -> memref<128xi32, #tpu.memory_space<vmem>>
      %dma_start3A_99 = arith.constant 0 : i32
      %dma_start3A_100 = arith.constant 0 : i32
      %dma_start3A_101 = tpu.memref_slice %arg7[%dma_start3A_99, %dma_start3A_100] : memref<10240x128xf32, #tpu.memory_space<vmem_shared>> -> memref<10240x128xf32, #tpu.memory_space<vmem_shared>>
      tpu.enqueue_indirect_dma source(%dma_start3A_95 : memref<128x128xf32, #tpu.memory_space<vmem>>) target(%dma_start3A_101 : memref<10240x128xf32, #tpu.memory_space<vmem_shared>>) offsets(%dma_start3A_98 : memref<128xi32, #tpu.memory_space<vmem>>) semaphore(%arg12 : memref<!tpu.dma_semaphore, #tpu.memory_space<semaphore_mem>>) {add = true}
    }
    %scan3A_20 = arith.constant 40 : i32
    %rem3A = arith.constant 39 : i32
    %rem3A_21 = arith.constant 2 : i32
    %rem3A_22 = arith.remsi %rem3A, %rem3A_21 : i32
    %dma_wait3A = arith.constant 39 : i32
    %dma_wait3A_23 = arith.constant 0 : i32
    %dma_wait3A_24 = arith.constant 0 : i32
    %dma_wait3A_25 = tpu.memref_slice %arg10[%rem3A_22, %dma_wait3A_23, %dma_wait3A_24] : memref<2x128x128xf32, #tpu.memory_space<vmem>> -> memref<1x128x128xf32, #tpu.memory_space<vmem>>
    %dma_wait3A_26 = tpu.memref_squeeze %dma_wait3A_25 : memref<1x128x128xf32, #tpu.memory_space<vmem>> -> memref<128x128xf32, #tpu.memory_space<vmem>>
    %dma_wait3A_27 = arith.constant 0 : i32
    %dma_wait3A_28 = tpu.memref_slice %arg9[%dma_wait3A, %dma_wait3A_27] : memref<40x128xi32, #tpu.memory_space<vmem>> -> memref<1x128xi32, #tpu.memory_space<vmem>>
    %dma_wait3A_29 = tpu.memref_squeeze %dma_wait3A_28 : memref<1x128xi32, #tpu.memory_space<vmem>> -> memref<128xi32, #tpu.memory_space<vmem>>
    %dma_wait3A_30 = arith.constant 0 : i32
    %dma_wait3A_31 = arith.constant 0 : i32
    %dma_wait3A_32 = tpu.memref_slice %arg7[%dma_wait3A_30, %dma_wait3A_31] : memref<10240x128xf32, #tpu.memory_space<vmem_shared>> -> memref<10240x128xf32, #tpu.memory_space<vmem_shared>>
    tpu.wait_indirect_dma semaphore(%arg12 : memref<!tpu.dma_semaphore, #tpu.memory_space<semaphore_mem>>) src(%dma_wait3A_26 : memref<128x128xf32, #tpu.memory_space<vmem>>) dst(%dma_wait3A_32 : memref<10240x128xf32, #tpu.memory_space<vmem_shared>>)
    "tpu.region"() ({
      %run_scoped3A = tpu.sem_alloc : memref<!tpu.dma_semaphore, #tpu.memory_space<semaphore_mem>>
      %dma_start3A_70 = arith.constant 40 : i32
      %dma_start3A_71 = arith.constant 0 : i32
      %dma_start3A_72 = tpu.memref_slice %arg3[%add3A, %dma_start3A_70, %dma_start3A_71] : memref<32x80x128xi32, #tpu.memory_space<hbm>> -> memref<1x40x128xi32, #tpu.memory_space<hbm>>
      %dma_start3A_73 = tpu.memref_squeeze %dma_start3A_72 : memref<1x40x128xi32, #tpu.memory_space<hbm>> -> memref<40x128xi32, #tpu.memory_space<hbm>>
      %dma_start3A_74 = arith.constant 40 : i32
      %dma_start3A_75 = arith.constant 0 : i32
      %dma_start3A_76 = tpu.memref_slice %arg3[%add3A, %dma_start3A_74, %dma_start3A_75] : memref<32x80x128xi32, #tpu.memory_space<hbm>> -> memref<1x40x128xi32, #tpu.memory_space<hbm>>
      %dma_start3A_77 = tpu.memref_squeeze %dma_start3A_76 : memref<1x40x128xi32, #tpu.memory_space<hbm>> -> memref<40x128xi32, #tpu.memory_space<hbm>>
      tpu.enqueue_dma source(%dma_start3A_77 : memref<40x128xi32, #tpu.memory_space<hbm>>) target(%arg8 : memref<40x128xi32, #tpu.memory_space<vmem>>) target_semaphore(%run_scoped3A : memref<!tpu.dma_semaphore, #tpu.memory_space<semaphore_mem>>)
      %dma_wait3A_78 = arith.constant 40 : i32
      %dma_wait3A_79 = arith.constant 0 : i32
      %dma_wait3A_80 = tpu.memref_slice %arg3[%add3A, %dma_wait3A_78, %dma_wait3A_79] : memref<32x80x128xi32, #tpu.memory_space<hbm>> -> memref<1x40x128xi32, #tpu.memory_space<hbm>>
      %dma_wait3A_81 = tpu.memref_squeeze %dma_wait3A_80 : memref<1x40x128xi32, #tpu.memory_space<hbm>> -> memref<40x128xi32, #tpu.memory_space<hbm>>
      %dma_wait3A_82 = arith.constant 40 : i32
      %dma_wait3A_83 = arith.constant 0 : i32
      %dma_wait3A_84 = tpu.memref_slice %arg3[%add3A, %dma_wait3A_82, %dma_wait3A_83] : memref<32x80x128xi32, #tpu.memory_space<hbm>> -> memref<1x40x128xi32, #tpu.memory_space<hbm>>
      %dma_wait3A_85 = tpu.memref_squeeze %dma_wait3A_84 : memref<1x40x128xi32, #tpu.memory_space<hbm>> -> memref<40x128xi32, #tpu.memory_space<hbm>>
      tpu.wait_dma2 semaphore(%run_scoped3A : memref<!tpu.dma_semaphore, #tpu.memory_space<semaphore_mem>>) src(%dma_wait3A_85 : memref<40x128xi32, #tpu.memory_space<hbm>>) dst(%arg8 : memref<40x128xi32, #tpu.memory_space<vmem>>)
      tpu.yield
    }) : () -> ()
    "tpu.region"() ({
      %run_scoped3A = tpu.sem_alloc : memref<!tpu.dma_semaphore, #tpu.memory_space<semaphore_mem>>
      %dma_start3A_70 = arith.constant 40 : i32
      %dma_start3A_71 = arith.constant 0 : i32
      %dma_start3A_72 = tpu.memref_slice %arg4[%add3A, %dma_start3A_70, %dma_start3A_71] : memref<32x80x128xi32, #tpu.memory_space<hbm>> -> memref<1x40x128xi32, #tpu.memory_space<hbm>>
      %dma_start3A_73 = tpu.memref_squeeze %dma_start3A_72 : memref<1x40x128xi32, #tpu.memory_space<hbm>> -> memref<40x128xi32, #tpu.memory_space<hbm>>
      %dma_start3A_74 = arith.constant 40 : i32
      %dma_start3A_75 = arith.constant 0 : i32
      %dma_start3A_76 = tpu.memref_slice %arg4[%add3A, %dma_start3A_74, %dma_start3A_75] : memref<32x80x128xi32, #tpu.memory_space<hbm>> -> memref<1x40x128xi32, #tpu.memory_space<hbm>>
      %dma_start3A_77 = tpu.memref_squeeze %dma_start3A_76 : memref<1x40x128xi32, #tpu.memory_space<hbm>> -> memref<40x128xi32, #tpu.memory_space<hbm>>
      tpu.enqueue_dma source(%dma_start3A_77 : memref<40x128xi32, #tpu.memory_space<hbm>>) target(%arg9 : memref<40x128xi32, #tpu.memory_space<vmem>>) target_semaphore(%run_scoped3A : memref<!tpu.dma_semaphore, #tpu.memory_space<semaphore_mem>>)
      %dma_wait3A_78 = arith.constant 40 : i32
      %dma_wait3A_79 = arith.constant 0 : i32
      %dma_wait3A_80 = tpu.memref_slice %arg4[%add3A, %dma_wait3A_78, %dma_wait3A_79] : memref<32x80x128xi32, #tpu.memory_space<hbm>> -> memref<1x40x128xi32, #tpu.memory_space<hbm>>
      %dma_wait3A_81 = tpu.memref_squeeze %dma_wait3A_80 : memref<1x40x128xi32, #tpu.memory_space<hbm>> -> memref<40x128xi32, #tpu.memory_space<hbm>>
      %dma_wait3A_82 = arith.constant 40 : i32
      %dma_wait3A_83 = arith.constant 0 : i32
      %dma_wait3A_84 = tpu.memref_slice %arg4[%add3A, %dma_wait3A_82, %dma_wait3A_83] : memref<32x80x128xi32, #tpu.memory_space<hbm>> -> memref<1x40x128xi32, #tpu.memory_space<hbm>>
      %dma_wait3A_85 = tpu.memref_squeeze %dma_wait3A_84 : memref<1x40x128xi32, #tpu.memory_space<hbm>> -> memref<40x128xi32, #tpu.memory_space<hbm>>
      tpu.wait_dma2 semaphore(%run_scoped3A : memref<!tpu.dma_semaphore, #tpu.memory_space<semaphore_mem>>) src(%dma_wait3A_85 : memref<40x128xi32, #tpu.memory_space<hbm>>) dst(%arg9 : memref<40x128xi32, #tpu.memory_space<vmem>>)
      tpu.yield
    }) : () -> ()
    %dma_start3A_33 = arith.constant 0 : i32
    %dma_start3A_34 = arith.constant 0 : i32
    %dma_start3A_35 = arith.constant 0 : i32
    %dma_start3A_36 = arith.constant 0 : i32
    %dma_start3A_37 = tpu.memref_slice %arg10[%dma_start3A_34, %dma_start3A_35, %dma_start3A_36] : memref<2x128x128xf32, #tpu.memory_space<vmem>> -> memref<1x128x128xf32, #tpu.memory_space<vmem>>
    %dma_start3A_38 = tpu.memref_squeeze %dma_start3A_37 : memref<1x128x128xf32, #tpu.memory_space<vmem>> -> memref<128x128xf32, #tpu.memory_space<vmem>>
    %dma_start3A_39 = arith.constant 0 : i32
    %dma_start3A_40 = tpu.memref_slice %arg8[%dma_start3A_33, %dma_start3A_39] : memref<40x128xi32, #tpu.memory_space<vmem>> -> memref<1x128xi32, #tpu.memory_space<vmem>>
    %dma_start3A_41 = tpu.memref_squeeze %dma_start3A_40 : memref<1x128xi32, #tpu.memory_space<vmem>> -> memref<128xi32, #tpu.memory_space<vmem>>
    %dma_start3A_42 = arith.constant 0 : i32
    %dma_start3A_43 = arith.constant 0 : i32
    %dma_start3A_44 = tpu.memref_slice %arg2[%dma_start3A_42, %dma_start3A_43] : memref<10240x128xf32, #tpu.memory_space<hbm>> -> memref<10240x128xf32, #tpu.memory_space<hbm>>
    tpu.enqueue_indirect_dma source(%dma_start3A_44 : memref<10240x128xf32, #tpu.memory_space<hbm>>) target(%dma_start3A_38 : memref<128x128xf32, #tpu.memory_space<vmem>>) offsets(%dma_start3A_41 : memref<128xi32, #tpu.memory_space<vmem>>) semaphore(%arg11 : memref<!tpu.dma_semaphore, #tpu.memory_space<semaphore_mem>>)
    %scan3A_45 = arith.constant 0 : i32
    %scan3A_46 = arith.constant 0 : i32
    %scan3A_47 = arith.constant 40 : i32
    %scan3A_48 = arith.addi %scan3A_46, %scan3A_47 : i32
    %scan3A_49 = arith.constant 1 : i32
    scf.for %scan3A_70 = %scan3A_46 to %scan3A_48 step %scan3A_49  : i32 {
      %rem3A_71 = arith.constant 2 : i32
      %rem3A_72 = arith.remsi %scan3A_70, %rem3A_71 : i32
      %dma_wait3A_73 = arith.constant 0 : i32
      %dma_wait3A_74 = arith.constant 0 : i32
      %dma_wait3A_75 = arith.constant 0 : i32
      %dma_wait3A_76 = tpu.memref_slice %arg10[%rem3A_72, %dma_wait3A_74, %dma_wait3A_75] : memref<2x128x128xf32, #tpu.memory_space<vmem>> -> memref<1x128x128xf32, #tpu.memory_space<vmem>>
      %dma_wait3A_77 = tpu.memref_squeeze %dma_wait3A_76 : memref<1x128x128xf32, #tpu.memory_space<vmem>> -> memref<128x128xf32, #tpu.memory_space<vmem>>
      %dma_wait3A_78 = arith.constant 0 : i32
      %dma_wait3A_79 = tpu.memref_slice %arg8[%dma_wait3A_73, %dma_wait3A_78] : memref<40x128xi32, #tpu.memory_space<vmem>> -> memref<1x128xi32, #tpu.memory_space<vmem>>
      %dma_wait3A_80 = tpu.memref_squeeze %dma_wait3A_79 : memref<1x128xi32, #tpu.memory_space<vmem>> -> memref<128xi32, #tpu.memory_space<vmem>>
      %dma_wait3A_81 = arith.constant 0 : i32
      %dma_wait3A_82 = arith.constant 0 : i32
      %dma_wait3A_83 = tpu.memref_slice %arg2[%dma_wait3A_81, %dma_wait3A_82] : memref<10240x128xf32, #tpu.memory_space<hbm>> -> memref<10240x128xf32, #tpu.memory_space<hbm>>
      tpu.wait_indirect_dma semaphore(%arg11 : memref<!tpu.dma_semaphore, #tpu.memory_space<semaphore_mem>>) src(%dma_wait3A_83 : memref<10240x128xf32, #tpu.memory_space<hbm>>) dst(%dma_wait3A_77 : memref<128x128xf32, #tpu.memory_space<vmem>>)
      %ge3A = arith.constant 1 : i32
      %ge3A_84 = arith.cmpi sge, %scan3A_70, %ge3A : i32
      %convert_element_type3A = arith.extui %ge3A_84 : i1 to i32
      %cond3A = arith.constant 0 : i32
      %cond3A_85 = arith.cmpi ne, %convert_element_type3A, %cond3A : i32
      scf.if %cond3A_85 {
        %sub3A = arith.constant 1 : i32
        %sub3A_102 = arith.subi %sub3A, %rem3A_72 : i32
        %sub3A_103 = arith.constant 1 : i32
        %sub3A_104 = arith.subi %scan3A_70, %sub3A_103 : i32
        %dma_wait3A_105 = arith.constant 0 : i32
        %dma_wait3A_106 = arith.constant 0 : i32
        %dma_wait3A_107 = tpu.memref_slice %arg10[%sub3A_102, %dma_wait3A_105, %dma_wait3A_106] : memref<2x128x128xf32, #tpu.memory_space<vmem>> -> memref<1x128x128xf32, #tpu.memory_space<vmem>>
        %dma_wait3A_108 = tpu.memref_squeeze %dma_wait3A_107 : memref<1x128x128xf32, #tpu.memory_space<vmem>> -> memref<128x128xf32, #tpu.memory_space<vmem>>
        %dma_wait3A_109 = arith.constant 0 : i32
        %dma_wait3A_110 = tpu.memref_slice %arg9[%sub3A_104, %dma_wait3A_109] : memref<40x128xi32, #tpu.memory_space<vmem>> -> memref<1x128xi32, #tpu.memory_space<vmem>>
        %dma_wait3A_111 = tpu.memref_squeeze %dma_wait3A_110 : memref<1x128xi32, #tpu.memory_space<vmem>> -> memref<128xi32, #tpu.memory_space<vmem>>
        %dma_wait3A_112 = arith.constant 0 : i32
        %dma_wait3A_113 = arith.constant 0 : i32
        %dma_wait3A_114 = tpu.memref_slice %arg7[%dma_wait3A_112, %dma_wait3A_113] : memref<10240x128xf32, #tpu.memory_space<vmem_shared>> -> memref<10240x128xf32, #tpu.memory_space<vmem_shared>>
        tpu.wait_indirect_dma semaphore(%arg12 : memref<!tpu.dma_semaphore, #tpu.memory_space<semaphore_mem>>) src(%dma_wait3A_108 : memref<128x128xf32, #tpu.memory_space<vmem>>) dst(%dma_wait3A_114 : memref<10240x128xf32, #tpu.memory_space<vmem_shared>>)
      } else {
      }
      %add3A_86 = arith.constant 1 : i32
      %add3A_87 = arith.addi %scan3A_70, %add3A_86 : i32
      %lt3A = arith.constant 40 : i32
      %lt3A_88 = arith.cmpi slt, %add3A_87, %lt3A : i32
      %convert_element_type3A_89 = arith.extui %lt3A_88 : i1 to i32
      %cond3A_90 = arith.constant 0 : i32
      %cond3A_91 = arith.cmpi ne, %convert_element_type3A_89, %cond3A_90 : i32
      scf.if %cond3A_91 {
        %add3A_102 = arith.constant 1 : i32
        %add3A_103 = arith.addi %scan3A_70, %add3A_102 : i32
        %sub3A = arith.constant 1 : i32
        %sub3A_104 = arith.subi %sub3A, %rem3A_72 : i32
        %dma_start3A_105 = arith.constant 0 : i32
        %dma_start3A_106 = arith.constant 0 : i32
        %dma_start3A_107 = tpu.memref_slice %arg10[%sub3A_104, %dma_start3A_105, %dma_start3A_106] : memref<2x128x128xf32, #tpu.memory_space<vmem>> -> memref<1x128x128xf32, #tpu.memory_space<vmem>>
        %dma_start3A_108 = tpu.memref_squeeze %dma_start3A_107 : memref<1x128x128xf32, #tpu.memory_space<vmem>> -> memref<128x128xf32, #tpu.memory_space<vmem>>
        %dma_start3A_109 = arith.constant 0 : i32
        %dma_start3A_110 = tpu.memref_slice %arg8[%add3A_103, %dma_start3A_109] : memref<40x128xi32, #tpu.memory_space<vmem>> -> memref<1x128xi32, #tpu.memory_space<vmem>>
        %dma_start3A_111 = tpu.memref_squeeze %dma_start3A_110 : memref<1x128xi32, #tpu.memory_space<vmem>> -> memref<128xi32, #tpu.memory_space<vmem>>
        %dma_start3A_112 = arith.constant 0 : i32
        %dma_start3A_113 = arith.constant 0 : i32
        %dma_start3A_114 = tpu.memref_slice %arg2[%dma_start3A_112, %dma_start3A_113] : memref<10240x128xf32, #tpu.memory_space<hbm>> -> memref<10240x128xf32, #tpu.memory_space<hbm>>
        tpu.enqueue_indirect_dma source(%dma_start3A_114 : memref<10240x128xf32, #tpu.memory_space<hbm>>) target(%dma_start3A_108 : memref<128x128xf32, #tpu.memory_space<vmem>>) offsets(%dma_start3A_111 : memref<128xi32, #tpu.memory_space<vmem>>) semaphore(%arg11 : memref<!tpu.dma_semaphore, #tpu.memory_space<semaphore_mem>>)
      } else {
      }
      %dma_start3A_92 = arith.constant 0 : i32
      %dma_start3A_93 = arith.constant 0 : i32
      %dma_start3A_94 = tpu.memref_slice %arg10[%rem3A_72, %dma_start3A_92, %dma_start3A_93] : memref<2x128x128xf32, #tpu.memory_space<vmem>> -> memref<1x128x128xf32, #tpu.memory_space<vmem>>
      %dma_start3A_95 = tpu.memref_squeeze %dma_start3A_94 : memref<1x128x128xf32, #tpu.memory_space<vmem>> -> memref<128x128xf32, #tpu.memory_space<vmem>>
      %dma_start3A_96 = arith.constant 0 : i32
      %dma_start3A_97 = tpu.memref_slice %arg9[%scan3A_70, %dma_start3A_96] : memref<40x128xi32, #tpu.memory_space<vmem>> -> memref<1x128xi32, #tpu.memory_space<vmem>>
      %dma_start3A_98 = tpu.memref_squeeze %dma_start3A_97 : memref<1x128xi32, #tpu.memory_space<vmem>> -> memref<128xi32, #tpu.memory_space<vmem>>
      %dma_start3A_99 = arith.constant 0 : i32
      %dma_start3A_100 = arith.constant 0 : i32
      %dma_start3A_101 = tpu.memref_slice %arg7[%dma_start3A_99, %dma_start3A_100] : memref<10240x128xf32, #tpu.memory_space<vmem_shared>> -> memref<10240x128xf32, #tpu.memory_space<vmem_shared>>
      tpu.enqueue_indirect_dma source(%dma_start3A_95 : memref<128x128xf32, #tpu.memory_space<vmem>>) target(%dma_start3A_101 : memref<10240x128xf32, #tpu.memory_space<vmem_shared>>) offsets(%dma_start3A_98 : memref<128xi32, #tpu.memory_space<vmem>>) semaphore(%arg12 : memref<!tpu.dma_semaphore, #tpu.memory_space<semaphore_mem>>) {add = true}
    }
    %scan3A_50 = arith.constant 40 : i32
    %rem3A_51 = arith.constant 39 : i32
    %rem3A_52 = arith.constant 2 : i32
    %rem3A_53 = arith.remsi %rem3A_51, %rem3A_52 : i32
    %dma_wait3A_54 = arith.constant 39 : i32
    %dma_wait3A_55 = arith.constant 0 : i32
    %dma_wait3A_56 = arith.constant 0 : i32
    %dma_wait3A_57 = tpu.memref_slice %arg10[%rem3A_53, %dma_wait3A_55, %dma_wait3A_56] : memref<2x128x128xf32, #tpu.memory_space<vmem>> -> memref<1x128x128xf32, #tpu.memory_space<vmem>>
    %dma_wait3A_58 = tpu.memref_squeeze %dma_wait3A_57 : memref<1x128x128xf32, #tpu.memory_space<vmem>> -> memref<128x128xf32, #tpu.memory_space<vmem>>
    %dma_wait3A_59 = arith.constant 0 : i32
    %dma_wait3A_60 = tpu.memref_slice %arg9[%dma_wait3A_54, %dma_wait3A_59] : memref<40x128xi32, #tpu.memory_space<vmem>> -> memref<1x128xi32, #tpu.memory_space<vmem>>
    %dma_wait3A_61 = tpu.memref_squeeze %dma_wait3A_60 : memref<1x128xi32, #tpu.memory_space<vmem>> -> memref<128xi32, #tpu.memory_space<vmem>>
    %dma_wait3A_62 = arith.constant 0 : i32
    %dma_wait3A_63 = arith.constant 0 : i32
    %dma_wait3A_64 = tpu.memref_slice %arg7[%dma_wait3A_62, %dma_wait3A_63] : memref<10240x128xf32, #tpu.memory_space<vmem_shared>> -> memref<10240x128xf32, #tpu.memory_space<vmem_shared>>
    tpu.wait_indirect_dma semaphore(%arg12 : memref<!tpu.dma_semaphore, #tpu.memory_space<semaphore_mem>>) src(%dma_wait3A_58 : memref<128x128xf32, #tpu.memory_space<vmem>>) dst(%dma_wait3A_64 : memref<10240x128xf32, #tpu.memory_space<vmem_shared>>)
    %barrier3A_65 = arith.constant 0 : index
    tpu.barrier barrier_id(%barrier3A_65)
    %mul3A_66 = arith.constant 640 : i32
    %mul3A_67 = arith.muli %arg1, %mul3A_66 : i32
    %mul3A_68 = arith.constant 640 : i32
    %mul3A_69 = arith.muli %arg1, %mul3A_68 : i32
    "tpu.region"() ({
      %run_scoped3A = tpu.sem_alloc : memref<!tpu.dma_semaphore, #tpu.memory_space<semaphore_mem>>
      %dma_start3A_70 = arith.constant 0 : i32
      %dma_start3A_71 = tpu.memref_slice %arg6[%arg0, %mul3A_69, %dma_start3A_70] : memref<2x10240x128xf32, #tpu.memory_space<hbm>> -> memref<1x640x128xf32, #tpu.memory_space<hbm>>
      %dma_start3A_72 = tpu.memref_squeeze %dma_start3A_71 : memref<1x640x128xf32, #tpu.memory_space<hbm>> -> memref<640x128xf32, #tpu.memory_space<hbm>>
      %dma_start3A_73 = arith.constant 0 : i32
      %dma_start3A_74 = tpu.memref_slice %arg7[%mul3A_67, %dma_start3A_73] : memref<10240x128xf32, #tpu.memory_space<vmem_shared>> -> memref<640x128xf32, #tpu.memory_space<vmem_shared>>
      tpu.enqueue_dma source(%dma_start3A_74 : memref<640x128xf32, #tpu.memory_space<vmem_shared>>) target(%dma_start3A_72 : memref<640x128xf32, #tpu.memory_space<hbm>>) target_semaphore(%run_scoped3A : memref<!tpu.dma_semaphore, #tpu.memory_space<semaphore_mem>>)
      %dma_wait3A_75 = arith.constant 0 : i32
      %dma_wait3A_76 = tpu.memref_slice %arg6[%arg0, %mul3A_69, %dma_wait3A_75] : memref<2x10240x128xf32, #tpu.memory_space<hbm>> -> memref<1x640x128xf32, #tpu.memory_space<hbm>>
      %dma_wait3A_77 = tpu.memref_squeeze %dma_wait3A_76 : memref<1x640x128xf32, #tpu.memory_space<hbm>> -> memref<640x128xf32, #tpu.memory_space<hbm>>
      %dma_wait3A_78 = arith.constant 0 : i32
      %dma_wait3A_79 = tpu.memref_slice %arg7[%mul3A_67, %dma_wait3A_78] : memref<10240x128xf32, #tpu.memory_space<vmem_shared>> -> memref<640x128xf32, #tpu.memory_space<vmem_shared>>
      tpu.wait_dma2 semaphore(%run_scoped3A : memref<!tpu.dma_semaphore, #tpu.memory_space<semaphore_mem>>) src(%dma_wait3A_79 : memref<640x128xf32, #tpu.memory_space<vmem_shared>>) dst(%dma_wait3A_77 : memref<640x128xf32, #tpu.memory_space<hbm>>)
      tpu.yield
    }) : () -> ()
    return
  }
}

#map = affine_map<(d0, d1) -> (0, 0, 0)>
#map1 = affine_map<(d0, d1) -> (0)>
module attributes {stable_mosaic.version = 14 : i64} {
  func.func @_hist(%arg0: i32, %arg1: i32, %arg2: memref<32x80x128xi32, #tpu.memory_space<hbm>>, %arg3: memref<32x80x128xi32, #tpu.memory_space<hbm>>, %arg4: memref<32x80x128xi32, #tpu.memory_space<hbm>>, %arg5: memref<163840xf32, #tpu.memory_space<hbm>>, %arg6: memref<163840xf32, #tpu.memory_space<hbm>>, %arg7: memref<163840xf32, #tpu.memory_space<hbm>>, %arg8: memref<163840xf32, #tpu.memory_space<hbm>>, %arg9: memref<163840xf32, #tpu.memory_space<hbm>>, %arg10: memref<163840xf32, #tpu.memory_space<vmem_shared>>, %arg11: memref<163840xf32, #tpu.memory_space<vmem_shared>>, %arg12: memref<80x128xi32, #tpu.memory_space<vmem>>, %arg13: memref<80x128xi32, #tpu.memory_space<vmem>>, %arg14: memref<80x128xi32, #tpu.memory_space<vmem>>, %arg15: memref<80x128xi32, #tpu.memory_space<vmem>>, %arg16: memref<80x128xi32, #tpu.memory_space<vmem>>, %arg17: memref<128xf32, #tpu.memory_space<vmem>>, %arg18: memref<!tpu.dma_semaphore, #tpu.memory_space<semaphore_mem>>, %arg19: memref<!tpu.dma_semaphore, #tpu.memory_space<semaphore_mem>>) attributes {dimension_semantics = [#tpu.dimension_semantics<core_parallel>, #tpu.dimension_semantics<subcore_parallel>], iteration_bounds = array<i64: 2, 16>, scalar_prefetch = 0 : i64, scratch_operands = 10 : i64, tpu.core_type = #tpu.core_type<sc_vector_subcore>, window_params = [{transform_indices = #map}, {transform_indices = #map}, {transform_indices = #map}, {transform_indices = #map1}, {transform_indices = #map1}, {transform_indices = #map1}, {transform_indices = #map1}, {transform_indices = #map1}]} {
    %mul3A = arith.constant 2 : i32
    %mul3A_0 = arith.muli %arg1, %mul3A : i32
    %add3A = arith.addi %mul3A_0, %arg0 : i32
    %mul3A_1 = arith.constant 10240 : i32
    %mul3A_2 = arith.muli %arg1, %mul3A_1 : i32
    %mul3A_3 = arith.constant 10240 : i32
    %mul3A_4 = arith.muli %arg1, %mul3A_3 : i32
    "tpu.region"() ({
      %run_scoped3A = tpu.sem_alloc : memref<!tpu.dma_semaphore, #tpu.memory_space<semaphore_mem>>
      %dma_start3A = tpu.memref_slice %arg10[%mul3A_4] : memref<163840xf32, #tpu.memory_space<vmem_shared>> -> memref<10240xf32, #tpu.memory_space<vmem_shared>>
      %dma_start3A_80 = tpu.memref_slice %arg5[%mul3A_2] : memref<163840xf32, #tpu.memory_space<hbm>> -> memref<10240xf32, #tpu.memory_space<hbm>>
      tpu.enqueue_dma source(%dma_start3A_80 : memref<10240xf32, #tpu.memory_space<hbm>>) target(%dma_start3A : memref<10240xf32, #tpu.memory_space<vmem_shared>>) target_semaphore(%run_scoped3A : memref<!tpu.dma_semaphore, #tpu.memory_space<semaphore_mem>>)
      %dma_wait3A = tpu.memref_slice %arg10[%mul3A_4] : memref<163840xf32, #tpu.memory_space<vmem_shared>> -> memref<10240xf32, #tpu.memory_space<vmem_shared>>
      %dma_wait3A_81 = tpu.memref_slice %arg5[%mul3A_2] : memref<163840xf32, #tpu.memory_space<hbm>> -> memref<10240xf32, #tpu.memory_space<hbm>>
      tpu.wait_dma2 semaphore(%run_scoped3A : memref<!tpu.dma_semaphore, #tpu.memory_space<semaphore_mem>>) src(%dma_wait3A_81 : memref<10240xf32, #tpu.memory_space<hbm>>) dst(%dma_wait3A : memref<10240xf32, #tpu.memory_space<vmem_shared>>)
      tpu.yield
    }) : () -> ()
    %mul3A_5 = arith.constant 10240 : i32
    %mul3A_6 = arith.muli %arg1, %mul3A_5 : i32
    %mul3A_7 = arith.constant 10240 : i32
    %mul3A_8 = arith.muli %arg1, %mul3A_7 : i32
    "tpu.region"() ({
      %run_scoped3A = tpu.sem_alloc : memref<!tpu.dma_semaphore, #tpu.memory_space<semaphore_mem>>
      %dma_start3A = tpu.memref_slice %arg11[%mul3A_8] : memref<163840xf32, #tpu.memory_space<vmem_shared>> -> memref<10240xf32, #tpu.memory_space<vmem_shared>>
      %dma_start3A_80 = tpu.memref_slice %arg5[%mul3A_6] : memref<163840xf32, #tpu.memory_space<hbm>> -> memref<10240xf32, #tpu.memory_space<hbm>>
      tpu.enqueue_dma source(%dma_start3A_80 : memref<10240xf32, #tpu.memory_space<hbm>>) target(%dma_start3A : memref<10240xf32, #tpu.memory_space<vmem_shared>>) target_semaphore(%run_scoped3A : memref<!tpu.dma_semaphore, #tpu.memory_space<semaphore_mem>>)
      %dma_wait3A = tpu.memref_slice %arg11[%mul3A_8] : memref<163840xf32, #tpu.memory_space<vmem_shared>> -> memref<10240xf32, #tpu.memory_space<vmem_shared>>
      %dma_wait3A_81 = tpu.memref_slice %arg5[%mul3A_6] : memref<163840xf32, #tpu.memory_space<hbm>> -> memref<10240xf32, #tpu.memory_space<hbm>>
      tpu.wait_dma2 semaphore(%run_scoped3A : memref<!tpu.dma_semaphore, #tpu.memory_space<semaphore_mem>>) src(%dma_wait3A_81 : memref<10240xf32, #tpu.memory_space<hbm>>) dst(%dma_wait3A : memref<10240xf32, #tpu.memory_space<vmem_shared>>)
      tpu.yield
    }) : () -> ()
    "tpu.region"() ({
      %run_scoped3A = tpu.sem_alloc : memref<!tpu.dma_semaphore, #tpu.memory_space<semaphore_mem>>
      %dma_start3A = arith.constant 0 : i32
      %dma_start3A_80 = arith.constant 0 : i32
      %dma_start3A_81 = tpu.memref_slice %arg2[%add3A, %dma_start3A, %dma_start3A_80] : memref<32x80x128xi32, #tpu.memory_space<hbm>> -> memref<1x80x128xi32, #tpu.memory_space<hbm>>
      %dma_start3A_82 = tpu.memref_squeeze %dma_start3A_81 : memref<1x80x128xi32, #tpu.memory_space<hbm>> -> memref<80x128xi32, #tpu.memory_space<hbm>>
      %dma_start3A_83 = arith.constant 0 : i32
      %dma_start3A_84 = arith.constant 0 : i32
      %dma_start3A_85 = tpu.memref_slice %arg2[%add3A, %dma_start3A_83, %dma_start3A_84] : memref<32x80x128xi32, #tpu.memory_space<hbm>> -> memref<1x80x128xi32, #tpu.memory_space<hbm>>
      %dma_start3A_86 = tpu.memref_squeeze %dma_start3A_85 : memref<1x80x128xi32, #tpu.memory_space<hbm>> -> memref<80x128xi32, #tpu.memory_space<hbm>>
      tpu.enqueue_dma source(%dma_start3A_86 : memref<80x128xi32, #tpu.memory_space<hbm>>) target(%arg12 : memref<80x128xi32, #tpu.memory_space<vmem>>) target_semaphore(%run_scoped3A : memref<!tpu.dma_semaphore, #tpu.memory_space<semaphore_mem>>)
      %dma_wait3A = arith.constant 0 : i32
      %dma_wait3A_87 = arith.constant 0 : i32
      %dma_wait3A_88 = tpu.memref_slice %arg2[%add3A, %dma_wait3A, %dma_wait3A_87] : memref<32x80x128xi32, #tpu.memory_space<hbm>> -> memref<1x80x128xi32, #tpu.memory_space<hbm>>
      %dma_wait3A_89 = tpu.memref_squeeze %dma_wait3A_88 : memref<1x80x128xi32, #tpu.memory_space<hbm>> -> memref<80x128xi32, #tpu.memory_space<hbm>>
      %dma_wait3A_90 = arith.constant 0 : i32
      %dma_wait3A_91 = arith.constant 0 : i32
      %dma_wait3A_92 = tpu.memref_slice %arg2[%add3A, %dma_wait3A_90, %dma_wait3A_91] : memref<32x80x128xi32, #tpu.memory_space<hbm>> -> memref<1x80x128xi32, #tpu.memory_space<hbm>>
      %dma_wait3A_93 = tpu.memref_squeeze %dma_wait3A_92 : memref<1x80x128xi32, #tpu.memory_space<hbm>> -> memref<80x128xi32, #tpu.memory_space<hbm>>
      tpu.wait_dma2 semaphore(%run_scoped3A : memref<!tpu.dma_semaphore, #tpu.memory_space<semaphore_mem>>) src(%dma_wait3A_93 : memref<80x128xi32, #tpu.memory_space<hbm>>) dst(%arg12 : memref<80x128xi32, #tpu.memory_space<vmem>>)
      tpu.yield
    }) : () -> ()
    "tpu.region"() ({
      %run_scoped3A = tpu.sem_alloc : memref<!tpu.dma_semaphore, #tpu.memory_space<semaphore_mem>>
      %dma_start3A = arith.constant 0 : i32
      %dma_start3A_80 = arith.constant 0 : i32
      %dma_start3A_81 = tpu.memref_slice %arg3[%add3A, %dma_start3A, %dma_start3A_80] : memref<32x80x128xi32, #tpu.memory_space<hbm>> -> memref<1x80x128xi32, #tpu.memory_space<hbm>>
      %dma_start3A_82 = tpu.memref_squeeze %dma_start3A_81 : memref<1x80x128xi32, #tpu.memory_space<hbm>> -> memref<80x128xi32, #tpu.memory_space<hbm>>
      %dma_start3A_83 = arith.constant 0 : i32
      %dma_start3A_84 = arith.constant 0 : i32
      %dma_start3A_85 = tpu.memref_slice %arg3[%add3A, %dma_start3A_83, %dma_start3A_84] : memref<32x80x128xi32, #tpu.memory_space<hbm>> -> memref<1x80x128xi32, #tpu.memory_space<hbm>>
      %dma_start3A_86 = tpu.memref_squeeze %dma_start3A_85 : memref<1x80x128xi32, #tpu.memory_space<hbm>> -> memref<80x128xi32, #tpu.memory_space<hbm>>
      tpu.enqueue_dma source(%dma_start3A_86 : memref<80x128xi32, #tpu.memory_space<hbm>>) target(%arg13 : memref<80x128xi32, #tpu.memory_space<vmem>>) target_semaphore(%run_scoped3A : memref<!tpu.dma_semaphore, #tpu.memory_space<semaphore_mem>>)
      %dma_wait3A = arith.constant 0 : i32
      %dma_wait3A_87 = arith.constant 0 : i32
      %dma_wait3A_88 = tpu.memref_slice %arg3[%add3A, %dma_wait3A, %dma_wait3A_87] : memref<32x80x128xi32, #tpu.memory_space<hbm>> -> memref<1x80x128xi32, #tpu.memory_space<hbm>>
      %dma_wait3A_89 = tpu.memref_squeeze %dma_wait3A_88 : memref<1x80x128xi32, #tpu.memory_space<hbm>> -> memref<80x128xi32, #tpu.memory_space<hbm>>
      %dma_wait3A_90 = arith.constant 0 : i32
      %dma_wait3A_91 = arith.constant 0 : i32
      %dma_wait3A_92 = tpu.memref_slice %arg3[%add3A, %dma_wait3A_90, %dma_wait3A_91] : memref<32x80x128xi32, #tpu.memory_space<hbm>> -> memref<1x80x128xi32, #tpu.memory_space<hbm>>
      %dma_wait3A_93 = tpu.memref_squeeze %dma_wait3A_92 : memref<1x80x128xi32, #tpu.memory_space<hbm>> -> memref<80x128xi32, #tpu.memory_space<hbm>>
      tpu.wait_dma2 semaphore(%run_scoped3A : memref<!tpu.dma_semaphore, #tpu.memory_space<semaphore_mem>>) src(%dma_wait3A_93 : memref<80x128xi32, #tpu.memory_space<hbm>>) dst(%arg13 : memref<80x128xi32, #tpu.memory_space<vmem>>)
      tpu.yield
    }) : () -> ()
    "tpu.region"() ({
      %run_scoped3A = tpu.sem_alloc : memref<!tpu.dma_semaphore, #tpu.memory_space<semaphore_mem>>
      %dma_start3A = arith.constant 0 : i32
      %dma_start3A_80 = arith.constant 0 : i32
      %dma_start3A_81 = tpu.memref_slice %arg4[%add3A, %dma_start3A, %dma_start3A_80] : memref<32x80x128xi32, #tpu.memory_space<hbm>> -> memref<1x80x128xi32, #tpu.memory_space<hbm>>
      %dma_start3A_82 = tpu.memref_squeeze %dma_start3A_81 : memref<1x80x128xi32, #tpu.memory_space<hbm>> -> memref<80x128xi32, #tpu.memory_space<hbm>>
      %dma_start3A_83 = arith.constant 0 : i32
      %dma_start3A_84 = arith.constant 0 : i32
      %dma_start3A_85 = tpu.memref_slice %arg4[%add3A, %dma_start3A_83, %dma_start3A_84] : memref<32x80x128xi32, #tpu.memory_space<hbm>> -> memref<1x80x128xi32, #tpu.memory_space<hbm>>
      %dma_start3A_86 = tpu.memref_squeeze %dma_start3A_85 : memref<1x80x128xi32, #tpu.memory_space<hbm>> -> memref<80x128xi32, #tpu.memory_space<hbm>>
      tpu.enqueue_dma source(%dma_start3A_86 : memref<80x128xi32, #tpu.memory_space<hbm>>) target(%arg14 : memref<80x128xi32, #tpu.memory_space<vmem>>) target_semaphore(%run_scoped3A : memref<!tpu.dma_semaphore, #tpu.memory_space<semaphore_mem>>)
      %dma_wait3A = arith.constant 0 : i32
      %dma_wait3A_87 = arith.constant 0 : i32
      %dma_wait3A_88 = tpu.memref_slice %arg4[%add3A, %dma_wait3A, %dma_wait3A_87] : memref<32x80x128xi32, #tpu.memory_space<hbm>> -> memref<1x80x128xi32, #tpu.memory_space<hbm>>
      %dma_wait3A_89 = tpu.memref_squeeze %dma_wait3A_88 : memref<1x80x128xi32, #tpu.memory_space<hbm>> -> memref<80x128xi32, #tpu.memory_space<hbm>>
      %dma_wait3A_90 = arith.constant 0 : i32
      %dma_wait3A_91 = arith.constant 0 : i32
      %dma_wait3A_92 = tpu.memref_slice %arg4[%add3A, %dma_wait3A_90, %dma_wait3A_91] : memref<32x80x128xi32, #tpu.memory_space<hbm>> -> memref<1x80x128xi32, #tpu.memory_space<hbm>>
      %dma_wait3A_93 = tpu.memref_squeeze %dma_wait3A_92 : memref<1x80x128xi32, #tpu.memory_space<hbm>> -> memref<80x128xi32, #tpu.memory_space<hbm>>
      tpu.wait_dma2 semaphore(%run_scoped3A : memref<!tpu.dma_semaphore, #tpu.memory_space<semaphore_mem>>) src(%dma_wait3A_93 : memref<80x128xi32, #tpu.memory_space<hbm>>) dst(%arg14 : memref<80x128xi32, #tpu.memory_space<vmem>>)
      tpu.yield
    }) : () -> ()
    %broadcast_in_dim3A = arith.constant 1.000000e+00 : f32
    %broadcast_in_dim3A_9 = vector.broadcast %broadcast_in_dim3A : f32 to vector<16xf32>
    %swap3A = arith.constant 0 : index
    %swap3A_10 = tpu.vector_load %arg17[%swap3A] {strides = array<i32>} : memref<128xf32, #tpu.memory_space<vmem>>, vector<16xf32>,
    %swap3A_11 = vector.shape_cast %swap3A_10 : vector<16xf32> to vector<16xf32>
    %swap3A_12 = vector.shape_cast %broadcast_in_dim3A_9 : vector<16xf32> to vector<16xf32>
    tpu.vector_store %arg17[%swap3A], %swap3A_12 {strides = array<i32>} : memref<128xf32, #tpu.memory_space<vmem>>, vector<16xf32>,
    %broadcast_in_dim3A_13 = arith.constant 1.000000e+00 : f32
    %broadcast_in_dim3A_14 = vector.broadcast %broadcast_in_dim3A_13 : f32 to vector<16xf32>
    %swap3A_15 = arith.constant 16 : index
    %swap3A_16 = tpu.vector_load %arg17[%swap3A_15] {strides = array<i32>} : memref<128xf32, #tpu.memory_space<vmem>>, vector<16xf32>,
    %swap3A_17 = vector.shape_cast %swap3A_16 : vector<16xf32> to vector<16xf32>
    %swap3A_18 = vector.shape_cast %broadcast_in_dim3A_14 : vector<16xf32> to vector<16xf32>
    tpu.vector_store %arg17[%swap3A_15], %swap3A_18 {strides = array<i32>} : memref<128xf32, #tpu.memory_space<vmem>>, vector<16xf32>,
    %broadcast_in_dim3A_19 = arith.constant 1.000000e+00 : f32
    %broadcast_in_dim3A_20 = vector.broadcast %broadcast_in_dim3A_19 : f32 to vector<16xf32>
    %swap3A_21 = arith.constant 32 : index
    %swap3A_22 = tpu.vector_load %arg17[%swap3A_21] {strides = array<i32>} : memref<128xf32, #tpu.memory_space<vmem>>, vector<16xf32>,
    %swap3A_23 = vector.shape_cast %swap3A_22 : vector<16xf32> to vector<16xf32>
    %swap3A_24 = vector.shape_cast %broadcast_in_dim3A_20 : vector<16xf32> to vector<16xf32>
    tpu.vector_store %arg17[%swap3A_21], %swap3A_24 {strides = array<i32>} : memref<128xf32, #tpu.memory_space<vmem>>, vector<16xf32>,
    %broadcast_in_dim3A_25 = arith.constant 1.000000e+00 : f32
    %broadcast_in_dim3A_26 = vector.broadcast %broadcast_in_dim3A_25 : f32 to vector<16xf32>
    %swap3A_27 = arith.constant 48 : index
    %swap3A_28 = tpu.vector_load %arg17[%swap3A_27] {strides = array<i32>} : memref<128xf32, #tpu.memory_space<vmem>>, vector<16xf32>,
    %swap3A_29 = vector.shape_cast %swap3A_28 : vector<16xf32> to vector<16xf32>
    %swap3A_30 = vector.shape_cast %broadcast_in_dim3A_26 : vector<16xf32> to vector<16xf32>
    tpu.vector_store %arg17[%swap3A_27], %swap3A_30 {strides = array<i32>} : memref<128xf32, #tpu.memory_space<vmem>>, vector<16xf32>,
    %broadcast_in_dim3A_31 = arith.constant 1.000000e+00 : f32
    %broadcast_in_dim3A_32 = vector.broadcast %broadcast_in_dim3A_31 : f32 to vector<16xf32>
    %swap3A_33 = arith.constant 64 : index
    %swap3A_34 = tpu.vector_load %arg17[%swap3A_33] {strides = array<i32>} : memref<128xf32, #tpu.memory_space<vmem>>, vector<16xf32>,
    %swap3A_35 = vector.shape_cast %swap3A_34 : vector<16xf32> to vector<16xf32>
    %swap3A_36 = vector.shape_cast %broadcast_in_dim3A_32 : vector<16xf32> to vector<16xf32>
    tpu.vector_store %arg17[%swap3A_33], %swap3A_36 {strides = array<i32>} : memref<128xf32, #tpu.memory_space<vmem>>, vector<16xf32>,
    %broadcast_in_dim3A_37 = arith.constant 1.000000e+00 : f32
    %broadcast_in_dim3A_38 = vector.broadcast %broadcast_in_dim3A_37 : f32 to vector<16xf32>
    %swap3A_39 = arith.constant 80 : index
    %swap3A_40 = tpu.vector_load %arg17[%swap3A_39] {strides = array<i32>} : memref<128xf32, #tpu.memory_space<vmem>>, vector<16xf32>,
    %swap3A_41 = vector.shape_cast %swap3A_40 : vector<16xf32> to vector<16xf32>
    %swap3A_42 = vector.shape_cast %broadcast_in_dim3A_38 : vector<16xf32> to vector<16xf32>
    tpu.vector_store %arg17[%swap3A_39], %swap3A_42 {strides = array<i32>} : memref<128xf32, #tpu.memory_space<vmem>>, vector<16xf32>,
    %broadcast_in_dim3A_43 = arith.constant 1.000000e+00 : f32
    %broadcast_in_dim3A_44 = vector.broadcast %broadcast_in_dim3A_43 : f32 to vector<16xf32>
    %swap3A_45 = arith.constant 96 : index
    %swap3A_46 = tpu.vector_load %arg17[%swap3A_45] {strides = array<i32>} : memref<128xf32, #tpu.memory_space<vmem>>, vector<16xf32>,
    %swap3A_47 = vector.shape_cast %swap3A_46 : vector<16xf32> to vector<16xf32>
    %swap3A_48 = vector.shape_cast %broadcast_in_dim3A_44 : vector<16xf32> to vector<16xf32>
    tpu.vector_store %arg17[%swap3A_45], %swap3A_48 {strides = array<i32>} : memref<128xf32, #tpu.memory_space<vmem>>, vector<16xf32>,
    %broadcast_in_dim3A_49 = arith.constant 1.000000e+00 : f32
    %broadcast_in_dim3A_50 = vector.broadcast %broadcast_in_dim3A_49 : f32 to vector<16xf32>
    %swap3A_51 = arith.constant 112 : index
    %swap3A_52 = tpu.vector_load %arg17[%swap3A_51] {strides = array<i32>} : memref<128xf32, #tpu.memory_space<vmem>>, vector<16xf32>,
    %swap3A_53 = vector.shape_cast %swap3A_52 : vector<16xf32> to vector<16xf32>
    %swap3A_54 = vector.shape_cast %broadcast_in_dim3A_50 : vector<16xf32> to vector<16xf32>
    tpu.vector_store %arg17[%swap3A_51], %swap3A_54 {strides = array<i32>} : memref<128xf32, #tpu.memory_space<vmem>>, vector<16xf32>,
    %scan3A = arith.constant 0 : i32
    %scan3A_55 = arith.constant 0 : i32
    %scan3A_56 = arith.constant 80 : i32
    %scan3A_57 = arith.addi %scan3A_55, %scan3A_56 : i32
    %scan3A_58 = arith.constant 1 : i32
    scf.for %scan3A_80 = %scan3A_55 to %scan3A_57 step %scan3A_58  : i32 {
      %get3A = arith.index_cast %scan3A_80 : i32 to index
      %get3A_81 = arith.constant 0 : index
      %get3A_82 = tpu.vector_load %arg12[%get3A, %get3A_81] {strides = array<i32>} : memref<80x128xi32, #tpu.memory_space<vmem>>, vector<1x16xi32>,
      %get3A_83 = vector.shape_cast %get3A_82 : vector<1x16xi32> to vector<16xi32>
      %get3A_84 = arith.index_cast %scan3A_80 : i32 to index
      %get3A_85 = arith.constant 0 : index
      %get3A_86 = tpu.vector_load %arg13[%get3A_84, %get3A_85] {strides = array<i32>} : memref<80x128xi32, #tpu.memory_space<vmem>>, vector<1x16xi32>,
      %get3A_87 = vector.shape_cast %get3A_86 : vector<1x16xi32> to vector<16xi32>
      %get3A_88 = arith.index_cast %scan3A_80 : i32 to index
      %get3A_89 = arith.constant 0 : index
      %get3A_90 = tpu.vector_load %arg14[%get3A_88, %get3A_89] {strides = array<i32>} : memref<80x128xi32, #tpu.memory_space<vmem>>, vector<1x16xi32>,
      %get3A_91 = vector.shape_cast %get3A_90 : vector<1x16xi32> to vector<16xi32>
      %mul3A_92 = arith.constant 10240 : i32
      %mul3A_93 = vector.broadcast %mul3A_92 : i32 to vector<16xi32>
      %mul3A_94 = arith.muli %get3A_91, %mul3A_93 : vector<16xi32>
      %add3A_95 = arith.addi %mul3A_94, %get3A_83 : vector<16xi32>
      %swap3A_96 = arith.index_cast %scan3A_80 : i32 to index
      %swap3A_97 = arith.constant 0 : index
      %swap3A_98 = tpu.vector_load %arg15[%swap3A_96, %swap3A_97] {strides = array<i32>} : memref<80x128xi32, #tpu.memory_space<vmem>>, vector<1x16xi32>,
      %swap3A_99 = vector.shape_cast %swap3A_98 : vector<1x16xi32> to vector<16xi32>
      %swap3A_100 = vector.shape_cast %add3A_95 : vector<16xi32> to vector<1x16xi32>
      tpu.vector_store %arg15[%swap3A_96, %swap3A_97], %swap3A_100 {strides = array<i32>} : memref<80x128xi32, #tpu.memory_space<vmem>>, vector<1x16xi32>,
      %mul3A_101 = arith.constant 10240 : i32
      %mul3A_102 = vector.broadcast %mul3A_101 : i32 to vector<16xi32>
      %mul3A_103 = arith.muli %get3A_91, %mul3A_102 : vector<16xi32>
      %add3A_104 = arith.addi %mul3A_103, %get3A_87 : vector<16xi32>
      %swap3A_105 = arith.index_cast %scan3A_80 : i32 to index
      %swap3A_106 = arith.constant 0 : index
      %swap3A_107 = tpu.vector_load %arg16[%swap3A_105, %swap3A_106] {strides = array<i32>} : memref<80x128xi32, #tpu.memory_space<vmem>>, vector<1x16xi32>,
      %swap3A_108 = vector.shape_cast %swap3A_107 : vector<1x16xi32> to vector<16xi32>
      %swap3A_109 = vector.shape_cast %add3A_104 : vector<16xi32> to vector<1x16xi32>
      tpu.vector_store %arg16[%swap3A_105, %swap3A_106], %swap3A_109 {strides = array<i32>} : memref<80x128xi32, #tpu.memory_space<vmem>>, vector<1x16xi32>,
      %get3A_110 = arith.index_cast %scan3A_80 : i32 to index
      %get3A_111 = arith.constant 16 : index
      %get3A_112 = tpu.vector_load %arg12[%get3A_110, %get3A_111] {strides = array<i32>} : memref<80x128xi32, #tpu.memory_space<vmem>>, vector<1x16xi32>,
      %get3A_113 = vector.shape_cast %get3A_112 : vector<1x16xi32> to vector<16xi32>
      %get3A_114 = arith.index_cast %scan3A_80 : i32 to index
      %get3A_115 = arith.constant 16 : index
      %get3A_116 = tpu.vector_load %arg13[%get3A_114, %get3A_115] {strides = array<i32>} : memref<80x128xi32, #tpu.memory_space<vmem>>, vector<1x16xi32>,
      %get3A_117 = vector.shape_cast %get3A_116 : vector<1x16xi32> to vector<16xi32>
      %get3A_118 = arith.index_cast %scan3A_80 : i32 to index
      %get3A_119 = arith.constant 16 : index
      %get3A_120 = tpu.vector_load %arg14[%get3A_118, %get3A_119] {strides = array<i32>} : memref<80x128xi32, #tpu.memory_space<vmem>>, vector<1x16xi32>,
      %get3A_121 = vector.shape_cast %get3A_120 : vector<1x16xi32> to vector<16xi32>
      %mul3A_122 = arith.constant 10240 : i32
      %mul3A_123 = vector.broadcast %mul3A_122 : i32 to vector<16xi32>
      %mul3A_124 = arith.muli %get3A_121, %mul3A_123 : vector<16xi32>
      %add3A_125 = arith.addi %mul3A_124, %get3A_113 : vector<16xi32>
      %swap3A_126 = arith.index_cast %scan3A_80 : i32 to index
      %swap3A_127 = arith.constant 16 : index
      %swap3A_128 = tpu.vector_load %arg15[%swap3A_126, %swap3A_127] {strides = array<i32>} : memref<80x128xi32, #tpu.memory_space<vmem>>, vector<1x16xi32>,
      %swap3A_129 = vector.shape_cast %swap3A_128 : vector<1x16xi32> to vector<16xi32>
      %swap3A_130 = vector.shape_cast %add3A_125 : vector<16xi32> to vector<1x16xi32>
      tpu.vector_store %arg15[%swap3A_126, %swap3A_127], %swap3A_130 {strides = array<i32>} : memref<80x128xi32, #tpu.memory_space<vmem>>, vector<1x16xi32>,
      %mul3A_131 = arith.constant 10240 : i32
      %mul3A_132 = vector.broadcast %mul3A_131 : i32 to vector<16xi32>
      %mul3A_133 = arith.muli %get3A_121, %mul3A_132 : vector<16xi32>
      %add3A_134 = arith.addi %mul3A_133, %get3A_117 : vector<16xi32>
      %swap3A_135 = arith.index_cast %scan3A_80 : i32 to index
      %swap3A_136 = arith.constant 16 : index
      %swap3A_137 = tpu.vector_load %arg16[%swap3A_135, %swap3A_136] {strides = array<i32>} : memref<80x128xi32, #tpu.memory_space<vmem>>, vector<1x16xi32>,
      %swap3A_138 = vector.shape_cast %swap3A_137 : vector<1x16xi32> to vector<16xi32>
      %swap3A_139 = vector.shape_cast %add3A_134 : vector<16xi32> to vector<1x16xi32>
      tpu.vector_store %arg16[%swap3A_135, %swap3A_136], %swap3A_139 {strides = array<i32>} : memref<80x128xi32, #tpu.memory_space<vmem>>, vector<1x16xi32>,
      %get3A_140 = arith.index_cast %scan3A_80 : i32 to index
      %get3A_141 = arith.constant 32 : index
      %get3A_142 = tpu.vector_load %arg12[%get3A_140, %get3A_141] {strides = array<i32>} : memref<80x128xi32, #tpu.memory_space<vmem>>, vector<1x16xi32>,
      %get3A_143 = vector.shape_cast %get3A_142 : vector<1x16xi32> to vector<16xi32>
      %get3A_144 = arith.index_cast %scan3A_80 : i32 to index
      %get3A_145 = arith.constant 32 : index
      %get3A_146 = tpu.vector_load %arg13[%get3A_144, %get3A_145] {strides = array<i32>} : memref<80x128xi32, #tpu.memory_space<vmem>>, vector<1x16xi32>,
      %get3A_147 = vector.shape_cast %get3A_146 : vector<1x16xi32> to vector<16xi32>
      %get3A_148 = arith.index_cast %scan3A_80 : i32 to index
      %get3A_149 = arith.constant 32 : index
      %get3A_150 = tpu.vector_load %arg14[%get3A_148, %get3A_149] {strides = array<i32>} : memref<80x128xi32, #tpu.memory_space<vmem>>, vector<1x16xi32>,
      %get3A_151 = vector.shape_cast %get3A_150 : vector<1x16xi32> to vector<16xi32>
      %mul3A_152 = arith.constant 10240 : i32
      %mul3A_153 = vector.broadcast %mul3A_152 : i32 to vector<16xi32>
      %mul3A_154 = arith.muli %get3A_151, %mul3A_153 : vector<16xi32>
      %add3A_155 = arith.addi %mul3A_154, %get3A_143 : vector<16xi32>
      %swap3A_156 = arith.index_cast %scan3A_80 : i32 to index
      %swap3A_157 = arith.constant 32 : index
      %swap3A_158 = tpu.vector_load %arg15[%swap3A_156, %swap3A_157] {strides = array<i32>} : memref<80x128xi32, #tpu.memory_space<vmem>>, vector<1x16xi32>,
      %swap3A_159 = vector.shape_cast %swap3A_158 : vector<1x16xi32> to vector<16xi32>
      %swap3A_160 = vector.shape_cast %add3A_155 : vector<16xi32> to vector<1x16xi32>
      tpu.vector_store %arg15[%swap3A_156, %swap3A_157], %swap3A_160 {strides = array<i32>} : memref<80x128xi32, #tpu.memory_space<vmem>>, vector<1x16xi32>,
      %mul3A_161 = arith.constant 10240 : i32
      %mul3A_162 = vector.broadcast %mul3A_161 : i32 to vector<16xi32>
      %mul3A_163 = arith.muli %get3A_151, %mul3A_162 : vector<16xi32>
      %add3A_164 = arith.addi %mul3A_163, %get3A_147 : vector<16xi32>
      %swap3A_165 = arith.index_cast %scan3A_80 : i32 to index
      %swap3A_166 = arith.constant 32 : index
      %swap3A_167 = tpu.vector_load %arg16[%swap3A_165, %swap3A_166] {strides = array<i32>} : memref<80x128xi32, #tpu.memory_space<vmem>>, vector<1x16xi32>,
      %swap3A_168 = vector.shape_cast %swap3A_167 : vector<1x16xi32> to vector<16xi32>
      %swap3A_169 = vector.shape_cast %add3A_164 : vector<16xi32> to vector<1x16xi32>
      tpu.vector_store %arg16[%swap3A_165, %swap3A_166], %swap3A_169 {strides = array<i32>} : memref<80x128xi32, #tpu.memory_space<vmem>>, vector<1x16xi32>,
      %get3A_170 = arith.index_cast %scan3A_80 : i32 to index
      %get3A_171 = arith.constant 48 : index
      %get3A_172 = tpu.vector_load %arg12[%get3A_170, %get3A_171] {strides = array<i32>} : memref<80x128xi32, #tpu.memory_space<vmem>>, vector<1x16xi32>,
      %get3A_173 = vector.shape_cast %get3A_172 : vector<1x16xi32> to vector<16xi32>
      %get3A_174 = arith.index_cast %scan3A_80 : i32 to index
      %get3A_175 = arith.constant 48 : index
      %get3A_176 = tpu.vector_load %arg13[%get3A_174, %get3A_175] {strides = array<i32>} : memref<80x128xi32, #tpu.memory_space<vmem>>, vector<1x16xi32>,
      %get3A_177 = vector.shape_cast %get3A_176 : vector<1x16xi32> to vector<16xi32>
      %get3A_178 = arith.index_cast %scan3A_80 : i32 to index
      %get3A_179 = arith.constant 48 : index
      %get3A_180 = tpu.vector_load %arg14[%get3A_178, %get3A_179] {strides = array<i32>} : memref<80x128xi32, #tpu.memory_space<vmem>>, vector<1x16xi32>,
      %get3A_181 = vector.shape_cast %get3A_180 : vector<1x16xi32> to vector<16xi32>
      %mul3A_182 = arith.constant 10240 : i32
      %mul3A_183 = vector.broadcast %mul3A_182 : i32 to vector<16xi32>
      %mul3A_184 = arith.muli %get3A_181, %mul3A_183 : vector<16xi32>
      %add3A_185 = arith.addi %mul3A_184, %get3A_173 : vector<16xi32>
      %swap3A_186 = arith.index_cast %scan3A_80 : i32 to index
      %swap3A_187 = arith.constant 48 : index
      %swap3A_188 = tpu.vector_load %arg15[%swap3A_186, %swap3A_187] {strides = array<i32>} : memref<80x128xi32, #tpu.memory_space<vmem>>, vector<1x16xi32>,
      %swap3A_189 = vector.shape_cast %swap3A_188 : vector<1x16xi32> to vector<16xi32>
      %swap3A_190 = vector.shape_cast %add3A_185 : vector<16xi32> to vector<1x16xi32>
      tpu.vector_store %arg15[%swap3A_186, %swap3A_187], %swap3A_190 {strides = array<i32>} : memref<80x128xi32, #tpu.memory_space<vmem>>, vector<1x16xi32>,
      %mul3A_191 = arith.constant 10240 : i32
      %mul3A_192 = vector.broadcast %mul3A_191 : i32 to vector<16xi32>
      %mul3A_193 = arith.muli %get3A_181, %mul3A_192 : vector<16xi32>
      %add3A_194 = arith.addi %mul3A_193, %get3A_177 : vector<16xi32>
      %swap3A_195 = arith.index_cast %scan3A_80 : i32 to index
      %swap3A_196 = arith.constant 48 : index
      %swap3A_197 = tpu.vector_load %arg16[%swap3A_195, %swap3A_196] {strides = array<i32>} : memref<80x128xi32, #tpu.memory_space<vmem>>, vector<1x16xi32>,
      %swap3A_198 = vector.shape_cast %swap3A_197 : vector<1x16xi32> to vector<16xi32>
      %swap3A_199 = vector.shape_cast %add3A_194 : vector<16xi32> to vector<1x16xi32>
      tpu.vector_store %arg16[%swap3A_195, %swap3A_196], %swap3A_199 {strides = array<i32>} : memref<80x128xi32, #tpu.memory_space<vmem>>, vector<1x16xi32>,
      %get3A_200 = arith.index_cast %scan3A_80 : i32 to index
      %get3A_201 = arith.constant 64 : index
      %get3A_202 = tpu.vector_load %arg12[%get3A_200, %get3A_201] {strides = array<i32>} : memref<80x128xi32, #tpu.memory_space<vmem>>, vector<1x16xi32>,
      %get3A_203 = vector.shape_cast %get3A_202 : vector<1x16xi32> to vector<16xi32>
      %get3A_204 = arith.index_cast %scan3A_80 : i32 to index
      %get3A_205 = arith.constant 64 : index
      %get3A_206 = tpu.vector_load %arg13[%get3A_204, %get3A_205] {strides = array<i32>} : memref<80x128xi32, #tpu.memory_space<vmem>>, vector<1x16xi32>,
      %get3A_207 = vector.shape_cast %get3A_206 : vector<1x16xi32> to vector<16xi32>
      %get3A_208 = arith.index_cast %scan3A_80 : i32 to index
      %get3A_209 = arith.constant 64 : index
      %get3A_210 = tpu.vector_load %arg14[%get3A_208, %get3A_209] {strides = array<i32>} : memref<80x128xi32, #tpu.memory_space<vmem>>, vector<1x16xi32>,
      %get3A_211 = vector.shape_cast %get3A_210 : vector<1x16xi32> to vector<16xi32>
      %mul3A_212 = arith.constant 10240 : i32
      %mul3A_213 = vector.broadcast %mul3A_212 : i32 to vector<16xi32>
      %mul3A_214 = arith.muli %get3A_211, %mul3A_213 : vector<16xi32>
      %add3A_215 = arith.addi %mul3A_214, %get3A_203 : vector<16xi32>
      %swap3A_216 = arith.index_cast %scan3A_80 : i32 to index
      %swap3A_217 = arith.constant 64 : index
      %swap3A_218 = tpu.vector_load %arg15[%swap3A_216, %swap3A_217] {strides = array<i32>} : memref<80x128xi32, #tpu.memory_space<vmem>>, vector<1x16xi32>,
      %swap3A_219 = vector.shape_cast %swap3A_218 : vector<1x16xi32> to vector<16xi32>
      %swap3A_220 = vector.shape_cast %add3A_215 : vector<16xi32> to vector<1x16xi32>
      tpu.vector_store %arg15[%swap3A_216, %swap3A_217], %swap3A_220 {strides = array<i32>} : memref<80x128xi32, #tpu.memory_space<vmem>>, vector<1x16xi32>,
      %mul3A_221 = arith.constant 10240 : i32
      %mul3A_222 = vector.broadcast %mul3A_221 : i32 to vector<16xi32>
      %mul3A_223 = arith.muli %get3A_211, %mul3A_222 : vector<16xi32>
      %add3A_224 = arith.addi %mul3A_223, %get3A_207 : vector<16xi32>
      %swap3A_225 = arith.index_cast %scan3A_80 : i32 to index
      %swap3A_226 = arith.constant 64 : index
      %swap3A_227 = tpu.vector_load %arg16[%swap3A_225, %swap3A_226] {strides = array<i32>} : memref<80x128xi32, #tpu.memory_space<vmem>>, vector<1x16xi32>,
      %swap3A_228 = vector.shape_cast %swap3A_227 : vector<1x16xi32> to vector<16xi32>
      %swap3A_229 = vector.shape_cast %add3A_224 : vector<16xi32> to vector<1x16xi32>
      tpu.vector_store %arg16[%swap3A_225, %swap3A_226], %swap3A_229 {strides = array<i32>} : memref<80x128xi32, #tpu.memory_space<vmem>>, vector<1x16xi32>,
      %get3A_230 = arith.index_cast %scan3A_80 : i32 to index
      %get3A_231 = arith.constant 80 : index
      %get3A_232 = tpu.vector_load %arg12[%get3A_230, %get3A_231] {strides = array<i32>} : memref<80x128xi32, #tpu.memory_space<vmem>>, vector<1x16xi32>,
      %get3A_233 = vector.shape_cast %get3A_232 : vector<1x16xi32> to vector<16xi32>
      %get3A_234 = arith.index_cast %scan3A_80 : i32 to index
      %get3A_235 = arith.constant 80 : index
      %get3A_236 = tpu.vector_load %arg13[%get3A_234, %get3A_235] {strides = array<i32>} : memref<80x128xi32, #tpu.memory_space<vmem>>, vector<1x16xi32>,
      %get3A_237 = vector.shape_cast %get3A_236 : vector<1x16xi32> to vector<16xi32>
      %get3A_238 = arith.index_cast %scan3A_80 : i32 to index
      %get3A_239 = arith.constant 80 : index
      %get3A_240 = tpu.vector_load %arg14[%get3A_238, %get3A_239] {strides = array<i32>} : memref<80x128xi32, #tpu.memory_space<vmem>>, vector<1x16xi32>,
      %get3A_241 = vector.shape_cast %get3A_240 : vector<1x16xi32> to vector<16xi32>
      %mul3A_242 = arith.constant 10240 : i32
      %mul3A_243 = vector.broadcast %mul3A_242 : i32 to vector<16xi32>
      %mul3A_244 = arith.muli %get3A_241, %mul3A_243 : vector<16xi32>
      %add3A_245 = arith.addi %mul3A_244, %get3A_233 : vector<16xi32>
      %swap3A_246 = arith.index_cast %scan3A_80 : i32 to index
      %swap3A_247 = arith.constant 80 : index
      %swap3A_248 = tpu.vector_load %arg15[%swap3A_246, %swap3A_247] {strides = array<i32>} : memref<80x128xi32, #tpu.memory_space<vmem>>, vector<1x16xi32>,
      %swap3A_249 = vector.shape_cast %swap3A_248 : vector<1x16xi32> to vector<16xi32>
      %swap3A_250 = vector.shape_cast %add3A_245 : vector<16xi32> to vector<1x16xi32>
      tpu.vector_store %arg15[%swap3A_246, %swap3A_247], %swap3A_250 {strides = array<i32>} : memref<80x128xi32, #tpu.memory_space<vmem>>, vector<1x16xi32>,
      %mul3A_251 = arith.constant 10240 : i32
      %mul3A_252 = vector.broadcast %mul3A_251 : i32 to vector<16xi32>
      %mul3A_253 = arith.muli %get3A_241, %mul3A_252 : vector<16xi32>
      %add3A_254 = arith.addi %mul3A_253, %get3A_237 : vector<16xi32>
      %swap3A_255 = arith.index_cast %scan3A_80 : i32 to index
      %swap3A_256 = arith.constant 80 : index
      %swap3A_257 = tpu.vector_load %arg16[%swap3A_255, %swap3A_256] {strides = array<i32>} : memref<80x128xi32, #tpu.memory_space<vmem>>, vector<1x16xi32>,
      %swap3A_258 = vector.shape_cast %swap3A_257 : vector<1x16xi32> to vector<16xi32>
      %swap3A_259 = vector.shape_cast %add3A_254 : vector<16xi32> to vector<1x16xi32>
      tpu.vector_store %arg16[%swap3A_255, %swap3A_256], %swap3A_259 {strides = array<i32>} : memref<80x128xi32, #tpu.memory_space<vmem>>, vector<1x16xi32>,
      %get3A_260 = arith.index_cast %scan3A_80 : i32 to index
      %get3A_261 = arith.constant 96 : index
      %get3A_262 = tpu.vector_load %arg12[%get3A_260, %get3A_261] {strides = array<i32>} : memref<80x128xi32, #tpu.memory_space<vmem>>, vector<1x16xi32>,
      %get3A_263 = vector.shape_cast %get3A_262 : vector<1x16xi32> to vector<16xi32>
      %get3A_264 = arith.index_cast %scan3A_80 : i32 to index
      %get3A_265 = arith.constant 96 : index
      %get3A_266 = tpu.vector_load %arg13[%get3A_264, %get3A_265] {strides = array<i32>} : memref<80x128xi32, #tpu.memory_space<vmem>>, vector<1x16xi32>,
      %get3A_267 = vector.shape_cast %get3A_266 : vector<1x16xi32> to vector<16xi32>
      %get3A_268 = arith.index_cast %scan3A_80 : i32 to index
      %get3A_269 = arith.constant 96 : index
      %get3A_270 = tpu.vector_load %arg14[%get3A_268, %get3A_269] {strides = array<i32>} : memref<80x128xi32, #tpu.memory_space<vmem>>, vector<1x16xi32>,
      %get3A_271 = vector.shape_cast %get3A_270 : vector<1x16xi32> to vector<16xi32>
      %mul3A_272 = arith.constant 10240 : i32
      %mul3A_273 = vector.broadcast %mul3A_272 : i32 to vector<16xi32>
      %mul3A_274 = arith.muli %get3A_271, %mul3A_273 : vector<16xi32>
      %add3A_275 = arith.addi %mul3A_274, %get3A_263 : vector<16xi32>
      %swap3A_276 = arith.index_cast %scan3A_80 : i32 to index
      %swap3A_277 = arith.constant 96 : index
      %swap3A_278 = tpu.vector_load %arg15[%swap3A_276, %swap3A_277] {strides = array<i32>} : memref<80x128xi32, #tpu.memory_space<vmem>>, vector<1x16xi32>,
      %swap3A_279 = vector.shape_cast %swap3A_278 : vector<1x16xi32> to vector<16xi32>
      %swap3A_280 = vector.shape_cast %add3A_275 : vector<16xi32> to vector<1x16xi32>
      tpu.vector_store %arg15[%swap3A_276, %swap3A_277], %swap3A_280 {strides = array<i32>} : memref<80x128xi32, #tpu.memory_space<vmem>>, vector<1x16xi32>,
      %mul3A_281 = arith.constant 10240 : i32
      %mul3A_282 = vector.broadcast %mul3A_281 : i32 to vector<16xi32>
      %mul3A_283 = arith.muli %get3A_271, %mul3A_282 : vector<16xi32>
      %add3A_284 = arith.addi %mul3A_283, %get3A_267 : vector<16xi32>
      %swap3A_285 = arith.index_cast %scan3A_80 : i32 to index
      %swap3A_286 = arith.constant 96 : index
      %swap3A_287 = tpu.vector_load %arg16[%swap3A_285, %swap3A_286] {strides = array<i32>} : memref<80x128xi32, #tpu.memory_space<vmem>>, vector<1x16xi32>,
      %swap3A_288 = vector.shape_cast %swap3A_287 : vector<1x16xi32> to vector<16xi32>
      %swap3A_289 = vector.shape_cast %add3A_284 : vector<16xi32> to vector<1x16xi32>
      tpu.vector_store %arg16[%swap3A_285, %swap3A_286], %swap3A_289 {strides = array<i32>} : memref<80x128xi32, #tpu.memory_space<vmem>>, vector<1x16xi32>,
      %get3A_290 = arith.index_cast %scan3A_80 : i32 to index
      %get3A_291 = arith.constant 112 : index
      %get3A_292 = tpu.vector_load %arg12[%get3A_290, %get3A_291] {strides = array<i32>} : memref<80x128xi32, #tpu.memory_space<vmem>>, vector<1x16xi32>,
      %get3A_293 = vector.shape_cast %get3A_292 : vector<1x16xi32> to vector<16xi32>
      %get3A_294 = arith.index_cast %scan3A_80 : i32 to index
      %get3A_295 = arith.constant 112 : index
      %get3A_296 = tpu.vector_load %arg13[%get3A_294, %get3A_295] {strides = array<i32>} : memref<80x128xi32, #tpu.memory_space<vmem>>, vector<1x16xi32>,
      %get3A_297 = vector.shape_cast %get3A_296 : vector<1x16xi32> to vector<16xi32>
      %get3A_298 = arith.index_cast %scan3A_80 : i32 to index
      %get3A_299 = arith.constant 112 : index
      %get3A_300 = tpu.vector_load %arg14[%get3A_298, %get3A_299] {strides = array<i32>} : memref<80x128xi32, #tpu.memory_space<vmem>>, vector<1x16xi32>,
      %get3A_301 = vector.shape_cast %get3A_300 : vector<1x16xi32> to vector<16xi32>
      %mul3A_302 = arith.constant 10240 : i32
      %mul3A_303 = vector.broadcast %mul3A_302 : i32 to vector<16xi32>
      %mul3A_304 = arith.muli %get3A_301, %mul3A_303 : vector<16xi32>
      %add3A_305 = arith.addi %mul3A_304, %get3A_293 : vector<16xi32>
      %swap3A_306 = arith.index_cast %scan3A_80 : i32 to index
      %swap3A_307 = arith.constant 112 : index
      %swap3A_308 = tpu.vector_load %arg15[%swap3A_306, %swap3A_307] {strides = array<i32>} : memref<80x128xi32, #tpu.memory_space<vmem>>, vector<1x16xi32>,
      %swap3A_309 = vector.shape_cast %swap3A_308 : vector<1x16xi32> to vector<16xi32>
      %swap3A_310 = vector.shape_cast %add3A_305 : vector<16xi32> to vector<1x16xi32>
      tpu.vector_store %arg15[%swap3A_306, %swap3A_307], %swap3A_310 {strides = array<i32>} : memref<80x128xi32, #tpu.memory_space<vmem>>, vector<1x16xi32>,
      %mul3A_311 = arith.constant 10240 : i32
      %mul3A_312 = vector.broadcast %mul3A_311 : i32 to vector<16xi32>
      %mul3A_313 = arith.muli %get3A_301, %mul3A_312 : vector<16xi32>
      %add3A_314 = arith.addi %mul3A_313, %get3A_297 : vector<16xi32>
      %swap3A_315 = arith.index_cast %scan3A_80 : i32 to index
      %swap3A_316 = arith.constant 112 : index
      %swap3A_317 = tpu.vector_load %arg16[%swap3A_315, %swap3A_316] {strides = array<i32>} : memref<80x128xi32, #tpu.memory_space<vmem>>, vector<1x16xi32>,
      %swap3A_318 = vector.shape_cast %swap3A_317 : vector<1x16xi32> to vector<16xi32>
      %swap3A_319 = vector.shape_cast %add3A_314 : vector<16xi32> to vector<1x16xi32>
      tpu.vector_store %arg16[%swap3A_315, %swap3A_316], %swap3A_319 {strides = array<i32>} : memref<80x128xi32, #tpu.memory_space<vmem>>, vector<1x16xi32>,
    }
    %scan3A_59 = arith.constant 80 : i32
    %barrier3A = arith.constant 0 : index
    tpu.barrier barrier_id(%barrier3A)
    %scan3A_60 = arith.constant 0 : i32
    %scan3A_61 = arith.constant 0 : i32
    %scan3A_62 = arith.constant 80 : i32
    %scan3A_63 = arith.addi %scan3A_61, %scan3A_62 : i32
    %scan3A_64 = arith.constant 1 : i32
    scf.for %scan3A_80 = %scan3A_61 to %scan3A_63 step %scan3A_64  : i32 {
      %ge3A = arith.constant 8 : i32
      %ge3A_81 = arith.cmpi sge, %scan3A_80, %ge3A : i32
      %convert_element_type3A_82 = arith.extui %ge3A_81 : i1 to i32
      %cond3A_83 = arith.constant 0 : i32
      %cond3A_84 = arith.cmpi ne, %convert_element_type3A_82, %cond3A_83 : i32
      scf.if %cond3A_84 {
        %sub3A = arith.constant 8 : i32
        %sub3A_94 = arith.subi %scan3A_80, %sub3A : i32
        %dma_wait3A = arith.constant 0 : i32
        %dma_wait3A_95 = tpu.memref_slice %arg15[%sub3A_94, %dma_wait3A] : memref<80x128xi32, #tpu.memory_space<vmem>> -> memref<1x128xi32, #tpu.memory_space<vmem>>
        %dma_wait3A_96 = tpu.memref_squeeze %dma_wait3A_95 : memref<1x128xi32, #tpu.memory_space<vmem>> -> memref<128xi32, #tpu.memory_space<vmem>>
        %dma_wait3A_97 = arith.constant 0 : i32
        %dma_wait3A_98 = tpu.memref_slice %arg10[%dma_wait3A_97] : memref<163840xf32, #tpu.memory_space<vmem_shared>> -> memref<163840xf32, #tpu.memory_space<vmem_shared>>
        tpu.wait_indirect_dma semaphore(%arg18 : memref<!tpu.dma_semaphore, #tpu.memory_space<semaphore_mem>>) src(%arg17 : memref<128xf32, #tpu.memory_space<vmem>>) dst(%dma_wait3A_98 : memref<163840xf32, #tpu.memory_space<vmem_shared>>)
        %dma_wait3A_99 = arith.constant 0 : i32
        %dma_wait3A_100 = tpu.memref_slice %arg16[%sub3A_94, %dma_wait3A_99] : memref<80x128xi32, #tpu.memory_space<vmem>> -> memref<1x128xi32, #tpu.memory_space<vmem>>
        %dma_wait3A_101 = tpu.memref_squeeze %dma_wait3A_100 : memref<1x128xi32, #tpu.memory_space<vmem>> -> memref<128xi32, #tpu.memory_space<vmem>>
        %dma_wait3A_102 = arith.constant 0 : i32
        %dma_wait3A_103 = tpu.memref_slice %arg11[%dma_wait3A_102] : memref<163840xf32, #tpu.memory_space<vmem_shared>> -> memref<163840xf32, #tpu.memory_space<vmem_shared>>
        tpu.wait_indirect_dma semaphore(%arg19 : memref<!tpu.dma_semaphore, #tpu.memory_space<semaphore_mem>>) src(%arg17 : memref<128xf32, #tpu.memory_space<vmem>>) dst(%dma_wait3A_103 : memref<163840xf32, #tpu.memory_space<vmem_shared>>)
      } else {
      }
      %dma_start3A = arith.constant 0 : i32
      %dma_start3A_85 = tpu.memref_slice %arg15[%scan3A_80, %dma_start3A] : memref<80x128xi32, #tpu.memory_space<vmem>> -> memref<1x128xi32, #tpu.memory_space<vmem>>
      %dma_start3A_86 = tpu.memref_squeeze %dma_start3A_85 : memref<1x128xi32, #tpu.memory_space<vmem>> -> memref<128xi32, #tpu.memory_space<vmem>>
      %dma_start3A_87 = arith.constant 0 : i32
      %dma_start3A_88 = tpu.memref_slice %arg10[%dma_start3A_87] : memref<163840xf32, #tpu.memory_space<vmem_shared>> -> memref<163840xf32, #tpu.memory_space<vmem_shared>>
      tpu.enqueue_indirect_dma source(%arg17 : memref<128xf32, #tpu.memory_space<vmem>>) target(%dma_start3A_88 : memref<163840xf32, #tpu.memory_space<vmem_shared>>) offsets(%dma_start3A_86 : memref<128xi32, #tpu.memory_space<vmem>>) semaphore(%arg18 : memref<!tpu.dma_semaphore, #tpu.memory_space<semaphore_mem>>) {add = true}
      %dma_start3A_89 = arith.constant 0 : i32
      %dma_start3A_90 = tpu.memref_slice %arg16[%scan3A_80, %dma_start3A_89] : memref<80x128xi32, #tpu.memory_space<vmem>> -> memref<1x128xi32, #tpu.memory_space<vmem>>
      %dma_start3A_91 = tpu.memref_squeeze %dma_start3A_90 : memref<1x128xi32, #tpu.memory_space<vmem>> -> memref<128xi32, #tpu.memory_space<vmem>>
      %dma_start3A_92 = arith.constant 0 : i32
      %dma_start3A_93 = tpu.memref_slice %arg11[%dma_start3A_92] : memref<163840xf32, #tpu.memory_space<vmem_shared>> -> memref<163840xf32, #tpu.memory_space<vmem_shared>>
      tpu.enqueue_indirect_dma source(%arg17 : memref<128xf32, #tpu.memory_space<vmem>>) target(%dma_start3A_93 : memref<163840xf32, #tpu.memory_space<vmem_shared>>) offsets(%dma_start3A_91 : memref<128xi32, #tpu.memory_space<vmem>>) semaphore(%arg19 : memref<!tpu.dma_semaphore, #tpu.memory_space<semaphore_mem>>) {add = true}
    }
    %scan3A_65 = arith.constant 80 : i32
    %scan3A_66 = arith.constant 0 : i32
    %scan3A_67 = arith.constant 72 : i32
    %scan3A_68 = arith.constant 8 : i32
    %scan3A_69 = arith.addi %scan3A_67, %scan3A_68 : i32
    %scan3A_70 = arith.constant 1 : i32
    scf.for %scan3A_80 = %scan3A_67 to %scan3A_69 step %scan3A_70  : i32 {
      %dma_wait3A = arith.constant 0 : i32
      %dma_wait3A_81 = tpu.memref_slice %arg15[%scan3A_80, %dma_wait3A] : memref<80x128xi32, #tpu.memory_space<vmem>> -> memref<1x128xi32, #tpu.memory_space<vmem>>
      %dma_wait3A_82 = tpu.memref_squeeze %dma_wait3A_81 : memref<1x128xi32, #tpu.memory_space<vmem>> -> memref<128xi32, #tpu.memory_space<vmem>>
      %dma_wait3A_83 = arith.constant 0 : i32
      %dma_wait3A_84 = tpu.memref_slice %arg10[%dma_wait3A_83] : memref<163840xf32, #tpu.memory_space<vmem_shared>> -> memref<163840xf32, #tpu.memory_space<vmem_shared>>
      tpu.wait_indirect_dma semaphore(%arg18 : memref<!tpu.dma_semaphore, #tpu.memory_space<semaphore_mem>>) src(%arg17 : memref<128xf32, #tpu.memory_space<vmem>>) dst(%dma_wait3A_84 : memref<163840xf32, #tpu.memory_space<vmem_shared>>)
      %dma_wait3A_85 = arith.constant 0 : i32
      %dma_wait3A_86 = tpu.memref_slice %arg16[%scan3A_80, %dma_wait3A_85] : memref<80x128xi32, #tpu.memory_space<vmem>> -> memref<1x128xi32, #tpu.memory_space<vmem>>
      %dma_wait3A_87 = tpu.memref_squeeze %dma_wait3A_86 : memref<1x128xi32, #tpu.memory_space<vmem>> -> memref<128xi32, #tpu.memory_space<vmem>>
      %dma_wait3A_88 = arith.constant 0 : i32
      %dma_wait3A_89 = tpu.memref_slice %arg11[%dma_wait3A_88] : memref<163840xf32, #tpu.memory_space<vmem_shared>> -> memref<163840xf32, #tpu.memory_space<vmem_shared>>
      tpu.wait_indirect_dma semaphore(%arg19 : memref<!tpu.dma_semaphore, #tpu.memory_space<semaphore_mem>>) src(%arg17 : memref<128xf32, #tpu.memory_space<vmem>>) dst(%dma_wait3A_89 : memref<163840xf32, #tpu.memory_space<vmem_shared>>)
    }
    %scan3A_71 = arith.constant 8 : i32
    %barrier3A_72 = arith.constant 0 : index
    tpu.barrier barrier_id(%barrier3A_72)
    %eq3A = arith.constant 0 : i32
    %eq3A_73 = arith.cmpi eq, %arg0, %eq3A : i32
    %convert_element_type3A = arith.extui %eq3A_73 : i1 to i32
    %cond3A = arith.constant 0 : i32
    %cond3A_74 = arith.cmpi ne, %convert_element_type3A, %cond3A : i32
    scf.if %cond3A_74 {
      %mul3A_80 = arith.constant 10240 : i32
      %mul3A_81 = arith.muli %arg1, %mul3A_80 : i32
      %mul3A_82 = arith.constant 10240 : i32
      %mul3A_83 = arith.muli %arg1, %mul3A_82 : i32
      "tpu.region"() ({
        %run_scoped3A = tpu.sem_alloc : memref<!tpu.dma_semaphore, #tpu.memory_space<semaphore_mem>>
        %dma_start3A = tpu.memref_slice %arg6[%mul3A_83] : memref<163840xf32, #tpu.memory_space<hbm>> -> memref<10240xf32, #tpu.memory_space<hbm>>
        %dma_start3A_88 = tpu.memref_slice %arg10[%mul3A_81] : memref<163840xf32, #tpu.memory_space<vmem_shared>> -> memref<10240xf32, #tpu.memory_space<vmem_shared>>
        tpu.enqueue_dma source(%dma_start3A_88 : memref<10240xf32, #tpu.memory_space<vmem_shared>>) target(%dma_start3A : memref<10240xf32, #tpu.memory_space<hbm>>) target_semaphore(%run_scoped3A : memref<!tpu.dma_semaphore, #tpu.memory_space<semaphore_mem>>)
        %dma_wait3A = tpu.memref_slice %arg6[%mul3A_83] : memref<163840xf32, #tpu.memory_space<hbm>> -> memref<10240xf32, #tpu.memory_space<hbm>>
        %dma_wait3A_89 = tpu.memref_slice %arg10[%mul3A_81] : memref<163840xf32, #tpu.memory_space<vmem_shared>> -> memref<10240xf32, #tpu.memory_space<vmem_shared>>
        tpu.wait_dma2 semaphore(%run_scoped3A : memref<!tpu.dma_semaphore, #tpu.memory_space<semaphore_mem>>) src(%dma_wait3A_89 : memref<10240xf32, #tpu.memory_space<vmem_shared>>) dst(%dma_wait3A : memref<10240xf32, #tpu.memory_space<hbm>>)
        tpu.yield
      }) : () -> ()
      %mul3A_84 = arith.constant 10240 : i32
      %mul3A_85 = arith.muli %arg1, %mul3A_84 : i32
      %mul3A_86 = arith.constant 10240 : i32
      %mul3A_87 = arith.muli %arg1, %mul3A_86 : i32
      "tpu.region"() ({
        %run_scoped3A = tpu.sem_alloc : memref<!tpu.dma_semaphore, #tpu.memory_space<semaphore_mem>>
        %dma_start3A = tpu.memref_slice %arg8[%mul3A_87] : memref<163840xf32, #tpu.memory_space<hbm>> -> memref<10240xf32, #tpu.memory_space<hbm>>
        %dma_start3A_88 = tpu.memref_slice %arg11[%mul3A_85] : memref<163840xf32, #tpu.memory_space<vmem_shared>> -> memref<10240xf32, #tpu.memory_space<vmem_shared>>
        tpu.enqueue_dma source(%dma_start3A_88 : memref<10240xf32, #tpu.memory_space<vmem_shared>>) target(%dma_start3A : memref<10240xf32, #tpu.memory_space<hbm>>) target_semaphore(%run_scoped3A : memref<!tpu.dma_semaphore, #tpu.memory_space<semaphore_mem>>)
        %dma_wait3A = tpu.memref_slice %arg8[%mul3A_87] : memref<163840xf32, #tpu.memory_space<hbm>> -> memref<10240xf32, #tpu.memory_space<hbm>>
        %dma_wait3A_89 = tpu.memref_slice %arg11[%mul3A_85] : memref<163840xf32, #tpu.memory_space<vmem_shared>> -> memref<10240xf32, #tpu.memory_space<vmem_shared>>
        tpu.wait_dma2 semaphore(%run_scoped3A : memref<!tpu.dma_semaphore, #tpu.memory_space<semaphore_mem>>) src(%dma_wait3A_89 : memref<10240xf32, #tpu.memory_space<vmem_shared>>) dst(%dma_wait3A : memref<10240xf32, #tpu.memory_space<hbm>>)
        tpu.yield
      }) : () -> ()
    } else {
    }
    %eq3A_75 = arith.constant 1 : i32
    %eq3A_76 = arith.cmpi eq, %arg0, %eq3A_75 : i32
    %convert_element_type3A_77 = arith.extui %eq3A_76 : i1 to i32
    %cond3A_78 = arith.constant 0 : i32
    %cond3A_79 = arith.cmpi ne, %convert_element_type3A_77, %cond3A_78 : i32
    scf.if %cond3A_79 {
      %mul3A_80 = arith.constant 10240 : i32
      %mul3A_81 = arith.muli %arg1, %mul3A_80 : i32
      %mul3A_82 = arith.constant 10240 : i32
      %mul3A_83 = arith.muli %arg1, %mul3A_82 : i32
      "tpu.region"() ({
        %run_scoped3A = tpu.sem_alloc : memref<!tpu.dma_semaphore, #tpu.memory_space<semaphore_mem>>
        %dma_start3A = tpu.memref_slice %arg7[%mul3A_83] : memref<163840xf32, #tpu.memory_space<hbm>> -> memref<10240xf32, #tpu.memory_space<hbm>>
        %dma_start3A_88 = tpu.memref_slice %arg10[%mul3A_81] : memref<163840xf32, #tpu.memory_space<vmem_shared>> -> memref<10240xf32, #tpu.memory_space<vmem_shared>>
        tpu.enqueue_dma source(%dma_start3A_88 : memref<10240xf32, #tpu.memory_space<vmem_shared>>) target(%dma_start3A : memref<10240xf32, #tpu.memory_space<hbm>>) target_semaphore(%run_scoped3A : memref<!tpu.dma_semaphore, #tpu.memory_space<semaphore_mem>>)
        %dma_wait3A = tpu.memref_slice %arg7[%mul3A_83] : memref<163840xf32, #tpu.memory_space<hbm>> -> memref<10240xf32, #tpu.memory_space<hbm>>
        %dma_wait3A_89 = tpu.memref_slice %arg10[%mul3A_81] : memref<163840xf32, #tpu.memory_space<vmem_shared>> -> memref<10240xf32, #tpu.memory_space<vmem_shared>>
        tpu.wait_dma2 semaphore(%run_scoped3A : memref<!tpu.dma_semaphore, #tpu.memory_space<semaphore_mem>>) src(%dma_wait3A_89 : memref<10240xf32, #tpu.memory_space<vmem_shared>>) dst(%dma_wait3A : memref<10240xf32, #tpu.memory_space<hbm>>)
        tpu.yield
      }) : () -> ()
      %mul3A_84 = arith.constant 10240 : i32
      %mul3A_85 = arith.muli %arg1, %mul3A_84 : i32
      %mul3A_86 = arith.constant 10240 : i32
      %mul3A_87 = arith.muli %arg1, %mul3A_86 : i32
      "tpu.region"() ({
        %run_scoped3A = tpu.sem_alloc : memref<!tpu.dma_semaphore, #tpu.memory_space<semaphore_mem>>
        %dma_start3A = tpu.memref_slice %arg9[%mul3A_87] : memref<163840xf32, #tpu.memory_space<hbm>> -> memref<10240xf32, #tpu.memory_space<hbm>>
        %dma_start3A_88 = tpu.memref_slice %arg11[%mul3A_85] : memref<163840xf32, #tpu.memory_space<vmem_shared>> -> memref<10240xf32, #tpu.memory_space<vmem_shared>>
        tpu.enqueue_dma source(%dma_start3A_88 : memref<10240xf32, #tpu.memory_space<vmem_shared>>) target(%dma_start3A : memref<10240xf32, #tpu.memory_space<hbm>>) target_semaphore(%run_scoped3A : memref<!tpu.dma_semaphore, #tpu.memory_space<semaphore_mem>>)
        %dma_wait3A = tpu.memref_slice %arg9[%mul3A_87] : memref<163840xf32, #tpu.memory_space<hbm>> -> memref<10240xf32, #tpu.memory_space<hbm>>
        %dma_wait3A_89 = tpu.memref_slice %arg11[%mul3A_85] : memref<163840xf32, #tpu.memory_space<vmem_shared>> -> memref<10240xf32, #tpu.memory_space<vmem_shared>>
        tpu.wait_dma2 semaphore(%run_scoped3A : memref<!tpu.dma_semaphore, #tpu.memory_space<semaphore_mem>>) src(%dma_wait3A_89 : memref<10240xf32, #tpu.memory_space<vmem_shared>>) dst(%dma_wait3A : memref<10240xf32, #tpu.memory_space<hbm>>)
        tpu.yield
      }) : () -> ()
    } else {
    }
    return
  }
}

#map = affine_map<(d0, d1) -> (0, 0)>
#map1 = affine_map<(d0, d1) -> (0, 0, 0)>
module attributes {stable_mosaic.version = 14 : i64} {
  func.func @_scat(%arg0: i32, %arg1: i32, %arg2: memref<10240x128xf32, #tpu.memory_space<hbm>>, %arg3: memref<32x80x128xi32, #tpu.memory_space<hbm>>, %arg4: memref<32x80x128xi32, #tpu.memory_space<hbm>>, %arg5: memref<10240x128xf32, #tpu.memory_space<hbm>>, %arg6: memref<2x10240x128xf32, #tpu.memory_space<hbm>>, %arg7: memref<10240x128xf32, #tpu.memory_space<vmem_shared>>, %arg8: memref<40x128xi32, #tpu.memory_space<vmem>>, %arg9: memref<40x128xi32, #tpu.memory_space<vmem>>, %arg10: memref<2x128x128xf32, #tpu.memory_space<vmem>>, %arg11: memref<!tpu.dma_semaphore, #tpu.memory_space<semaphore_mem>>, %arg12: memref<!tpu.dma_semaphore, #tpu.memory_space<semaphore_mem>>) attributes {dimension_semantics = [#tpu.dimension_semantics<core_parallel>, #tpu.dimension_semantics<subcore_parallel>], iteration_bounds = array<i64: 2, 16>, scalar_prefetch = 0 : i64, scratch_operands = 6 : i64, tpu.core_type = #tpu.core_type<sc_vector_subcore>, window_params = [{transform_indices = #map}, {transform_indices = #map1}, {transform_indices = #map1}, {transform_indices = #map}, {transform_indices = #map1}]} {
    %mul3A = arith.constant 2 : i32
    %mul3A_0 = arith.muli %arg1, %mul3A : i32
    %add3A = arith.addi %mul3A_0, %arg0 : i32
    %mul3A_1 = arith.constant 640 : i32
    %mul3A_2 = arith.muli %arg1, %mul3A_1 : i32
    %mul3A_3 = arith.constant 640 : i32
    %mul3A_4 = arith.muli %arg1, %mul3A_3 : i32
    "tpu.region"() ({
      %run_scoped3A = tpu.sem_alloc : memref<!tpu.dma_semaphore, #tpu.memory_space<semaphore_mem>>
      %dma_start3A_70 = arith.constant 0 : i32
      %dma_start3A_71 = tpu.memref_slice %arg7[%mul3A_4, %dma_start3A_70] : memref<10240x128xf32, #tpu.memory_space<vmem_shared>> -> memref<640x128xf32, #tpu.memory_space<vmem_shared>>
      %dma_start3A_72 = arith.constant 0 : i32
      %dma_start3A_73 = tpu.memref_slice %arg5[%mul3A_2, %dma_start3A_72] : memref<10240x128xf32, #tpu.memory_space<hbm>> -> memref<640x128xf32, #tpu.memory_space<hbm>>
      tpu.enqueue_dma source(%dma_start3A_73 : memref<640x128xf32, #tpu.memory_space<hbm>>) target(%dma_start3A_71 : memref<640x128xf32, #tpu.memory_space<vmem_shared>>) target_semaphore(%run_scoped3A : memref<!tpu.dma_semaphore, #tpu.memory_space<semaphore_mem>>)
      %dma_wait3A_74 = arith.constant 0 : i32
      %dma_wait3A_75 = tpu.memref_slice %arg7[%mul3A_4, %dma_wait3A_74] : memref<10240x128xf32, #tpu.memory_space<vmem_shared>> -> memref<640x128xf32, #tpu.memory_space<vmem_shared>>
      %dma_wait3A_76 = arith.constant 0 : i32
      %dma_wait3A_77 = tpu.memref_slice %arg5[%mul3A_2, %dma_wait3A_76] : memref<10240x128xf32, #tpu.memory_space<hbm>> -> memref<640x128xf32, #tpu.memory_space<hbm>>
      tpu.wait_dma2 semaphore(%run_scoped3A : memref<!tpu.dma_semaphore, #tpu.memory_space<semaphore_mem>>) src(%dma_wait3A_77 : memref<640x128xf32, #tpu.memory_space<hbm>>) dst(%dma_wait3A_75 : memref<640x128xf32, #tpu.memory_space<vmem_shared>>)
      tpu.yield
    }) : () -> ()
    %barrier3A = arith.constant 0 : index
    tpu.barrier barrier_id(%barrier3A)
    "tpu.region"() ({
      %run_scoped3A = tpu.sem_alloc : memref<!tpu.dma_semaphore, #tpu.memory_space<semaphore_mem>>
      %dma_start3A_70 = arith.constant 0 : i32
      %dma_start3A_71 = arith.constant 0 : i32
      %dma_start3A_72 = tpu.memref_slice %arg3[%add3A, %dma_start3A_70, %dma_start3A_71] : memref<32x80x128xi32, #tpu.memory_space<hbm>> -> memref<1x40x128xi32, #tpu.memory_space<hbm>>
      %dma_start3A_73 = tpu.memref_squeeze %dma_start3A_72 : memref<1x40x128xi32, #tpu.memory_space<hbm>> -> memref<40x128xi32, #tpu.memory_space<hbm>>
      %dma_start3A_74 = arith.constant 0 : i32
      %dma_start3A_75 = arith.constant 0 : i32
      %dma_start3A_76 = tpu.memref_slice %arg3[%add3A, %dma_start3A_74, %dma_start3A_75] : memref<32x80x128xi32, #tpu.memory_space<hbm>> -> memref<1x40x128xi32, #tpu.memory_space<hbm>>
      %dma_start3A_77 = tpu.memref_squeeze %dma_start3A_76 : memref<1x40x128xi32, #tpu.memory_space<hbm>> -> memref<40x128xi32, #tpu.memory_space<hbm>>
      tpu.enqueue_dma source(%dma_start3A_77 : memref<40x128xi32, #tpu.memory_space<hbm>>) target(%arg8 : memref<40x128xi32, #tpu.memory_space<vmem>>) target_semaphore(%run_scoped3A : memref<!tpu.dma_semaphore, #tpu.memory_space<semaphore_mem>>)
      %dma_wait3A_78 = arith.constant 0 : i32
      %dma_wait3A_79 = arith.constant 0 : i32
      %dma_wait3A_80 = tpu.memref_slice %arg3[%add3A, %dma_wait3A_78, %dma_wait3A_79] : memref<32x80x128xi32, #tpu.memory_space<hbm>> -> memref<1x40x128xi32, #tpu.memory_space<hbm>>
      %dma_wait3A_81 = tpu.memref_squeeze %dma_wait3A_80 : memref<1x40x128xi32, #tpu.memory_space<hbm>> -> memref<40x128xi32, #tpu.memory_space<hbm>>
      %dma_wait3A_82 = arith.constant 0 : i32
      %dma_wait3A_83 = arith.constant 0 : i32
      %dma_wait3A_84 = tpu.memref_slice %arg3[%add3A, %dma_wait3A_82, %dma_wait3A_83] : memref<32x80x128xi32, #tpu.memory_space<hbm>> -> memref<1x40x128xi32, #tpu.memory_space<hbm>>
      %dma_wait3A_85 = tpu.memref_squeeze %dma_wait3A_84 : memref<1x40x128xi32, #tpu.memory_space<hbm>> -> memref<40x128xi32, #tpu.memory_space<hbm>>
      tpu.wait_dma2 semaphore(%run_scoped3A : memref<!tpu.dma_semaphore, #tpu.memory_space<semaphore_mem>>) src(%dma_wait3A_85 : memref<40x128xi32, #tpu.memory_space<hbm>>) dst(%arg8 : memref<40x128xi32, #tpu.memory_space<vmem>>)
      tpu.yield
    }) : () -> ()
    "tpu.region"() ({
      %run_scoped3A = tpu.sem_alloc : memref<!tpu.dma_semaphore, #tpu.memory_space<semaphore_mem>>
      %dma_start3A_70 = arith.constant 0 : i32
      %dma_start3A_71 = arith.constant 0 : i32
      %dma_start3A_72 = tpu.memref_slice %arg4[%add3A, %dma_start3A_70, %dma_start3A_71] : memref<32x80x128xi32, #tpu.memory_space<hbm>> -> memref<1x40x128xi32, #tpu.memory_space<hbm>>
      %dma_start3A_73 = tpu.memref_squeeze %dma_start3A_72 : memref<1x40x128xi32, #tpu.memory_space<hbm>> -> memref<40x128xi32, #tpu.memory_space<hbm>>
      %dma_start3A_74 = arith.constant 0 : i32
      %dma_start3A_75 = arith.constant 0 : i32
      %dma_start3A_76 = tpu.memref_slice %arg4[%add3A, %dma_start3A_74, %dma_start3A_75] : memref<32x80x128xi32, #tpu.memory_space<hbm>> -> memref<1x40x128xi32, #tpu.memory_space<hbm>>
      %dma_start3A_77 = tpu.memref_squeeze %dma_start3A_76 : memref<1x40x128xi32, #tpu.memory_space<hbm>> -> memref<40x128xi32, #tpu.memory_space<hbm>>
      tpu.enqueue_dma source(%dma_start3A_77 : memref<40x128xi32, #tpu.memory_space<hbm>>) target(%arg9 : memref<40x128xi32, #tpu.memory_space<vmem>>) target_semaphore(%run_scoped3A : memref<!tpu.dma_semaphore, #tpu.memory_space<semaphore_mem>>)
      %dma_wait3A_78 = arith.constant 0 : i32
      %dma_wait3A_79 = arith.constant 0 : i32
      %dma_wait3A_80 = tpu.memref_slice %arg4[%add3A, %dma_wait3A_78, %dma_wait3A_79] : memref<32x80x128xi32, #tpu.memory_space<hbm>> -> memref<1x40x128xi32, #tpu.memory_space<hbm>>
      %dma_wait3A_81 = tpu.memref_squeeze %dma_wait3A_80 : memref<1x40x128xi32, #tpu.memory_space<hbm>> -> memref<40x128xi32, #tpu.memory_space<hbm>>
      %dma_wait3A_82 = arith.constant 0 : i32
      %dma_wait3A_83 = arith.constant 0 : i32
      %dma_wait3A_84 = tpu.memref_slice %arg4[%add3A, %dma_wait3A_82, %dma_wait3A_83] : memref<32x80x128xi32, #tpu.memory_space<hbm>> -> memref<1x40x128xi32, #tpu.memory_space<hbm>>
      %dma_wait3A_85 = tpu.memref_squeeze %dma_wait3A_84 : memref<1x40x128xi32, #tpu.memory_space<hbm>> -> memref<40x128xi32, #tpu.memory_space<hbm>>
      tpu.wait_dma2 semaphore(%run_scoped3A : memref<!tpu.dma_semaphore, #tpu.memory_space<semaphore_mem>>) src(%dma_wait3A_85 : memref<40x128xi32, #tpu.memory_space<hbm>>) dst(%arg9 : memref<40x128xi32, #tpu.memory_space<vmem>>)
      tpu.yield
    }) : () -> ()
    %dma_start3A = arith.constant 0 : i32
    %dma_start3A_5 = arith.constant 0 : i32
    %dma_start3A_6 = arith.constant 0 : i32
    %dma_start3A_7 = arith.constant 0 : i32
    %dma_start3A_8 = tpu.memref_slice %arg10[%dma_start3A_5, %dma_start3A_6, %dma_start3A_7] : memref<2x128x128xf32, #tpu.memory_space<vmem>> -> memref<1x128x128xf32, #tpu.memory_space<vmem>>
    %dma_start3A_9 = tpu.memref_squeeze %dma_start3A_8 : memref<1x128x128xf32, #tpu.memory_space<vmem>> -> memref<128x128xf32, #tpu.memory_space<vmem>>
    %dma_start3A_10 = arith.constant 0 : i32
    %dma_start3A_11 = tpu.memref_slice %arg8[%dma_start3A, %dma_start3A_10] : memref<40x128xi32, #tpu.memory_space<vmem>> -> memref<1x128xi32, #tpu.memory_space<vmem>>
    %dma_start3A_12 = tpu.memref_squeeze %dma_start3A_11 : memref<1x128xi32, #tpu.memory_space<vmem>> -> memref<128xi32, #tpu.memory_space<vmem>>
    %dma_start3A_13 = arith.constant 0 : i32
    %dma_start3A_14 = arith.constant 0 : i32
    %dma_start3A_15 = tpu.memref_slice %arg2[%dma_start3A_13, %dma_start3A_14] : memref<10240x128xf32, #tpu.memory_space<hbm>> -> memref<10240x128xf32, #tpu.memory_space<hbm>>
    tpu.enqueue_indirect_dma source(%dma_start3A_15 : memref<10240x128xf32, #tpu.memory_space<hbm>>) target(%dma_start3A_9 : memref<128x128xf32, #tpu.memory_space<vmem>>) offsets(%dma_start3A_12 : memref<128xi32, #tpu.memory_space<vmem>>) semaphore(%arg11 : memref<!tpu.dma_semaphore, #tpu.memory_space<semaphore_mem>>)
    %scan3A = arith.constant 0 : i32
    %scan3A_16 = arith.constant 0 : i32
    %scan3A_17 = arith.constant 40 : i32
    %scan3A_18 = arith.addi %scan3A_16, %scan3A_17 : i32
    %scan3A_19 = arith.constant 1 : i32
    scf.for %scan3A_70 = %scan3A_16 to %scan3A_18 step %scan3A_19  : i32 {
      %rem3A_71 = arith.constant 2 : i32
      %rem3A_72 = arith.remsi %scan3A_70, %rem3A_71 : i32
      %dma_wait3A_73 = arith.constant 0 : i32
      %dma_wait3A_74 = arith.constant 0 : i32
      %dma_wait3A_75 = arith.constant 0 : i32
      %dma_wait3A_76 = tpu.memref_slice %arg10[%rem3A_72, %dma_wait3A_74, %dma_wait3A_75] : memref<2x128x128xf32, #tpu.memory_space<vmem>> -> memref<1x128x128xf32, #tpu.memory_space<vmem>>
      %dma_wait3A_77 = tpu.memref_squeeze %dma_wait3A_76 : memref<1x128x128xf32, #tpu.memory_space<vmem>> -> memref<128x128xf32, #tpu.memory_space<vmem>>
      %dma_wait3A_78 = arith.constant 0 : i32
      %dma_wait3A_79 = tpu.memref_slice %arg8[%dma_wait3A_73, %dma_wait3A_78] : memref<40x128xi32, #tpu.memory_space<vmem>> -> memref<1x128xi32, #tpu.memory_space<vmem>>
      %dma_wait3A_80 = tpu.memref_squeeze %dma_wait3A_79 : memref<1x128xi32, #tpu.memory_space<vmem>> -> memref<128xi32, #tpu.memory_space<vmem>>
      %dma_wait3A_81 = arith.constant 0 : i32
      %dma_wait3A_82 = arith.constant 0 : i32
      %dma_wait3A_83 = tpu.memref_slice %arg2[%dma_wait3A_81, %dma_wait3A_82] : memref<10240x128xf32, #tpu.memory_space<hbm>> -> memref<10240x128xf32, #tpu.memory_space<hbm>>
      tpu.wait_indirect_dma semaphore(%arg11 : memref<!tpu.dma_semaphore, #tpu.memory_space<semaphore_mem>>) src(%dma_wait3A_83 : memref<10240x128xf32, #tpu.memory_space<hbm>>) dst(%dma_wait3A_77 : memref<128x128xf32, #tpu.memory_space<vmem>>)
      %ge3A = arith.constant 1 : i32
      %ge3A_84 = arith.cmpi sge, %scan3A_70, %ge3A : i32
      %convert_element_type3A = arith.extui %ge3A_84 : i1 to i32
      %cond3A = arith.constant 0 : i32
      %cond3A_85 = arith.cmpi ne, %convert_element_type3A, %cond3A : i32
      scf.if %cond3A_85 {
        %sub3A = arith.constant 1 : i32
        %sub3A_102 = arith.subi %sub3A, %rem3A_72 : i32
        %sub3A_103 = arith.constant 1 : i32
        %sub3A_104 = arith.subi %scan3A_70, %sub3A_103 : i32
        %dma_wait3A_105 = arith.constant 0 : i32
        %dma_wait3A_106 = arith.constant 0 : i32
        %dma_wait3A_107 = tpu.memref_slice %arg10[%sub3A_102, %dma_wait3A_105, %dma_wait3A_106] : memref<2x128x128xf32, #tpu.memory_space<vmem>> -> memref<1x128x128xf32, #tpu.memory_space<vmem>>
        %dma_wait3A_108 = tpu.memref_squeeze %dma_wait3A_107 : memref<1x128x128xf32, #tpu.memory_space<vmem>> -> memref<128x128xf32, #tpu.memory_space<vmem>>
        %dma_wait3A_109 = arith.constant 0 : i32
        %dma_wait3A_110 = tpu.memref_slice %arg9[%sub3A_104, %dma_wait3A_109] : memref<40x128xi32, #tpu.memory_space<vmem>> -> memref<1x128xi32, #tpu.memory_space<vmem>>
        %dma_wait3A_111 = tpu.memref_squeeze %dma_wait3A_110 : memref<1x128xi32, #tpu.memory_space<vmem>> -> memref<128xi32, #tpu.memory_space<vmem>>
        %dma_wait3A_112 = arith.constant 0 : i32
        %dma_wait3A_113 = arith.constant 0 : i32
        %dma_wait3A_114 = tpu.memref_slice %arg7[%dma_wait3A_112, %dma_wait3A_113] : memref<10240x128xf32, #tpu.memory_space<vmem_shared>> -> memref<10240x128xf32, #tpu.memory_space<vmem_shared>>
        tpu.wait_indirect_dma semaphore(%arg12 : memref<!tpu.dma_semaphore, #tpu.memory_space<semaphore_mem>>) src(%dma_wait3A_108 : memref<128x128xf32, #tpu.memory_space<vmem>>) dst(%dma_wait3A_114 : memref<10240x128xf32, #tpu.memory_space<vmem_shared>>)
      } else {
      }
      %add3A_86 = arith.constant 1 : i32
      %add3A_87 = arith.addi %scan3A_70, %add3A_86 : i32
      %lt3A = arith.constant 40 : i32
      %lt3A_88 = arith.cmpi slt, %add3A_87, %lt3A : i32
      %convert_element_type3A_89 = arith.extui %lt3A_88 : i1 to i32
      %cond3A_90 = arith.constant 0 : i32
      %cond3A_91 = arith.cmpi ne, %convert_element_type3A_89, %cond3A_90 : i32
      scf.if %cond3A_91 {
        %add3A_102 = arith.constant 1 : i32
        %add3A_103 = arith.addi %scan3A_70, %add3A_102 : i32
        %sub3A = arith.constant 1 : i32
        %sub3A_104 = arith.subi %sub3A, %rem3A_72 : i32
        %dma_start3A_105 = arith.constant 0 : i32
        %dma_start3A_106 = arith.constant 0 : i32
        %dma_start3A_107 = tpu.memref_slice %arg10[%sub3A_104, %dma_start3A_105, %dma_start3A_106] : memref<2x128x128xf32, #tpu.memory_space<vmem>> -> memref<1x128x128xf32, #tpu.memory_space<vmem>>
        %dma_start3A_108 = tpu.memref_squeeze %dma_start3A_107 : memref<1x128x128xf32, #tpu.memory_space<vmem>> -> memref<128x128xf32, #tpu.memory_space<vmem>>
        %dma_start3A_109 = arith.constant 0 : i32
        %dma_start3A_110 = tpu.memref_slice %arg8[%add3A_103, %dma_start3A_109] : memref<40x128xi32, #tpu.memory_space<vmem>> -> memref<1x128xi32, #tpu.memory_space<vmem>>
        %dma_start3A_111 = tpu.memref_squeeze %dma_start3A_110 : memref<1x128xi32, #tpu.memory_space<vmem>> -> memref<128xi32, #tpu.memory_space<vmem>>
        %dma_start3A_112 = arith.constant 0 : i32
        %dma_start3A_113 = arith.constant 0 : i32
        %dma_start3A_114 = tpu.memref_slice %arg2[%dma_start3A_112, %dma_start3A_113] : memref<10240x128xf32, #tpu.memory_space<hbm>> -> memref<10240x128xf32, #tpu.memory_space<hbm>>
        tpu.enqueue_indirect_dma source(%dma_start3A_114 : memref<10240x128xf32, #tpu.memory_space<hbm>>) target(%dma_start3A_108 : memref<128x128xf32, #tpu.memory_space<vmem>>) offsets(%dma_start3A_111 : memref<128xi32, #tpu.memory_space<vmem>>) semaphore(%arg11 : memref<!tpu.dma_semaphore, #tpu.memory_space<semaphore_mem>>)
      } else {
      }
      %dma_start3A_92 = arith.constant 0 : i32
      %dma_start3A_93 = arith.constant 0 : i32
      %dma_start3A_94 = tpu.memref_slice %arg10[%rem3A_72, %dma_start3A_92, %dma_start3A_93] : memref<2x128x128xf32, #tpu.memory_space<vmem>> -> memref<1x128x128xf32, #tpu.memory_space<vmem>>
      %dma_start3A_95 = tpu.memref_squeeze %dma_start3A_94 : memref<1x128x128xf32, #tpu.memory_space<vmem>> -> memref<128x128xf32, #tpu.memory_space<vmem>>
      %dma_start3A_96 = arith.constant 0 : i32
      %dma_start3A_97 = tpu.memref_slice %arg9[%scan3A_70, %dma_start3A_96] : memref<40x128xi32, #tpu.memory_space<vmem>> -> memref<1x128xi32, #tpu.memory_space<vmem>>
      %dma_start3A_98 = tpu.memref_squeeze %dma_start3A_97 : memref<1x128xi32, #tpu.memory_space<vmem>> -> memref<128xi32, #tpu.memory_space<vmem>>
      %dma_start3A_99 = arith.constant 0 : i32
      %dma_start3A_100 = arith.constant 0 : i32
      %dma_start3A_101 = tpu.memref_slice %arg7[%dma_start3A_99, %dma_start3A_100] : memref<10240x128xf32, #tpu.memory_space<vmem_shared>> -> memref<10240x128xf32, #tpu.memory_space<vmem_shared>>
      tpu.enqueue_indirect_dma source(%dma_start3A_95 : memref<128x128xf32, #tpu.memory_space<vmem>>) target(%dma_start3A_101 : memref<10240x128xf32, #tpu.memory_space<vmem_shared>>) offsets(%dma_start3A_98 : memref<128xi32, #tpu.memory_space<vmem>>) semaphore(%arg12 : memref<!tpu.dma_semaphore, #tpu.memory_space<semaphore_mem>>) {add = true}
    }
    %scan3A_20 = arith.constant 40 : i32
    %rem3A = arith.constant 39 : i32
    %rem3A_21 = arith.constant 2 : i32
    %rem3A_22 = arith.remsi %rem3A, %rem3A_21 : i32
    %dma_wait3A = arith.constant 39 : i32
    %dma_wait3A_23 = arith.constant 0 : i32
    %dma_wait3A_24 = arith.constant 0 : i32
    %dma_wait3A_25 = tpu.memref_slice %arg10[%rem3A_22, %dma_wait3A_23, %dma_wait3A_24] : memref<2x128x128xf32, #tpu.memory_space<vmem>> -> memref<1x128x128xf32, #tpu.memory_space<vmem>>
    %dma_wait3A_26 = tpu.memref_squeeze %dma_wait3A_25 : memref<1x128x128xf32, #tpu.memory_space<vmem>> -> memref<128x128xf32, #tpu.memory_space<vmem>>
    %dma_wait3A_27 = arith.constant 0 : i32
    %dma_wait3A_28 = tpu.memref_slice %arg9[%dma_wait3A, %dma_wait3A_27] : memref<40x128xi32, #tpu.memory_space<vmem>> -> memref<1x128xi32, #tpu.memory_space<vmem>>
    %dma_wait3A_29 = tpu.memref_squeeze %dma_wait3A_28 : memref<1x128xi32, #tpu.memory_space<vmem>> -> memref<128xi32, #tpu.memory_space<vmem>>
    %dma_wait3A_30 = arith.constant 0 : i32
    %dma_wait3A_31 = arith.constant 0 : i32
    %dma_wait3A_32 = tpu.memref_slice %arg7[%dma_wait3A_30, %dma_wait3A_31] : memref<10240x128xf32, #tpu.memory_space<vmem_shared>> -> memref<10240x128xf32, #tpu.memory_space<vmem_shared>>
    tpu.wait_indirect_dma semaphore(%arg12 : memref<!tpu.dma_semaphore, #tpu.memory_space<semaphore_mem>>) src(%dma_wait3A_26 : memref<128x128xf32, #tpu.memory_space<vmem>>) dst(%dma_wait3A_32 : memref<10240x128xf32, #tpu.memory_space<vmem_shared>>)
    "tpu.region"() ({
      %run_scoped3A = tpu.sem_alloc : memref<!tpu.dma_semaphore, #tpu.memory_space<semaphore_mem>>
      %dma_start3A_70 = arith.constant 40 : i32
      %dma_start3A_71 = arith.constant 0 : i32
      %dma_start3A_72 = tpu.memref_slice %arg3[%add3A, %dma_start3A_70, %dma_start3A_71] : memref<32x80x128xi32, #tpu.memory_space<hbm>> -> memref<1x40x128xi32, #tpu.memory_space<hbm>>
      %dma_start3A_73 = tpu.memref_squeeze %dma_start3A_72 : memref<1x40x128xi32, #tpu.memory_space<hbm>> -> memref<40x128xi32, #tpu.memory_space<hbm>>
      %dma_start3A_74 = arith.constant 40 : i32
      %dma_start3A_75 = arith.constant 0 : i32
      %dma_start3A_76 = tpu.memref_slice %arg3[%add3A, %dma_start3A_74, %dma_start3A_75] : memref<32x80x128xi32, #tpu.memory_space<hbm>> -> memref<1x40x128xi32, #tpu.memory_space<hbm>>
      %dma_start3A_77 = tpu.memref_squeeze %dma_start3A_76 : memref<1x40x128xi32, #tpu.memory_space<hbm>> -> memref<40x128xi32, #tpu.memory_space<hbm>>
      tpu.enqueue_dma source(%dma_start3A_77 : memref<40x128xi32, #tpu.memory_space<hbm>>) target(%arg8 : memref<40x128xi32, #tpu.memory_space<vmem>>) target_semaphore(%run_scoped3A : memref<!tpu.dma_semaphore, #tpu.memory_space<semaphore_mem>>)
      %dma_wait3A_78 = arith.constant 40 : i32
      %dma_wait3A_79 = arith.constant 0 : i32
      %dma_wait3A_80 = tpu.memref_slice %arg3[%add3A, %dma_wait3A_78, %dma_wait3A_79] : memref<32x80x128xi32, #tpu.memory_space<hbm>> -> memref<1x40x128xi32, #tpu.memory_space<hbm>>
      %dma_wait3A_81 = tpu.memref_squeeze %dma_wait3A_80 : memref<1x40x128xi32, #tpu.memory_space<hbm>> -> memref<40x128xi32, #tpu.memory_space<hbm>>
      %dma_wait3A_82 = arith.constant 40 : i32
      %dma_wait3A_83 = arith.constant 0 : i32
      %dma_wait3A_84 = tpu.memref_slice %arg3[%add3A, %dma_wait3A_82, %dma_wait3A_83] : memref<32x80x128xi32, #tpu.memory_space<hbm>> -> memref<1x40x128xi32, #tpu.memory_space<hbm>>
      %dma_wait3A_85 = tpu.memref_squeeze %dma_wait3A_84 : memref<1x40x128xi32, #tpu.memory_space<hbm>> -> memref<40x128xi32, #tpu.memory_space<hbm>>
      tpu.wait_dma2 semaphore(%run_scoped3A : memref<!tpu.dma_semaphore, #tpu.memory_space<semaphore_mem>>) src(%dma_wait3A_85 : memref<40x128xi32, #tpu.memory_space<hbm>>) dst(%arg8 : memref<40x128xi32, #tpu.memory_space<vmem>>)
      tpu.yield
    }) : () -> ()
    "tpu.region"() ({
      %run_scoped3A = tpu.sem_alloc : memref<!tpu.dma_semaphore, #tpu.memory_space<semaphore_mem>>
      %dma_start3A_70 = arith.constant 40 : i32
      %dma_start3A_71 = arith.constant 0 : i32
      %dma_start3A_72 = tpu.memref_slice %arg4[%add3A, %dma_start3A_70, %dma_start3A_71] : memref<32x80x128xi32, #tpu.memory_space<hbm>> -> memref<1x40x128xi32, #tpu.memory_space<hbm>>
      %dma_start3A_73 = tpu.memref_squeeze %dma_start3A_72 : memref<1x40x128xi32, #tpu.memory_space<hbm>> -> memref<40x128xi32, #tpu.memory_space<hbm>>
      %dma_start3A_74 = arith.constant 40 : i32
      %dma_start3A_75 = arith.constant 0 : i32
      %dma_start3A_76 = tpu.memref_slice %arg4[%add3A, %dma_start3A_74, %dma_start3A_75] : memref<32x80x128xi32, #tpu.memory_space<hbm>> -> memref<1x40x128xi32, #tpu.memory_space<hbm>>
      %dma_start3A_77 = tpu.memref_squeeze %dma_start3A_76 : memref<1x40x128xi32, #tpu.memory_space<hbm>> -> memref<40x128xi32, #tpu.memory_space<hbm>>
      tpu.enqueue_dma source(%dma_start3A_77 : memref<40x128xi32, #tpu.memory_space<hbm>>) target(%arg9 : memref<40x128xi32, #tpu.memory_space<vmem>>) target_semaphore(%run_scoped3A : memref<!tpu.dma_semaphore, #tpu.memory_space<semaphore_mem>>)
      %dma_wait3A_78 = arith.constant 40 : i32
      %dma_wait3A_79 = arith.constant 0 : i32
      %dma_wait3A_80 = tpu.memref_slice %arg4[%add3A, %dma_wait3A_78, %dma_wait3A_79] : memref<32x80x128xi32, #tpu.memory_space<hbm>> -> memref<1x40x128xi32, #tpu.memory_space<hbm>>
      %dma_wait3A_81 = tpu.memref_squeeze %dma_wait3A_80 : memref<1x40x128xi32, #tpu.memory_space<hbm>> -> memref<40x128xi32, #tpu.memory_space<hbm>>
      %dma_wait3A_82 = arith.constant 40 : i32
      %dma_wait3A_83 = arith.constant 0 : i32
      %dma_wait3A_84 = tpu.memref_slice %arg4[%add3A, %dma_wait3A_82, %dma_wait3A_83] : memref<32x80x128xi32, #tpu.memory_space<hbm>> -> memref<1x40x128xi32, #tpu.memory_space<hbm>>
      %dma_wait3A_85 = tpu.memref_squeeze %dma_wait3A_84 : memref<1x40x128xi32, #tpu.memory_space<hbm>> -> memref<40x128xi32, #tpu.memory_space<hbm>>
      tpu.wait_dma2 semaphore(%run_scoped3A : memref<!tpu.dma_semaphore, #tpu.memory_space<semaphore_mem>>) src(%dma_wait3A_85 : memref<40x128xi32, #tpu.memory_space<hbm>>) dst(%arg9 : memref<40x128xi32, #tpu.memory_space<vmem>>)
      tpu.yield
    }) : () -> ()
    %dma_start3A_33 = arith.constant 0 : i32
    %dma_start3A_34 = arith.constant 0 : i32
    %dma_start3A_35 = arith.constant 0 : i32
    %dma_start3A_36 = arith.constant 0 : i32
    %dma_start3A_37 = tpu.memref_slice %arg10[%dma_start3A_34, %dma_start3A_35, %dma_start3A_36] : memref<2x128x128xf32, #tpu.memory_space<vmem>> -> memref<1x128x128xf32, #tpu.memory_space<vmem>>
    %dma_start3A_38 = tpu.memref_squeeze %dma_start3A_37 : memref<1x128x128xf32, #tpu.memory_space<vmem>> -> memref<128x128xf32, #tpu.memory_space<vmem>>
    %dma_start3A_39 = arith.constant 0 : i32
    %dma_start3A_40 = tpu.memref_slice %arg8[%dma_start3A_33, %dma_start3A_39] : memref<40x128xi32, #tpu.memory_space<vmem>> -> memref<1x128xi32, #tpu.memory_space<vmem>>
    %dma_start3A_41 = tpu.memref_squeeze %dma_start3A_40 : memref<1x128xi32, #tpu.memory_space<vmem>> -> memref<128xi32, #tpu.memory_space<vmem>>
    %dma_start3A_42 = arith.constant 0 : i32
    %dma_start3A_43 = arith.constant 0 : i32
    %dma_start3A_44 = tpu.memref_slice %arg2[%dma_start3A_42, %dma_start3A_43] : memref<10240x128xf32, #tpu.memory_space<hbm>> -> memref<10240x128xf32, #tpu.memory_space<hbm>>
    tpu.enqueue_indirect_dma source(%dma_start3A_44 : memref<10240x128xf32, #tpu.memory_space<hbm>>) target(%dma_start3A_38 : memref<128x128xf32, #tpu.memory_space<vmem>>) offsets(%dma_start3A_41 : memref<128xi32, #tpu.memory_space<vmem>>) semaphore(%arg11 : memref<!tpu.dma_semaphore, #tpu.memory_space<semaphore_mem>>)
    %scan3A_45 = arith.constant 0 : i32
    %scan3A_46 = arith.constant 0 : i32
    %scan3A_47 = arith.constant 40 : i32
    %scan3A_48 = arith.addi %scan3A_46, %scan3A_47 : i32
    %scan3A_49 = arith.constant 1 : i32
    scf.for %scan3A_70 = %scan3A_46 to %scan3A_48 step %scan3A_49  : i32 {
      %rem3A_71 = arith.constant 2 : i32
      %rem3A_72 = arith.remsi %scan3A_70, %rem3A_71 : i32
      %dma_wait3A_73 = arith.constant 0 : i32
      %dma_wait3A_74 = arith.constant 0 : i32
      %dma_wait3A_75 = arith.constant 0 : i32
      %dma_wait3A_76 = tpu.memref_slice %arg10[%rem3A_72, %dma_wait3A_74, %dma_wait3A_75] : memref<2x128x128xf32, #tpu.memory_space<vmem>> -> memref<1x128x128xf32, #tpu.memory_space<vmem>>
      %dma_wait3A_77 = tpu.memref_squeeze %dma_wait3A_76 : memref<1x128x128xf32, #tpu.memory_space<vmem>> -> memref<128x128xf32, #tpu.memory_space<vmem>>
      %dma_wait3A_78 = arith.constant 0 : i32
      %dma_wait3A_79 = tpu.memref_slice %arg8[%dma_wait3A_73, %dma_wait3A_78] : memref<40x128xi32, #tpu.memory_space<vmem>> -> memref<1x128xi32, #tpu.memory_space<vmem>>
      %dma_wait3A_80 = tpu.memref_squeeze %dma_wait3A_79 : memref<1x128xi32, #tpu.memory_space<vmem>> -> memref<128xi32, #tpu.memory_space<vmem>>
      %dma_wait3A_81 = arith.constant 0 : i32
      %dma_wait3A_82 = arith.constant 0 : i32
      %dma_wait3A_83 = tpu.memref_slice %arg2[%dma_wait3A_81, %dma_wait3A_82] : memref<10240x128xf32, #tpu.memory_space<hbm>> -> memref<10240x128xf32, #tpu.memory_space<hbm>>
      tpu.wait_indirect_dma semaphore(%arg11 : memref<!tpu.dma_semaphore, #tpu.memory_space<semaphore_mem>>) src(%dma_wait3A_83 : memref<10240x128xf32, #tpu.memory_space<hbm>>) dst(%dma_wait3A_77 : memref<128x128xf32, #tpu.memory_space<vmem>>)
      %ge3A = arith.constant 1 : i32
      %ge3A_84 = arith.cmpi sge, %scan3A_70, %ge3A : i32
      %convert_element_type3A = arith.extui %ge3A_84 : i1 to i32
      %cond3A = arith.constant 0 : i32
      %cond3A_85 = arith.cmpi ne, %convert_element_type3A, %cond3A : i32
      scf.if %cond3A_85 {
        %sub3A = arith.constant 1 : i32
        %sub3A_102 = arith.subi %sub3A, %rem3A_72 : i32
        %sub3A_103 = arith.constant 1 : i32
        %sub3A_104 = arith.subi %scan3A_70, %sub3A_103 : i32
        %dma_wait3A_105 = arith.constant 0 : i32
        %dma_wait3A_106 = arith.constant 0 : i32
        %dma_wait3A_107 = tpu.memref_slice %arg10[%sub3A_102, %dma_wait3A_105, %dma_wait3A_106] : memref<2x128x128xf32, #tpu.memory_space<vmem>> -> memref<1x128x128xf32, #tpu.memory_space<vmem>>
        %dma_wait3A_108 = tpu.memref_squeeze %dma_wait3A_107 : memref<1x128x128xf32, #tpu.memory_space<vmem>> -> memref<128x128xf32, #tpu.memory_space<vmem>>
        %dma_wait3A_109 = arith.constant 0 : i32
        %dma_wait3A_110 = tpu.memref_slice %arg9[%sub3A_104, %dma_wait3A_109] : memref<40x128xi32, #tpu.memory_space<vmem>> -> memref<1x128xi32, #tpu.memory_space<vmem>>
        %dma_wait3A_111 = tpu.memref_squeeze %dma_wait3A_110 : memref<1x128xi32, #tpu.memory_space<vmem>> -> memref<128xi32, #tpu.memory_space<vmem>>
        %dma_wait3A_112 = arith.constant 0 : i32
        %dma_wait3A_113 = arith.constant 0 : i32
        %dma_wait3A_114 = tpu.memref_slice %arg7[%dma_wait3A_112, %dma_wait3A_113] : memref<10240x128xf32, #tpu.memory_space<vmem_shared>> -> memref<10240x128xf32, #tpu.memory_space<vmem_shared>>
        tpu.wait_indirect_dma semaphore(%arg12 : memref<!tpu.dma_semaphore, #tpu.memory_space<semaphore_mem>>) src(%dma_wait3A_108 : memref<128x128xf32, #tpu.memory_space<vmem>>) dst(%dma_wait3A_114 : memref<10240x128xf32, #tpu.memory_space<vmem_shared>>)
      } else {
      }
      %add3A_86 = arith.constant 1 : i32
      %add3A_87 = arith.addi %scan3A_70, %add3A_86 : i32
      %lt3A = arith.constant 40 : i32
      %lt3A_88 = arith.cmpi slt, %add3A_87, %lt3A : i32
      %convert_element_type3A_89 = arith.extui %lt3A_88 : i1 to i32
      %cond3A_90 = arith.constant 0 : i32
      %cond3A_91 = arith.cmpi ne, %convert_element_type3A_89, %cond3A_90 : i32
      scf.if %cond3A_91 {
        %add3A_102 = arith.constant 1 : i32
        %add3A_103 = arith.addi %scan3A_70, %add3A_102 : i32
        %sub3A = arith.constant 1 : i32
        %sub3A_104 = arith.subi %sub3A, %rem3A_72 : i32
        %dma_start3A_105 = arith.constant 0 : i32
        %dma_start3A_106 = arith.constant 0 : i32
        %dma_start3A_107 = tpu.memref_slice %arg10[%sub3A_104, %dma_start3A_105, %dma_start3A_106] : memref<2x128x128xf32, #tpu.memory_space<vmem>> -> memref<1x128x128xf32, #tpu.memory_space<vmem>>
        %dma_start3A_108 = tpu.memref_squeeze %dma_start3A_107 : memref<1x128x128xf32, #tpu.memory_space<vmem>> -> memref<128x128xf32, #tpu.memory_space<vmem>>
        %dma_start3A_109 = arith.constant 0 : i32
        %dma_start3A_110 = tpu.memref_slice %arg8[%add3A_103, %dma_start3A_109] : memref<40x128xi32, #tpu.memory_space<vmem>> -> memref<1x128xi32, #tpu.memory_space<vmem>>
        %dma_start3A_111 = tpu.memref_squeeze %dma_start3A_110 : memref<1x128xi32, #tpu.memory_space<vmem>> -> memref<128xi32, #tpu.memory_space<vmem>>
        %dma_start3A_112 = arith.constant 0 : i32
        %dma_start3A_113 = arith.constant 0 : i32
        %dma_start3A_114 = tpu.memref_slice %arg2[%dma_start3A_112, %dma_start3A_113] : memref<10240x128xf32, #tpu.memory_space<hbm>> -> memref<10240x128xf32, #tpu.memory_space<hbm>>
        tpu.enqueue_indirect_dma source(%dma_start3A_114 : memref<10240x128xf32, #tpu.memory_space<hbm>>) target(%dma_start3A_108 : memref<128x128xf32, #tpu.memory_space<vmem>>) offsets(%dma_start3A_111 : memref<128xi32, #tpu.memory_space<vmem>>) semaphore(%arg11 : memref<!tpu.dma_semaphore, #tpu.memory_space<semaphore_mem>>)
      } else {
      }
      %dma_start3A_92 = arith.constant 0 : i32
      %dma_start3A_93 = arith.constant 0 : i32
      %dma_start3A_94 = tpu.memref_slice %arg10[%rem3A_72, %dma_start3A_92, %dma_start3A_93] : memref<2x128x128xf32, #tpu.memory_space<vmem>> -> memref<1x128x128xf32, #tpu.memory_space<vmem>>
      %dma_start3A_95 = tpu.memref_squeeze %dma_start3A_94 : memref<1x128x128xf32, #tpu.memory_space<vmem>> -> memref<128x128xf32, #tpu.memory_space<vmem>>
      %dma_start3A_96 = arith.constant 0 : i32
      %dma_start3A_97 = tpu.memref_slice %arg9[%scan3A_70, %dma_start3A_96] : memref<40x128xi32, #tpu.memory_space<vmem>> -> memref<1x128xi32, #tpu.memory_space<vmem>>
      %dma_start3A_98 = tpu.memref_squeeze %dma_start3A_97 : memref<1x128xi32, #tpu.memory_space<vmem>> -> memref<128xi32, #tpu.memory_space<vmem>>
      %dma_start3A_99 = arith.constant 0 : i32
      %dma_start3A_100 = arith.constant 0 : i32
      %dma_start3A_101 = tpu.memref_slice %arg7[%dma_start3A_99, %dma_start3A_100] : memref<10240x128xf32, #tpu.memory_space<vmem_shared>> -> memref<10240x128xf32, #tpu.memory_space<vmem_shared>>
      tpu.enqueue_indirect_dma source(%dma_start3A_95 : memref<128x128xf32, #tpu.memory_space<vmem>>) target(%dma_start3A_101 : memref<10240x128xf32, #tpu.memory_space<vmem_shared>>) offsets(%dma_start3A_98 : memref<128xi32, #tpu.memory_space<vmem>>) semaphore(%arg12 : memref<!tpu.dma_semaphore, #tpu.memory_space<semaphore_mem>>) {add = true}
    }
    %scan3A_50 = arith.constant 40 : i32
    %rem3A_51 = arith.constant 39 : i32
    %rem3A_52 = arith.constant 2 : i32
    %rem3A_53 = arith.remsi %rem3A_51, %rem3A_52 : i32
    %dma_wait3A_54 = arith.constant 39 : i32
    %dma_wait3A_55 = arith.constant 0 : i32
    %dma_wait3A_56 = arith.constant 0 : i32
    %dma_wait3A_57 = tpu.memref_slice %arg10[%rem3A_53, %dma_wait3A_55, %dma_wait3A_56] : memref<2x128x128xf32, #tpu.memory_space<vmem>> -> memref<1x128x128xf32, #tpu.memory_space<vmem>>
    %dma_wait3A_58 = tpu.memref_squeeze %dma_wait3A_57 : memref<1x128x128xf32, #tpu.memory_space<vmem>> -> memref<128x128xf32, #tpu.memory_space<vmem>>
    %dma_wait3A_59 = arith.constant 0 : i32
    %dma_wait3A_60 = tpu.memref_slice %arg9[%dma_wait3A_54, %dma_wait3A_59] : memref<40x128xi32, #tpu.memory_space<vmem>> -> memref<1x128xi32, #tpu.memory_space<vmem>>
    %dma_wait3A_61 = tpu.memref_squeeze %dma_wait3A_60 : memref<1x128xi32, #tpu.memory_space<vmem>> -> memref<128xi32, #tpu.memory_space<vmem>>
    %dma_wait3A_62 = arith.constant 0 : i32
    %dma_wait3A_63 = arith.constant 0 : i32
    %dma_wait3A_64 = tpu.memref_slice %arg7[%dma_wait3A_62, %dma_wait3A_63] : memref<10240x128xf32, #tpu.memory_space<vmem_shared>> -> memref<10240x128xf32, #tpu.memory_space<vmem_shared>>
    tpu.wait_indirect_dma semaphore(%arg12 : memref<!tpu.dma_semaphore, #tpu.memory_space<semaphore_mem>>) src(%dma_wait3A_58 : memref<128x128xf32, #tpu.memory_space<vmem>>) dst(%dma_wait3A_64 : memref<10240x128xf32, #tpu.memory_space<vmem_shared>>)
    %barrier3A_65 = arith.constant 0 : index
    tpu.barrier barrier_id(%barrier3A_65)
    %mul3A_66 = arith.constant 640 : i32
    %mul3A_67 = arith.muli %arg1, %mul3A_66 : i32
    %mul3A_68 = arith.constant 640 : i32
    %mul3A_69 = arith.muli %arg1, %mul3A_68 : i32
    "tpu.region"() ({
      %run_scoped3A = tpu.sem_alloc : memref<!tpu.dma_semaphore, #tpu.memory_space<semaphore_mem>>
      %dma_start3A_70 = arith.constant 0 : i32
      %dma_start3A_71 = tpu.memref_slice %arg6[%arg0, %mul3A_69, %dma_start3A_70] : memref<2x10240x128xf32, #tpu.memory_space<hbm>> -> memref<1x640x128xf32, #tpu.memory_space<hbm>>
      %dma_start3A_72 = tpu.memref_squeeze %dma_start3A_71 : memref<1x640x128xf32, #tpu.memory_space<hbm>> -> memref<640x128xf32, #tpu.memory_space<hbm>>
      %dma_start3A_73 = arith.constant 0 : i32
      %dma_start3A_74 = tpu.memref_slice %arg7[%mul3A_67, %dma_start3A_73] : memref<10240x128xf32, #tpu.memory_space<vmem_shared>> -> memref<640x128xf32, #tpu.memory_space<vmem_shared>>
      tpu.enqueue_dma source(%dma_start3A_74 : memref<640x128xf32, #tpu.memory_space<vmem_shared>>) target(%dma_start3A_72 : memref<640x128xf32, #tpu.memory_space<hbm>>) target_semaphore(%run_scoped3A : memref<!tpu.dma_semaphore, #tpu.memory_space<semaphore_mem>>)
      %dma_wait3A_75 = arith.constant 0 : i32
      %dma_wait3A_76 = tpu.memref_slice %arg6[%arg0, %mul3A_69, %dma_wait3A_75] : memref<2x10240x128xf32, #tpu.memory_space<hbm>> -> memref<1x640x128xf32, #tpu.memory_space<hbm>>
      %dma_wait3A_77 = tpu.memref_squeeze %dma_wait3A_76 : memref<1x640x128xf32, #tpu.memory_space<hbm>> -> memref<640x128xf32, #tpu.memory_space<hbm>>
      %dma_wait3A_78 = arith.constant 0 : i32
      %dma_wait3A_79 = tpu.memref_slice %arg7[%mul3A_67, %dma_wait3A_78] : memref<10240x128xf32, #tpu.memory_space<vmem_shared>> -> memref<640x128xf32, #tpu.memory_space<vmem_shared>>
      tpu.wait_dma2 semaphore(%run_scoped3A : memref<!tpu.dma_semaphore, #tpu.memory_space<semaphore_mem>>) src(%dma_wait3A_79 : memref<640x128xf32, #tpu.memory_space<vmem_shared>>) dst(%dma_wait3A_77 : memref<640x128xf32, #tpu.memory_space<hbm>>)
      tpu.yield
    }) : () -> ()
    return
  }
}

#map = affine_map<(d0, d1) -> (0, 0)>
#map1 = affine_map<(d0, d1) -> (0, 0, 0)>
module attributes {stable_mosaic.version = 14 : i64} {
  func.func @_final(%arg0: i32, %arg1: i32, %arg2: memref<10240x128xf32, #tpu.memory_space<hbm>>, %arg3: memref<10240x128xf32, #tpu.memory_space<hbm>>, %arg4: memref<32x25x128xi32, #tpu.memory_space<hbm>>, %arg5: memref<32x25x128xi32, #tpu.memory_space<hbm>>, %arg6: memref<100000x128xf32, #tpu.memory_space<hbm>>, %arg7: memref<25x128xi32, #tpu.memory_space<vmem>>, %arg8: memref<25x128xi32, #tpu.memory_space<vmem>>, %arg9: memref<2x128x128xf32, #tpu.memory_space<vmem>>, %arg10: memref<2x128x128xf32, #tpu.memory_space<vmem>>, %arg11: memref<!tpu.dma_semaphore, #tpu.memory_space<semaphore_mem>>, %arg12: memref<!tpu.dma_semaphore, #tpu.memory_space<semaphore_mem>>) attributes {dimension_semantics = [#tpu.dimension_semantics<core_parallel>, #tpu.dimension_semantics<subcore_parallel>], iteration_bounds = array<i64: 2, 16>, scalar_prefetch = 0 : i64, scratch_operands = 6 : i64, tpu.core_type = #tpu.core_type<sc_vector_subcore>, window_params = [{transform_indices = #map}, {transform_indices = #map}, {transform_indices = #map1}, {transform_indices = #map1}, {transform_indices = #map}]} {
    %mul3A = arith.constant 2 : i32
    %mul3A_0 = arith.muli %arg1, %mul3A : i32
    %add3A = arith.addi %mul3A_0, %arg0 : i32
    %mul3A_1 = arith.constant 25 : i32
    %mul3A_2 = arith.muli %add3A, %mul3A_1 : i32
    "tpu.region"() ({
      %run_scoped3A = tpu.sem_alloc : memref<!tpu.dma_semaphore, #tpu.memory_space<semaphore_mem>>
      %dma_start3A_75 = arith.constant 0 : i32
      %dma_start3A_76 = arith.constant 0 : i32
      %dma_start3A_77 = tpu.memref_slice %arg4[%add3A, %dma_start3A_75, %dma_start3A_76] : memref<32x25x128xi32, #tpu.memory_space<hbm>> -> memref<1x25x128xi32, #tpu.memory_space<hbm>>
      %dma_start3A_78 = tpu.memref_squeeze %dma_start3A_77 : memref<1x25x128xi32, #tpu.memory_space<hbm>> -> memref<25x128xi32, #tpu.memory_space<hbm>>
      %dma_start3A_79 = arith.constant 0 : i32
      %dma_start3A_80 = arith.constant 0 : i32
      %dma_start3A_81 = tpu.memref_slice %arg4[%add3A, %dma_start3A_79, %dma_start3A_80] : memref<32x25x128xi32, #tpu.memory_space<hbm>> -> memref<1x25x128xi32, #tpu.memory_space<hbm>>
      %dma_start3A_82 = tpu.memref_squeeze %dma_start3A_81 : memref<1x25x128xi32, #tpu.memory_space<hbm>> -> memref<25x128xi32, #tpu.memory_space<hbm>>
      tpu.enqueue_dma source(%dma_start3A_82 : memref<25x128xi32, #tpu.memory_space<hbm>>) target(%arg7 : memref<25x128xi32, #tpu.memory_space<vmem>>) target_semaphore(%run_scoped3A : memref<!tpu.dma_semaphore, #tpu.memory_space<semaphore_mem>>)
      %dma_wait3A_83 = arith.constant 0 : i32
      %dma_wait3A_84 = arith.constant 0 : i32
      %dma_wait3A_85 = tpu.memref_slice %arg4[%add3A, %dma_wait3A_83, %dma_wait3A_84] : memref<32x25x128xi32, #tpu.memory_space<hbm>> -> memref<1x25x128xi32, #tpu.memory_space<hbm>>
      %dma_wait3A_86 = tpu.memref_squeeze %dma_wait3A_85 : memref<1x25x128xi32, #tpu.memory_space<hbm>> -> memref<25x128xi32, #tpu.memory_space<hbm>>
      %dma_wait3A_87 = arith.constant 0 : i32
      %dma_wait3A_88 = arith.constant 0 : i32
      %dma_wait3A_89 = tpu.memref_slice %arg4[%add3A, %dma_wait3A_87, %dma_wait3A_88] : memref<32x25x128xi32, #tpu.memory_space<hbm>> -> memref<1x25x128xi32, #tpu.memory_space<hbm>>
      %dma_wait3A_90 = tpu.memref_squeeze %dma_wait3A_89 : memref<1x25x128xi32, #tpu.memory_space<hbm>> -> memref<25x128xi32, #tpu.memory_space<hbm>>
      tpu.wait_dma2 semaphore(%run_scoped3A : memref<!tpu.dma_semaphore, #tpu.memory_space<semaphore_mem>>) src(%dma_wait3A_90 : memref<25x128xi32, #tpu.memory_space<hbm>>) dst(%arg7 : memref<25x128xi32, #tpu.memory_space<vmem>>)
      tpu.yield
    }) : () -> ()
    "tpu.region"() ({
      %run_scoped3A = tpu.sem_alloc : memref<!tpu.dma_semaphore, #tpu.memory_space<semaphore_mem>>
      %dma_start3A_75 = arith.constant 0 : i32
      %dma_start3A_76 = arith.constant 0 : i32
      %dma_start3A_77 = tpu.memref_slice %arg5[%add3A, %dma_start3A_75, %dma_start3A_76] : memref<32x25x128xi32, #tpu.memory_space<hbm>> -> memref<1x25x128xi32, #tpu.memory_space<hbm>>
      %dma_start3A_78 = tpu.memref_squeeze %dma_start3A_77 : memref<1x25x128xi32, #tpu.memory_space<hbm>> -> memref<25x128xi32, #tpu.memory_space<hbm>>
      %dma_start3A_79 = arith.constant 0 : i32
      %dma_start3A_80 = arith.constant 0 : i32
      %dma_start3A_81 = tpu.memref_slice %arg5[%add3A, %dma_start3A_79, %dma_start3A_80] : memref<32x25x128xi32, #tpu.memory_space<hbm>> -> memref<1x25x128xi32, #tpu.memory_space<hbm>>
      %dma_start3A_82 = tpu.memref_squeeze %dma_start3A_81 : memref<1x25x128xi32, #tpu.memory_space<hbm>> -> memref<25x128xi32, #tpu.memory_space<hbm>>
      tpu.enqueue_dma source(%dma_start3A_82 : memref<25x128xi32, #tpu.memory_space<hbm>>) target(%arg8 : memref<25x128xi32, #tpu.memory_space<vmem>>) target_semaphore(%run_scoped3A : memref<!tpu.dma_semaphore, #tpu.memory_space<semaphore_mem>>)
      %dma_wait3A_83 = arith.constant 0 : i32
      %dma_wait3A_84 = arith.constant 0 : i32
      %dma_wait3A_85 = tpu.memref_slice %arg5[%add3A, %dma_wait3A_83, %dma_wait3A_84] : memref<32x25x128xi32, #tpu.memory_space<hbm>> -> memref<1x25x128xi32, #tpu.memory_space<hbm>>
      %dma_wait3A_86 = tpu.memref_squeeze %dma_wait3A_85 : memref<1x25x128xi32, #tpu.memory_space<hbm>> -> memref<25x128xi32, #tpu.memory_space<hbm>>
      %dma_wait3A_87 = arith.constant 0 : i32
      %dma_wait3A_88 = arith.constant 0 : i32
      %dma_wait3A_89 = tpu.memref_slice %arg5[%add3A, %dma_wait3A_87, %dma_wait3A_88] : memref<32x25x128xi32, #tpu.memory_space<hbm>> -> memref<1x25x128xi32, #tpu.memory_space<hbm>>
      %dma_wait3A_90 = tpu.memref_squeeze %dma_wait3A_89 : memref<1x25x128xi32, #tpu.memory_space<hbm>> -> memref<25x128xi32, #tpu.memory_space<hbm>>
      tpu.wait_dma2 semaphore(%run_scoped3A : memref<!tpu.dma_semaphore, #tpu.memory_space<semaphore_mem>>) src(%dma_wait3A_90 : memref<25x128xi32, #tpu.memory_space<hbm>>) dst(%arg8 : memref<25x128xi32, #tpu.memory_space<vmem>>)
      tpu.yield
    }) : () -> ()
    %dma_start3A = arith.constant 0 : i32
    %dma_start3A_3 = arith.constant 0 : i32
    %dma_start3A_4 = arith.constant 0 : i32
    %dma_start3A_5 = arith.constant 0 : i32
    %dma_start3A_6 = tpu.memref_slice %arg9[%dma_start3A_3, %dma_start3A_4, %dma_start3A_5] : memref<2x128x128xf32, #tpu.memory_space<vmem>> -> memref<1x128x128xf32, #tpu.memory_space<vmem>>
    %dma_start3A_7 = tpu.memref_squeeze %dma_start3A_6 : memref<1x128x128xf32, #tpu.memory_space<vmem>> -> memref<128x128xf32, #tpu.memory_space<vmem>>
    %dma_start3A_8 = arith.constant 0 : i32
    %dma_start3A_9 = tpu.memref_slice %arg7[%dma_start3A, %dma_start3A_8] : memref<25x128xi32, #tpu.memory_space<vmem>> -> memref<1x128xi32, #tpu.memory_space<vmem>>
    %dma_start3A_10 = tpu.memref_squeeze %dma_start3A_9 : memref<1x128xi32, #tpu.memory_space<vmem>> -> memref<128xi32, #tpu.memory_space<vmem>>
    %dma_start3A_11 = arith.constant 0 : i32
    %dma_start3A_12 = arith.constant 0 : i32
    %dma_start3A_13 = tpu.memref_slice %arg2[%dma_start3A_11, %dma_start3A_12] : memref<10240x128xf32, #tpu.memory_space<hbm>> -> memref<10240x128xf32, #tpu.memory_space<hbm>>
    tpu.enqueue_indirect_dma source(%dma_start3A_13 : memref<10240x128xf32, #tpu.memory_space<hbm>>) target(%dma_start3A_7 : memref<128x128xf32, #tpu.memory_space<vmem>>) offsets(%dma_start3A_10 : memref<128xi32, #tpu.memory_space<vmem>>) semaphore(%arg11 : memref<!tpu.dma_semaphore, #tpu.memory_space<semaphore_mem>>)
    %dma_start3A_14 = arith.constant 0 : i32
    %dma_start3A_15 = arith.constant 0 : i32
    %dma_start3A_16 = arith.constant 0 : i32
    %dma_start3A_17 = arith.constant 0 : i32
    %dma_start3A_18 = tpu.memref_slice %arg10[%dma_start3A_15, %dma_start3A_16, %dma_start3A_17] : memref<2x128x128xf32, #tpu.memory_space<vmem>> -> memref<1x128x128xf32, #tpu.memory_space<vmem>>
    %dma_start3A_19 = tpu.memref_squeeze %dma_start3A_18 : memref<1x128x128xf32, #tpu.memory_space<vmem>> -> memref<128x128xf32, #tpu.memory_space<vmem>>
    %dma_start3A_20 = arith.constant 0 : i32
    %dma_start3A_21 = tpu.memref_slice %arg8[%dma_start3A_14, %dma_start3A_20] : memref<25x128xi32, #tpu.memory_space<vmem>> -> memref<1x128xi32, #tpu.memory_space<vmem>>
    %dma_start3A_22 = tpu.memref_squeeze %dma_start3A_21 : memref<1x128xi32, #tpu.memory_space<vmem>> -> memref<128xi32, #tpu.memory_space<vmem>>
    %dma_start3A_23 = arith.constant 0 : i32
    %dma_start3A_24 = arith.constant 0 : i32
    %dma_start3A_25 = tpu.memref_slice %arg3[%dma_start3A_23, %dma_start3A_24] : memref<10240x128xf32, #tpu.memory_space<hbm>> -> memref<10240x128xf32, #tpu.memory_space<hbm>>
    tpu.enqueue_indirect_dma source(%dma_start3A_25 : memref<10240x128xf32, #tpu.memory_space<hbm>>) target(%dma_start3A_19 : memref<128x128xf32, #tpu.memory_space<vmem>>) offsets(%dma_start3A_22 : memref<128xi32, #tpu.memory_space<vmem>>) semaphore(%arg11 : memref<!tpu.dma_semaphore, #tpu.memory_space<semaphore_mem>>)
    %scan3A = arith.constant 0 : i32
    %scan3A_26 = arith.constant 0 : i32
    %scan3A_27 = arith.constant 12 : i32
    %scan3A_28 = arith.addi %scan3A_26, %scan3A_27 : i32
    %scan3A_29 = arith.constant 1 : i32
    scf.for %scan3A_75 = %scan3A_26 to %scan3A_28 step %scan3A_29  : i32 {
      %mul3A_76 = arith.constant 2 : i32
      %mul3A_77 = arith.muli %scan3A_75, %mul3A_76 : i32
      %dma_wait3A_78 = arith.constant 0 : i32
      %dma_wait3A_79 = arith.constant 0 : i32
      %dma_wait3A_80 = arith.constant 0 : i32
      %dma_wait3A_81 = arith.constant 0 : i32
      %dma_wait3A_82 = tpu.memref_slice %arg9[%dma_wait3A_79, %dma_wait3A_80, %dma_wait3A_81] : memref<2x128x128xf32, #tpu.memory_space<vmem>> -> memref<1x128x128xf32, #tpu.memory_space<vmem>>
      %dma_wait3A_83 = tpu.memref_squeeze %dma_wait3A_82 : memref<1x128x128xf32, #tpu.memory_space<vmem>> -> memref<128x128xf32, #tpu.memory_space<vmem>>
      %dma_wait3A_84 = arith.constant 0 : i32
      %dma_wait3A_85 = tpu.memref_slice %arg7[%dma_wait3A_78, %dma_wait3A_84] : memref<25x128xi32, #tpu.memory_space<vmem>> -> memref<1x128xi32, #tpu.memory_space<vmem>>
      %dma_wait3A_86 = tpu.memref_squeeze %dma_wait3A_85 : memref<1x128xi32, #tpu.memory_space<vmem>> -> memref<128xi32, #tpu.memory_space<vmem>>
      %dma_wait3A_87 = arith.constant 0 : i32
      %dma_wait3A_88 = arith.constant 0 : i32
      %dma_wait3A_89 = tpu.memref_slice %arg2[%dma_wait3A_87, %dma_wait3A_88] : memref<10240x128xf32, #tpu.memory_space<hbm>> -> memref<10240x128xf32, #tpu.memory_space<hbm>>
      tpu.wait_indirect_dma semaphore(%arg11 : memref<!tpu.dma_semaphore, #tpu.memory_space<semaphore_mem>>) src(%dma_wait3A_89 : memref<10240x128xf32, #tpu.memory_space<hbm>>) dst(%dma_wait3A_83 : memref<128x128xf32, #tpu.memory_space<vmem>>)
      %dma_wait3A_90 = arith.constant 0 : i32
      %dma_wait3A_91 = arith.constant 0 : i32
      %dma_wait3A_92 = arith.constant 0 : i32
      %dma_wait3A_93 = arith.constant 0 : i32
      %dma_wait3A_94 = tpu.memref_slice %arg10[%dma_wait3A_91, %dma_wait3A_92, %dma_wait3A_93] : memref<2x128x128xf32, #tpu.memory_space<vmem>> -> memref<1x128x128xf32, #tpu.memory_space<vmem>>
      %dma_wait3A_95 = tpu.memref_squeeze %dma_wait3A_94 : memref<1x128x128xf32, #tpu.memory_space<vmem>> -> memref<128x128xf32, #tpu.memory_space<vmem>>
      %dma_wait3A_96 = arith.constant 0 : i32
      %dma_wait3A_97 = tpu.memref_slice %arg8[%dma_wait3A_90, %dma_wait3A_96] : memref<25x128xi32, #tpu.memory_space<vmem>> -> memref<1x128xi32, #tpu.memory_space<vmem>>
      %dma_wait3A_98 = tpu.memref_squeeze %dma_wait3A_97 : memref<1x128xi32, #tpu.memory_space<vmem>> -> memref<128xi32, #tpu.memory_space<vmem>>
      %dma_wait3A_99 = arith.constant 0 : i32
      %dma_wait3A_100 = arith.constant 0 : i32
      %dma_wait3A_101 = tpu.memref_slice %arg3[%dma_wait3A_99, %dma_wait3A_100] : memref<10240x128xf32, #tpu.memory_space<hbm>> -> memref<10240x128xf32, #tpu.memory_space<hbm>>
      tpu.wait_indirect_dma semaphore(%arg11 : memref<!tpu.dma_semaphore, #tpu.memory_space<semaphore_mem>>) src(%dma_wait3A_101 : memref<10240x128xf32, #tpu.memory_space<hbm>>) dst(%dma_wait3A_95 : memref<128x128xf32, #tpu.memory_space<vmem>>)
      %add3A_102 = arith.constant 1 : i32
      %add3A_103 = arith.addi %mul3A_77, %add3A_102 : i32
      %dma_start3A_104 = arith.constant 1 : i32
      %dma_start3A_105 = arith.constant 0 : i32
      %dma_start3A_106 = arith.constant 0 : i32
      %dma_start3A_107 = tpu.memref_slice %arg9[%dma_start3A_104, %dma_start3A_105, %dma_start3A_106] : memref<2x128x128xf32, #tpu.memory_space<vmem>> -> memref<1x128x128xf32, #tpu.memory_space<vmem>>
      %dma_start3A_108 = tpu.memref_squeeze %dma_start3A_107 : memref<1x128x128xf32, #tpu.memory_space<vmem>> -> memref<128x128xf32, #tpu.memory_space<vmem>>
      %dma_start3A_109 = arith.constant 0 : i32
      %dma_start3A_110 = tpu.memref_slice %arg7[%add3A_103, %dma_start3A_109] : memref<25x128xi32, #tpu.memory_space<vmem>> -> memref<1x128xi32, #tpu.memory_space<vmem>>
      %dma_start3A_111 = tpu.memref_squeeze %dma_start3A_110 : memref<1x128xi32, #tpu.memory_space<vmem>> -> memref<128xi32, #tpu.memory_space<vmem>>
      %dma_start3A_112 = arith.constant 0 : i32
      %dma_start3A_113 = arith.constant 0 : i32
      %dma_start3A_114 = tpu.memref_slice %arg2[%dma_start3A_112, %dma_start3A_113] : memref<10240x128xf32, #tpu.memory_space<hbm>> -> memref<10240x128xf32, #tpu.memory_space<hbm>>
      tpu.enqueue_indirect_dma source(%dma_start3A_114 : memref<10240x128xf32, #tpu.memory_space<hbm>>) target(%dma_start3A_108 : memref<128x128xf32, #tpu.memory_space<vmem>>) offsets(%dma_start3A_111 : memref<128xi32, #tpu.memory_space<vmem>>) semaphore(%arg11 : memref<!tpu.dma_semaphore, #tpu.memory_space<semaphore_mem>>)
      %dma_start3A_115 = arith.constant 1 : i32
      %dma_start3A_116 = arith.constant 0 : i32
      %dma_start3A_117 = arith.constant 0 : i32
      %dma_start3A_118 = tpu.memref_slice %arg10[%dma_start3A_115, %dma_start3A_116, %dma_start3A_117] : memref<2x128x128xf32, #tpu.memory_space<vmem>> -> memref<1x128x128xf32, #tpu.memory_space<vmem>>
      %dma_start3A_119 = tpu.memref_squeeze %dma_start3A_118 : memref<1x128x128xf32, #tpu.memory_space<vmem>> -> memref<128x128xf32, #tpu.memory_space<vmem>>
      %dma_start3A_120 = arith.constant 0 : i32
      %dma_start3A_121 = tpu.memref_slice %arg8[%add3A_103, %dma_start3A_120] : memref<25x128xi32, #tpu.memory_space<vmem>> -> memref<1x128xi32, #tpu.memory_space<vmem>>
      %dma_start3A_122 = tpu.memref_squeeze %dma_start3A_121 : memref<1x128xi32, #tpu.memory_space<vmem>> -> memref<128xi32, #tpu.memory_space<vmem>>
      %dma_start3A_123 = arith.constant 0 : i32
      %dma_start3A_124 = arith.constant 0 : i32
      %dma_start3A_125 = tpu.memref_slice %arg3[%dma_start3A_123, %dma_start3A_124] : memref<10240x128xf32, #tpu.memory_space<hbm>> -> memref<10240x128xf32, #tpu.memory_space<hbm>>
      tpu.enqueue_indirect_dma source(%dma_start3A_125 : memref<10240x128xf32, #tpu.memory_space<hbm>>) target(%dma_start3A_119 : memref<128x128xf32, #tpu.memory_space<vmem>>) offsets(%dma_start3A_122 : memref<128xi32, #tpu.memory_space<vmem>>) semaphore(%arg11 : memref<!tpu.dma_semaphore, #tpu.memory_space<semaphore_mem>>)
      %scan3A_126 = arith.constant 0 : i32
      %scan3A_127 = arith.constant 0 : i32
      %scan3A_128 = arith.constant 128 : i32
      %scan3A_129 = arith.addi %scan3A_127, %scan3A_128 : i32
      %scan3A_130 = arith.constant 1 : i32
      scf.for %scan3A_211 = %scan3A_127 to %scan3A_129 step %scan3A_130  : i32 {
        %get3A = arith.constant 0 : i32
        %get3A_212 = arith.index_cast %get3A : i32 to index
        %get3A_213 = arith.index_cast %scan3A_211 : i32 to index
        %get3A_214 = arith.constant 0 : index
        %get3A_215 = tpu.vector_load %arg9[%get3A_212, %get3A_213, %get3A_214] {strides = array<i32>} : memref<2x128x128xf32, #tpu.memory_space<vmem>>, vector<1x1x16xf32>,
        %get3A_216 = vector.shape_cast %get3A_215 : vector<1x1x16xf32> to vector<16xf32>
        %get3A_217 = arith.constant 0 : i32
        %get3A_218 = arith.index_cast %get3A_217 : i32 to index
        %get3A_219 = arith.index_cast %scan3A_211 : i32 to index
        %get3A_220 = arith.constant 0 : index
        %get3A_221 = tpu.vector_load %arg10[%get3A_218, %get3A_219, %get3A_220] {strides = array<i32>} : memref<2x128x128xf32, #tpu.memory_space<vmem>>, vector<1x1x16xf32>,
        %get3A_222 = vector.shape_cast %get3A_221 : vector<1x1x16xf32> to vector<16xf32>
        %add3A_223 = arith.addf %get3A_216, %get3A_222 : vector<16xf32>
        %swap3A = arith.constant 0 : i32
        %swap3A_224 = arith.index_cast %swap3A : i32 to index
        %swap3A_225 = arith.index_cast %scan3A_211 : i32 to index
        %swap3A_226 = arith.constant 0 : index
        %swap3A_227 = tpu.vector_load %arg9[%swap3A_224, %swap3A_225, %swap3A_226] {strides = array<i32>} : memref<2x128x128xf32, #tpu.memory_space<vmem>>, vector<1x1x16xf32>,
        %swap3A_228 = vector.shape_cast %swap3A_227 : vector<1x1x16xf32> to vector<16xf32>
        %swap3A_229 = vector.shape_cast %add3A_223 : vector<16xf32> to vector<1x1x16xf32>
        tpu.vector_store %arg9[%swap3A_224, %swap3A_225, %swap3A_226], %swap3A_229 {strides = array<i32>} : memref<2x128x128xf32, #tpu.memory_space<vmem>>, vector<1x1x16xf32>,
        %get3A_230 = arith.constant 0 : i32
        %get3A_231 = arith.index_cast %get3A_230 : i32 to index
        %get3A_232 = arith.index_cast %scan3A_211 : i32 to index
        %get3A_233 = arith.constant 16 : index
        %get3A_234 = tpu.vector_load %arg9[%get3A_231, %get3A_232, %get3A_233] {strides = array<i32>} : memref<2x128x128xf32, #tpu.memory_space<vmem>>, vector<1x1x16xf32>,
        %get3A_235 = vector.shape_cast %get3A_234 : vector<1x1x16xf32> to vector<16xf32>
        %get3A_236 = arith.constant 0 : i32
        %get3A_237 = arith.index_cast %get3A_236 : i32 to index
        %get3A_238 = arith.index_cast %scan3A_211 : i32 to index
        %get3A_239 = arith.constant 16 : index
        %get3A_240 = tpu.vector_load %arg10[%get3A_237, %get3A_238, %get3A_239] {strides = array<i32>} : memref<2x128x128xf32, #tpu.memory_space<vmem>>, vector<1x1x16xf32>,
        %get3A_241 = vector.shape_cast %get3A_240 : vector<1x1x16xf32> to vector<16xf32>
        %add3A_242 = arith.addf %get3A_235, %get3A_241 : vector<16xf32>
        %swap3A_243 = arith.constant 0 : i32
        %swap3A_244 = arith.index_cast %swap3A_243 : i32 to index
        %swap3A_245 = arith.index_cast %scan3A_211 : i32 to index
        %swap3A_246 = arith.constant 16 : index
        %swap3A_247 = tpu.vector_load %arg9[%swap3A_244, %swap3A_245, %swap3A_246] {strides = array<i32>} : memref<2x128x128xf32, #tpu.memory_space<vmem>>, vector<1x1x16xf32>,
        %swap3A_248 = vector.shape_cast %swap3A_247 : vector<1x1x16xf32> to vector<16xf32>
        %swap3A_249 = vector.shape_cast %add3A_242 : vector<16xf32> to vector<1x1x16xf32>
        tpu.vector_store %arg9[%swap3A_244, %swap3A_245, %swap3A_246], %swap3A_249 {strides = array<i32>} : memref<2x128x128xf32, #tpu.memory_space<vmem>>, vector<1x1x16xf32>,
        %get3A_250 = arith.constant 0 : i32
        %get3A_251 = arith.index_cast %get3A_250 : i32 to index
        %get3A_252 = arith.index_cast %scan3A_211 : i32 to index
        %get3A_253 = arith.constant 32 : index
        %get3A_254 = tpu.vector_load %arg9[%get3A_251, %get3A_252, %get3A_253] {strides = array<i32>} : memref<2x128x128xf32, #tpu.memory_space<vmem>>, vector<1x1x16xf32>,
        %get3A_255 = vector.shape_cast %get3A_254 : vector<1x1x16xf32> to vector<16xf32>
        %get3A_256 = arith.constant 0 : i32
        %get3A_257 = arith.index_cast %get3A_256 : i32 to index
        %get3A_258 = arith.index_cast %scan3A_211 : i32 to index
        %get3A_259 = arith.constant 32 : index
        %get3A_260 = tpu.vector_load %arg10[%get3A_257, %get3A_258, %get3A_259] {strides = array<i32>} : memref<2x128x128xf32, #tpu.memory_space<vmem>>, vector<1x1x16xf32>,
        %get3A_261 = vector.shape_cast %get3A_260 : vector<1x1x16xf32> to vector<16xf32>
        %add3A_262 = arith.addf %get3A_255, %get3A_261 : vector<16xf32>
        %swap3A_263 = arith.constant 0 : i32
        %swap3A_264 = arith.index_cast %swap3A_263 : i32 to index
        %swap3A_265 = arith.index_cast %scan3A_211 : i32 to index
        %swap3A_266 = arith.constant 32 : index
        %swap3A_267 = tpu.vector_load %arg9[%swap3A_264, %swap3A_265, %swap3A_266] {strides = array<i32>} : memref<2x128x128xf32, #tpu.memory_space<vmem>>, vector<1x1x16xf32>,
        %swap3A_268 = vector.shape_cast %swap3A_267 : vector<1x1x16xf32> to vector<16xf32>
        %swap3A_269 = vector.shape_cast %add3A_262 : vector<16xf32> to vector<1x1x16xf32>
        tpu.vector_store %arg9[%swap3A_264, %swap3A_265, %swap3A_266], %swap3A_269 {strides = array<i32>} : memref<2x128x128xf32, #tpu.memory_space<vmem>>, vector<1x1x16xf32>,
        %get3A_270 = arith.constant 0 : i32
        %get3A_271 = arith.index_cast %get3A_270 : i32 to index
        %get3A_272 = arith.index_cast %scan3A_211 : i32 to index
        %get3A_273 = arith.constant 48 : index
        %get3A_274 = tpu.vector_load %arg9[%get3A_271, %get3A_272, %get3A_273] {strides = array<i32>} : memref<2x128x128xf32, #tpu.memory_space<vmem>>, vector<1x1x16xf32>,
        %get3A_275 = vector.shape_cast %get3A_274 : vector<1x1x16xf32> to vector<16xf32>
        %get3A_276 = arith.constant 0 : i32
        %get3A_277 = arith.index_cast %get3A_276 : i32 to index
        %get3A_278 = arith.index_cast %scan3A_211 : i32 to index
        %get3A_279 = arith.constant 48 : index
        %get3A_280 = tpu.vector_load %arg10[%get3A_277, %get3A_278, %get3A_279] {strides = array<i32>} : memref<2x128x128xf32, #tpu.memory_space<vmem>>, vector<1x1x16xf32>,
        %get3A_281 = vector.shape_cast %get3A_280 : vector<1x1x16xf32> to vector<16xf32>
        %add3A_282 = arith.addf %get3A_275, %get3A_281 : vector<16xf32>
        %swap3A_283 = arith.constant 0 : i32
        %swap3A_284 = arith.index_cast %swap3A_283 : i32 to index
        %swap3A_285 = arith.index_cast %scan3A_211 : i32 to index
        %swap3A_286 = arith.constant 48 : index
        %swap3A_287 = tpu.vector_load %arg9[%swap3A_284, %swap3A_285, %swap3A_286] {strides = array<i32>} : memref<2x128x128xf32, #tpu.memory_space<vmem>>, vector<1x1x16xf32>,
        %swap3A_288 = vector.shape_cast %swap3A_287 : vector<1x1x16xf32> to vector<16xf32>
        %swap3A_289 = vector.shape_cast %add3A_282 : vector<16xf32> to vector<1x1x16xf32>
        tpu.vector_store %arg9[%swap3A_284, %swap3A_285, %swap3A_286], %swap3A_289 {strides = array<i32>} : memref<2x128x128xf32, #tpu.memory_space<vmem>>, vector<1x1x16xf32>,
        %get3A_290 = arith.constant 0 : i32
        %get3A_291 = arith.index_cast %get3A_290 : i32 to index
        %get3A_292 = arith.index_cast %scan3A_211 : i32 to index
        %get3A_293 = arith.constant 64 : index
        %get3A_294 = tpu.vector_load %arg9[%get3A_291, %get3A_292, %get3A_293] {strides = array<i32>} : memref<2x128x128xf32, #tpu.memory_space<vmem>>, vector<1x1x16xf32>,
        %get3A_295 = vector.shape_cast %get3A_294 : vector<1x1x16xf32> to vector<16xf32>
        %get3A_296 = arith.constant 0 : i32
        %get3A_297 = arith.index_cast %get3A_296 : i32 to index
        %get3A_298 = arith.index_cast %scan3A_211 : i32 to index
        %get3A_299 = arith.constant 64 : index
        %get3A_300 = tpu.vector_load %arg10[%get3A_297, %get3A_298, %get3A_299] {strides = array<i32>} : memref<2x128x128xf32, #tpu.memory_space<vmem>>, vector<1x1x16xf32>,
        %get3A_301 = vector.shape_cast %get3A_300 : vector<1x1x16xf32> to vector<16xf32>
        %add3A_302 = arith.addf %get3A_295, %get3A_301 : vector<16xf32>
        %swap3A_303 = arith.constant 0 : i32
        %swap3A_304 = arith.index_cast %swap3A_303 : i32 to index
        %swap3A_305 = arith.index_cast %scan3A_211 : i32 to index
        %swap3A_306 = arith.constant 64 : index
        %swap3A_307 = tpu.vector_load %arg9[%swap3A_304, %swap3A_305, %swap3A_306] {strides = array<i32>} : memref<2x128x128xf32, #tpu.memory_space<vmem>>, vector<1x1x16xf32>,
        %swap3A_308 = vector.shape_cast %swap3A_307 : vector<1x1x16xf32> to vector<16xf32>
        %swap3A_309 = vector.shape_cast %add3A_302 : vector<16xf32> to vector<1x1x16xf32>
        tpu.vector_store %arg9[%swap3A_304, %swap3A_305, %swap3A_306], %swap3A_309 {strides = array<i32>} : memref<2x128x128xf32, #tpu.memory_space<vmem>>, vector<1x1x16xf32>,
        %get3A_310 = arith.constant 0 : i32
        %get3A_311 = arith.index_cast %get3A_310 : i32 to index
        %get3A_312 = arith.index_cast %scan3A_211 : i32 to index
        %get3A_313 = arith.constant 80 : index
        %get3A_314 = tpu.vector_load %arg9[%get3A_311, %get3A_312, %get3A_313] {strides = array<i32>} : memref<2x128x128xf32, #tpu.memory_space<vmem>>, vector<1x1x16xf32>,
        %get3A_315 = vector.shape_cast %get3A_314 : vector<1x1x16xf32> to vector<16xf32>
        %get3A_316 = arith.constant 0 : i32
        %get3A_317 = arith.index_cast %get3A_316 : i32 to index
        %get3A_318 = arith.index_cast %scan3A_211 : i32 to index
        %get3A_319 = arith.constant 80 : index
        %get3A_320 = tpu.vector_load %arg10[%get3A_317, %get3A_318, %get3A_319] {strides = array<i32>} : memref<2x128x128xf32, #tpu.memory_space<vmem>>, vector<1x1x16xf32>,
        %get3A_321 = vector.shape_cast %get3A_320 : vector<1x1x16xf32> to vector<16xf32>
        %add3A_322 = arith.addf %get3A_315, %get3A_321 : vector<16xf32>
        %swap3A_323 = arith.constant 0 : i32
        %swap3A_324 = arith.index_cast %swap3A_323 : i32 to index
        %swap3A_325 = arith.index_cast %scan3A_211 : i32 to index
        %swap3A_326 = arith.constant 80 : index
        %swap3A_327 = tpu.vector_load %arg9[%swap3A_324, %swap3A_325, %swap3A_326] {strides = array<i32>} : memref<2x128x128xf32, #tpu.memory_space<vmem>>, vector<1x1x16xf32>,
        %swap3A_328 = vector.shape_cast %swap3A_327 : vector<1x1x16xf32> to vector<16xf32>
        %swap3A_329 = vector.shape_cast %add3A_322 : vector<16xf32> to vector<1x1x16xf32>
        tpu.vector_store %arg9[%swap3A_324, %swap3A_325, %swap3A_326], %swap3A_329 {strides = array<i32>} : memref<2x128x128xf32, #tpu.memory_space<vmem>>, vector<1x1x16xf32>,
        %get3A_330 = arith.constant 0 : i32
        %get3A_331 = arith.index_cast %get3A_330 : i32 to index
        %get3A_332 = arith.index_cast %scan3A_211 : i32 to index
        %get3A_333 = arith.constant 96 : index
        %get3A_334 = tpu.vector_load %arg9[%get3A_331, %get3A_332, %get3A_333] {strides = array<i32>} : memref<2x128x128xf32, #tpu.memory_space<vmem>>, vector<1x1x16xf32>,
        %get3A_335 = vector.shape_cast %get3A_334 : vector<1x1x16xf32> to vector<16xf32>
        %get3A_336 = arith.constant 0 : i32
        %get3A_337 = arith.index_cast %get3A_336 : i32 to index
        %get3A_338 = arith.index_cast %scan3A_211 : i32 to index
        %get3A_339 = arith.constant 96 : index
        %get3A_340 = tpu.vector_load %arg10[%get3A_337, %get3A_338, %get3A_339] {strides = array<i32>} : memref<2x128x128xf32, #tpu.memory_space<vmem>>, vector<1x1x16xf32>,
        %get3A_341 = vector.shape_cast %get3A_340 : vector<1x1x16xf32> to vector<16xf32>
        %add3A_342 = arith.addf %get3A_335, %get3A_341 : vector<16xf32>
        %swap3A_343 = arith.constant 0 : i32
        %swap3A_344 = arith.index_cast %swap3A_343 : i32 to index
        %swap3A_345 = arith.index_cast %scan3A_211 : i32 to index
        %swap3A_346 = arith.constant 96 : index
        %swap3A_347 = tpu.vector_load %arg9[%swap3A_344, %swap3A_345, %swap3A_346] {strides = array<i32>} : memref<2x128x128xf32, #tpu.memory_space<vmem>>, vector<1x1x16xf32>,
        %swap3A_348 = vector.shape_cast %swap3A_347 : vector<1x1x16xf32> to vector<16xf32>
        %swap3A_349 = vector.shape_cast %add3A_342 : vector<16xf32> to vector<1x1x16xf32>
        tpu.vector_store %arg9[%swap3A_344, %swap3A_345, %swap3A_346], %swap3A_349 {strides = array<i32>} : memref<2x128x128xf32, #tpu.memory_space<vmem>>, vector<1x1x16xf32>,
        %get3A_350 = arith.constant 0 : i32
        %get3A_351 = arith.index_cast %get3A_350 : i32 to index
        %get3A_352 = arith.index_cast %scan3A_211 : i32 to index
        %get3A_353 = arith.constant 112 : index
        %get3A_354 = tpu.vector_load %arg9[%get3A_351, %get3A_352, %get3A_353] {strides = array<i32>} : memref<2x128x128xf32, #tpu.memory_space<vmem>>, vector<1x1x16xf32>,
        %get3A_355 = vector.shape_cast %get3A_354 : vector<1x1x16xf32> to vector<16xf32>
        %get3A_356 = arith.constant 0 : i32
        %get3A_357 = arith.index_cast %get3A_356 : i32 to index
        %get3A_358 = arith.index_cast %scan3A_211 : i32 to index
        %get3A_359 = arith.constant 112 : index
        %get3A_360 = tpu.vector_load %arg10[%get3A_357, %get3A_358, %get3A_359] {strides = array<i32>} : memref<2x128x128xf32, #tpu.memory_space<vmem>>, vector<1x1x16xf32>,
        %get3A_361 = vector.shape_cast %get3A_360 : vector<1x1x16xf32> to vector<16xf32>
        %add3A_362 = arith.addf %get3A_355, %get3A_361 : vector<16xf32>
        %swap3A_363 = arith.constant 0 : i32
        %swap3A_364 = arith.index_cast %swap3A_363 : i32 to index
        %swap3A_365 = arith.index_cast %scan3A_211 : i32 to index
        %swap3A_366 = arith.constant 112 : index
        %swap3A_367 = tpu.vector_load %arg9[%swap3A_364, %swap3A_365, %swap3A_366] {strides = array<i32>} : memref<2x128x128xf32, #tpu.memory_space<vmem>>, vector<1x1x16xf32>,
        %swap3A_368 = vector.shape_cast %swap3A_367 : vector<1x1x16xf32> to vector<16xf32>
        %swap3A_369 = vector.shape_cast %add3A_362 : vector<16xf32> to vector<1x1x16xf32>
        tpu.vector_store %arg9[%swap3A_364, %swap3A_365, %swap3A_366], %swap3A_369 {strides = array<i32>} : memref<2x128x128xf32, #tpu.memory_space<vmem>>, vector<1x1x16xf32>,
      }
      %scan3A_131 = arith.constant 128 : i32
      %add3A_132 = arith.addi %mul3A_2, %mul3A_77 : i32
      %mul3A_133 = arith.constant 128 : i32
      %mul3A_134 = arith.muli %add3A_132, %mul3A_133 : i32
      %add3A_135 = arith.constant 128 : i32
      %add3A_136 = arith.addi %mul3A_134, %add3A_135 : i32
      %le3A_137 = arith.constant 100000 : i32
      %le3A_138 = arith.cmpi sle, %add3A_136, %le3A_137 : i32
      %convert_element_type3A_139 = arith.extui %le3A_138 : i1 to i32
      %cond3A_140 = arith.constant 0 : i32
      %cond3A_141 = arith.cmpi ne, %convert_element_type3A_139, %cond3A_140 : i32
      scf.if %cond3A_141 {
        %run_scoped3A = arith.constant 0 : i32
        "tpu.region"() ({
          %run_scoped3A_211 = tpu.sem_alloc : memref<!tpu.dma_semaphore, #tpu.memory_space<semaphore_mem>>
          %dma_start3A_212 = arith.constant 0 : i32
          %dma_start3A_213 = arith.constant 0 : i32
          %dma_start3A_214 = tpu.memref_slice %arg9[%run_scoped3A, %dma_start3A_212, %dma_start3A_213] : memref<2x128x128xf32, #tpu.memory_space<vmem>> -> memref<1x128x128xf32, #tpu.memory_space<vmem>>
          %dma_start3A_215 = tpu.memref_squeeze %dma_start3A_214 : memref<1x128x128xf32, #tpu.memory_space<vmem>> -> memref<128x128xf32, #tpu.memory_space<vmem>>
          %dma_start3A_216 = arith.constant 0 : i32
          %dma_start3A_217 = tpu.memref_slice %arg6[%mul3A_134, %dma_start3A_216] : memref<100000x128xf32, #tpu.memory_space<hbm>> -> memref<128x128xf32, #tpu.memory_space<hbm>>
          %dma_start3A_218 = arith.constant 0 : i32
          %dma_start3A_219 = tpu.memref_slice %arg6[%mul3A_134, %dma_start3A_218] : memref<100000x128xf32, #tpu.memory_space<hbm>> -> memref<128x128xf32, #tpu.memory_space<hbm>>
          %dma_start3A_220 = arith.constant 0 : i32
          %dma_start3A_221 = arith.constant 0 : i32
          %dma_start3A_222 = tpu.memref_slice %arg9[%run_scoped3A, %dma_start3A_220, %dma_start3A_221] : memref<2x128x128xf32, #tpu.memory_space<vmem>> -> memref<1x128x128xf32, #tpu.memory_space<vmem>>
          %dma_start3A_223 = tpu.memref_squeeze %dma_start3A_222 : memref<1x128x128xf32, #tpu.memory_space<vmem>> -> memref<128x128xf32, #tpu.memory_space<vmem>>
          tpu.enqueue_dma source(%dma_start3A_223 : memref<128x128xf32, #tpu.memory_space<vmem>>) target(%dma_start3A_219 : memref<128x128xf32, #tpu.memory_space<hbm>>) target_semaphore(%run_scoped3A_211 : memref<!tpu.dma_semaphore, #tpu.memory_space<semaphore_mem>>)
          %dma_wait3A_224 = arith.constant 0 : i32
          %dma_wait3A_225 = arith.constant 0 : i32
          %dma_wait3A_226 = tpu.memref_slice %arg9[%run_scoped3A, %dma_wait3A_224, %dma_wait3A_225] : memref<2x128x128xf32, #tpu.memory_space<vmem>> -> memref<1x128x128xf32, #tpu.memory_space<vmem>>
          %dma_wait3A_227 = tpu.memref_squeeze %dma_wait3A_226 : memref<1x128x128xf32, #tpu.memory_space<vmem>> -> memref<128x128xf32, #tpu.memory_space<vmem>>
          %dma_wait3A_228 = arith.constant 0 : i32
          %dma_wait3A_229 = tpu.memref_slice %arg6[%mul3A_134, %dma_wait3A_228] : memref<100000x128xf32, #tpu.memory_space<hbm>> -> memref<128x128xf32, #tpu.memory_space<hbm>>
          %dma_wait3A_230 = arith.constant 0 : i32
          %dma_wait3A_231 = tpu.memref_slice %arg6[%mul3A_134, %dma_wait3A_230] : memref<100000x128xf32, #tpu.memory_space<hbm>> -> memref<128x128xf32, #tpu.memory_space<hbm>>
          %dma_wait3A_232 = arith.constant 0 : i32
          %dma_wait3A_233 = arith.constant 0 : i32
          %dma_wait3A_234 = tpu.memref_slice %arg9[%run_scoped3A, %dma_wait3A_232, %dma_wait3A_233] : memref<2x128x128xf32, #tpu.memory_space<vmem>> -> memref<1x128x128xf32, #tpu.memory_space<vmem>>
          %dma_wait3A_235 = tpu.memref_squeeze %dma_wait3A_234 : memref<1x128x128xf32, #tpu.memory_space<vmem>> -> memref<128x128xf32, #tpu.memory_space<vmem>>
          tpu.wait_dma2 semaphore(%run_scoped3A_211 : memref<!tpu.dma_semaphore, #tpu.memory_space<semaphore_mem>>) src(%dma_wait3A_235 : memref<128x128xf32, #tpu.memory_space<vmem>>) dst(%dma_wait3A_231 : memref<128x128xf32, #tpu.memory_space<hbm>>)
          tpu.yield
        }) : () -> ()
      } else {
      }
      %lt3A_142 = arith.constant 100000 : i32
      %lt3A_143 = arith.cmpi slt, %mul3A_134, %lt3A_142 : i32
      %add3A_144 = arith.constant 128 : i32
      %add3A_145 = arith.addi %mul3A_134, %add3A_144 : i32
      %gt3A_146 = arith.constant 100000 : i32
      %gt3A_147 = arith.cmpi sgt, %add3A_145, %gt3A_146 : i32
      %and3A_148 = arith.andi %lt3A_143, %gt3A_147 : i1
      %convert_element_type3A_149 = arith.extui %and3A_148 : i1 to i32
      %cond3A_150 = arith.constant 0 : i32
      %cond3A_151 = arith.cmpi ne, %convert_element_type3A_149, %cond3A_150 : i32
      scf.if %cond3A_151 {
        %run_scoped3A = arith.constant 0 : i32
        "tpu.region"() ({
          %run_scoped3A_211 = tpu.sem_alloc : memref<!tpu.dma_semaphore, #tpu.memory_space<semaphore_mem>>
          %dma_start3A_212 = arith.constant 0 : i32
          %dma_start3A_213 = arith.constant 0 : i32
          %dma_start3A_214 = tpu.memref_slice %arg9[%run_scoped3A, %dma_start3A_212, %dma_start3A_213] : memref<2x128x128xf32, #tpu.memory_space<vmem>> -> memref<1x128x128xf32, #tpu.memory_space<vmem>>
          %dma_start3A_215 = tpu.memref_squeeze %dma_start3A_214 : memref<1x128x128xf32, #tpu.memory_space<vmem>> -> memref<128x128xf32, #tpu.memory_space<vmem>>
          %dma_start3A_216 = arith.constant 0 : i32
          %dma_start3A_217 = arith.constant 0 : i32
          %dma_start3A_218 = tpu.memref_slice %dma_start3A_215[%dma_start3A_216, %dma_start3A_217] : memref<128x128xf32, #tpu.memory_space<vmem>> -> memref<32x128xf32, #tpu.memory_space<vmem>>
          %dma_start3A_219 = arith.constant 0 : i32
          %dma_start3A_220 = tpu.memref_slice %arg6[%mul3A_134, %dma_start3A_219] : memref<100000x128xf32, #tpu.memory_space<hbm>> -> memref<32x128xf32, #tpu.memory_space<hbm>>
          %dma_start3A_221 = arith.constant 0 : i32
          %dma_start3A_222 = tpu.memref_slice %arg6[%mul3A_134, %dma_start3A_221] : memref<100000x128xf32, #tpu.memory_space<hbm>> -> memref<32x128xf32, #tpu.memory_space<hbm>>
          %dma_start3A_223 = arith.constant 0 : i32
          %dma_start3A_224 = arith.constant 0 : i32
          %dma_start3A_225 = tpu.memref_slice %arg9[%run_scoped3A, %dma_start3A_223, %dma_start3A_224] : memref<2x128x128xf32, #tpu.memory_space<vmem>> -> memref<1x128x128xf32, #tpu.memory_space<vmem>>
          %dma_start3A_226 = tpu.memref_squeeze %dma_start3A_225 : memref<1x128x128xf32, #tpu.memory_space<vmem>> -> memref<128x128xf32, #tpu.memory_space<vmem>>
          %dma_start3A_227 = arith.constant 0 : i32
          %dma_start3A_228 = arith.constant 0 : i32
          %dma_start3A_229 = tpu.memref_slice %dma_start3A_226[%dma_start3A_227, %dma_start3A_228] : memref<128x128xf32, #tpu.memory_space<vmem>> -> memref<32x128xf32, #tpu.memory_space<vmem>>
          tpu.enqueue_dma source(%dma_start3A_229 : memref<32x128xf32, #tpu.memory_space<vmem>>) target(%dma_start3A_222 : memref<32x128xf32, #tpu.memory_space<hbm>>) target_semaphore(%run_scoped3A_211 : memref<!tpu.dma_semaphore, #tpu.memory_space<semaphore_mem>>)
          %dma_wait3A_230 = arith.constant 0 : i32
          %dma_wait3A_231 = arith.constant 0 : i32
          %dma_wait3A_232 = tpu.memref_slice %arg9[%run_scoped3A, %dma_wait3A_230, %dma_wait3A_231] : memref<2x128x128xf32, #tpu.memory_space<vmem>> -> memref<1x128x128xf32, #tpu.memory_space<vmem>>
          %dma_wait3A_233 = tpu.memref_squeeze %dma_wait3A_232 : memref<1x128x128xf32, #tpu.memory_space<vmem>> -> memref<128x128xf32, #tpu.memory_space<vmem>>
          %dma_wait3A_234 = arith.constant 0 : i32
          %dma_wait3A_235 = arith.constant 0 : i32
          %dma_wait3A_236 = tpu.memref_slice %dma_wait3A_233[%dma_wait3A_234, %dma_wait3A_235] : memref<128x128xf32, #tpu.memory_space<vmem>> -> memref<32x128xf32, #tpu.memory_space<vmem>>
          %dma_wait3A_237 = arith.constant 0 : i32
          %dma_wait3A_238 = tpu.memref_slice %arg6[%mul3A_134, %dma_wait3A_237] : memref<100000x128xf32, #tpu.memory_space<hbm>> -> memref<32x128xf32, #tpu.memory_space<hbm>>
          %dma_wait3A_239 = arith.constant 0 : i32
          %dma_wait3A_240 = tpu.memref_slice %arg6[%mul3A_134, %dma_wait3A_239] : memref<100000x128xf32, #tpu.memory_space<hbm>> -> memref<32x128xf32, #tpu.memory_space<hbm>>
          %dma_wait3A_241 = arith.constant 0 : i32
          %dma_wait3A_242 = arith.constant 0 : i32
          %dma_wait3A_243 = tpu.memref_slice %arg9[%run_scoped3A, %dma_wait3A_241, %dma_wait3A_242] : memref<2x128x128xf32, #tpu.memory_space<vmem>> -> memref<1x128x128xf32, #tpu.memory_space<vmem>>
          %dma_wait3A_244 = tpu.memref_squeeze %dma_wait3A_243 : memref<1x128x128xf32, #tpu.memory_space<vmem>> -> memref<128x128xf32, #tpu.memory_space<vmem>>
          %dma_wait3A_245 = arith.constant 0 : i32
          %dma_wait3A_246 = arith.constant 0 : i32
          %dma_wait3A_247 = tpu.memref_slice %dma_wait3A_244[%dma_wait3A_245, %dma_wait3A_246] : memref<128x128xf32, #tpu.memory_space<vmem>> -> memref<32x128xf32, #tpu.memory_space<vmem>>
          tpu.wait_dma2 semaphore(%run_scoped3A_211 : memref<!tpu.dma_semaphore, #tpu.memory_space<semaphore_mem>>) src(%dma_wait3A_247 : memref<32x128xf32, #tpu.memory_space<vmem>>) dst(%dma_wait3A_240 : memref<32x128xf32, #tpu.memory_space<hbm>>)
          tpu.yield
        }) : () -> ()
      } else {
      }
      %dma_wait3A_152 = arith.constant 0 : i32
      %dma_wait3A_153 = arith.constant 1 : i32
      %dma_wait3A_154 = arith.constant 0 : i32
      %dma_wait3A_155 = arith.constant 0 : i32
      %dma_wait3A_156 = tpu.memref_slice %arg9[%dma_wait3A_153, %dma_wait3A_154, %dma_wait3A_155] : memref<2x128x128xf32, #tpu.memory_space<vmem>> -> memref<1x128x128xf32, #tpu.memory_space<vmem>>
      %dma_wait3A_157 = tpu.memref_squeeze %dma_wait3A_156 : memref<1x128x128xf32, #tpu.memory_space<vmem>> -> memref<128x128xf32, #tpu.memory_space<vmem>>
      %dma_wait3A_158 = arith.constant 0 : i32
      %dma_wait3A_159 = tpu.memref_slice %arg7[%dma_wait3A_152, %dma_wait3A_158] : memref<25x128xi32, #tpu.memory_space<vmem>> -> memref<1x128xi32, #tpu.memory_space<vmem>>
      %dma_wait3A_160 = tpu.memref_squeeze %dma_wait3A_159 : memref<1x128xi32, #tpu.memory_space<vmem>> -> memref<128xi32, #tpu.memory_space<vmem>>
      %dma_wait3A_161 = arith.constant 0 : i32
      %dma_wait3A_162 = arith.constant 0 : i32
      %dma_wait3A_163 = tpu.memref_slice %arg2[%dma_wait3A_161, %dma_wait3A_162] : memref<10240x128xf32, #tpu.memory_space<hbm>> -> memref<10240x128xf32, #tpu.memory_space<hbm>>
      tpu.wait_indirect_dma semaphore(%arg11 : memref<!tpu.dma_semaphore, #tpu.memory_space<semaphore_mem>>) src(%dma_wait3A_163 : memref<10240x128xf32, #tpu.memory_space<hbm>>) dst(%dma_wait3A_157 : memref<128x128xf32, #tpu.memory_space<vmem>>)
      %dma_wait3A_164 = arith.constant 0 : i32
      %dma_wait3A_165 = arith.constant 1 : i32
      %dma_wait3A_166 = arith.constant 0 : i32
      %dma_wait3A_167 = arith.constant 0 : i32
      %dma_wait3A_168 = tpu.memref_slice %arg10[%dma_wait3A_165, %dma_wait3A_166, %dma_wait3A_167] : memref<2x128x128xf32, #tpu.memory_space<vmem>> -> memref<1x128x128xf32, #tpu.memory_space<vmem>>
      %dma_wait3A_169 = tpu.memref_squeeze %dma_wait3A_168 : memref<1x128x128xf32, #tpu.memory_space<vmem>> -> memref<128x128xf32, #tpu.memory_space<vmem>>
      %dma_wait3A_170 = arith.constant 0 : i32
      %dma_wait3A_171 = tpu.memref_slice %arg8[%dma_wait3A_164, %dma_wait3A_170] : memref<25x128xi32, #tpu.memory_space<vmem>> -> memref<1x128xi32, #tpu.memory_space<vmem>>
      %dma_wait3A_172 = tpu.memref_squeeze %dma_wait3A_171 : memref<1x128xi32, #tpu.memory_space<vmem>> -> memref<128xi32, #tpu.memory_space<vmem>>
      %dma_wait3A_173 = arith.constant 0 : i32
      %dma_wait3A_174 = arith.constant 0 : i32
      %dma_wait3A_175 = tpu.memref_slice %arg3[%dma_wait3A_173, %dma_wait3A_174] : memref<10240x128xf32, #tpu.memory_space<hbm>> -> memref<10240x128xf32, #tpu.memory_space<hbm>>
      tpu.wait_indirect_dma semaphore(%arg11 : memref<!tpu.dma_semaphore, #tpu.memory_space<semaphore_mem>>) src(%dma_wait3A_175 : memref<10240x128xf32, #tpu.memory_space<hbm>>) dst(%dma_wait3A_169 : memref<128x128xf32, #tpu.memory_space<vmem>>)
      %add3A_176 = arith.constant 2 : i32
      %add3A_177 = arith.addi %mul3A_77, %add3A_176 : i32
      %lt3A_178 = arith.constant 25 : i32
      %lt3A_179 = arith.cmpi slt, %add3A_177, %lt3A_178 : i32
      %convert_element_type3A_180 = arith.extui %lt3A_179 : i1 to i32
      %cond3A_181 = arith.constant 0 : i32
      %cond3A_182 = arith.cmpi ne, %convert_element_type3A_180, %cond3A_181 : i32
      scf.if %cond3A_182 {
        %add3A_211 = arith.constant 2 : i32
        %add3A_212 = arith.addi %mul3A_77, %add3A_211 : i32
        %dma_start3A_213 = arith.constant 0 : i32
        %dma_start3A_214 = arith.constant 0 : i32
        %dma_start3A_215 = arith.constant 0 : i32
        %dma_start3A_216 = tpu.memref_slice %arg9[%dma_start3A_213, %dma_start3A_214, %dma_start3A_215] : memref<2x128x128xf32, #tpu.memory_space<vmem>> -> memref<1x128x128xf32, #tpu.memory_space<vmem>>
        %dma_start3A_217 = tpu.memref_squeeze %dma_start3A_216 : memref<1x128x128xf32, #tpu.memory_space<vmem>> -> memref<128x128xf32, #tpu.memory_space<vmem>>
        %dma_start3A_218 = arith.constant 0 : i32
        %dma_start3A_219 = tpu.memref_slice %arg7[%add3A_212, %dma_start3A_218] : memref<25x128xi32, #tpu.memory_space<vmem>> -> memref<1x128xi32, #tpu.memory_space<vmem>>
        %dma_start3A_220 = tpu.memref_squeeze %dma_start3A_219 : memref<1x128xi32, #tpu.memory_space<vmem>> -> memref<128xi32, #tpu.memory_space<vmem>>
        %dma_start3A_221 = arith.constant 0 : i32
        %dma_start3A_222 = arith.constant 0 : i32
        %dma_start3A_223 = tpu.memref_slice %arg2[%dma_start3A_221, %dma_start3A_222] : memref<10240x128xf32, #tpu.memory_space<hbm>> -> memref<10240x128xf32, #tpu.memory_space<hbm>>
        tpu.enqueue_indirect_dma source(%dma_start3A_223 : memref<10240x128xf32, #tpu.memory_space<hbm>>) target(%dma_start3A_217 : memref<128x128xf32, #tpu.memory_space<vmem>>) offsets(%dma_start3A_220 : memref<128xi32, #tpu.memory_space<vmem>>) semaphore(%arg11 : memref<!tpu.dma_semaphore, #tpu.memory_space<semaphore_mem>>)
        %dma_start3A_224 = arith.constant 0 : i32
        %dma_start3A_225 = arith.constant 0 : i32
        %dma_start3A_226 = arith.constant 0 : i32
        %dma_start3A_227 = tpu.memref_slice %arg10[%dma_start3A_224, %dma_start3A_225, %dma_start3A_226] : memref<2x128x128xf32, #tpu.memory_space<vmem>> -> memref<1x128x128xf32, #tpu.memory_space<vmem>>
        %dma_start3A_228 = tpu.memref_squeeze %dma_start3A_227 : memref<1x128x128xf32, #tpu.memory_space<vmem>> -> memref<128x128xf32, #tpu.memory_space<vmem>>
        %dma_start3A_229 = arith.constant 0 : i32
        %dma_start3A_230 = tpu.memref_slice %arg8[%add3A_212, %dma_start3A_229] : memref<25x128xi32, #tpu.memory_space<vmem>> -> memref<1x128xi32, #tpu.memory_space<vmem>>
        %dma_start3A_231 = tpu.memref_squeeze %dma_start3A_230 : memref<1x128xi32, #tpu.memory_space<vmem>> -> memref<128xi32, #tpu.memory_space<vmem>>
        %dma_start3A_232 = arith.constant 0 : i32
        %dma_start3A_233 = arith.constant 0 : i32
        %dma_start3A_234 = tpu.memref_slice %arg3[%dma_start3A_232, %dma_start3A_233] : memref<10240x128xf32, #tpu.memory_space<hbm>> -> memref<10240x128xf32, #tpu.memory_space<hbm>>
        tpu.enqueue_indirect_dma source(%dma_start3A_234 : memref<10240x128xf32, #tpu.memory_space<hbm>>) target(%dma_start3A_228 : memref<128x128xf32, #tpu.memory_space<vmem>>) offsets(%dma_start3A_231 : memref<128xi32, #tpu.memory_space<vmem>>) semaphore(%arg11 : memref<!tpu.dma_semaphore, #tpu.memory_space<semaphore_mem>>)
      } else {
      }
      %add3A_183 = arith.constant 1 : i32
      %add3A_184 = arith.addi %mul3A_77, %add3A_183 : i32
      %scan3A_185 = arith.constant 0 : i32
      %scan3A_186 = arith.constant 0 : i32
      %scan3A_187 = arith.constant 128 : i32
      %scan3A_188 = arith.addi %scan3A_186, %scan3A_187 : i32
      %scan3A_189 = arith.constant 1 : i32
      scf.for %scan3A_211 = %scan3A_186 to %scan3A_188 step %scan3A_189  : i32 {
        %get3A = arith.constant 1 : i32
        %get3A_212 = arith.index_cast %get3A : i32 to index
        %get3A_213 = arith.index_cast %scan3A_211 : i32 to index
        %get3A_214 = arith.constant 0 : index
        %get3A_215 = tpu.vector_load %arg9[%get3A_212, %get3A_213, %get3A_214] {strides = array<i32>} : memref<2x128x128xf32, #tpu.memory_space<vmem>>, vector<1x1x16xf32>,
        %get3A_216 = vector.shape_cast %get3A_215 : vector<1x1x16xf32> to vector<16xf32>
        %get3A_217 = arith.constant 1 : i32
        %get3A_218 = arith.index_cast %get3A_217 : i32 to index
        %get3A_219 = arith.index_cast %scan3A_211 : i32 to index
        %get3A_220 = arith.constant 0 : index
        %get3A_221 = tpu.vector_load %arg10[%get3A_218, %get3A_219, %get3A_220] {strides = array<i32>} : memref<2x128x128xf32, #tpu.memory_space<vmem>>, vector<1x1x16xf32>,
        %get3A_222 = vector.shape_cast %get3A_221 : vector<1x1x16xf32> to vector<16xf32>
        %add3A_223 = arith.addf %get3A_216, %get3A_222 : vector<16xf32>
        %swap3A = arith.constant 1 : i32
        %swap3A_224 = arith.index_cast %swap3A : i32 to index
        %swap3A_225 = arith.index_cast %scan3A_211 : i32 to index
        %swap3A_226 = arith.constant 0 : index
        %swap3A_227 = tpu.vector_load %arg9[%swap3A_224, %swap3A_225, %swap3A_226] {strides = array<i32>} : memref<2x128x128xf32, #tpu.memory_space<vmem>>, vector<1x1x16xf32>,
        %swap3A_228 = vector.shape_cast %swap3A_227 : vector<1x1x16xf32> to vector<16xf32>
        %swap3A_229 = vector.shape_cast %add3A_223 : vector<16xf32> to vector<1x1x16xf32>
        tpu.vector_store %arg9[%swap3A_224, %swap3A_225, %swap3A_226], %swap3A_229 {strides = array<i32>} : memref<2x128x128xf32, #tpu.memory_space<vmem>>, vector<1x1x16xf32>,
        %get3A_230 = arith.constant 1 : i32
        %get3A_231 = arith.index_cast %get3A_230 : i32 to index
        %get3A_232 = arith.index_cast %scan3A_211 : i32 to index
        %get3A_233 = arith.constant 16 : index
        %get3A_234 = tpu.vector_load %arg9[%get3A_231, %get3A_232, %get3A_233] {strides = array<i32>} : memref<2x128x128xf32, #tpu.memory_space<vmem>>, vector<1x1x16xf32>,
        %get3A_235 = vector.shape_cast %get3A_234 : vector<1x1x16xf32> to vector<16xf32>
        %get3A_236 = arith.constant 1 : i32
        %get3A_237 = arith.index_cast %get3A_236 : i32 to index
        %get3A_238 = arith.index_cast %scan3A_211 : i32 to index
        %get3A_239 = arith.constant 16 : index
        %get3A_240 = tpu.vector_load %arg10[%get3A_237, %get3A_238, %get3A_239] {strides = array<i32>} : memref<2x128x128xf32, #tpu.memory_space<vmem>>, vector<1x1x16xf32>,
        %get3A_241 = vector.shape_cast %get3A_240 : vector<1x1x16xf32> to vector<16xf32>
        %add3A_242 = arith.addf %get3A_235, %get3A_241 : vector<16xf32>
        %swap3A_243 = arith.constant 1 : i32
        %swap3A_244 = arith.index_cast %swap3A_243 : i32 to index
        %swap3A_245 = arith.index_cast %scan3A_211 : i32 to index
        %swap3A_246 = arith.constant 16 : index
        %swap3A_247 = tpu.vector_load %arg9[%swap3A_244, %swap3A_245, %swap3A_246] {strides = array<i32>} : memref<2x128x128xf32, #tpu.memory_space<vmem>>, vector<1x1x16xf32>,
        %swap3A_248 = vector.shape_cast %swap3A_247 : vector<1x1x16xf32> to vector<16xf32>
        %swap3A_249 = vector.shape_cast %add3A_242 : vector<16xf32> to vector<1x1x16xf32>
        tpu.vector_store %arg9[%swap3A_244, %swap3A_245, %swap3A_246], %swap3A_249 {strides = array<i32>} : memref<2x128x128xf32, #tpu.memory_space<vmem>>, vector<1x1x16xf32>,
        %get3A_250 = arith.constant 1 : i32
        %get3A_251 = arith.index_cast %get3A_250 : i32 to index
        %get3A_252 = arith.index_cast %scan3A_211 : i32 to index
        %get3A_253 = arith.constant 32 : index
        %get3A_254 = tpu.vector_load %arg9[%get3A_251, %get3A_252, %get3A_253] {strides = array<i32>} : memref<2x128x128xf32, #tpu.memory_space<vmem>>, vector<1x1x16xf32>,
        %get3A_255 = vector.shape_cast %get3A_254 : vector<1x1x16xf32> to vector<16xf32>
        %get3A_256 = arith.constant 1 : i32
        %get3A_257 = arith.index_cast %get3A_256 : i32 to index
        %get3A_258 = arith.index_cast %scan3A_211 : i32 to index
        %get3A_259 = arith.constant 32 : index
        %get3A_260 = tpu.vector_load %arg10[%get3A_257, %get3A_258, %get3A_259] {strides = array<i32>} : memref<2x128x128xf32, #tpu.memory_space<vmem>>, vector<1x1x16xf32>,
        %get3A_261 = vector.shape_cast %get3A_260 : vector<1x1x16xf32> to vector<16xf32>
        %add3A_262 = arith.addf %get3A_255, %get3A_261 : vector<16xf32>
        %swap3A_263 = arith.constant 1 : i32
        %swap3A_264 = arith.index_cast %swap3A_263 : i32 to index
        %swap3A_265 = arith.index_cast %scan3A_211 : i32 to index
        %swap3A_266 = arith.constant 32 : index
        %swap3A_267 = tpu.vector_load %arg9[%swap3A_264, %swap3A_265, %swap3A_266] {strides = array<i32>} : memref<2x128x128xf32, #tpu.memory_space<vmem>>, vector<1x1x16xf32>,
        %swap3A_268 = vector.shape_cast %swap3A_267 : vector<1x1x16xf32> to vector<16xf32>
        %swap3A_269 = vector.shape_cast %add3A_262 : vector<16xf32> to vector<1x1x16xf32>
        tpu.vector_store %arg9[%swap3A_264, %swap3A_265, %swap3A_266], %swap3A_269 {strides = array<i32>} : memref<2x128x128xf32, #tpu.memory_space<vmem>>, vector<1x1x16xf32>,
        %get3A_270 = arith.constant 1 : i32
        %get3A_271 = arith.index_cast %get3A_270 : i32 to index
        %get3A_272 = arith.index_cast %scan3A_211 : i32 to index
        %get3A_273 = arith.constant 48 : index
        %get3A_274 = tpu.vector_load %arg9[%get3A_271, %get3A_272, %get3A_273] {strides = array<i32>} : memref<2x128x128xf32, #tpu.memory_space<vmem>>, vector<1x1x16xf32>,
        %get3A_275 = vector.shape_cast %get3A_274 : vector<1x1x16xf32> to vector<16xf32>
        %get3A_276 = arith.constant 1 : i32
        %get3A_277 = arith.index_cast %get3A_276 : i32 to index
        %get3A_278 = arith.index_cast %scan3A_211 : i32 to index
        %get3A_279 = arith.constant 48 : index
        %get3A_280 = tpu.vector_load %arg10[%get3A_277, %get3A_278, %get3A_279] {strides = array<i32>} : memref<2x128x128xf32, #tpu.memory_space<vmem>>, vector<1x1x16xf32>,
        %get3A_281 = vector.shape_cast %get3A_280 : vector<1x1x16xf32> to vector<16xf32>
        %add3A_282 = arith.addf %get3A_275, %get3A_281 : vector<16xf32>
        %swap3A_283 = arith.constant 1 : i32
        %swap3A_284 = arith.index_cast %swap3A_283 : i32 to index
        %swap3A_285 = arith.index_cast %scan3A_211 : i32 to index
        %swap3A_286 = arith.constant 48 : index
        %swap3A_287 = tpu.vector_load %arg9[%swap3A_284, %swap3A_285, %swap3A_286] {strides = array<i32>} : memref<2x128x128xf32, #tpu.memory_space<vmem>>, vector<1x1x16xf32>,
        %swap3A_288 = vector.shape_cast %swap3A_287 : vector<1x1x16xf32> to vector<16xf32>
        %swap3A_289 = vector.shape_cast %add3A_282 : vector<16xf32> to vector<1x1x16xf32>
        tpu.vector_store %arg9[%swap3A_284, %swap3A_285, %swap3A_286], %swap3A_289 {strides = array<i32>} : memref<2x128x128xf32, #tpu.memory_space<vmem>>, vector<1x1x16xf32>,
        %get3A_290 = arith.constant 1 : i32
        %get3A_291 = arith.index_cast %get3A_290 : i32 to index
        %get3A_292 = arith.index_cast %scan3A_211 : i32 to index
        %get3A_293 = arith.constant 64 : index
        %get3A_294 = tpu.vector_load %arg9[%get3A_291, %get3A_292, %get3A_293] {strides = array<i32>} : memref<2x128x128xf32, #tpu.memory_space<vmem>>, vector<1x1x16xf32>,
        %get3A_295 = vector.shape_cast %get3A_294 : vector<1x1x16xf32> to vector<16xf32>
        %get3A_296 = arith.constant 1 : i32
        %get3A_297 = arith.index_cast %get3A_296 : i32 to index
        %get3A_298 = arith.index_cast %scan3A_211 : i32 to index
        %get3A_299 = arith.constant 64 : index
        %get3A_300 = tpu.vector_load %arg10[%get3A_297, %get3A_298, %get3A_299] {strides = array<i32>} : memref<2x128x128xf32, #tpu.memory_space<vmem>>, vector<1x1x16xf32>,
        %get3A_301 = vector.shape_cast %get3A_300 : vector<1x1x16xf32> to vector<16xf32>
        %add3A_302 = arith.addf %get3A_295, %get3A_301 : vector<16xf32>
        %swap3A_303 = arith.constant 1 : i32
        %swap3A_304 = arith.index_cast %swap3A_303 : i32 to index
        %swap3A_305 = arith.index_cast %scan3A_211 : i32 to index
        %swap3A_306 = arith.constant 64 : index
        %swap3A_307 = tpu.vector_load %arg9[%swap3A_304, %swap3A_305, %swap3A_306] {strides = array<i32>} : memref<2x128x128xf32, #tpu.memory_space<vmem>>, vector<1x1x16xf32>,
        %swap3A_308 = vector.shape_cast %swap3A_307 : vector<1x1x16xf32> to vector<16xf32>
        %swap3A_309 = vector.shape_cast %add3A_302 : vector<16xf32> to vector<1x1x16xf32>
        tpu.vector_store %arg9[%swap3A_304, %swap3A_305, %swap3A_306], %swap3A_309 {strides = array<i32>} : memref<2x128x128xf32, #tpu.memory_space<vmem>>, vector<1x1x16xf32>,
        %get3A_310 = arith.constant 1 : i32
        %get3A_311 = arith.index_cast %get3A_310 : i32 to index
        %get3A_312 = arith.index_cast %scan3A_211 : i32 to index
        %get3A_313 = arith.constant 80 : index
        %get3A_314 = tpu.vector_load %arg9[%get3A_311, %get3A_312, %get3A_313] {strides = array<i32>} : memref<2x128x128xf32, #tpu.memory_space<vmem>>, vector<1x1x16xf32>,
        %get3A_315 = vector.shape_cast %get3A_314 : vector<1x1x16xf32> to vector<16xf32>
        %get3A_316 = arith.constant 1 : i32
        %get3A_317 = arith.index_cast %get3A_316 : i32 to index
        %get3A_318 = arith.index_cast %scan3A_211 : i32 to index
        %get3A_319 = arith.constant 80 : index
        %get3A_320 = tpu.vector_load %arg10[%get3A_317, %get3A_318, %get3A_319] {strides = array<i32>} : memref<2x128x128xf32, #tpu.memory_space<vmem>>, vector<1x1x16xf32>,
        %get3A_321 = vector.shape_cast %get3A_320 : vector<1x1x16xf32> to vector<16xf32>
        %add3A_322 = arith.addf %get3A_315, %get3A_321 : vector<16xf32>
        %swap3A_323 = arith.constant 1 : i32
        %swap3A_324 = arith.index_cast %swap3A_323 : i32 to index
        %swap3A_325 = arith.index_cast %scan3A_211 : i32 to index
        %swap3A_326 = arith.constant 80 : index
        %swap3A_327 = tpu.vector_load %arg9[%swap3A_324, %swap3A_325, %swap3A_326] {strides = array<i32>} : memref<2x128x128xf32, #tpu.memory_space<vmem>>, vector<1x1x16xf32>,
        %swap3A_328 = vector.shape_cast %swap3A_327 : vector<1x1x16xf32> to vector<16xf32>
        %swap3A_329 = vector.shape_cast %add3A_322 : vector<16xf32> to vector<1x1x16xf32>
        tpu.vector_store %arg9[%swap3A_324, %swap3A_325, %swap3A_326], %swap3A_329 {strides = array<i32>} : memref<2x128x128xf32, #tpu.memory_space<vmem>>, vector<1x1x16xf32>,
        %get3A_330 = arith.constant 1 : i32
        %get3A_331 = arith.index_cast %get3A_330 : i32 to index
        %get3A_332 = arith.index_cast %scan3A_211 : i32 to index
        %get3A_333 = arith.constant 96 : index
        %get3A_334 = tpu.vector_load %arg9[%get3A_331, %get3A_332, %get3A_333] {strides = array<i32>} : memref<2x128x128xf32, #tpu.memory_space<vmem>>, vector<1x1x16xf32>,
        %get3A_335 = vector.shape_cast %get3A_334 : vector<1x1x16xf32> to vector<16xf32>
        %get3A_336 = arith.constant 1 : i32
        %get3A_337 = arith.index_cast %get3A_336 : i32 to index
        %get3A_338 = arith.index_cast %scan3A_211 : i32 to index
        %get3A_339 = arith.constant 96 : index
        %get3A_340 = tpu.vector_load %arg10[%get3A_337, %get3A_338, %get3A_339] {strides = array<i32>} : memref<2x128x128xf32, #tpu.memory_space<vmem>>, vector<1x1x16xf32>,
        %get3A_341 = vector.shape_cast %get3A_340 : vector<1x1x16xf32> to vector<16xf32>
        %add3A_342 = arith.addf %get3A_335, %get3A_341 : vector<16xf32>
        %swap3A_343 = arith.constant 1 : i32
        %swap3A_344 = arith.index_cast %swap3A_343 : i32 to index
        %swap3A_345 = arith.index_cast %scan3A_211 : i32 to index
        %swap3A_346 = arith.constant 96 : index
        %swap3A_347 = tpu.vector_load %arg9[%swap3A_344, %swap3A_345, %swap3A_346] {strides = array<i32>} : memref<2x128x128xf32, #tpu.memory_space<vmem>>, vector<1x1x16xf32>,
        %swap3A_348 = vector.shape_cast %swap3A_347 : vector<1x1x16xf32> to vector<16xf32>
        %swap3A_349 = vector.shape_cast %add3A_342 : vector<16xf32> to vector<1x1x16xf32>
        tpu.vector_store %arg9[%swap3A_344, %swap3A_345, %swap3A_346], %swap3A_349 {strides = array<i32>} : memref<2x128x128xf32, #tpu.memory_space<vmem>>, vector<1x1x16xf32>,
        %get3A_350 = arith.constant 1 : i32
        %get3A_351 = arith.index_cast %get3A_350 : i32 to index
        %get3A_352 = arith.index_cast %scan3A_211 : i32 to index
        %get3A_353 = arith.constant 112 : index
        %get3A_354 = tpu.vector_load %arg9[%get3A_351, %get3A_352, %get3A_353] {strides = array<i32>} : memref<2x128x128xf32, #tpu.memory_space<vmem>>, vector<1x1x16xf32>,
        %get3A_355 = vector.shape_cast %get3A_354 : vector<1x1x16xf32> to vector<16xf32>
        %get3A_356 = arith.constant 1 : i32
        %get3A_357 = arith.index_cast %get3A_356 : i32 to index
        %get3A_358 = arith.index_cast %scan3A_211 : i32 to index
        %get3A_359 = arith.constant 112 : index
        %get3A_360 = tpu.vector_load %arg10[%get3A_357, %get3A_358, %get3A_359] {strides = array<i32>} : memref<2x128x128xf32, #tpu.memory_space<vmem>>, vector<1x1x16xf32>,
        %get3A_361 = vector.shape_cast %get3A_360 : vector<1x1x16xf32> to vector<16xf32>
        %add3A_362 = arith.addf %get3A_355, %get3A_361 : vector<16xf32>
        %swap3A_363 = arith.constant 1 : i32
        %swap3A_364 = arith.index_cast %swap3A_363 : i32 to index
        %swap3A_365 = arith.index_cast %scan3A_211 : i32 to index
        %swap3A_366 = arith.constant 112 : index
        %swap3A_367 = tpu.vector_load %arg9[%swap3A_364, %swap3A_365, %swap3A_366] {strides = array<i32>} : memref<2x128x128xf32, #tpu.memory_space<vmem>>, vector<1x1x16xf32>,
        %swap3A_368 = vector.shape_cast %swap3A_367 : vector<1x1x16xf32> to vector<16xf32>
        %swap3A_369 = vector.shape_cast %add3A_362 : vector<16xf32> to vector<1x1x16xf32>
        tpu.vector_store %arg9[%swap3A_364, %swap3A_365, %swap3A_366], %swap3A_369 {strides = array<i32>} : memref<2x128x128xf32, #tpu.memory_space<vmem>>, vector<1x1x16xf32>,
      }
      %scan3A_190 = arith.constant 128 : i32
      %add3A_191 = arith.addi %mul3A_2, %add3A_184 : i32
      %mul3A_192 = arith.constant 128 : i32
      %mul3A_193 = arith.muli %add3A_191, %mul3A_192 : i32
      %add3A_194 = arith.constant 128 : i32
      %add3A_195 = arith.addi %mul3A_193, %add3A_194 : i32
      %le3A_196 = arith.constant 100000 : i32
      %le3A_197 = arith.cmpi sle, %add3A_195, %le3A_196 : i32
      %convert_element_type3A_198 = arith.extui %le3A_197 : i1 to i32
      %cond3A_199 = arith.constant 0 : i32
      %cond3A_200 = arith.cmpi ne, %convert_element_type3A_198, %cond3A_199 : i32
      scf.if %cond3A_200 {
        %run_scoped3A = arith.constant 1 : i32
        "tpu.region"() ({
          %run_scoped3A_211 = tpu.sem_alloc : memref<!tpu.dma_semaphore, #tpu.memory_space<semaphore_mem>>
          %dma_start3A_212 = arith.constant 0 : i32
          %dma_start3A_213 = arith.constant 0 : i32
          %dma_start3A_214 = tpu.memref_slice %arg9[%run_scoped3A, %dma_start3A_212, %dma_start3A_213] : memref<2x128x128xf32, #tpu.memory_space<vmem>> -> memref<1x128x128xf32, #tpu.memory_space<vmem>>
          %dma_start3A_215 = tpu.memref_squeeze %dma_start3A_214 : memref<1x128x128xf32, #tpu.memory_space<vmem>> -> memref<128x128xf32, #tpu.memory_space<vmem>>
          %dma_start3A_216 = arith.constant 0 : i32
          %dma_start3A_217 = tpu.memref_slice %arg6[%mul3A_193, %dma_start3A_216] : memref<100000x128xf32, #tpu.memory_space<hbm>> -> memref<128x128xf32, #tpu.memory_space<hbm>>
          %dma_start3A_218 = arith.constant 0 : i32
          %dma_start3A_219 = tpu.memref_slice %arg6[%mul3A_193, %dma_start3A_218] : memref<100000x128xf32, #tpu.memory_space<hbm>> -> memref<128x128xf32, #tpu.memory_space<hbm>>
          %dma_start3A_220 = arith.constant 0 : i32
          %dma_start3A_221 = arith.constant 0 : i32
          %dma_start3A_222 = tpu.memref_slice %arg9[%run_scoped3A, %dma_start3A_220, %dma_start3A_221] : memref<2x128x128xf32, #tpu.memory_space<vmem>> -> memref<1x128x128xf32, #tpu.memory_space<vmem>>
          %dma_start3A_223 = tpu.memref_squeeze %dma_start3A_222 : memref<1x128x128xf32, #tpu.memory_space<vmem>> -> memref<128x128xf32, #tpu.memory_space<vmem>>
          tpu.enqueue_dma source(%dma_start3A_223 : memref<128x128xf32, #tpu.memory_space<vmem>>) target(%dma_start3A_219 : memref<128x128xf32, #tpu.memory_space<hbm>>) target_semaphore(%run_scoped3A_211 : memref<!tpu.dma_semaphore, #tpu.memory_space<semaphore_mem>>)
          %dma_wait3A_224 = arith.constant 0 : i32
          %dma_wait3A_225 = arith.constant 0 : i32
          %dma_wait3A_226 = tpu.memref_slice %arg9[%run_scoped3A, %dma_wait3A_224, %dma_wait3A_225] : memref<2x128x128xf32, #tpu.memory_space<vmem>> -> memref<1x128x128xf32, #tpu.memory_space<vmem>>
          %dma_wait3A_227 = tpu.memref_squeeze %dma_wait3A_226 : memref<1x128x128xf32, #tpu.memory_space<vmem>> -> memref<128x128xf32, #tpu.memory_space<vmem>>
          %dma_wait3A_228 = arith.constant 0 : i32
          %dma_wait3A_229 = tpu.memref_slice %arg6[%mul3A_193, %dma_wait3A_228] : memref<100000x128xf32, #tpu.memory_space<hbm>> -> memref<128x128xf32, #tpu.memory_space<hbm>>
          %dma_wait3A_230 = arith.constant 0 : i32
          %dma_wait3A_231 = tpu.memref_slice %arg6[%mul3A_193, %dma_wait3A_230] : memref<100000x128xf32, #tpu.memory_space<hbm>> -> memref<128x128xf32, #tpu.memory_space<hbm>>
          %dma_wait3A_232 = arith.constant 0 : i32
          %dma_wait3A_233 = arith.constant 0 : i32
          %dma_wait3A_234 = tpu.memref_slice %arg9[%run_scoped3A, %dma_wait3A_232, %dma_wait3A_233] : memref<2x128x128xf32, #tpu.memory_space<vmem>> -> memref<1x128x128xf32, #tpu.memory_space<vmem>>
          %dma_wait3A_235 = tpu.memref_squeeze %dma_wait3A_234 : memref<1x128x128xf32, #tpu.memory_space<vmem>> -> memref<128x128xf32, #tpu.memory_space<vmem>>
          tpu.wait_dma2 semaphore(%run_scoped3A_211 : memref<!tpu.dma_semaphore, #tpu.memory_space<semaphore_mem>>) src(%dma_wait3A_235 : memref<128x128xf32, #tpu.memory_space<vmem>>) dst(%dma_wait3A_231 : memref<128x128xf32, #tpu.memory_space<hbm>>)
          tpu.yield
        }) : () -> ()
      } else {
      }
      %lt3A_201 = arith.constant 100000 : i32
      %lt3A_202 = arith.cmpi slt, %mul3A_193, %lt3A_201 : i32
      %add3A_203 = arith.constant 128 : i32
      %add3A_204 = arith.addi %mul3A_193, %add3A_203 : i32
      %gt3A_205 = arith.constant 100000 : i32
      %gt3A_206 = arith.cmpi sgt, %add3A_204, %gt3A_205 : i32
      %and3A_207 = arith.andi %lt3A_202, %gt3A_206 : i1
      %convert_element_type3A_208 = arith.extui %and3A_207 : i1 to i32
      %cond3A_209 = arith.constant 0 : i32
      %cond3A_210 = arith.cmpi ne, %convert_element_type3A_208, %cond3A_209 : i32
      scf.if %cond3A_210 {
        %run_scoped3A = arith.constant 1 : i32
        "tpu.region"() ({
          %run_scoped3A_211 = tpu.sem_alloc : memref<!tpu.dma_semaphore, #tpu.memory_space<semaphore_mem>>
          %dma_start3A_212 = arith.constant 0 : i32
          %dma_start3A_213 = arith.constant 0 : i32
          %dma_start3A_214 = tpu.memref_slice %arg9[%run_scoped3A, %dma_start3A_212, %dma_start3A_213] : memref<2x128x128xf32, #tpu.memory_space<vmem>> -> memref<1x128x128xf32, #tpu.memory_space<vmem>>
          %dma_start3A_215 = tpu.memref_squeeze %dma_start3A_214 : memref<1x128x128xf32, #tpu.memory_space<vmem>> -> memref<128x128xf32, #tpu.memory_space<vmem>>
          %dma_start3A_216 = arith.constant 0 : i32
          %dma_start3A_217 = arith.constant 0 : i32
          %dma_start3A_218 = tpu.memref_slice %dma_start3A_215[%dma_start3A_216, %dma_start3A_217] : memref<128x128xf32, #tpu.memory_space<vmem>> -> memref<32x128xf32, #tpu.memory_space<vmem>>
          %dma_start3A_219 = arith.constant 0 : i32
          %dma_start3A_220 = tpu.memref_slice %arg6[%mul3A_193, %dma_start3A_219] : memref<100000x128xf32, #tpu.memory_space<hbm>> -> memref<32x128xf32, #tpu.memory_space<hbm>>
          %dma_start3A_221 = arith.constant 0 : i32
          %dma_start3A_222 = tpu.memref_slice %arg6[%mul3A_193, %dma_start3A_221] : memref<100000x128xf32, #tpu.memory_space<hbm>> -> memref<32x128xf32, #tpu.memory_space<hbm>>
          %dma_start3A_223 = arith.constant 0 : i32
          %dma_start3A_224 = arith.constant 0 : i32
          %dma_start3A_225 = tpu.memref_slice %arg9[%run_scoped3A, %dma_start3A_223, %dma_start3A_224] : memref<2x128x128xf32, #tpu.memory_space<vmem>> -> memref<1x128x128xf32, #tpu.memory_space<vmem>>
          %dma_start3A_226 = tpu.memref_squeeze %dma_start3A_225 : memref<1x128x128xf32, #tpu.memory_space<vmem>> -> memref<128x128xf32, #tpu.memory_space<vmem>>
          %dma_start3A_227 = arith.constant 0 : i32
          %dma_start3A_228 = arith.constant 0 : i32
          %dma_start3A_229 = tpu.memref_slice %dma_start3A_226[%dma_start3A_227, %dma_start3A_228] : memref<128x128xf32, #tpu.memory_space<vmem>> -> memref<32x128xf32, #tpu.memory_space<vmem>>
          tpu.enqueue_dma source(%dma_start3A_229 : memref<32x128xf32, #tpu.memory_space<vmem>>) target(%dma_start3A_222 : memref<32x128xf32, #tpu.memory_space<hbm>>) target_semaphore(%run_scoped3A_211 : memref<!tpu.dma_semaphore, #tpu.memory_space<semaphore_mem>>)
          %dma_wait3A_230 = arith.constant 0 : i32
          %dma_wait3A_231 = arith.constant 0 : i32
          %dma_wait3A_232 = tpu.memref_slice %arg9[%run_scoped3A, %dma_wait3A_230, %dma_wait3A_231] : memref<2x128x128xf32, #tpu.memory_space<vmem>> -> memref<1x128x128xf32, #tpu.memory_space<vmem>>
          %dma_wait3A_233 = tpu.memref_squeeze %dma_wait3A_232 : memref<1x128x128xf32, #tpu.memory_space<vmem>> -> memref<128x128xf32, #tpu.memory_space<vmem>>
          %dma_wait3A_234 = arith.constant 0 : i32
          %dma_wait3A_235 = arith.constant 0 : i32
          %dma_wait3A_236 = tpu.memref_slice %dma_wait3A_233[%dma_wait3A_234, %dma_wait3A_235] : memref<128x128xf32, #tpu.memory_space<vmem>> -> memref<32x128xf32, #tpu.memory_space<vmem>>
          %dma_wait3A_237 = arith.constant 0 : i32
          %dma_wait3A_238 = tpu.memref_slice %arg6[%mul3A_193, %dma_wait3A_237] : memref<100000x128xf32, #tpu.memory_space<hbm>> -> memref<32x128xf32, #tpu.memory_space<hbm>>
          %dma_wait3A_239 = arith.constant 0 : i32
          %dma_wait3A_240 = tpu.memref_slice %arg6[%mul3A_193, %dma_wait3A_239] : memref<100000x128xf32, #tpu.memory_space<hbm>> -> memref<32x128xf32, #tpu.memory_space<hbm>>
          %dma_wait3A_241 = arith.constant 0 : i32
          %dma_wait3A_242 = arith.constant 0 : i32
          %dma_wait3A_243 = tpu.memref_slice %arg9[%run_scoped3A, %dma_wait3A_241, %dma_wait3A_242] : memref<2x128x128xf32, #tpu.memory_space<vmem>> -> memref<1x128x128xf32, #tpu.memory_space<vmem>>
          %dma_wait3A_244 = tpu.memref_squeeze %dma_wait3A_243 : memref<1x128x128xf32, #tpu.memory_space<vmem>> -> memref<128x128xf32, #tpu.memory_space<vmem>>
          %dma_wait3A_245 = arith.constant 0 : i32
          %dma_wait3A_246 = arith.constant 0 : i32
          %dma_wait3A_247 = tpu.memref_slice %dma_wait3A_244[%dma_wait3A_245, %dma_wait3A_246] : memref<128x128xf32, #tpu.memory_space<vmem>> -> memref<32x128xf32, #tpu.memory_space<vmem>>
          tpu.wait_dma2 semaphore(%run_scoped3A_211 : memref<!tpu.dma_semaphore, #tpu.memory_space<semaphore_mem>>) src(%dma_wait3A_247 : memref<32x128xf32, #tpu.memory_space<vmem>>) dst(%dma_wait3A_240 : memref<32x128xf32, #tpu.memory_space<hbm>>)
          tpu.yield
        }) : () -> ()
      } else {
      }
    }
    %scan3A_30 = arith.constant 12 : i32
    %dma_wait3A = arith.constant 0 : i32
    %dma_wait3A_31 = arith.constant 0 : i32
    %dma_wait3A_32 = arith.constant 0 : i32
    %dma_wait3A_33 = arith.constant 0 : i32
    %dma_wait3A_34 = tpu.memref_slice %arg9[%dma_wait3A_31, %dma_wait3A_32, %dma_wait3A_33] : memref<2x128x128xf32, #tpu.memory_space<vmem>> -> memref<1x128x128xf32, #tpu.memory_space<vmem>>
    %dma_wait3A_35 = tpu.memref_squeeze %dma_wait3A_34 : memref<1x128x128xf32, #tpu.memory_space<vmem>> -> memref<128x128xf32, #tpu.memory_space<vmem>>
    %dma_wait3A_36 = arith.constant 0 : i32
    %dma_wait3A_37 = tpu.memref_slice %arg7[%dma_wait3A, %dma_wait3A_36] : memref<25x128xi32, #tpu.memory_space<vmem>> -> memref<1x128xi32, #tpu.memory_space<vmem>>
    %dma_wait3A_38 = tpu.memref_squeeze %dma_wait3A_37 : memref<1x128xi32, #tpu.memory_space<vmem>> -> memref<128xi32, #tpu.memory_space<vmem>>
    %dma_wait3A_39 = arith.constant 0 : i32
    %dma_wait3A_40 = arith.constant 0 : i32
    %dma_wait3A_41 = tpu.memref_slice %arg2[%dma_wait3A_39, %dma_wait3A_40] : memref<10240x128xf32, #tpu.memory_space<hbm>> -> memref<10240x128xf32, #tpu.memory_space<hbm>>
    tpu.wait_indirect_dma semaphore(%arg11 : memref<!tpu.dma_semaphore, #tpu.memory_space<semaphore_mem>>) src(%dma_wait3A_41 : memref<10240x128xf32, #tpu.memory_space<hbm>>) dst(%dma_wait3A_35 : memref<128x128xf32, #tpu.memory_space<vmem>>)
    %dma_wait3A_42 = arith.constant 0 : i32
    %dma_wait3A_43 = arith.constant 0 : i32
    %dma_wait3A_44 = arith.constant 0 : i32
    %dma_wait3A_45 = arith.constant 0 : i32
    %dma_wait3A_46 = tpu.memref_slice %arg10[%dma_wait3A_43, %dma_wait3A_44, %dma_wait3A_45] : memref<2x128x128xf32, #tpu.memory_space<vmem>> -> memref<1x128x128xf32, #tpu.memory_space<vmem>>
    %dma_wait3A_47 = tpu.memref_squeeze %dma_wait3A_46 : memref<1x128x128xf32, #tpu.memory_space<vmem>> -> memref<128x128xf32, #tpu.memory_space<vmem>>
    %dma_wait3A_48 = arith.constant 0 : i32
    %dma_wait3A_49 = tpu.memref_slice %arg8[%dma_wait3A_42, %dma_wait3A_48] : memref<25x128xi32, #tpu.memory_space<vmem>> -> memref<1x128xi32, #tpu.memory_space<vmem>>
    %dma_wait3A_50 = tpu.memref_squeeze %dma_wait3A_49 : memref<1x128xi32, #tpu.memory_space<vmem>> -> memref<128xi32, #tpu.memory_space<vmem>>
    %dma_wait3A_51 = arith.constant 0 : i32
    %dma_wait3A_52 = arith.constant 0 : i32
    %dma_wait3A_53 = tpu.memref_slice %arg3[%dma_wait3A_51, %dma_wait3A_52] : memref<10240x128xf32, #tpu.memory_space<hbm>> -> memref<10240x128xf32, #tpu.memory_space<hbm>>
    tpu.wait_indirect_dma semaphore(%arg11 : memref<!tpu.dma_semaphore, #tpu.memory_space<semaphore_mem>>) src(%dma_wait3A_53 : memref<10240x128xf32, #tpu.memory_space<hbm>>) dst(%dma_wait3A_47 : memref<128x128xf32, #tpu.memory_space<vmem>>)
    %scan3A_54 = arith.constant 0 : i32
    %scan3A_55 = arith.constant 0 : i32
    %scan3A_56 = arith.constant 128 : i32
    %scan3A_57 = arith.addi %scan3A_55, %scan3A_56 : i32
    %scan3A_58 = arith.constant 1 : i32
    scf.for %scan3A_75 = %scan3A_55 to %scan3A_57 step %scan3A_58  : i32 {
      %get3A = arith.constant 0 : i32
      %get3A_76 = arith.index_cast %get3A : i32 to index
      %get3A_77 = arith.index_cast %scan3A_75 : i32 to index
      %get3A_78 = arith.constant 0 : index
      %get3A_79 = tpu.vector_load %arg9[%get3A_76, %get3A_77, %get3A_78] {strides = array<i32>} : memref<2x128x128xf32, #tpu.memory_space<vmem>>, vector<1x1x16xf32>,
      %get3A_80 = vector.shape_cast %get3A_79 : vector<1x1x16xf32> to vector<16xf32>
      %get3A_81 = arith.constant 0 : i32
      %get3A_82 = arith.index_cast %get3A_81 : i32 to index
      %get3A_83 = arith.index_cast %scan3A_75 : i32 to index
      %get3A_84 = arith.constant 0 : index
      %get3A_85 = tpu.vector_load %arg10[%get3A_82, %get3A_83, %get3A_84] {strides = array<i32>} : memref<2x128x128xf32, #tpu.memory_space<vmem>>, vector<1x1x16xf32>,
      %get3A_86 = vector.shape_cast %get3A_85 : vector<1x1x16xf32> to vector<16xf32>
      %add3A_87 = arith.addf %get3A_80, %get3A_86 : vector<16xf32>
      %swap3A = arith.constant 0 : i32
      %swap3A_88 = arith.index_cast %swap3A : i32 to index
      %swap3A_89 = arith.index_cast %scan3A_75 : i32 to index
      %swap3A_90 = arith.constant 0 : index
      %swap3A_91 = tpu.vector_load %arg9[%swap3A_88, %swap3A_89, %swap3A_90] {strides = array<i32>} : memref<2x128x128xf32, #tpu.memory_space<vmem>>, vector<1x1x16xf32>,
      %swap3A_92 = vector.shape_cast %swap3A_91 : vector<1x1x16xf32> to vector<16xf32>
      %swap3A_93 = vector.shape_cast %add3A_87 : vector<16xf32> to vector<1x1x16xf32>
      tpu.vector_store %arg9[%swap3A_88, %swap3A_89, %swap3A_90], %swap3A_93 {strides = array<i32>} : memref<2x128x128xf32, #tpu.memory_space<vmem>>, vector<1x1x16xf32>,
      %get3A_94 = arith.constant 0 : i32
      %get3A_95 = arith.index_cast %get3A_94 : i32 to index
      %get3A_96 = arith.index_cast %scan3A_75 : i32 to index
      %get3A_97 = arith.constant 16 : index
      %get3A_98 = tpu.vector_load %arg9[%get3A_95, %get3A_96, %get3A_97] {strides = array<i32>} : memref<2x128x128xf32, #tpu.memory_space<vmem>>, vector<1x1x16xf32>,
      %get3A_99 = vector.shape_cast %get3A_98 : vector<1x1x16xf32> to vector<16xf32>
      %get3A_100 = arith.constant 0 : i32
      %get3A_101 = arith.index_cast %get3A_100 : i32 to index
      %get3A_102 = arith.index_cast %scan3A_75 : i32 to index
      %get3A_103 = arith.constant 16 : index
      %get3A_104 = tpu.vector_load %arg10[%get3A_101, %get3A_102, %get3A_103] {strides = array<i32>} : memref<2x128x128xf32, #tpu.memory_space<vmem>>, vector<1x1x16xf32>,
      %get3A_105 = vector.shape_cast %get3A_104 : vector<1x1x16xf32> to vector<16xf32>
      %add3A_106 = arith.addf %get3A_99, %get3A_105 : vector<16xf32>
      %swap3A_107 = arith.constant 0 : i32
      %swap3A_108 = arith.index_cast %swap3A_107 : i32 to index
      %swap3A_109 = arith.index_cast %scan3A_75 : i32 to index
      %swap3A_110 = arith.constant 16 : index
      %swap3A_111 = tpu.vector_load %arg9[%swap3A_108, %swap3A_109, %swap3A_110] {strides = array<i32>} : memref<2x128x128xf32, #tpu.memory_space<vmem>>, vector<1x1x16xf32>,
      %swap3A_112 = vector.shape_cast %swap3A_111 : vector<1x1x16xf32> to vector<16xf32>
      %swap3A_113 = vector.shape_cast %add3A_106 : vector<16xf32> to vector<1x1x16xf32>
      tpu.vector_store %arg9[%swap3A_108, %swap3A_109, %swap3A_110], %swap3A_113 {strides = array<i32>} : memref<2x128x128xf32, #tpu.memory_space<vmem>>, vector<1x1x16xf32>,
      %get3A_114 = arith.constant 0 : i32
      %get3A_115 = arith.index_cast %get3A_114 : i32 to index
      %get3A_116 = arith.index_cast %scan3A_75 : i32 to index
      %get3A_117 = arith.constant 32 : index
      %get3A_118 = tpu.vector_load %arg9[%get3A_115, %get3A_116, %get3A_117] {strides = array<i32>} : memref<2x128x128xf32, #tpu.memory_space<vmem>>, vector<1x1x16xf32>,
      %get3A_119 = vector.shape_cast %get3A_118 : vector<1x1x16xf32> to vector<16xf32>
      %get3A_120 = arith.constant 0 : i32
      %get3A_121 = arith.index_cast %get3A_120 : i32 to index
      %get3A_122 = arith.index_cast %scan3A_75 : i32 to index
      %get3A_123 = arith.constant 32 : index
      %get3A_124 = tpu.vector_load %arg10[%get3A_121, %get3A_122, %get3A_123] {strides = array<i32>} : memref<2x128x128xf32, #tpu.memory_space<vmem>>, vector<1x1x16xf32>,
      %get3A_125 = vector.shape_cast %get3A_124 : vector<1x1x16xf32> to vector<16xf32>
      %add3A_126 = arith.addf %get3A_119, %get3A_125 : vector<16xf32>
      %swap3A_127 = arith.constant 0 : i32
      %swap3A_128 = arith.index_cast %swap3A_127 : i32 to index
      %swap3A_129 = arith.index_cast %scan3A_75 : i32 to index
      %swap3A_130 = arith.constant 32 : index
      %swap3A_131 = tpu.vector_load %arg9[%swap3A_128, %swap3A_129, %swap3A_130] {strides = array<i32>} : memref<2x128x128xf32, #tpu.memory_space<vmem>>, vector<1x1x16xf32>,
      %swap3A_132 = vector.shape_cast %swap3A_131 : vector<1x1x16xf32> to vector<16xf32>
      %swap3A_133 = vector.shape_cast %add3A_126 : vector<16xf32> to vector<1x1x16xf32>
      tpu.vector_store %arg9[%swap3A_128, %swap3A_129, %swap3A_130], %swap3A_133 {strides = array<i32>} : memref<2x128x128xf32, #tpu.memory_space<vmem>>, vector<1x1x16xf32>,
      %get3A_134 = arith.constant 0 : i32
      %get3A_135 = arith.index_cast %get3A_134 : i32 to index
      %get3A_136 = arith.index_cast %scan3A_75 : i32 to index
      %get3A_137 = arith.constant 48 : index
      %get3A_138 = tpu.vector_load %arg9[%get3A_135, %get3A_136, %get3A_137] {strides = array<i32>} : memref<2x128x128xf32, #tpu.memory_space<vmem>>, vector<1x1x16xf32>,
      %get3A_139 = vector.shape_cast %get3A_138 : vector<1x1x16xf32> to vector<16xf32>
      %get3A_140 = arith.constant 0 : i32
      %get3A_141 = arith.index_cast %get3A_140 : i32 to index
      %get3A_142 = arith.index_cast %scan3A_75 : i32 to index
      %get3A_143 = arith.constant 48 : index
      %get3A_144 = tpu.vector_load %arg10[%get3A_141, %get3A_142, %get3A_143] {strides = array<i32>} : memref<2x128x128xf32, #tpu.memory_space<vmem>>, vector<1x1x16xf32>,
      %get3A_145 = vector.shape_cast %get3A_144 : vector<1x1x16xf32> to vector<16xf32>
      %add3A_146 = arith.addf %get3A_139, %get3A_145 : vector<16xf32>
      %swap3A_147 = arith.constant 0 : i32
      %swap3A_148 = arith.index_cast %swap3A_147 : i32 to index
      %swap3A_149 = arith.index_cast %scan3A_75 : i32 to index
      %swap3A_150 = arith.constant 48 : index
      %swap3A_151 = tpu.vector_load %arg9[%swap3A_148, %swap3A_149, %swap3A_150] {strides = array<i32>} : memref<2x128x128xf32, #tpu.memory_space<vmem>>, vector<1x1x16xf32>,
      %swap3A_152 = vector.shape_cast %swap3A_151 : vector<1x1x16xf32> to vector<16xf32>
      %swap3A_153 = vector.shape_cast %add3A_146 : vector<16xf32> to vector<1x1x16xf32>
      tpu.vector_store %arg9[%swap3A_148, %swap3A_149, %swap3A_150], %swap3A_153 {strides = array<i32>} : memref<2x128x128xf32, #tpu.memory_space<vmem>>, vector<1x1x16xf32>,
      %get3A_154 = arith.constant 0 : i32
      %get3A_155 = arith.index_cast %get3A_154 : i32 to index
      %get3A_156 = arith.index_cast %scan3A_75 : i32 to index
      %get3A_157 = arith.constant 64 : index
      %get3A_158 = tpu.vector_load %arg9[%get3A_155, %get3A_156, %get3A_157] {strides = array<i32>} : memref<2x128x128xf32, #tpu.memory_space<vmem>>, vector<1x1x16xf32>,
      %get3A_159 = vector.shape_cast %get3A_158 : vector<1x1x16xf32> to vector<16xf32>
      %get3A_160 = arith.constant 0 : i32
      %get3A_161 = arith.index_cast %get3A_160 : i32 to index
      %get3A_162 = arith.index_cast %scan3A_75 : i32 to index
      %get3A_163 = arith.constant 64 : index
      %get3A_164 = tpu.vector_load %arg10[%get3A_161, %get3A_162, %get3A_163] {strides = array<i32>} : memref<2x128x128xf32, #tpu.memory_space<vmem>>, vector<1x1x16xf32>,
      %get3A_165 = vector.shape_cast %get3A_164 : vector<1x1x16xf32> to vector<16xf32>
      %add3A_166 = arith.addf %get3A_159, %get3A_165 : vector<16xf32>
      %swap3A_167 = arith.constant 0 : i32
      %swap3A_168 = arith.index_cast %swap3A_167 : i32 to index
      %swap3A_169 = arith.index_cast %scan3A_75 : i32 to index
      %swap3A_170 = arith.constant 64 : index
      %swap3A_171 = tpu.vector_load %arg9[%swap3A_168, %swap3A_169, %swap3A_170] {strides = array<i32>} : memref<2x128x128xf32, #tpu.memory_space<vmem>>, vector<1x1x16xf32>,
      %swap3A_172 = vector.shape_cast %swap3A_171 : vector<1x1x16xf32> to vector<16xf32>
      %swap3A_173 = vector.shape_cast %add3A_166 : vector<16xf32> to vector<1x1x16xf32>
      tpu.vector_store %arg9[%swap3A_168, %swap3A_169, %swap3A_170], %swap3A_173 {strides = array<i32>} : memref<2x128x128xf32, #tpu.memory_space<vmem>>, vector<1x1x16xf32>,
      %get3A_174 = arith.constant 0 : i32
      %get3A_175 = arith.index_cast %get3A_174 : i32 to index
      %get3A_176 = arith.index_cast %scan3A_75 : i32 to index
      %get3A_177 = arith.constant 80 : index
      %get3A_178 = tpu.vector_load %arg9[%get3A_175, %get3A_176, %get3A_177] {strides = array<i32>} : memref<2x128x128xf32, #tpu.memory_space<vmem>>, vector<1x1x16xf32>,
      %get3A_179 = vector.shape_cast %get3A_178 : vector<1x1x16xf32> to vector<16xf32>
      %get3A_180 = arith.constant 0 : i32
      %get3A_181 = arith.index_cast %get3A_180 : i32 to index
      %get3A_182 = arith.index_cast %scan3A_75 : i32 to index
      %get3A_183 = arith.constant 80 : index
      %get3A_184 = tpu.vector_load %arg10[%get3A_181, %get3A_182, %get3A_183] {strides = array<i32>} : memref<2x128x128xf32, #tpu.memory_space<vmem>>, vector<1x1x16xf32>,
      %get3A_185 = vector.shape_cast %get3A_184 : vector<1x1x16xf32> to vector<16xf32>
      %add3A_186 = arith.addf %get3A_179, %get3A_185 : vector<16xf32>
      %swap3A_187 = arith.constant 0 : i32
      %swap3A_188 = arith.index_cast %swap3A_187 : i32 to index
      %swap3A_189 = arith.index_cast %scan3A_75 : i32 to index
      %swap3A_190 = arith.constant 80 : index
      %swap3A_191 = tpu.vector_load %arg9[%swap3A_188, %swap3A_189, %swap3A_190] {strides = array<i32>} : memref<2x128x128xf32, #tpu.memory_space<vmem>>, vector<1x1x16xf32>,
      %swap3A_192 = vector.shape_cast %swap3A_191 : vector<1x1x16xf32> to vector<16xf32>
      %swap3A_193 = vector.shape_cast %add3A_186 : vector<16xf32> to vector<1x1x16xf32>
      tpu.vector_store %arg9[%swap3A_188, %swap3A_189, %swap3A_190], %swap3A_193 {strides = array<i32>} : memref<2x128x128xf32, #tpu.memory_space<vmem>>, vector<1x1x16xf32>,
      %get3A_194 = arith.constant 0 : i32
      %get3A_195 = arith.index_cast %get3A_194 : i32 to index
      %get3A_196 = arith.index_cast %scan3A_75 : i32 to index
      %get3A_197 = arith.constant 96 : index
      %get3A_198 = tpu.vector_load %arg9[%get3A_195, %get3A_196, %get3A_197] {strides = array<i32>} : memref<2x128x128xf32, #tpu.memory_space<vmem>>, vector<1x1x16xf32>,
      %get3A_199 = vector.shape_cast %get3A_198 : vector<1x1x16xf32> to vector<16xf32>
      %get3A_200 = arith.constant 0 : i32
      %get3A_201 = arith.index_cast %get3A_200 : i32 to index
      %get3A_202 = arith.index_cast %scan3A_75 : i32 to index
      %get3A_203 = arith.constant 96 : index
      %get3A_204 = tpu.vector_load %arg10[%get3A_201, %get3A_202, %get3A_203] {strides = array<i32>} : memref<2x128x128xf32, #tpu.memory_space<vmem>>, vector<1x1x16xf32>,
      %get3A_205 = vector.shape_cast %get3A_204 : vector<1x1x16xf32> to vector<16xf32>
      %add3A_206 = arith.addf %get3A_199, %get3A_205 : vector<16xf32>
      %swap3A_207 = arith.constant 0 : i32
      %swap3A_208 = arith.index_cast %swap3A_207 : i32 to index
      %swap3A_209 = arith.index_cast %scan3A_75 : i32 to index
      %swap3A_210 = arith.constant 96 : index
      %swap3A_211 = tpu.vector_load %arg9[%swap3A_208, %swap3A_209, %swap3A_210] {strides = array<i32>} : memref<2x128x128xf32, #tpu.memory_space<vmem>>, vector<1x1x16xf32>,
      %swap3A_212 = vector.shape_cast %swap3A_211 : vector<1x1x16xf32> to vector<16xf32>
      %swap3A_213 = vector.shape_cast %add3A_206 : vector<16xf32> to vector<1x1x16xf32>
      tpu.vector_store %arg9[%swap3A_208, %swap3A_209, %swap3A_210], %swap3A_213 {strides = array<i32>} : memref<2x128x128xf32, #tpu.memory_space<vmem>>, vector<1x1x16xf32>,
      %get3A_214 = arith.constant 0 : i32
      %get3A_215 = arith.index_cast %get3A_214 : i32 to index
      %get3A_216 = arith.index_cast %scan3A_75 : i32 to index
      %get3A_217 = arith.constant 112 : index
      %get3A_218 = tpu.vector_load %arg9[%get3A_215, %get3A_216, %get3A_217] {strides = array<i32>} : memref<2x128x128xf32, #tpu.memory_space<vmem>>, vector<1x1x16xf32>,
      %get3A_219 = vector.shape_cast %get3A_218 : vector<1x1x16xf32> to vector<16xf32>
      %get3A_220 = arith.constant 0 : i32
      %get3A_221 = arith.index_cast %get3A_220 : i32 to index
      %get3A_222 = arith.index_cast %scan3A_75 : i32 to index
      %get3A_223 = arith.constant 112 : index
      %get3A_224 = tpu.vector_load %arg10[%get3A_221, %get3A_222, %get3A_223] {strides = array<i32>} : memref<2x128x128xf32, #tpu.memory_space<vmem>>, vector<1x1x16xf32>,
      %get3A_225 = vector.shape_cast %get3A_224 : vector<1x1x16xf32> to vector<16xf32>
      %add3A_226 = arith.addf %get3A_219, %get3A_225 : vector<16xf32>
      %swap3A_227 = arith.constant 0 : i32
      %swap3A_228 = arith.index_cast %swap3A_227 : i32 to index
      %swap3A_229 = arith.index_cast %scan3A_75 : i32 to index
      %swap3A_230 = arith.constant 112 : index
      %swap3A_231 = tpu.vector_load %arg9[%swap3A_228, %swap3A_229, %swap3A_230] {strides = array<i32>} : memref<2x128x128xf32, #tpu.memory_space<vmem>>, vector<1x1x16xf32>,
      %swap3A_232 = vector.shape_cast %swap3A_231 : vector<1x1x16xf32> to vector<16xf32>
      %swap3A_233 = vector.shape_cast %add3A_226 : vector<16xf32> to vector<1x1x16xf32>
      tpu.vector_store %arg9[%swap3A_228, %swap3A_229, %swap3A_230], %swap3A_233 {strides = array<i32>} : memref<2x128x128xf32, #tpu.memory_space<vmem>>, vector<1x1x16xf32>,
    }
    %scan3A_59 = arith.constant 128 : i32
    %add3A_60 = arith.constant 24 : i32
    %add3A_61 = arith.addi %mul3A_2, %add3A_60 : i32
    %mul3A_62 = arith.constant 128 : i32
    %mul3A_63 = arith.muli %add3A_61, %mul3A_62 : i32
    %add3A_64 = arith.constant 128 : i32
    %add3A_65 = arith.addi %mul3A_63, %add3A_64 : i32
    %le3A = arith.constant 100000 : i32
    %le3A_66 = arith.cmpi sle, %add3A_65, %le3A : i32
    %convert_element_type3A = arith.extui %le3A_66 : i1 to i32
    %cond3A = arith.constant 0 : i32
    %cond3A_67 = arith.cmpi ne, %convert_element_type3A, %cond3A : i32
    scf.if %cond3A_67 {
      %run_scoped3A = arith.constant 0 : i32
      "tpu.region"() ({
        %run_scoped3A_75 = tpu.sem_alloc : memref<!tpu.dma_semaphore, #tpu.memory_space<semaphore_mem>>
        %dma_start3A_76 = arith.constant 0 : i32
        %dma_start3A_77 = arith.constant 0 : i32
        %dma_start3A_78 = tpu.memref_slice %arg9[%run_scoped3A, %dma_start3A_76, %dma_start3A_77] : memref<2x128x128xf32, #tpu.memory_space<vmem>> -> memref<1x128x128xf32, #tpu.memory_space<vmem>>
        %dma_start3A_79 = tpu.memref_squeeze %dma_start3A_78 : memref<1x128x128xf32, #tpu.memory_space<vmem>> -> memref<128x128xf32, #tpu.memory_space<vmem>>
        %dma_start3A_80 = arith.constant 0 : i32
        %dma_start3A_81 = tpu.memref_slice %arg6[%mul3A_63, %dma_start3A_80] : memref<100000x128xf32, #tpu.memory_space<hbm>> -> memref<128x128xf32, #tpu.memory_space<hbm>>
        %dma_start3A_82 = arith.constant 0 : i32
        %dma_start3A_83 = tpu.memref_slice %arg6[%mul3A_63, %dma_start3A_82] : memref<100000x128xf32, #tpu.memory_space<hbm>> -> memref<128x128xf32, #tpu.memory_space<hbm>>
        %dma_start3A_84 = arith.constant 0 : i32
        %dma_start3A_85 = arith.constant 0 : i32
        %dma_start3A_86 = tpu.memref_slice %arg9[%run_scoped3A, %dma_start3A_84, %dma_start3A_85] : memref<2x128x128xf32, #tpu.memory_space<vmem>> -> memref<1x128x128xf32, #tpu.memory_space<vmem>>
        %dma_start3A_87 = tpu.memref_squeeze %dma_start3A_86 : memref<1x128x128xf32, #tpu.memory_space<vmem>> -> memref<128x128xf32, #tpu.memory_space<vmem>>
        tpu.enqueue_dma source(%dma_start3A_87 : memref<128x128xf32, #tpu.memory_space<vmem>>) target(%dma_start3A_83 : memref<128x128xf32, #tpu.memory_space<hbm>>) target_semaphore(%run_scoped3A_75 : memref<!tpu.dma_semaphore, #tpu.memory_space<semaphore_mem>>)
        %dma_wait3A_88 = arith.constant 0 : i32
        %dma_wait3A_89 = arith.constant 0 : i32
        %dma_wait3A_90 = tpu.memref_slice %arg9[%run_scoped3A, %dma_wait3A_88, %dma_wait3A_89] : memref<2x128x128xf32, #tpu.memory_space<vmem>> -> memref<1x128x128xf32, #tpu.memory_space<vmem>>
        %dma_wait3A_91 = tpu.memref_squeeze %dma_wait3A_90 : memref<1x128x128xf32, #tpu.memory_space<vmem>> -> memref<128x128xf32, #tpu.memory_space<vmem>>
        %dma_wait3A_92 = arith.constant 0 : i32
        %dma_wait3A_93 = tpu.memref_slice %arg6[%mul3A_63, %dma_wait3A_92] : memref<100000x128xf32, #tpu.memory_space<hbm>> -> memref<128x128xf32, #tpu.memory_space<hbm>>
        %dma_wait3A_94 = arith.constant 0 : i32
        %dma_wait3A_95 = tpu.memref_slice %arg6[%mul3A_63, %dma_wait3A_94] : memref<100000x128xf32, #tpu.memory_space<hbm>> -> memref<128x128xf32, #tpu.memory_space<hbm>>
        %dma_wait3A_96 = arith.constant 0 : i32
        %dma_wait3A_97 = arith.constant 0 : i32
        %dma_wait3A_98 = tpu.memref_slice %arg9[%run_scoped3A, %dma_wait3A_96, %dma_wait3A_97] : memref<2x128x128xf32, #tpu.memory_space<vmem>> -> memref<1x128x128xf32, #tpu.memory_space<vmem>>
        %dma_wait3A_99 = tpu.memref_squeeze %dma_wait3A_98 : memref<1x128x128xf32, #tpu.memory_space<vmem>> -> memref<128x128xf32, #tpu.memory_space<vmem>>
        tpu.wait_dma2 semaphore(%run_scoped3A_75 : memref<!tpu.dma_semaphore, #tpu.memory_space<semaphore_mem>>) src(%dma_wait3A_99 : memref<128x128xf32, #tpu.memory_space<vmem>>) dst(%dma_wait3A_95 : memref<128x128xf32, #tpu.memory_space<hbm>>)
        tpu.yield
      }) : () -> ()
    } else {
    }
    %lt3A = arith.constant 100000 : i32
    %lt3A_68 = arith.cmpi slt, %mul3A_63, %lt3A : i32
    %add3A_69 = arith.constant 128 : i32
    %add3A_70 = arith.addi %mul3A_63, %add3A_69 : i32
    %gt3A = arith.constant 100000 : i32
    %gt3A_71 = arith.cmpi sgt, %add3A_70, %gt3A : i32
    %and3A = arith.andi %lt3A_68, %gt3A_71 : i1
    %convert_element_type3A_72 = arith.extui %and3A : i1 to i32
    %cond3A_73 = arith.constant 0 : i32
    %cond3A_74 = arith.cmpi ne, %convert_element_type3A_72, %cond3A_73 : i32
    scf.if %cond3A_74 {
      %run_scoped3A = arith.constant 0 : i32
      "tpu.region"() ({
        %run_scoped3A_75 = tpu.sem_alloc : memref<!tpu.dma_semaphore, #tpu.memory_space<semaphore_mem>>
        %dma_start3A_76 = arith.constant 0 : i32
        %dma_start3A_77 = arith.constant 0 : i32
        %dma_start3A_78 = tpu.memref_slice %arg9[%run_scoped3A, %dma_start3A_76, %dma_start3A_77] : memref<2x128x128xf32, #tpu.memory_space<vmem>> -> memref<1x128x128xf32, #tpu.memory_space<vmem>>
        %dma_start3A_79 = tpu.memref_squeeze %dma_start3A_78 : memref<1x128x128xf32, #tpu.memory_space<vmem>> -> memref<128x128xf32, #tpu.memory_space<vmem>>
        %dma_start3A_80 = arith.constant 0 : i32
        %dma_start3A_81 = arith.constant 0 : i32
        %dma_start3A_82 = tpu.memref_slice %dma_start3A_79[%dma_start3A_80, %dma_start3A_81] : memref<128x128xf32, #tpu.memory_space<vmem>> -> memref<32x128xf32, #tpu.memory_space<vmem>>
        %dma_start3A_83 = arith.constant 0 : i32
        %dma_start3A_84 = tpu.memref_slice %arg6[%mul3A_63, %dma_start3A_83] : memref<100000x128xf32, #tpu.memory_space<hbm>> -> memref<32x128xf32, #tpu.memory_space<hbm>>
        %dma_start3A_85 = arith.constant 0 : i32
        %dma_start3A_86 = tpu.memref_slice %arg6[%mul3A_63, %dma_start3A_85] : memref<100000x128xf32, #tpu.memory_space<hbm>> -> memref<32x128xf32, #tpu.memory_space<hbm>>
        %dma_start3A_87 = arith.constant 0 : i32
        %dma_start3A_88 = arith.constant 0 : i32
        %dma_start3A_89 = tpu.memref_slice %arg9[%run_scoped3A, %dma_start3A_87, %dma_start3A_88] : memref<2x128x128xf32, #tpu.memory_space<vmem>> -> memref<1x128x128xf32, #tpu.memory_space<vmem>>
        %dma_start3A_90 = tpu.memref_squeeze %dma_start3A_89 : memref<1x128x128xf32, #tpu.memory_space<vmem>> -> memref<128x128xf32, #tpu.memory_space<vmem>>
        %dma_start3A_91 = arith.constant 0 : i32
        %dma_start3A_92 = arith.constant 0 : i32
        %dma_start3A_93 = tpu.memref_slice %dma_start3A_90[%dma_start3A_91, %dma_start3A_92] : memref<128x128xf32, #tpu.memory_space<vmem>> -> memref<32x128xf32, #tpu.memory_space<vmem>>
        tpu.enqueue_dma source(%dma_start3A_93 : memref<32x128xf32, #tpu.memory_space<vmem>>) target(%dma_start3A_86 : memref<32x128xf32, #tpu.memory_space<hbm>>) target_semaphore(%run_scoped3A_75 : memref<!tpu.dma_semaphore, #tpu.memory_space<semaphore_mem>>)
        %dma_wait3A_94 = arith.constant 0 : i32
        %dma_wait3A_95 = arith.constant 0 : i32
        %dma_wait3A_96 = tpu.memref_slice %arg9[%run_scoped3A, %dma_wait3A_94, %dma_wait3A_95] : memref<2x128x128xf32, #tpu.memory_space<vmem>> -> memref<1x128x128xf32, #tpu.memory_space<vmem>>
        %dma_wait3A_97 = tpu.memref_squeeze %dma_wait3A_96 : memref<1x128x128xf32, #tpu.memory_space<vmem>> -> memref<128x128xf32, #tpu.memory_space<vmem>>
        %dma_wait3A_98 = arith.constant 0 : i32
        %dma_wait3A_99 = arith.constant 0 : i32
        %dma_wait3A_100 = tpu.memref_slice %dma_wait3A_97[%dma_wait3A_98, %dma_wait3A_99] : memref<128x128xf32, #tpu.memory_space<vmem>> -> memref<32x128xf32, #tpu.memory_space<vmem>>
        %dma_wait3A_101 = arith.constant 0 : i32
        %dma_wait3A_102 = tpu.memref_slice %arg6[%mul3A_63, %dma_wait3A_101] : memref<100000x128xf32, #tpu.memory_space<hbm>> -> memref<32x128xf32, #tpu.memory_space<hbm>>
        %dma_wait3A_103 = arith.constant 0 : i32
        %dma_wait3A_104 = tpu.memref_slice %arg6[%mul3A_63, %dma_wait3A_103] : memref<100000x128xf32, #tpu.memory_space<hbm>> -> memref<32x128xf32, #tpu.memory_space<hbm>>
        %dma_wait3A_105 = arith.constant 0 : i32
        %dma_wait3A_106 = arith.constant 0 : i32
        %dma_wait3A_107 = tpu.memref_slice %arg9[%run_scoped3A, %dma_wait3A_105, %dma_wait3A_106] : memref<2x128x128xf32, #tpu.memory_space<vmem>> -> memref<1x128x128xf32, #tpu.memory_space<vmem>>
        %dma_wait3A_108 = tpu.memref_squeeze %dma_wait3A_107 : memref<1x128x128xf32, #tpu.memory_space<vmem>> -> memref<128x128xf32, #tpu.memory_space<vmem>>
        %dma_wait3A_109 = arith.constant 0 : i32
        %dma_wait3A_110 = arith.constant 0 : i32
        %dma_wait3A_111 = tpu.memref_slice %dma_wait3A_108[%dma_wait3A_109, %dma_wait3A_110] : memref<128x128xf32, #tpu.memory_space<vmem>> -> memref<32x128xf32, #tpu.memory_space<vmem>>
        tpu.wait_dma2 semaphore(%run_scoped3A_75 : memref<!tpu.dma_semaphore, #tpu.memory_space<semaphore_mem>>) src(%dma_wait3A_111 : memref<32x128xf32, #tpu.memory_space<vmem>>) dst(%dma_wait3A_104 : memref<32x128xf32, #tpu.memory_space<hbm>>)
        tpu.yield
      }) : () -> ()
    } else {
    }
    return
  }
}

module attributes {stable_mosaic.version = 14 : i64} {
  func.func @_dense1_body(%arg0: i32, %arg1: memref<16x2048xf32, #tpu.memory_space<vmem>>, %arg2: memref<16x2048xf32, #tpu.memory_space<vmem>>, %arg3: memref<16x2048xf32, #tpu.memory_space<vmem>>, %arg4: memref<16x2048xf32, #tpu.memory_space<vmem>>, %arg5: memref<16x32xf32, #tpu.memory_space<vmem>>, %arg6: memref<32x32xf32, #tpu.memory_space<vmem>>, %arg7: memref<1x32xf32, #tpu.memory_space<vmem>>, %arg8: memref<32x32xf32, #tpu.memory_space<vmem>>, %arg9: memref<1x32xf32, #tpu.memory_space<vmem>>, %arg10: memref<64x128xf32, #tpu.memory_space<vmem>>, %arg11: memref<2048x128xf32, #tpu.memory_space<vmem>>) attributes {dimension_semantics = [#tpu.dimension_semantics<arbitrary>], iteration_bounds = array<i64: 5>, scalar_prefetch = 0 : i64, scratch_operands = 0 : i64, tpu.core_type = #tpu.core_type<tc>, window_params = [{transform_indices = @transform_0, window_bounds = array<i64: 16, 2048>}, {transform_indices = @transform_1, window_bounds = array<i64: 16, 2048>}, {transform_indices = @transform_2, window_bounds = array<i64: 16, 2048>}, {transform_indices = @transform_3, window_bounds = array<i64: 16, 2048>}, {pipeline_mode = #tpu.pipeline_mode<synchronous>, transform_indices = @transform_4, window_bounds = array<i64: 16, 32>}, {pipeline_mode = #tpu.pipeline_mode<synchronous>, transform_indices = @transform_5, window_bounds = array<i64: 32, 32>}, {pipeline_mode = #tpu.pipeline_mode<synchronous>, transform_indices = @transform_6, window_bounds = array<i64: 1, 32>}, {pipeline_mode = #tpu.pipeline_mode<synchronous>, transform_indices = @transform_7, window_bounds = array<i64: 32, 32>}, {pipeline_mode = #tpu.pipeline_mode<synchronous>, transform_indices = @transform_8, window_bounds = array<i64: 1, 32>}, {pipeline_mode = #tpu.pipeline_mode<synchronous>, transform_indices = @transform_9, window_bounds = array<i64: 64, 128>}, {transform_indices = @transform_10, window_bounds = array<i64: 2048, 128>}]} {
    %get3A = arith.constant 0 : index
    %get3A_0 = arith.constant 0 : index
    %get3A_1 = vector.load %arg1[%get3A, %get3A_0] : memref<16x2048xf32, #tpu.memory_space<vmem>>, vector<16x2048xf32>
    %get3A_2 = arith.constant 0 : index
    %get3A_3 = arith.constant 0 : index
    %get3A_4 = vector.load %arg2[%get3A_2, %get3A_3] : memref<16x2048xf32, #tpu.memory_space<vmem>>, vector<16x2048xf32>
    %add3A = arith.addf %get3A_1, %get3A_4 : vector<16x2048xf32>
    %get3A_5 = arith.constant 0 : index
    %get3A_6 = arith.constant 0 : index
    %get3A_7 = vector.load %arg3[%get3A_5, %get3A_6] : memref<16x2048xf32, #tpu.memory_space<vmem>>, vector<16x2048xf32>
    %get3A_8 = arith.constant 0 : index
    %get3A_9 = arith.constant 0 : index
    %get3A_10 = vector.load %arg4[%get3A_8, %get3A_9] : memref<16x2048xf32, #tpu.memory_space<vmem>>, vector<16x2048xf32>
    %add3A_11 = arith.addf %get3A_7, %get3A_10 : vector<16x2048xf32>
    %broadcast_in_dim3A = arith.constant 1.000000e+00 : f32
    %broadcast_in_dim3A_12 = vector.broadcast %broadcast_in_dim3A : f32 to vector<16x1xf32>
    %dot_general3A = arith.constant dense<0.000000e+00> : vector<2048x1xf32>
    %dot_general3A_13 = tpu.matmul %add3A, %broadcast_in_dim3A_12, %dot_general3A {dimension_numbers = #tpu.dot_dimension_numbers<[0], [0], [1], [1], [0, 1, 1, 1], [], []>, precision = #tpu.contract_precision<fp32>, transpose_lhs_hint = false} : vector<16x2048xf32>, vector<16x1xf32>, vector<2048x1xf32> -> vector<2048x1xf32>
    %broadcast_in_dim3A_14 = arith.constant 1.000000e+00 : f32
    %broadcast_in_dim3A_15 = vector.broadcast %broadcast_in_dim3A_14 : f32 to vector<16x1xf32>
    %dot_general3A_16 = arith.constant dense<0.000000e+00> : vector<2048x1xf32>
    %dot_general3A_17 = tpu.matmul %add3A_11, %broadcast_in_dim3A_15, %dot_general3A_16 {dimension_numbers = #tpu.dot_dimension_numbers<[0], [0], [1], [1], [0, 1, 1, 1], [], []>, precision = #tpu.contract_precision<fp32>, transpose_lhs_hint = false} : vector<16x2048xf32>, vector<16x1xf32>, vector<2048x1xf32> -> vector<2048x1xf32>
    %get3A_18 = arith.constant 0 : index
    %get3A_19 = arith.constant 0 : index
    %get3A_20 = vector.load %arg5[%get3A_18, %get3A_19] : memref<16x32xf32, #tpu.memory_space<vmem>>, vector<16x32xf32>
    %get3A_21 = arith.constant 0 : index
    %get3A_22 = arith.constant 0 : index
    %get3A_23 = vector.load %arg6[%get3A_21, %get3A_22] : memref<32x32xf32, #tpu.memory_space<vmem>>, vector<32x32xf32>
    %dot_general3A_24 = arith.constant dense<0.000000e+00> : vector<16x32xf32>
    %dot_general3A_25 = tpu.matmul %get3A_20, %get3A_23, %dot_general3A_24 {dimension_numbers = #tpu.dot_dimension_numbers<[1], [0], [0], [1], [0, 0, 1, 1], [], []>, precision = #tpu.contract_precision<fp32>, transpose_lhs_hint = false} : vector<16x32xf32>, vector<32x32xf32>, vector<16x32xf32> -> vector<16x32xf32>
    %get3A_26 = arith.constant 0 : index
    %get3A_27 = arith.constant 0 : index
    %get3A_28 = vector.load %arg7[%get3A_26, %get3A_27] : memref<1x32xf32, #tpu.memory_space<vmem>>, vector<1x32xf32>
    %add3A_29 = vector.broadcast %get3A_28 : vector<1x32xf32> to vector<16x32xf32>
    %add3A_30 = arith.addf %dot_general3A_25, %add3A_29 : vector<16x32xf32>
    %get3A_31 = arith.constant 0 : index
    %get3A_32 = arith.constant 0 : index
    %get3A_33 = vector.load %arg5[%get3A_31, %get3A_32] : memref<16x32xf32, #tpu.memory_space<vmem>>, vector<16x32xf32>
    %get3A_34 = arith.constant 0 : index
    %get3A_35 = arith.constant 0 : index
    %get3A_36 = vector.load %arg8[%get3A_34, %get3A_35] : memref<32x32xf32, #tpu.memory_space<vmem>>, vector<32x32xf32>
    %dot_general3A_37 = arith.constant dense<0.000000e+00> : vector<16x32xf32>
    %dot_general3A_38 = tpu.matmul %get3A_33, %get3A_36, %dot_general3A_37 {dimension_numbers = #tpu.dot_dimension_numbers<[1], [0], [0], [1], [0, 0, 1, 1], [], []>, precision = #tpu.contract_precision<fp32>, transpose_lhs_hint = false} : vector<16x32xf32>, vector<32x32xf32>, vector<16x32xf32> -> vector<16x32xf32>
    %get3A_39 = arith.constant 0 : index
    %get3A_40 = arith.constant 0 : index
    %get3A_41 = vector.load %arg9[%get3A_39, %get3A_40] : memref<1x32xf32, #tpu.memory_space<vmem>>, vector<1x32xf32>
    %add3A_42 = vector.broadcast %get3A_41 : vector<1x32xf32> to vector<16x32xf32>
    %add3A_43 = arith.addf %dot_general3A_38, %add3A_42 : vector<16x32xf32>
    %dot_general3A_44 = arith.constant dense<0.000000e+00> : vector<2048x32xf32>
    %dot_general3A_45 = tpu.matmul %add3A, %add3A_30, %dot_general3A_44 {dimension_numbers = #tpu.dot_dimension_numbers<[0], [0], [1], [1], [0, 1, 1, 1], [], []>, precision = #tpu.contract_precision<fp32>, transpose_lhs_hint = false} : vector<16x2048xf32>, vector<16x32xf32>, vector<2048x32xf32> -> vector<2048x32xf32>
    %max3A = arith.constant 1.000000e+00 : f32
    %max3A_46 = vector.broadcast %max3A : f32 to vector<2048x1xf32>
    %max3A_47 = arith.maximumf %dot_general3A_13, %max3A_46 : vector<2048x1xf32>
    %div3A = vector.broadcast %max3A_47 : vector<2048x1xf32> to vector<2048x32xf32>
    %div3A_48 = arith.divf %dot_general3A_45, %div3A : vector<2048x32xf32>
    %dot_general3A_49 = arith.constant dense<0.000000e+00> : vector<2048x32xf32>
    %dot_general3A_50 = tpu.matmul %add3A_11, %add3A_43, %dot_general3A_49 {dimension_numbers = #tpu.dot_dimension_numbers<[0], [0], [1], [1], [0, 1, 1, 1], [], []>, precision = #tpu.contract_precision<fp32>, transpose_lhs_hint = false} : vector<16x2048xf32>, vector<16x32xf32>, vector<2048x32xf32> -> vector<2048x32xf32>
    %max3A_51 = arith.constant 1.000000e+00 : f32
    %max3A_52 = vector.broadcast %max3A_51 : f32 to vector<2048x1xf32>
    %max3A_53 = arith.maximumf %dot_general3A_17, %max3A_52 : vector<2048x1xf32>
    %div3A_54 = vector.broadcast %max3A_53 : vector<2048x1xf32> to vector<2048x32xf32>
    %div3A_55 = arith.divf %dot_general3A_50, %div3A_54 : vector<2048x32xf32>
    %max3A_56 = arith.constant 1.000000e+00 : f32
    %max3A_57 = vector.broadcast %max3A_56 : f32 to vector<2048x1xf32>
    %max3A_58 = arith.maximumf %dot_general3A_13, %max3A_57 : vector<2048x1xf32>
    %rsqrt3A = math.rsqrt %max3A_58 : vector<2048x1xf32>
    %concatenate3A = tpu.concatenate %div3A_48, %div3A_55 in 1 : vector<2048x32xf32>, vector<2048x32xf32> -> vector<2048x64xf32>
    %mul3A = vector.broadcast %rsqrt3A : vector<2048x1xf32> to vector<2048x64xf32>
    %mul3A_59 = arith.mulf %concatenate3A, %mul3A : vector<2048x64xf32>
    %get3A_60 = arith.constant 0 : index
    %get3A_61 = arith.constant 0 : index
    %get3A_62 = vector.load %arg10[%get3A_60, %get3A_61] : memref<64x128xf32, #tpu.memory_space<vmem>>, vector<64x128xf32>
    %dot_general3A_63 = arith.constant dense<0.000000e+00> : vector<2048x128xf32>
    %dot_general3A_64 = tpu.matmul %mul3A_59, %get3A_62, %dot_general3A_63 {dimension_numbers = #tpu.dot_dimension_numbers<[1], [0], [0], [1], [0, 0, 1, 1], [], []>, precision = #tpu.contract_precision<fp32>, transpose_lhs_hint = false} : vector<2048x64xf32>, vector<64x128xf32>, vector<2048x128xf32> -> vector<2048x128xf32>
    %swap3A = arith.constant 0 : index
    %swap3A_65 = arith.constant 0 : index
    %swap3A_66 = vector.load %arg11[%swap3A, %swap3A_65] : memref<2048x128xf32, #tpu.memory_space<vmem>>, vector<2048x128xf32>
    tpu.vector_store %arg11[%swap3A, %swap3A_65], %dot_general3A_64 {strides = array<i32>} : memref<2048x128xf32, #tpu.memory_space<vmem>>, vector<2048x128xf32>,
    return
  }
  func.func @transform_0(%arg0: i32) -> (i32, i32) {
    %c0_i32 = arith.constant 0 : i32
    %c0_i32_0 = arith.constant 0 : i32
    return %c0_i32, %arg0 : i32, i32
  }
  func.func @transform_1(%arg0: i32) -> (i32, i32) {
    %c0_i32 = arith.constant 0 : i32
    %c0_i32_0 = arith.constant 0 : i32
    return %c0_i32, %arg0 : i32, i32
  }
  func.func @transform_2(%arg0: i32) -> (i32, i32) {
    %c0_i32 = arith.constant 0 : i32
    %c0_i32_0 = arith.constant 0 : i32
    return %c0_i32, %arg0 : i32, i32
  }
  func.func @transform_3(%arg0: i32) -> (i32, i32) {
    %c0_i32 = arith.constant 0 : i32
    %c0_i32_0 = arith.constant 0 : i32
    return %c0_i32, %arg0 : i32, i32
  }
  func.func @transform_4(%arg0: i32) -> (i32, i32) {
    %c0_i32 = arith.constant 0 : i32
    %c0_i32_0 = arith.constant 0 : i32
    %c0_i32_1 = arith.constant 0 : i32
    return %c0_i32, %c0_i32_0 : i32, i32
  }
  func.func @transform_5(%arg0: i32) -> (i32, i32) {
    %c0_i32 = arith.constant 0 : i32
    %c0_i32_0 = arith.constant 0 : i32
    %c0_i32_1 = arith.constant 0 : i32
    return %c0_i32, %c0_i32_0 : i32, i32
  }
  func.func @transform_6(%arg0: i32) -> (i32, i32) {
    %c0_i32 = arith.constant 0 : i32
    %c0_i32_0 = arith.constant 0 : i32
    %c0_i32_1 = arith.constant 0 : i32
    return %c0_i32, %c0_i32_0 : i32, i32
  }
  func.func @transform_7(%arg0: i32) -> (i32, i32) {
    %c0_i32 = arith.constant 0 : i32
    %c0_i32_0 = arith.constant 0 : i32
    %c0_i32_1 = arith.constant 0 : i32
    return %c0_i32, %c0_i32_0 : i32, i32
  }
  func.func @transform_8(%arg0: i32) -> (i32, i32) {
    %c0_i32 = arith.constant 0 : i32
    %c0_i32_0 = arith.constant 0 : i32
    %c0_i32_1 = arith.constant 0 : i32
    return %c0_i32, %c0_i32_0 : i32, i32
  }
  func.func @transform_9(%arg0: i32) -> (i32, i32) {
    %c0_i32 = arith.constant 0 : i32
    %c0_i32_0 = arith.constant 0 : i32
    %c0_i32_1 = arith.constant 0 : i32
    return %c0_i32, %c0_i32_0 : i32, i32
  }
  func.func @transform_10(%arg0: i32) -> (i32, i32) {
    %c0_i32 = arith.constant 0 : i32
    %c0_i32_0 = arith.constant 0 : i32
    return %arg0, %c0_i32 : i32, i32
  }
}

module attributes {stable_mosaic.version = 14 : i64} {
  func.func @_dense2_body(%arg0: i32, %arg1: memref<2x2048x128xf32, #tpu.memory_space<vmem>>, %arg2: memref<16x2048xf32, #tpu.memory_space<vmem>>, %arg3: memref<16x2048xf32, #tpu.memory_space<vmem>>, %arg4: memref<16x2048xf32, #tpu.memory_space<vmem>>, %arg5: memref<16x2048xf32, #tpu.memory_space<vmem>>, %arg6: memref<1x128xf32, #tpu.memory_space<vmem>>, %arg7: memref<128x128xf32, #tpu.memory_space<vmem>>, %arg8: memref<2048x128xf32, #tpu.memory_space<vmem>>) attributes {dimension_semantics = [#tpu.dimension_semantics<arbitrary>], iteration_bounds = array<i64: 5>, scalar_prefetch = 0 : i64, scratch_operands = 0 : i64, tpu.core_type = #tpu.core_type<tc>, window_params = [{transform_indices = @transform_0, window_bounds = array<i64: 2, 2048, 128>}, {transform_indices = @transform_1, window_bounds = array<i64: 16, 2048>}, {transform_indices = @transform_2, window_bounds = array<i64: 16, 2048>}, {transform_indices = @transform_3, window_bounds = array<i64: 16, 2048>}, {transform_indices = @transform_4, window_bounds = array<i64: 16, 2048>}, {pipeline_mode = #tpu.pipeline_mode<synchronous>, transform_indices = @transform_5, window_bounds = array<i64: 1, 128>}, {pipeline_mode = #tpu.pipeline_mode<synchronous>, transform_indices = @transform_6, window_bounds = array<i64: 128, 128>}, {transform_indices = @transform_7, window_bounds = array<i64: 2048, 128>}]} {
    %get3A = arith.constant 0 : index
    %get3A_0 = arith.constant 0 : index
    %get3A_1 = vector.load %arg2[%get3A, %get3A_0] : memref<16x2048xf32, #tpu.memory_space<vmem>>, vector<16x2048xf32>
    %get3A_2 = arith.constant 0 : index
    %get3A_3 = arith.constant 0 : index
    %get3A_4 = vector.load %arg3[%get3A_2, %get3A_3] : memref<16x2048xf32, #tpu.memory_space<vmem>>, vector<16x2048xf32>
    %add3A = arith.addf %get3A_1, %get3A_4 : vector<16x2048xf32>
    %broadcast_in_dim3A = arith.constant 1.000000e+00 : f32
    %broadcast_in_dim3A_5 = vector.broadcast %broadcast_in_dim3A : f32 to vector<16x1xf32>
    %dot_general3A = arith.constant dense<0.000000e+00> : vector<2048x1xf32>
    %dot_general3A_6 = tpu.matmul %add3A, %broadcast_in_dim3A_5, %dot_general3A {dimension_numbers = #tpu.dot_dimension_numbers<[0], [0], [1], [1], [0, 1, 1, 1], [], []>, precision = #tpu.contract_precision<fp32>, transpose_lhs_hint = false} : vector<16x2048xf32>, vector<16x1xf32>, vector<2048x1xf32> -> vector<2048x1xf32>
    %get3A_7 = arith.constant 0 : index
    %get3A_8 = arith.constant 0 : index
    %get3A_9 = vector.load %arg4[%get3A_7, %get3A_8] : memref<16x2048xf32, #tpu.memory_space<vmem>>, vector<16x2048xf32>
    %get3A_10 = arith.constant 0 : index
    %get3A_11 = arith.constant 0 : index
    %get3A_12 = vector.load %arg5[%get3A_10, %get3A_11] : memref<16x2048xf32, #tpu.memory_space<vmem>>, vector<16x2048xf32>
    %add3A_13 = arith.addf %get3A_9, %get3A_12 : vector<16x2048xf32>
    %broadcast_in_dim3A_14 = arith.constant 1.000000e+00 : f32
    %broadcast_in_dim3A_15 = vector.broadcast %broadcast_in_dim3A_14 : f32 to vector<16x1xf32>
    %dot_general3A_16 = arith.constant dense<0.000000e+00> : vector<2048x1xf32>
    %dot_general3A_17 = tpu.matmul %add3A_13, %broadcast_in_dim3A_15, %dot_general3A_16 {dimension_numbers = #tpu.dot_dimension_numbers<[0], [0], [1], [1], [0, 1, 1, 1], [], []>, precision = #tpu.contract_precision<fp32>, transpose_lhs_hint = false} : vector<16x2048xf32>, vector<16x1xf32>, vector<2048x1xf32> -> vector<2048x1xf32>
    %get3A_18 = arith.constant 0 : index
    %get3A_19 = arith.constant 0 : index
    %get3A_20 = arith.constant 0 : index
    %get3A_21 = vector.load %arg1[%get3A_18, %get3A_19, %get3A_20] : memref<2x2048x128xf32, #tpu.memory_space<vmem>>, vector<1x2048x128xf32>
    %get3A_22 = vector.shape_cast %get3A_21 : vector<1x2048x128xf32> to vector<2048x128xf32>
    %get3A_23 = arith.constant 1 : index
    %get3A_24 = arith.constant 0 : index
    %get3A_25 = arith.constant 0 : index
    %get3A_26 = vector.load %arg1[%get3A_23, %get3A_24, %get3A_25] : memref<2x2048x128xf32, #tpu.memory_space<vmem>>, vector<1x2048x128xf32>
    %get3A_27 = vector.shape_cast %get3A_26 : vector<1x2048x128xf32> to vector<2048x128xf32>
    %add3A_28 = arith.addf %get3A_22, %get3A_27 : vector<2048x128xf32>
    %max3A = arith.constant 1.000000e+00 : f32
    %max3A_29 = vector.broadcast %max3A : f32 to vector<2048x1xf32>
    %max3A_30 = arith.maximumf %dot_general3A_17, %max3A_29 : vector<2048x1xf32>
    %rsqrt3A = math.rsqrt %max3A_30 : vector<2048x1xf32>
    %mul3A = vector.broadcast %rsqrt3A : vector<2048x1xf32> to vector<2048x128xf32>
    %mul3A_31 = arith.mulf %add3A_28, %mul3A : vector<2048x128xf32>
    %get3A_32 = arith.constant 0 : index
    %get3A_33 = arith.constant 0 : index
    %get3A_34 = vector.load %arg6[%get3A_32, %get3A_33] : memref<1x128xf32, #tpu.memory_space<vmem>>, vector<1x128xf32>
    %add3A_35 = vector.broadcast %get3A_34 : vector<1x128xf32> to vector<2048x128xf32>
    %add3A_36 = arith.addf %mul3A_31, %add3A_35 : vector<2048x128xf32>
    %max3A_37 = arith.constant 0.000000e+00 : f32
    %max3A_38 = vector.broadcast %max3A_37 : f32 to vector<2048x128xf32>
    %max3A_39 = arith.maximumf %add3A_36, %max3A_38 : vector<2048x128xf32>
    %max3A_40 = arith.constant 1.000000e+00 : f32
    %max3A_41 = vector.broadcast %max3A_40 : f32 to vector<2048x1xf32>
    %max3A_42 = arith.maximumf %dot_general3A_6, %max3A_41 : vector<2048x1xf32>
    %rsqrt3A_43 = math.rsqrt %max3A_42 : vector<2048x1xf32>
    %mul3A_44 = vector.broadcast %rsqrt3A_43 : vector<2048x1xf32> to vector<2048x128xf32>
    %mul3A_45 = arith.mulf %max3A_39, %mul3A_44 : vector<2048x128xf32>
    %get3A_46 = arith.constant 0 : index
    %get3A_47 = arith.constant 0 : index
    %get3A_48 = vector.load %arg7[%get3A_46, %get3A_47] : memref<128x128xf32, #tpu.memory_space<vmem>>, vector<128x128xf32>
    %dot_general3A_49 = arith.constant dense<0.000000e+00> : vector<2048x128xf32>
    %dot_general3A_50 = tpu.matmul %mul3A_45, %get3A_48, %dot_general3A_49 {dimension_numbers = #tpu.dot_dimension_numbers<[1], [0], [0], [1], [0, 0, 1, 1], [], []>, precision = #tpu.contract_precision<fp32>, transpose_lhs_hint = false} : vector<2048x128xf32>, vector<128x128xf32>, vector<2048x128xf32> -> vector<2048x128xf32>
    %swap3A = arith.constant 0 : index
    %swap3A_51 = arith.constant 0 : index
    %swap3A_52 = vector.load %arg8[%swap3A, %swap3A_51] : memref<2048x128xf32, #tpu.memory_space<vmem>>, vector<2048x128xf32>
    tpu.vector_store %arg8[%swap3A, %swap3A_51], %dot_general3A_50 {strides = array<i32>} : memref<2048x128xf32, #tpu.memory_space<vmem>>, vector<2048x128xf32>,
    return
  }
  func.func @transform_0(%arg0: i32) -> (i32, i32, i32) {
    %c0_i32 = arith.constant 0 : i32
    %c0_i32_0 = arith.constant 0 : i32
    %c0_i32_1 = arith.constant 0 : i32
    return %c0_i32, %arg0, %c0_i32_0 : i32, i32, i32
  }
  func.func @transform_1(%arg0: i32) -> (i32, i32) {
    %c0_i32 = arith.constant 0 : i32
    %c0_i32_0 = arith.constant 0 : i32
    return %c0_i32, %arg0 : i32, i32
  }
  func.func @transform_2(%arg0: i32) -> (i32, i32) {
    %c0_i32 = arith.constant 0 : i32
    %c0_i32_0 = arith.constant 0 : i32
    return %c0_i32, %arg0 : i32, i32
  }
  func.func @transform_3(%arg0: i32) -> (i32, i32) {
    %c0_i32 = arith.constant 0 : i32
    %c0_i32_0 = arith.constant 0 : i32
    return %c0_i32, %arg0 : i32, i32
  }
  func.func @transform_4(%arg0: i32) -> (i32, i32) {
    %c0_i32 = arith.constant 0 : i32
    %c0_i32_0 = arith.constant 0 : i32
    return %c0_i32, %arg0 : i32, i32
  }
  func.func @transform_5(%arg0: i32) -> (i32, i32) {
    %c0_i32 = arith.constant 0 : i32
    %c0_i32_0 = arith.constant 0 : i32
    %c0_i32_1 = arith.constant 0 : i32
    return %c0_i32, %c0_i32_0 : i32, i32
  }
  func.func @transform_6(%arg0: i32) -> (i32, i32) {
    %c0_i32 = arith.constant 0 : i32
    %c0_i32_0 = arith.constant 0 : i32
    %c0_i32_1 = arith.constant 0 : i32
    return %c0_i32, %c0_i32_0 : i32, i32
  }
  func.func @transform_7(%arg0: i32) -> (i32, i32) {
    %c0_i32 = arith.constant 0 : i32
    %c0_i32_0 = arith.constant 0 : i32
    return %arg0, %c0_i32 : i32, i32
  }
}

module attributes {stable_mosaic.version = 14 : i64} {
  func.func @_dense3_body(%arg0: i32, %arg1: memref<2x2048x128xf32, #tpu.memory_space<vmem>>, %arg2: memref<16x2048xf32, #tpu.memory_space<vmem>>, %arg3: memref<16x2048xf32, #tpu.memory_space<vmem>>, %arg4: memref<1x128xf32, #tpu.memory_space<vmem>>, %arg5: memref<128x128xf32, #tpu.memory_space<vmem>>, %arg6: memref<128x128xf32, #tpu.memory_space<vmem>>, %arg7: memref<1x128xf32, #tpu.memory_space<vmem>>, %arg8: memref<2048x128xf32, #tpu.memory_space<vmem>>, %arg9: memref<2048x128xf32, #tpu.memory_space<vmem>>) attributes {dimension_semantics = [#tpu.dimension_semantics<arbitrary>], iteration_bounds = array<i64: 5>, scalar_prefetch = 0 : i64, scratch_operands = 0 : i64, tpu.core_type = #tpu.core_type<tc>, window_params = [{transform_indices = @transform_0, window_bounds = array<i64: 2, 2048, 128>}, {transform_indices = @transform_1, window_bounds = array<i64: 16, 2048>}, {transform_indices = @transform_2, window_bounds = array<i64: 16, 2048>}, {pipeline_mode = #tpu.pipeline_mode<synchronous>, transform_indices = @transform_3, window_bounds = array<i64: 1, 128>}, {pipeline_mode = #tpu.pipeline_mode<synchronous>, transform_indices = @transform_4, window_bounds = array<i64: 128, 128>}, {pipeline_mode = #tpu.pipeline_mode<synchronous>, transform_indices = @transform_5, window_bounds = array<i64: 128, 128>}, {pipeline_mode = #tpu.pipeline_mode<synchronous>, transform_indices = @transform_6, window_bounds = array<i64: 1, 128>}, {transform_indices = @transform_7, window_bounds = array<i64: 2048, 128>}, {transform_indices = @transform_8, window_bounds = array<i64: 2048, 128>}]} {
    %get3A = arith.constant 0 : index
    %get3A_0 = arith.constant 0 : index
    %get3A_1 = vector.load %arg2[%get3A, %get3A_0] : memref<16x2048xf32, #tpu.memory_space<vmem>>, vector<16x2048xf32>
    %get3A_2 = arith.constant 0 : index
    %get3A_3 = arith.constant 0 : index
    %get3A_4 = vector.load %arg3[%get3A_2, %get3A_3] : memref<16x2048xf32, #tpu.memory_space<vmem>>, vector<16x2048xf32>
    %add3A = arith.addf %get3A_1, %get3A_4 : vector<16x2048xf32>
    %broadcast_in_dim3A = arith.constant 1.000000e+00 : f32
    %broadcast_in_dim3A_5 = vector.broadcast %broadcast_in_dim3A : f32 to vector<16x1xf32>
    %dot_general3A = arith.constant dense<0.000000e+00> : vector<2048x1xf32>
    %dot_general3A_6 = tpu.matmul %add3A, %broadcast_in_dim3A_5, %dot_general3A {dimension_numbers = #tpu.dot_dimension_numbers<[0], [0], [1], [1], [0, 1, 1, 1], [], []>, precision = #tpu.contract_precision<fp32>, transpose_lhs_hint = false} : vector<16x2048xf32>, vector<16x1xf32>, vector<2048x1xf32> -> vector<2048x1xf32>
    %get3A_7 = arith.constant 0 : index
    %get3A_8 = arith.constant 0 : index
    %get3A_9 = arith.constant 0 : index
    %get3A_10 = vector.load %arg1[%get3A_7, %get3A_8, %get3A_9] : memref<2x2048x128xf32, #tpu.memory_space<vmem>>, vector<1x2048x128xf32>
    %get3A_11 = vector.shape_cast %get3A_10 : vector<1x2048x128xf32> to vector<2048x128xf32>
    %get3A_12 = arith.constant 1 : index
    %get3A_13 = arith.constant 0 : index
    %get3A_14 = arith.constant 0 : index
    %get3A_15 = vector.load %arg1[%get3A_12, %get3A_13, %get3A_14] : memref<2x2048x128xf32, #tpu.memory_space<vmem>>, vector<1x2048x128xf32>
    %get3A_16 = vector.shape_cast %get3A_15 : vector<1x2048x128xf32> to vector<2048x128xf32>
    %add3A_17 = arith.addf %get3A_11, %get3A_16 : vector<2048x128xf32>
    %max3A = arith.constant 1.000000e+00 : f32
    %max3A_18 = vector.broadcast %max3A : f32 to vector<2048x1xf32>
    %max3A_19 = arith.maximumf %dot_general3A_6, %max3A_18 : vector<2048x1xf32>
    %rsqrt3A = math.rsqrt %max3A_19 : vector<2048x1xf32>
    %mul3A = vector.broadcast %rsqrt3A : vector<2048x1xf32> to vector<2048x128xf32>
    %mul3A_20 = arith.mulf %add3A_17, %mul3A : vector<2048x128xf32>
    %get3A_21 = arith.constant 0 : index
    %get3A_22 = arith.constant 0 : index
    %get3A_23 = vector.load %arg4[%get3A_21, %get3A_22] : memref<1x128xf32, #tpu.memory_space<vmem>>, vector<1x128xf32>
    %add3A_24 = vector.broadcast %get3A_23 : vector<1x128xf32> to vector<2048x128xf32>
    %add3A_25 = arith.addf %mul3A_20, %add3A_24 : vector<2048x128xf32>
    %max3A_26 = arith.constant 0.000000e+00 : f32
    %max3A_27 = vector.broadcast %max3A_26 : f32 to vector<2048x128xf32>
    %max3A_28 = arith.maximumf %add3A_25, %max3A_27 : vector<2048x128xf32>
    %get3A_29 = arith.constant 0 : index
    %get3A_30 = arith.constant 0 : index
    %get3A_31 = vector.load %arg5[%get3A_29, %get3A_30] : memref<128x128xf32, #tpu.memory_space<vmem>>, vector<128x128xf32>
    %dot_general3A_32 = arith.constant dense<0.000000e+00> : vector<2048x128xf32>
    %dot_general3A_33 = tpu.matmul %max3A_28, %get3A_31, %dot_general3A_32 {dimension_numbers = #tpu.dot_dimension_numbers<[1], [0], [0], [1], [0, 0, 1, 1], [], []>, precision = #tpu.contract_precision<fp32>, transpose_lhs_hint = false} : vector<2048x128xf32>, vector<128x128xf32>, vector<2048x128xf32> -> vector<2048x128xf32>
    %swap3A = arith.constant 0 : index
    %swap3A_34 = arith.constant 0 : index
    %swap3A_35 = vector.load %arg8[%swap3A, %swap3A_34] : memref<2048x128xf32, #tpu.memory_space<vmem>>, vector<2048x128xf32>
    tpu.vector_store %arg8[%swap3A, %swap3A_34], %dot_general3A_33 {strides = array<i32>} : memref<2048x128xf32, #tpu.memory_space<vmem>>, vector<2048x128xf32>,
    %get3A_36 = arith.constant 0 : index
    %get3A_37 = arith.constant 0 : index
    %get3A_38 = vector.load %arg6[%get3A_36, %get3A_37] : memref<128x128xf32, #tpu.memory_space<vmem>>, vector<128x128xf32>
    %dot_general3A_39 = arith.constant dense<0.000000e+00> : vector<2048x128xf32>
    %dot_general3A_40 = tpu.matmul %max3A_28, %get3A_38, %dot_general3A_39 {dimension_numbers = #tpu.dot_dimension_numbers<[1], [0], [0], [1], [0, 0, 1, 1], [], []>, precision = #tpu.contract_precision<fp32>, transpose_lhs_hint = false} : vector<2048x128xf32>, vector<128x128xf32>, vector<2048x128xf32> -> vector<2048x128xf32>
    %get3A_41 = arith.constant 0 : index
    %get3A_42 = arith.constant 0 : index
    %get3A_43 = vector.load %arg7[%get3A_41, %get3A_42] : memref<1x128xf32, #tpu.memory_space<vmem>>, vector<1x128xf32>
    %add3A_44 = vector.broadcast %get3A_43 : vector<1x128xf32> to vector<2048x128xf32>
    %add3A_45 = arith.addf %dot_general3A_40, %add3A_44 : vector<2048x128xf32>
    %swap3A_46 = arith.constant 0 : index
    %swap3A_47 = arith.constant 0 : index
    %swap3A_48 = vector.load %arg9[%swap3A_46, %swap3A_47] : memref<2048x128xf32, #tpu.memory_space<vmem>>, vector<2048x128xf32>
    tpu.vector_store %arg9[%swap3A_46, %swap3A_47], %add3A_45 {strides = array<i32>} : memref<2048x128xf32, #tpu.memory_space<vmem>>, vector<2048x128xf32>,
    return
  }
  func.func @transform_0(%arg0: i32) -> (i32, i32, i32) {
    %c0_i32 = arith.constant 0 : i32
    %c0_i32_0 = arith.constant 0 : i32
    %c0_i32_1 = arith.constant 0 : i32
    return %c0_i32, %arg0, %c0_i32_0 : i32, i32, i32
  }
  func.func @transform_1(%arg0: i32) -> (i32, i32) {
    %c0_i32 = arith.constant 0 : i32
    %c0_i32_0 = arith.constant 0 : i32
    return %c0_i32, %arg0 : i32, i32
  }
  func.func @transform_2(%arg0: i32) -> (i32, i32) {
    %c0_i32 = arith.constant 0 : i32
    %c0_i32_0 = arith.constant 0 : i32
    return %c0_i32, %arg0 : i32, i32
  }
  func.func @transform_3(%arg0: i32) -> (i32, i32) {
    %c0_i32 = arith.constant 0 : i32
    %c0_i32_0 = arith.constant 0 : i32
    %c0_i32_1 = arith.constant 0 : i32
    return %c0_i32, %c0_i32_0 : i32, i32
  }
  func.func @transform_4(%arg0: i32) -> (i32, i32) {
    %c0_i32 = arith.constant 0 : i32
    %c0_i32_0 = arith.constant 0 : i32
    %c0_i32_1 = arith.constant 0 : i32
    return %c0_i32, %c0_i32_0 : i32, i32
  }
  func.func @transform_5(%arg0: i32) -> (i32, i32) {
    %c0_i32 = arith.constant 0 : i32
    %c0_i32_0 = arith.constant 0 : i32
    %c0_i32_1 = arith.constant 0 : i32
    return %c0_i32, %c0_i32_0 : i32, i32
  }
  func.func @transform_6(%arg0: i32) -> (i32, i32) {
    %c0_i32 = arith.constant 0 : i32
    %c0_i32_0 = arith.constant 0 : i32
    %c0_i32_1 = arith.constant 0 : i32
    return %c0_i32, %c0_i32_0 : i32, i32
  }
  func.func @transform_7(%arg0: i32) -> (i32, i32) {
    %c0_i32 = arith.constant 0 : i32
    %c0_i32_0 = arith.constant 0 : i32
    return %arg0, %c0_i32 : i32, i32
  }
  func.func @transform_8(%arg0: i32) -> (i32, i32) {
    %c0_i32 = arith.constant 0 : i32
    %c0_i32_0 = arith.constant 0 : i32
    return %arg0, %c0_i32 : i32, i32
  }
}

</mosaic_0001>

<sc_bundles>
// kernel: _impl.12.cloned.1.call-start
scs
__scs_entry_jumppad:
0x0: {  	(pc) =	sbr.rel $0x88, $3  }
0x1: {  	(tag) =	ssettag $0x0;
	lr =	simm.s32 $0x1  }
0x2: {  	[smem:$0x3F93] =	sst lr;
	_ =	strace $0xD0000000  }
0x3: {  	_ = 	snop  }
0x4: {  	_ = 	snop  }
0x5: {  	_ = 	snop  }
0x6: {  	_ = 	snop  }
0x7: {  	_ = 	snop  }
__scs_overlays_trampoline_lowered:
0x8: {  	[smem:$0x3FA2] =	sst s0  }
0x9: {  	[smem:$0x3FA3] =	sst s1  }
0xa: {  	[smem:$0x3FA4] =	sst s2  }
0xb: {  	[smem:$0x3FA5] =	sst s3  }
0xc: {  	[smem:$0x3FA6] =	sst s4  }
0xd: {  	[smem:$0x3FA7] =	sst s5  }
0xe: {  	[smem:$0x3FA8] =	sst s6  }
0xf: {  	[smem:$0x3FA9] =	sst s7  }
0x10: {  	[smem:$0x3FAA] =	sst s8  }
0x11: {  	[smem:$0x3FAB] =	sst s9;
	s0 =	simm.s32 @!p0 $0x0  }
0x12: {  	s1 =	sld [smem:$0x3F91];
	s0 =	simm.s32 @p0 $0x1  }
0x13: {  	[smem:$0x3FAC] =	sst s0;
	s0 =	simm.s32 @!p1 $0x0  }
0x14: {  	s2 =	sld [smem:$0x3F90];
	s0 =	simm.s32 @p1 $0x1  }
0x15: {  	[smem:$0x3FAD] =	sst s0;
	s0 =	simm.s32 @!p2 $0x0  }
0x16: {  	s3 =	sld [smem:$0x3FDB];
	s0 =	simm.s32 @p2 $0x1  }
0x17: {  	s4 =	simm.s32 $0x1BF5;
	[smem:$0x3FAF] =	sst s0  }
0x18: {  	s0 =	sld [smem:$0x3F92];
	_ =	swait.ge [sflag:s4], $0x0  }
0x19: {  	s7 =	sld [smem:$0x3F93]  }
0x1a: {  	s8 =	sadd.s32 $0xFFFFE003, lr  }
0x1b: {  	s9 =	sadd.s32 $0xFFFFFEF7, lr;
	s5 =	simm.s32 $0xFFFFFFFF;
	p2 =	slt.u32 s8, $0xFFFFF086  }
0x1c: {  	p1 =	slt.u32 s9, $0xF7A;
	s5 =	simm.s32 @!p2 $0x0  }
0x1d: {  	s5 =	simm.s32 @p1 $0x1;
	p0 =	seq.s32 s7, s2  }
0x1e: {  	s7 =	smul.u32 @!p0 $0xF7A, s2;
	p2 =	seq.s32 @!p0 s5, $0x0  }
0x1f: {  	s9 =	smul.u32 $0xF7A, s1;
	s8 =	simm.s32 @!p0 $0x1BF5;
	p2 =	por !p2, p0  }
0x20: {  	[sflag:s8] =	ssyncset.s32 @!p0 $0xFFFFF086;
	s6 =	sadd.s32 @!p0 s3, s7;
	s7 =	simm.s32 @!p0 $0x108  }
0x21: {  	s3 =	sadd.s32 s3, s9;
	s6 =	sadd.s32 @!p0 $0x88, s6;
	s7 =	simm.s32 @p2 $0x1082  }
0x22: {  	[simem:s7], [sflag:s8] =	dma.local @!p0 [hbm:s6], $0xF7A  }
0x23: {  	s9 =	sor.u32 $0xD0000000, s2;
	s6 =	simm.s32 $0x108;
	_ =	swait.ge @!p0 [sflag:s8], $0x0  }
0x24: {  	s3 =	sadd.s32 $0x88, s3;
	s6 =	simm.s32 @!p1 $0x1082;
	[sflag:s4] =	ssyncset.s32 $0xFFFFF086  }
0x25: {  	[simem:s6], [sflag:s4] =	dma.local [hbm:s3], $0xF7A  }
0x26: {  	[smem:$0x3F93] =	sst s1;
	(tag) =	ssettag s2;
	_ =	strace s9  }
0x27: {  	s1 =	sld [smem:$0x3FA3]  }
0x28: {  	s2 =	sld [smem:$0x3FA4]  }
0x29: {  	s4 =	sld [smem:$0x3FA6]  }
0x2a: {  	p0 =	seq.s32 s5, $0x0;
	s5 =	sld [smem:$0x3FA7]  }
0x2b: {  	s6 =	sld [smem:$0x3FA8]  }
0x2c: {  	s7 =	sld [smem:$0x3FA9]  }
0x2d: {  	s3 =	simm.s32 $0x108;
	s8 =	sld [smem:$0x3FAA]  }
0x2e: {  	s3 =	simm.s32 @!p0 $0x1082;
	s9 =	sld [smem:$0x3FAB]  }
0x2f: {  	lr =	sadd.s32 s0, s3;
	s0 =	sld [smem:$0x3FA2]  }
0x30: {  	s3 =	sld [smem:$0x3FA5]  }
0x31: {  	[smem:$0x3FAE] =	sst s10  }
0x32: {  	s10 =	sld [smem:$0x3FAC];
	_ =	sdelay $0x3  }
0x33: {  	p0 =	seq.s32 s10, $0x1;
	s10 =	sld [smem:$0x3FAE];
	_ =	sdelay $0x3  }
0x34: {  	[smem:$0x3FAE] =	sst s10  }
0x35: {  	s10 =	sld [smem:$0x3FAD];
	_ =	sdelay $0x3  }
0x36: {  	p1 =	seq.s32 s10, $0x1;
	s10 =	sld [smem:$0x3FAE];
	_ =	sdelay $0x3  }
0x37: {  	[smem:$0x3FAE] =	sst s10  }
0x38: {  	s10 =	sld [smem:$0x3FAF]  }
0x39: {  	_ = 	snop;
	(pc) =	sbr.ind lr, $3  }
0x3a: {  	_ = 	snop  }
0x3b: {  	_ = 	snop  }
0x3c: {  	p2 =	seq.s32 s10, $0x1;
	s10 =	sld [smem:$0x3FAE]  }
0x3d: {  	_ =	shalt  }
0x3e: {  	_ =	shalt  }
0x3f: {  	_ =	shalt  }
0x40: {  	_ =	shalt  }
0x41: {  	_ =	shalt  }
0x42: {  	_ =	shalt  }
0x43: {  	_ =	shalt  }
0x44: {  	_ =	shalt  }
0x45: {  	_ =	shalt  }
0x46: {  	_ =	shalt  }
0x47: {  	_ =	shalt  }
0x48: {  	_ =	shalt  }
0x49: {  	_ =	shalt  }
0x4a: {  	_ =	shalt  }
0x4b: {  	_ =	shalt  }
0x4c: {  	_ =	shalt  }
0x4d: {  	_ =	shalt  }
0x4e: {  	_ =	shalt  }
0x4f: {  	_ =	shalt  }
0x50: {  	_ =	shalt  }
0x51: {  	_ =	shalt  }
0x52: {  	_ =	shalt  }
0x53: {  	_ =	shalt  }
0x54: {  	_ =	shalt  }
0x55: {  	_ =	shalt  }
0x56: {  	_ =	shalt  }
0x57: {  	_ =	shalt  }
0x58: {  	_ =	shalt  }
0x59: {  	_ =	shalt  }
0x5a: {  	_ =	shalt  }
0x5b: {  	_ =	shalt  }
0x5c: {  	_ =	shalt  }
0x5d: {  	_ =	shalt  }
0x5e: {  	_ =	shalt  }
0x5f: {  	_ =	shalt  }
0x60: {  	_ =	shalt  }
0x61: {  	_ =	shalt  }
0x62: {  	_ =	shalt  }
0x63: {  	_ =	shalt  }
0x64: {  	_ =	shalt  }
0x65: {  	_ =	shalt  }
0x66: {  	_ =	shalt  }
0x67: {  	_ =	shalt  }
0x68: {  	_ =	shalt  }
0x69: {  	_ =	shalt  }
0x6a: {  	_ =	shalt  }
0x6b: {  	_ =	shalt  }
0x6c: {  	_ =	shalt  }
0x6d: {  	_ =	shalt  }
0x6e: {  	_ =	shalt  }
0x6f: {  	_ =	shalt  }
0x70: {  	_ =	shalt  }
0x71: {  	_ =	shalt  }
0x72: {  	_ =	shalt  }
0x73: {  	_ =	shalt  }
0x74: {  	_ =	shalt  }
0x75: {  	_ =	shalt  }
0x76: {  	_ =	shalt  }
0x77: {  	_ =	shalt  }
0x78: {  	_ =	shalt  }
0x79: {  	_ =	shalt  }
0x7a: {  	_ =	shalt  }
0x7b: {  	_ =	shalt  }
0x7c: {  	_ =	shalt  }
0x7d: {  	_ =	shalt  }
0x7e: {  	_ =	shalt  }
0x7f: {  	_ =	shalt  }
0x80: {  	_ =	shalt  }
0x81: {  	_ =	shalt  }
0x82: {  	_ =	shalt  }
0x83: {  	_ =	shalt  }
0x84: {  	_ =	shalt  }
0x85: {  	_ =	shalt  }
0x86: {  	_ =	shalt  }
0x87: {  	_ =	shalt  }
.Lfunc_end0:
.L_simem_size_0:
called_computation.1_lowered:
.L_overlay_start_0:
0x88: {  	s2 =	sld [smem:$0x3FD9]  }
0x89: {  	s3 =	sld [smem:$0x3FFE];
	_ =	sdelay $0x1  }
0x8a: {  	s1 =	srdreg.scid  }
0x8b: {  	s0 =	sand.u32 $0x1, s1  }
0x8c: {  	s17 =	sshll.u32 s0, $0xA;
	s2 =	sadd.s32 s3, s2  }
0x8d: {  	s2 =	sadd.s32 s2, s17  }
0x8e: {  	[smem:$0x3FBA] =	sst s2  }
0x8f: {  	_ = 	snop  }
0x90: {  	s2 =	sld [smem:$0x3FD0];
	(tm) =	ssettm $0x1  }
0x91: {  	s18 =	sld [smem:$0x3FFB];
	_ =	sdelay $0x3  }
0x92: {  	_ =	strace s18  }
0x93: {  	s3 =	sld [smem:$0x3FFC];
	_ =	sdelay $0x3  }
0x94: {  	_ =	strace s3  }
0x95: {  	s3 =	sld [smem:$0x3FFD];
	_ =	sdelay $0x3  }
0x96: {  	_ =	strace s3  }
0x97: {  	_ =	strace $0x8FFFFFFF  }
0x98: {  	s19 =	sld [smem:$0x3FDB];
	_ =	sdelay $0x1  }
0x99: {  	s4 =	simm.s32 $_scs_section_size  }
0x9a: {  	s5 =	simm.s32 $_size__tile_overlayer_lowered;
	s6 =	simm.s32 $_tile_overlayer_lowered  }
0x9b: {  	s22 =	simm.s32 $0x1BFF;
	s21 =	sshll.u32 s6, $0x1;
	s3 =	sadd.s32 s4, s19  }
0x9c: {  	s7 =	simm.s32 $0x0;
	s20 =	sshll.u32 s5, $0x1;
	s5 =	sadd.s32 s21, s3  }
0x9d: {  	[timem:s7], [sflag:s22] =	dma.local [hbm:s5], s20  }
0x9e: {  	_ =	swait.ge [sflag:s22], s20  }
0x9f: {  	s4 =	ssub.s32 $0x0, s20;
	[sflag:s22] =	ssyncset.done $0x0  }
0xa0: {  	[sflag:s22] =	ssyncadd.s32 s4;
	_ =	sdelay $0x1  }
0xa1: {  	s23 =	simm.s32 $0x1B8B  }
0xa2: {  	_ =	swait.ge [sflag:s23], $0x1  }
0xa3: {  	[sflag:s23] =	ssyncset.done $0x0  }
0xa4: {  	s25 =	simm.s32 $0x1B8E;
	s24 =	sld [smem:$0x3FFE];
	[sflag:s23] =	ssyncadd.s32 $0xFFFFFFFF  }
0xa5: {  	s26 =	simm.s32 $execute0_lowered;
	[smem:$0x3FD2] =	sst s25  }
0xa6: {  	s5 =	sshll.u32 s26, $0x1;
	_ =	strace $0x80000049;
	[dreg:$0x1] =	wrdreg $0xFFFFFFFF  }
0xa7: {  	s28 =	simm.s32 $_size_execute0_lowered;
	s3 =	sadd.s32 s3, s5;
	[dreg:$0x0] =	wrdreg $0x0  }
0xa8: {  	s5 =	sshll.u32 s28, $0x1;
	[dreg:$0x2] =	wrdreg s3  }
0xa9: {  	[dreg:$0x3] =	wrdreg s5  }
0xaa: {  	[dreg:$0x4] =	wrdreg $0xC0  }
0xab: {  	_ =	task [dreg:s7], $0x5FFFF  }
0xac: {  	[dreg:$0x1] =	wrdreg $0xFFFFFFFF  }
0xad: {  	[dreg:$0x0] =	wrdreg $0x60  }
0xae: {  	[dreg:$0x2] =	wrdreg s24  }
0xaf: {  	[dreg:$0x3] =	wrdreg s2  }
0xb0: {  	[dreg:$0x4] =	wrdreg $0x0  }
0xb1: {  	[dreg:$0x5] =	wrdreg $0x9  }
0xb2: {  	_ =	task.clear_ibuf [dreg:s7], $0x6FFFF;
	_ =	strace $0x90000049  }
0xb3: {  	s29 =	simm.s32 $0x9;
	_ =	strace $0x8000004B  }
0xb4: {  	_ =	swait.ge [sflag:s29], $0x1  }
0xb5: {  	[sflag:s29] =	ssyncadd.s32 $0xFFFFFFFF  }
0xb6: {  	_ =	strace $0x9000004B  }
0xb7: {  	_ =	sfence  }
0xb8: {  	s30 =	sld [smem:$0x0];
	_ =	sdelay $0x2  }
0xb9: {  	s31 =	sshll.u32 s1, $0xD;
	s1 =	sshrl.u32 s1, $0x2  }
0xba: {  	s3 =	sand.u32 $0x4000, s31;
	s1 =	sadd.s32 s1, s30  }
0xbb: {  	s0 =	sor.u32 s3, s0;
	s1 =	sshll.u32 s1, $0x11  }
0xbc: {  	s0 =	sor.u32 s1, s0  }
0xbd: {  	s0 =	sadd.s32 $0x8F2B, s0  }
0xbe: {  	[sflag:s0] =	ssyncadd.remote.s32 $0x1  }
0xbf: {  	_ =	sfence.sel $0xFFFF  }
0xc0: {  	[dreg:$0x0] =	wrdreg $0xFFFFFFFF;
	(pc) =	sbr.abs _section_cstart, $3  }
0xc1: {  	[dreg:$0x1] =	wrdreg $0xFFFFFFFF  }
0xc2: {  	_ =	task.clear_ibuf [dreg:s7], $0x2FFFF;
	_ =	strace $0x9FFFFFFF  }
0xc3: {  	(tm) =	ssettm $0x7FFFFFFF  }
tec
execute0_lowered:
.L_overlay_start_1:
0x0: {  	(tag) =	ssettag $0x1  }
0x1: {  	s5 =	rddreg [dreg:$0x0]  }
0x2: {  	s11 =	rddreg [dreg:$0x1]  }
0x3: {  	s2 =	rddreg [dreg:$0x2]  }
0x4: {  	s0 =	rddreg [dreg:$0x3]  }
0x5: {  	s3 =	simm.s32 $0x0;
	s1 =	stileid.u32;
	s6 =	srdreg.scid  }
0x6: {  	s17 =	simm.s32 $0x16800;
	s18 =	simm.s32 $0x1;
	s19 =	simm.s32 $0x16780  }
0x7: {  	s20 =	simm.s32 $0x2;
	s21 =	simm.s32 $0x0;
	[smem:$0x7FF] =	sst s3  }
0x8: {  	s8 =	smul.u32 $0x14000, s1;
	s4 =	sadd.s32 $0x17600, s5;
	s9 =	sadd.s32 $0xD600, s5  }
0x9: {  	s10 =	sadd.s32 $0x3600, s5;
	s6 =	sand.u32 $0x1, s6;
	s13 =	smul.u32 $0x50000, s1  }
0xa: {  	s14 =	sshll.u32 s1, $0x1;
	s30 =	sshll.u32 s1, $0x6;
	_ =	strace $0x8000004A  }
0xb: {  	s12 =	ssub.s32 $0x2, s6;
	s14 =	sor.u32 s6, s14;
	s15 =	smul.u32 $0x140000, s6  }
0xc: {  	s6 =	sor.u32 $0x1C03, s30;
	s7 =	sshrl.u32 s8, $0x3;
	s25 =	sshrl.u32 s12, $0x1  }
0xd: {  	s26 =	sshrl.u32 s13, $0x2;
	s28 =	smul.u32 $0x2800, s14;
	s14 =	simm.s32 $0x3  }
0xe: {  	s5 =	sadd.s32 s7, s5;
	s12 =	ssub.s32 s12, s25;
	s29 =	sadd.s32 s26, s2  }
.Ltmp0:
0xf: {  	s15 =	sadd.s32 s8, s15;
	s5 =	sadd.s32 $0x3F600, s5;
	(pc) =	sbr.rel .LBB2_1-.Ltmp0, $4  }
0x10: {  	s13 =	sshrl.u32 s28, $0x3;
	s31 =	sshrl.u32 s15, $0x3;
	s12 =	smax.u32 s12, $0x1  }
0x11: {  	s15 =	simm.s32 $0x14000;
	s7 =	sadd.s32 s9, s13;
	s16 =	sadd.s32 $0x280, s13  }
0x12: {  	s8 =	sadd.s32 s10, s13;
	s11 =	sadd.s32 s11, s31;
	s13 =	sshrl.u32 s29, $0x3  }
0x13: {  	s9 =	sadd.s32 s9, s16;
	s10 =	sadd.s32 s10, s16;
	s16 =	simm.s32 $0x80  }
.LBB2_7:
0x14: {  	[spmem:s2] =	stream.indirect.scatter.add.f32 [tilespmem:s25], [sflag:$0x2], $0x80, s19, s16, $0xb8;
	[tilespmem:$0x1E800] =	vst v63  }
0x15: {  	_ =	swait.ge [sflag:s20], $0x4000  }
0x16: {  	s21 =	sadd.s32 $0x1, s21;
	[sflag:s20] =	ssyncset.done $0x0  }
0x17: {  	p0 =	sne.s32 s21, s12;
	[sflag:s20] =	ssyncadd.s32 $0xFFFFC000  }
.Ltmp1:
0x18: {  	[bflag:$0x0] =	sbarrier.arrive $0xFFFF;
	(pc) =	sbr.rel @!p0 .LBB2_8-.Ltmp1, $4  }
0x19: {  	[hbm:s11], [sflag:s6] =	dma.local [spmem:s13], $0x2800  }
0x1a: {  	_ =	swait.ge [sflag:s14], $0x2800  }
0x1b: {  	[sflag:s14] =	ssyncset.done $0x0  }
0x1c: {  	[sflag:s14] =	ssyncadd.s32 $0xFFFFD800  }
.LBB2_1:
0x1d: {  	[spmem:s13], [sflag:s6] =	dma.local [hbm:s5], $0x2800  }
0x1e: {  	_ =	swait.ge [sflag:s14], $0x2800  }
0x1f: {  	[sflag:s14] =	ssyncset.done $0x0  }
0x20: {  	[sflag:s14] =	ssyncadd.s32 $0xFFFFD800  }
0x21: {  	[bflag:$0x0] =	sbarrier.arrive $0xFFFF  }
0x22: {  	[tilespmem:s15], [sflag:$0x3] =	stream.linear.gather [hbm4b:s7+s3], $0x1400, $0x38;
	[tilespmem:$0x1E800] =	vst v63  }
0x23: {  	_ =	swait.ge [sflag:s14], $0x1400  }
0x24: {  	[sflag:s14] =	ssyncset.done $0x0  }
0x25: {  	s22 =	simm.s32 $0x15400;
	[sflag:s14] =	ssyncadd.s32 $0xFFFFEC00  }
0x26: {  	[tilespmem:s22], [sflag:$0x3] =	stream.linear.gather [hbm4b:s8+s3], $0x1400, $0x38;
	[tilespmem:$0x1E800] =	vst v63  }
0x27: {  	_ =	swait.ge [sflag:s14], $0x1400  }
0x28: {  	[sflag:s14] =	ssyncset.done $0x0  }
0x29: {  	s23 =	simm.s32 $0x14080;
	s24 =	simm.s32 $0x0;
	[sflag:s14] =	ssyncadd.s32 $0xFFFFEC00  }
0x2a: {  	[tilespmem:s17], [sflag:$0x1] =	stream.indirect.gather [hbm4b:s4+s16], $0x80, s15, s16, $0xb8;
	[tilespmem:$0x1E800] =	vst v63  }
.LBB2_2:
0x2b: {  	p0 =	seq.s32 s24, $0x0  }
0x2c: {  	p1 =	seq.s32 @!p0 s24, $0x27  }
0x2d: {  	_ =	swait.ge [sflag:s18], $0x4000;
	p1 =	por p0, !p1  }
.Ltmp2:
0x2e: {  	[sflag:s18] =	ssyncset.done $0x0;
	(pc) =	sbr.rel @!p1 .LBB2_4-.Ltmp2, $4  }
0x2f: {  	s28 =	simm.s32 @!p0 $0x2;
	[sflag:s18] =	ssyncadd.s32 $0xFFFFC000  }
0x30: {  	s25 =	sand.u32 $0x1, s24;
	_ =	swait.ge @!p0 [sflag:s28], $0x4000  }
0x31: {  	s26 =	sshll.u32 s25, $0xE;
	[sflag:s28] =	ssyncset.done @!p0 $0x0  }
0x32: {  	s25 =	sadd.s32 $0x16800, s26;
	[sflag:s28] =	ssyncadd.s32 @!p0 $0xFFFFC000  }
.Ltmp3:
0x33: {  	s26 =	ssub.s32 $0x1A800, s26;
	(pc) =	sbr.rel .LBB2_2-.Ltmp3, $4  }
0x34: {  	[tilespmem:s26], [sflag:$0x1] =	stream.indirect.gather [hbm4b:s4+s16], $0x80, s23, s16, $0xb8;
	[tilespmem:$0x1E800] =	vst v63  }
0x35: {  	_ = 	snop  }
0x36: {  	[spmem:s2] =	stream.indirect.scatter.add.f32 [tilespmem:s25], [sflag:$0x2], $0x80, s22, s16, $0xb8;
	[tilespmem:$0x1E800] =	vst v63  }
0x37: {  	s24 =	sadd.s32 $0x1, s24;
	s23 =	sadd.s32 $0x80, s23;
	s22 =	sadd.s32 $0x80, s22  }
.LBB2_4:
0x38: {  	[spmem:s2] =	stream.indirect.scatter.add.f32 [tilespmem:s25], [sflag:$0x2], $0x80, s19, s16, $0xb8;
	[tilespmem:$0x1E800] =	vst v63  }
0x39: {  	_ =	swait.ge [sflag:s20], $0x4000  }
0x3a: {  	[sflag:s20] =	ssyncset.done $0x0  }
0x3b: {  	s22 =	simm.s32 $0x0;
	[sflag:s20] =	ssyncadd.s32 $0xFFFFC000  }
0x3c: {  	[tilespmem:s15], [sflag:$0x3] =	stream.linear.gather [hbm4b:s9+s22], $0x1400, $0x38;
	[tilespmem:$0x1E800] =	vst v63  }
0x3d: {  	_ =	swait.ge [sflag:s14], $0x1400  }
0x3e: {  	[sflag:s14] =	ssyncset.done $0x0  }
0x3f: {  	s23 =	simm.s32 $0x15400;
	[sflag:s14] =	ssyncadd.s32 $0xFFFFEC00  }
0x40: {  	[tilespmem:s23], [sflag:$0x3] =	stream.linear.gather [hbm4b:s10+s22], $0x1400, $0x38;
	[tilespmem:$0x1E800] =	vst v63  }
0x41: {  	_ =	swait.ge [sflag:s14], $0x1400  }
0x42: {  	[sflag:s14] =	ssyncset.done $0x0  }
0x43: {  	s24 =	simm.s32 $0x14080;
	[sflag:s14] =	ssyncadd.s32 $0xFFFFEC00  }
0x44: {  	[tilespmem:s17], [sflag:$0x1] =	stream.indirect.gather [hbm4b:s4+s16], $0x80, s15, s16, $0xb8;
	[tilespmem:$0x1E800] =	vst v63  }
.LBB2_5:
0x45: {  	p0 =	seq.s32 s22, $0x0  }
0x46: {  	p1 =	seq.s32 @!p0 s22, $0x27  }
0x47: {  	_ =	swait.ge [sflag:s18], $0x4000;
	p1 =	por p0, !p1  }
.Ltmp4:
0x48: {  	[sflag:s18] =	ssyncset.done $0x0;
	(pc) =	sbr.rel @!p1 .LBB2_7-.Ltmp4, $4  }
0x49: {  	s28 =	simm.s32 @!p0 $0x2;
	[sflag:s18] =	ssyncadd.s32 $0xFFFFC000  }
0x4a: {  	s25 =	sand.u32 $0x1, s22;
	_ =	swait.ge @!p0 [sflag:s28], $0x4000  }
0x4b: {  	s26 =	sshll.u32 s25, $0xE;
	[sflag:s28] =	ssyncset.done @!p0 $0x0  }
0x4c: {  	s25 =	sadd.s32 $0x16800, s26;
	[sflag:s28] =	ssyncadd.s32 @!p0 $0xFFFFC000  }
.Ltmp5:
0x4d: {  	s26 =	ssub.s32 $0x1A800, s26;
	(pc) =	sbr.rel .LBB2_5-.Ltmp5, $4  }
0x4e: {  	[tilespmem:s26], [sflag:$0x1] =	stream.indirect.gather [hbm4b:s4+s16], $0x80, s24, s16, $0xb8;
	[tilespmem:$0x1E800] =	vst v63  }
0x4f: {  	_ = 	snop  }
0x50: {  	[spmem:s2] =	stream.indirect.scatter.add.f32 [tilespmem:s25], [sflag:$0x2], $0x80, s23, s16, $0xb8;
	[tilespmem:$0x1E800] =	vst v63  }
0x51: {  	s22 =	sadd.s32 $0x1, s22;
	s24 =	sadd.s32 $0x80, s24;
	s23 =	sadd.s32 $0x80, s23  }
.LBB2_8:
0x52: {  	_ =	sfence.sel $0x180000  }
0x53: {  	[bflag:$0x0] =	sbarrier.arrive $0xFFFF  }
0x54: {  	p0 =	sne.s32 s1, $0x0;
	_ =	strace $0x9000004A  }
0x55: {  	s0 =	sadd.s32 @!p0 $0x100000, s0;
	[bflag:$0x2] =	sbarrier.arrive $0xFFFF  }
0x56: {  	[sflag:s0] =	ssyncadd.tile.s32 @!p0 $0x1;
	_ =	shalt  }
.Lfunc_end2:
_tile_overlayer_lowered:
.L_overlay_start_2:
0x57: {  	(tag) =	ssettag $0x2  }
0x58: {  	s0 =	rddreg [dreg:$0x0];
	s2 =	stileid.u32  }
0x59: {  	s1 =	rddreg [dreg:$0x1];
	p0 =	sne.s32 s2, $0x0  }
0x5a: {  	s3 =	rddreg [dreg:$0x2];
	[bflag:$0x3] =	sbarrier.arrive $0xFFFF;
	s2 =	simm.s32 @!p0 $0x1C03  }
0x5b: {  	[timem:s3], [sflag:s2] =	dma.local @!p0 [hbm:s0], s1  }
0x5c: {  	s0 =	simm.s32 @!p0 $0x3  }
0x5d: {  	_ =	swait.ge @!p0 [sflag:s0], s1  }
0x5e: {  	s1 =	ssub.s32 @!p0 $0x0, s1;
	[sflag:s0] =	ssyncset.done @!p0 $0x0  }
0x5f: {  	[sflag:s0] =	ssyncadd.s32 @!p0 s1  }
0x60: {  	[bflag:$0x3] =	sbarrier.arrive $0xFFFF  }
0x61: {  	_ =	shalt  }

// kernel: _impl.15.cloned.1.call-start
scs
__scs_entry_jumppad:
0x0: {  	(pc) =	sbr.rel $0x88, $3  }
0x1: {  	(tag) =	ssettag $0x0;
	lr =	simm.s32 $0x1  }
0x2: {  	[smem:$0x3F93] =	sst lr;
	_ =	strace $0xD0000000  }
0x3: {  	_ = 	snop  }
0x4: {  	_ = 	snop  }
0x5: {  	_ = 	snop  }
0x6: {  	_ = 	snop  }
0x7: {  	_ = 	snop  }
__scs_overlays_trampoline_lowered:
0x8: {  	[smem:$0x3FA2] =	sst s0  }
0x9: {  	[smem:$0x3FA3] =	sst s1  }
0xa: {  	[smem:$0x3FA4] =	sst s2  }
0xb: {  	[smem:$0x3FA5] =	sst s3  }
0xc: {  	[smem:$0x3FA6] =	sst s4  }
0xd: {  	[smem:$0x3FA7] =	sst s5  }
0xe: {  	[smem:$0x3FA8] =	sst s6  }
0xf: {  	[smem:$0x3FA9] =	sst s7  }
0x10: {  	[smem:$0x3FAA] =	sst s8  }
0x11: {  	[smem:$0x3FAB] =	sst s9;
	s0 =	simm.s32 @!p0 $0x0  }
0x12: {  	s1 =	sld [smem:$0x3F91];
	s0 =	simm.s32 @p0 $0x1  }
0x13: {  	[smem:$0x3FAC] =	sst s0;
	s0 =	simm.s32 @!p1 $0x0  }
0x14: {  	s2 =	sld [smem:$0x3F90];
	s0 =	simm.s32 @p1 $0x1  }
0x15: {  	[smem:$0x3FAD] =	sst s0;
	s0 =	simm.s32 @!p2 $0x0  }
0x16: {  	s3 =	sld [smem:$0x3FDB];
	s0 =	simm.s32 @p2 $0x1  }
0x17: {  	s4 =	simm.s32 $0x1BF5;
	[smem:$0x3FAF] =	sst s0  }
0x18: {  	s0 =	sld [smem:$0x3F92];
	_ =	swait.ge [sflag:s4], $0x0  }
0x19: {  	s7 =	sld [smem:$0x3F93]  }
0x1a: {  	s8 =	sadd.s32 $0xFFFFE003, lr  }
0x1b: {  	s9 =	sadd.s32 $0xFFFFFEF7, lr;
	s5 =	simm.s32 $0xFFFFFFFF;
	p2 =	slt.u32 s8, $0xFFFFF086  }
0x1c: {  	p1 =	slt.u32 s9, $0xF7A;
	s5 =	simm.s32 @!p2 $0x0  }
0x1d: {  	s5 =	simm.s32 @p1 $0x1;
	p0 =	seq.s32 s7, s2  }
0x1e: {  	s7 =	smul.u32 @!p0 $0xF7A, s2;
	p2 =	seq.s32 @!p0 s5, $0x0  }
0x1f: {  	s9 =	smul.u32 $0xF7A, s1;
	s8 =	simm.s32 @!p0 $0x1BF5;
	p2 =	por !p2, p0  }
0x20: {  	[sflag:s8] =	ssyncset.s32 @!p0 $0xFFFFF086;
	s6 =	sadd.s32 @!p0 s3, s7;
	s7 =	simm.s32 @!p0 $0x108  }
0x21: {  	s3 =	sadd.s32 s3, s9;
	s6 =	sadd.s32 @!p0 $0x88, s6;
	s7 =	simm.s32 @p2 $0x1082  }
0x22: {  	[simem:s7], [sflag:s8] =	dma.local @!p0 [hbm:s6], $0xF7A  }
0x23: {  	s9 =	sor.u32 $0xD0000000, s2;
	s6 =	simm.s32 $0x108;
	_ =	swait.ge @!p0 [sflag:s8], $0x0  }
0x24: {  	s3 =	sadd.s32 $0x88, s3;
	s6 =	simm.s32 @!p1 $0x1082;
	[sflag:s4] =	ssyncset.s32 $0xFFFFF086  }
0x25: {  	[simem:s6], [sflag:s4] =	dma.local [hbm:s3], $0xF7A  }
0x26: {  	[smem:$0x3F93] =	sst s1;
	(tag) =	ssettag s2;
	_ =	strace s9  }
0x27: {  	s1 =	sld [smem:$0x3FA3]  }
0x28: {  	s2 =	sld [smem:$0x3FA4]  }
0x29: {  	s4 =	sld [smem:$0x3FA6]  }
0x2a: {  	p0 =	seq.s32 s5, $0x0;
	s5 =	sld [smem:$0x3FA7]  }
0x2b: {  	s6 =	sld [smem:$0x3FA8]  }
0x2c: {  	s7 =	sld [smem:$0x3FA9]  }
0x2d: {  	s3 =	simm.s32 $0x108;
	s8 =	sld [smem:$0x3FAA]  }
0x2e: {  	s3 =	simm.s32 @!p0 $0x1082;
	s9 =	sld [smem:$0x3FAB]  }
0x2f: {  	lr =	sadd.s32 s0, s3;
	s0 =	sld [smem:$0x3FA2]  }
0x30: {  	s3 =	sld [smem:$0x3FA5]  }
0x31: {  	[smem:$0x3FAE] =	sst s10  }
0x32: {  	s10 =	sld [smem:$0x3FAC];
	_ =	sdelay $0x3  }
0x33: {  	p0 =	seq.s32 s10, $0x1;
	s10 =	sld [smem:$0x3FAE];
	_ =	sdelay $0x3  }
0x34: {  	[smem:$0x3FAE] =	sst s10  }
0x35: {  	s10 =	sld [smem:$0x3FAD];
	_ =	sdelay $0x3  }
0x36: {  	p1 =	seq.s32 s10, $0x1;
	s10 =	sld [smem:$0x3FAE];
	_ =	sdelay $0x3  }
0x37: {  	[smem:$0x3FAE] =	sst s10  }
0x38: {  	s10 =	sld [smem:$0x3FAF]  }
0x39: {  	_ = 	snop;
	(pc) =	sbr.ind lr, $3  }
0x3a: {  	_ = 	snop  }
0x3b: {  	_ = 	snop  }
0x3c: {  	p2 =	seq.s32 s10, $0x1;
	s10 =	sld [smem:$0x3FAE]  }
0x3d: {  	_ =	shalt  }
0x3e: {  	_ =	shalt  }
0x3f: {  	_ =	shalt  }
0x40: {  	_ =	shalt  }
0x41: {  	_ =	shalt  }
0x42: {  	_ =	shalt  }
0x43: {  	_ =	shalt  }
0x44: {  	_ =	shalt  }
0x45: {  	_ =	shalt  }
0x46: {  	_ =	shalt  }
0x47: {  	_ =	shalt  }
0x48: {  	_ =	shalt  }
0x49: {  	_ =	shalt  }
0x4a: {  	_ =	shalt  }
0x4b: {  	_ =	shalt  }
0x4c: {  	_ =	shalt  }
0x4d: {  	_ =	shalt  }
0x4e: {  	_ =	shalt  }
0x4f: {  	_ =	shalt  }
0x50: {  	_ =	shalt  }
0x51: {  	_ =	shalt  }
0x52: {  	_ =	shalt  }
0x53: {  	_ =	shalt  }
0x54: {  	_ =	shalt  }
0x55: {  	_ =	shalt  }
0x56: {  	_ =	shalt  }
0x57: {  	_ =	shalt  }
0x58: {  	_ =	shalt  }
0x59: {  	_ =	shalt  }
0x5a: {  	_ =	shalt  }
0x5b: {  	_ =	shalt  }
0x5c: {  	_ =	shalt  }
0x5d: {  	_ =	shalt  }
0x5e: {  	_ =	shalt  }
0x5f: {  	_ =	shalt  }
0x60: {  	_ =	shalt  }
0x61: {  	_ =	shalt  }
0x62: {  	_ =	shalt  }
0x63: {  	_ =	shalt  }
0x64: {  	_ =	shalt  }
0x65: {  	_ =	shalt  }
0x66: {  	_ =	shalt  }
0x67: {  	_ =	shalt  }
0x68: {  	_ =	shalt  }
0x69: {  	_ =	shalt  }
0x6a: {  	_ =	shalt  }
0x6b: {  	_ =	shalt  }
0x6c: {  	_ =	shalt  }
0x6d: {  	_ =	shalt  }
0x6e: {  	_ =	shalt  }
0x6f: {  	_ =	shalt  }
0x70: {  	_ =	shalt  }
0x71: {  	_ =	shalt  }
0x72: {  	_ =	shalt  }
0x73: {  	_ =	shalt  }
0x74: {  	_ =	shalt  }
0x75: {  	_ =	shalt  }
0x76: {  	_ =	shalt  }
0x77: {  	_ =	shalt  }
0x78: {  	_ =	shalt  }
0x79: {  	_ =	shalt  }
0x7a: {  	_ =	shalt  }
0x7b: {  	_ =	shalt  }
0x7c: {  	_ =	shalt  }
0x7d: {  	_ =	shalt  }
0x7e: {  	_ =	shalt  }
0x7f: {  	_ =	shalt  }
0x80: {  	_ =	shalt  }
0x81: {  	_ =	shalt  }
0x82: {  	_ =	shalt  }
0x83: {  	_ =	shalt  }
0x84: {  	_ =	shalt  }
0x85: {  	_ =	shalt  }
0x86: {  	_ =	shalt  }
0x87: {  	_ =	shalt  }
.Lfunc_end0:
.L_simem_size_0:
called_computation.2_lowered:
.L_overlay_start_0:
0x88: {  	s2 =	sld [smem:$0x3FD9]  }
0x89: {  	s3 =	sld [smem:$0x3FFE];
	_ =	sdelay $0x1  }
0x8a: {  	s1 =	srdreg.scid  }
0x8b: {  	s0 =	sand.u32 $0x1, s1  }
0x8c: {  	s17 =	sshll.u32 s0, $0xA;
	s2 =	sadd.s32 s3, s2  }
0x8d: {  	s2 =	sadd.s32 s2, s17  }
0x8e: {  	[smem:$0x3FBA] =	sst s2  }
0x8f: {  	_ = 	snop  }
0x90: {  	s2 =	sld [smem:$0x3FD0];
	(tm) =	ssettm $0x1  }
0x91: {  	s18 =	sld [smem:$0x3FFB];
	_ =	sdelay $0x3  }
0x92: {  	_ =	strace s18  }
0x93: {  	s3 =	sld [smem:$0x3FFC];
	_ =	sdelay $0x3  }
0x94: {  	_ =	strace s3  }
0x95: {  	s3 =	sld [smem:$0x3FFD];
	_ =	sdelay $0x3  }
0x96: {  	_ =	strace s3  }
0x97: {  	_ =	strace $0x8FFFFFFF  }
0x98: {  	s19 =	sld [smem:$0x3FDB];
	_ =	sdelay $0x1  }
0x99: {  	s4 =	simm.s32 $_scs_section_size  }
0x9a: {  	s5 =	simm.s32 $_size__tile_overlayer_lowered;
	s6 =	simm.s32 $_tile_overlayer_lowered  }
0x9b: {  	s22 =	simm.s32 $0x1BFF;
	s21 =	sshll.u32 s6, $0x1;
	s3 =	sadd.s32 s4, s19  }
0x9c: {  	s7 =	simm.s32 $0x0;
	s20 =	sshll.u32 s5, $0x1;
	s5 =	sadd.s32 s21, s3  }
0x9d: {  	[timem:s7], [sflag:s22] =	dma.local [hbm:s5], s20  }
0x9e: {  	_ =	swait.ge [sflag:s22], s20  }
0x9f: {  	s4 =	ssub.s32 $0x0, s20;
	[sflag:s22] =	ssyncset.done $0x0  }
0xa0: {  	[sflag:s22] =	ssyncadd.s32 s4;
	_ =	sdelay $0x1  }
0xa1: {  	s23 =	simm.s32 $0x1B8B  }
0xa2: {  	_ =	swait.ge [sflag:s23], $0x1  }
0xa3: {  	[sflag:s23] =	ssyncset.done $0x0  }
0xa4: {  	s25 =	simm.s32 $0x1B8E;
	s24 =	sld [smem:$0x3FFE];
	[sflag:s23] =	ssyncadd.s32 $0xFFFFFFFF  }
0xa5: {  	s26 =	simm.s32 $execute0_lowered;
	[smem:$0x3FD2] =	sst s25  }
0xa6: {  	s5 =	sshll.u32 s26, $0x1;
	_ =	strace $0x8000004C;
	[dreg:$0x1] =	wrdreg $0xFFFFFFFF  }
0xa7: {  	s28 =	simm.s32 $_size_execute0_lowered;
	s3 =	sadd.s32 s3, s5;
	[dreg:$0x0] =	wrdreg $0x0  }
0xa8: {  	s5 =	sshll.u32 s28, $0x1;
	[dreg:$0x2] =	wrdreg s3  }
0xa9: {  	[dreg:$0x3] =	wrdreg s5  }
0xaa: {  	[dreg:$0x4] =	wrdreg $0xC0  }
0xab: {  	_ =	task [dreg:s7], $0x5FFFF  }
0xac: {  	[dreg:$0x1] =	wrdreg $0xFFFFFFFF  }
0xad: {  	[dreg:$0x0] =	wrdreg $0x60  }
0xae: {  	[dreg:$0x2] =	wrdreg s24  }
0xaf: {  	[dreg:$0x3] =	wrdreg s2  }
0xb0: {  	[dreg:$0x4] =	wrdreg $0x0  }
0xb1: {  	[dreg:$0x5] =	wrdreg $0x9  }
0xb2: {  	_ =	task.clear_ibuf [dreg:s7], $0x6FFFF;
	_ =	strace $0x9000004C  }
0xb3: {  	s29 =	simm.s32 $0x9;
	_ =	strace $0x8000004E  }
0xb4: {  	_ =	swait.ge [sflag:s29], $0x1  }
0xb5: {  	[sflag:s29] =	ssyncadd.s32 $0xFFFFFFFF  }
0xb6: {  	_ =	strace $0x9000004E  }
0xb7: {  	_ =	sfence  }
0xb8: {  	s30 =	sld [smem:$0x0];
	_ =	sdelay $0x2  }
0xb9: {  	s31 =	sshll.u32 s1, $0xD;
	s1 =	sshrl.u32 s1, $0x2  }
0xba: {  	s3 =	sand.u32 $0x4000, s31;
	s1 =	sadd.s32 s1, s30  }
0xbb: {  	s0 =	sor.u32 s3, s0;
	s1 =	sshll.u32 s1, $0x11  }
0xbc: {  	s0 =	sor.u32 s1, s0  }
0xbd: {  	s0 =	sadd.s32 $0x8F2B, s0  }
0xbe: {  	[sflag:s0] =	ssyncadd.remote.s32 $0x1  }
0xbf: {  	_ =	sfence.sel $0xFFFF  }
0xc0: {  	[dreg:$0x0] =	wrdreg $0xFFFFFFFF;
	(pc) =	sbr.abs _section_cstart, $3  }
0xc1: {  	[dreg:$0x1] =	wrdreg $0xFFFFFFFF  }
0xc2: {  	_ =	task.clear_ibuf [dreg:s7], $0x2FFFF;
	_ =	strace $0x9FFFFFFF  }
0xc3: {  	(tm) =	ssettm $0x7FFFFFFF  }
tec
execute0_lowered:
.L_overlay_start_1:
0x0: {  	(tag) =	ssettag $0x1  }
0x1: {  	s5 =	rddreg [dreg:$0x0]  }
0x2: {  	s11 =	rddreg [dreg:$0x1]  }
0x3: {  	s2 =	rddreg [dreg:$0x2]  }
0x4: {  	s0 =	rddreg [dreg:$0x3]  }
0x5: {  	s3 =	simm.s32 $0x0;
	s1 =	stileid.u32;
	s6 =	srdreg.scid  }
0x6: {  	s17 =	simm.s32 $0x16800;
	s18 =	simm.s32 $0x1;
	s19 =	simm.s32 $0x16780  }
0x7: {  	s20 =	simm.s32 $0x2;
	s21 =	simm.s32 $0x0;
	[smem:$0x7FF] =	sst s3  }
0x8: {  	s8 =	smul.u32 $0x14000, s1;
	s4 =	sadd.s32 $0x17600, s5;
	s9 =	sadd.s32 $0xD600, s5  }
0x9: {  	s10 =	sadd.s32 $0x3600, s5;
	s6 =	sand.u32 $0x1, s6;
	s13 =	smul.u32 $0x50000, s1  }
0xa: {  	s14 =	sshll.u32 s1, $0x1;
	s30 =	sshll.u32 s1, $0x6;
	_ =	strace $0x8000004D  }
0xb: {  	s12 =	ssub.s32 $0x2, s6;
	s14 =	sor.u32 s6, s14;
	s15 =	smul.u32 $0x140000, s6  }
0xc: {  	s6 =	sor.u32 $0x1C03, s30;
	s7 =	sshrl.u32 s8, $0x3;
	s25 =	sshrl.u32 s12, $0x1  }
0xd: {  	s26 =	sshrl.u32 s13, $0x2;
	s28 =	smul.u32 $0x2800, s14;
	s14 =	simm.s32 $0x3  }
0xe: {  	s5 =	sadd.s32 s7, s5;
	s12 =	ssub.s32 s12, s25;
	s29 =	sadd.s32 s26, s2  }
.Ltmp0:
0xf: {  	s15 =	sadd.s32 s8, s15;
	s5 =	sadd.s32 $0x3F600, s5;
	(pc) =	sbr.rel .LBB2_1-.Ltmp0, $4  }
0x10: {  	s13 =	sshrl.u32 s28, $0x3;
	s31 =	sshrl.u32 s15, $0x3;
	s12 =	smax.u32 s12, $0x1  }
0x11: {  	s15 =	simm.s32 $0x14000;
	s7 =	sadd.s32 s9, s13;
	s16 =	sadd.s32 $0x280, s13  }
0x12: {  	s8 =	sadd.s32 s10, s13;
	s11 =	sadd.s32 s11, s31;
	s13 =	sshrl.u32 s29, $0x3  }
0x13: {  	s9 =	sadd.s32 s9, s16;
	s10 =	sadd.s32 s10, s16;
	s16 =	simm.s32 $0x80  }
.LBB2_7:
0x14: {  	[spmem:s2] =	stream.indirect.scatter.add.f32 [tilespmem:s25], [sflag:$0x2], $0x80, s19, s16, $0xb8;
	[tilespmem:$0x1E800] =	vst v63  }
0x15: {  	_ =	swait.ge [sflag:s20], $0x4000  }
0x16: {  	s21 =	sadd.s32 $0x1, s21;
	[sflag:s20] =	ssyncset.done $0x0  }
0x17: {  	p0 =	sne.s32 s21, s12;
	[sflag:s20] =	ssyncadd.s32 $0xFFFFC000  }
.Ltmp1:
0x18: {  	[bflag:$0x0] =	sbarrier.arrive $0xFFFF;
	(pc) =	sbr.rel @!p0 .LBB2_8-.Ltmp1, $4  }
0x19: {  	[hbm:s11], [sflag:s6] =	dma.local [spmem:s13], $0x2800  }
0x1a: {  	_ =	swait.ge [sflag:s14], $0x2800  }
0x1b: {  	[sflag:s14] =	ssyncset.done $0x0  }
0x1c: {  	[sflag:s14] =	ssyncadd.s32 $0xFFFFD800  }
.LBB2_1:
0x1d: {  	[spmem:s13], [sflag:s6] =	dma.local [hbm:s5], $0x2800  }
0x1e: {  	_ =	swait.ge [sflag:s14], $0x2800  }
0x1f: {  	[sflag:s14] =	ssyncset.done $0x0  }
0x20: {  	[sflag:s14] =	ssyncadd.s32 $0xFFFFD800  }
0x21: {  	[bflag:$0x0] =	sbarrier.arrive $0xFFFF  }
0x22: {  	[tilespmem:s15], [sflag:$0x3] =	stream.linear.gather [hbm4b:s7+s3], $0x1400, $0x38;
	[tilespmem:$0x1E800] =	vst v63  }
0x23: {  	_ =	swait.ge [sflag:s14], $0x1400  }
0x24: {  	[sflag:s14] =	ssyncset.done $0x0  }
0x25: {  	s22 =	simm.s32 $0x15400;
	[sflag:s14] =	ssyncadd.s32 $0xFFFFEC00  }
0x26: {  	[tilespmem:s22], [sflag:$0x3] =	stream.linear.gather [hbm4b:s8+s3], $0x1400, $0x38;
	[tilespmem:$0x1E800] =	vst v63  }
0x27: {  	_ =	swait.ge [sflag:s14], $0x1400  }
0x28: {  	[sflag:s14] =	ssyncset.done $0x0  }
0x29: {  	s23 =	simm.s32 $0x14080;
	s24 =	simm.s32 $0x0;
	[sflag:s14] =	ssyncadd.s32 $0xFFFFEC00  }
0x2a: {  	[tilespmem:s17], [sflag:$0x1] =	stream.indirect.gather [hbm4b:s4+s16], $0x80, s15, s16, $0xb8;
	[tilespmem:$0x1E800] =	vst v63  }
.LBB2_2:
0x2b: {  	p0 =	seq.s32 s24, $0x0  }
0x2c: {  	p1 =	seq.s32 @!p0 s24, $0x27  }
0x2d: {  	_ =	swait.ge [sflag:s18], $0x4000;
	p1 =	por p0, !p1  }
.Ltmp2:
0x2e: {  	[sflag:s18] =	ssyncset.done $0x0;
	(pc) =	sbr.rel @!p1 .LBB2_4-.Ltmp2, $4  }
0x2f: {  	s28 =	simm.s32 @!p0 $0x2;
	[sflag:s18] =	ssyncadd.s32 $0xFFFFC000  }
0x30: {  	s25 =	sand.u32 $0x1, s24;
	_ =	swait.ge @!p0 [sflag:s28], $0x4000  }
0x31: {  	s26 =	sshll.u32 s25, $0xE;
	[sflag:s28] =	ssyncset.done @!p0 $0x0  }
0x32: {  	s25 =	sadd.s32 $0x16800, s26;
	[sflag:s28] =	ssyncadd.s32 @!p0 $0xFFFFC000  }
.Ltmp3:
0x33: {  	s26 =	ssub.s32 $0x1A800, s26;
	(pc) =	sbr.rel .LBB2_2-.Ltmp3, $4  }
0x34: {  	[tilespmem:s26], [sflag:$0x1] =	stream.indirect.gather [hbm4b:s4+s16], $0x80, s23, s16, $0xb8;
	[tilespmem:$0x1E800] =	vst v63  }
0x35: {  	_ = 	snop  }
0x36: {  	[spmem:s2] =	stream.indirect.scatter.add.f32 [tilespmem:s25], [sflag:$0x2], $0x80, s22, s16, $0xb8;
	[tilespmem:$0x1E800] =	vst v63  }
0x37: {  	s24 =	sadd.s32 $0x1, s24;
	s23 =	sadd.s32 $0x80, s23;
	s22 =	sadd.s32 $0x80, s22  }
.LBB2_4:
0x38: {  	[spmem:s2] =	stream.indirect.scatter.add.f32 [tilespmem:s25], [sflag:$0x2], $0x80, s19, s16, $0xb8;
	[tilespmem:$0x1E800] =	vst v63  }
0x39: {  	_ =	swait.ge [sflag:s20], $0x4000  }
0x3a: {  	[sflag:s20] =	ssyncset.done $0x0  }
0x3b: {  	s22 =	simm.s32 $0x0;
	[sflag:s20] =	ssyncadd.s32 $0xFFFFC000  }
0x3c: {  	[tilespmem:s15], [sflag:$0x3] =	stream.linear.gather [hbm4b:s9+s22], $0x1400, $0x38;
	[tilespmem:$0x1E800] =	vst v63  }
0x3d: {  	_ =	swait.ge [sflag:s14], $0x1400  }
0x3e: {  	[sflag:s14] =	ssyncset.done $0x0  }
0x3f: {  	s23 =	simm.s32 $0x15400;
	[sflag:s14] =	ssyncadd.s32 $0xFFFFEC00  }
0x40: {  	[tilespmem:s23], [sflag:$0x3] =	stream.linear.gather [hbm4b:s10+s22], $0x1400, $0x38;
	[tilespmem:$0x1E800] =	vst v63  }
0x41: {  	_ =	swait.ge [sflag:s14], $0x1400  }
0x42: {  	[sflag:s14] =	ssyncset.done $0x0  }
0x43: {  	s24 =	simm.s32 $0x14080;
	[sflag:s14] =	ssyncadd.s32 $0xFFFFEC00  }
0x44: {  	[tilespmem:s17], [sflag:$0x1] =	stream.indirect.gather [hbm4b:s4+s16], $0x80, s15, s16, $0xb8;
	[tilespmem:$0x1E800] =	vst v63  }
.LBB2_5:
0x45: {  	p0 =	seq.s32 s22, $0x0  }
0x46: {  	p1 =	seq.s32 @!p0 s22, $0x27  }
0x47: {  	_ =	swait.ge [sflag:s18], $0x4000;
	p1 =	por p0, !p1  }
.Ltmp4:
0x48: {  	[sflag:s18] =	ssyncset.done $0x0;
	(pc) =	sbr.rel @!p1 .LBB2_7-.Ltmp4, $4  }
0x49: {  	s28 =	simm.s32 @!p0 $0x2;
	[sflag:s18] =	ssyncadd.s32 $0xFFFFC000  }
0x4a: {  	s25 =	sand.u32 $0x1, s22;
	_ =	swait.ge @!p0 [sflag:s28], $0x4000  }
0x4b: {  	s26 =	sshll.u32 s25, $0xE;
	[sflag:s28] =	ssyncset.done @!p0 $0x0  }
0x4c: {  	s25 =	sadd.s32 $0x16800, s26;
	[sflag:s28] =	ssyncadd.s32 @!p0 $0xFFFFC000  }
.Ltmp5:
0x4d: {  	s26 =	ssub.s32 $0x1A800, s26;
	(pc) =	sbr.rel .LBB2_5-.Ltmp5, $4  }
0x4e: {  	[tilespmem:s26], [sflag:$0x1] =	stream.indirect.gather [hbm4b:s4+s16], $0x80, s24, s16, $0xb8;
	[tilespmem:$0x1E800] =	vst v63  }
0x4f: {  	_ = 	snop  }
0x50: {  	[spmem:s2] =	stream.indirect.scatter.add.f32 [tilespmem:s25], [sflag:$0x2], $0x80, s23, s16, $0xb8;
	[tilespmem:$0x1E800] =	vst v63  }
0x51: {  	s22 =	sadd.s32 $0x1, s22;
	s24 =	sadd.s32 $0x80, s24;
	s23 =	sadd.s32 $0x80, s23  }
.LBB2_8:
0x52: {  	_ =	sfence.sel $0x180000  }
0x53: {  	[bflag:$0x0] =	sbarrier.arrive $0xFFFF  }
0x54: {  	p0 =	sne.s32 s1, $0x0;
	_ =	strace $0x9000004D  }
0x55: {  	s0 =	sadd.s32 @!p0 $0x100000, s0;
	[bflag:$0x2] =	sbarrier.arrive $0xFFFF  }
0x56: {  	[sflag:s0] =	ssyncadd.tile.s32 @!p0 $0x1;
	_ =	shalt  }
.Lfunc_end2:
_tile_overlayer_lowered:
.L_overlay_start_2:
0x57: {  	(tag) =	ssettag $0x2  }
0x58: {  	s0 =	rddreg [dreg:$0x0];
	s2 =	stileid.u32  }
0x59: {  	s1 =	rddreg [dreg:$0x1];
	p0 =	sne.s32 s2, $0x0  }
0x5a: {  	s3 =	rddreg [dreg:$0x2];
	[bflag:$0x3] =	sbarrier.arrive $0xFFFF;
	s2 =	simm.s32 @!p0 $0x1C03  }
0x5b: {  	[timem:s3], [sflag:s2] =	dma.local @!p0 [hbm:s0], s1  }
0x5c: {  	s0 =	simm.s32 @!p0 $0x3  }
0x5d: {  	_ =	swait.ge @!p0 [sflag:s0], s1  }
0x5e: {  	s1 =	ssub.s32 @!p0 $0x0, s1;
	[sflag:s0] =	ssyncset.done @!p0 $0x0  }
0x5f: {  	[sflag:s0] =	ssyncadd.s32 @!p0 s1  }
0x60: {  	[bflag:$0x3] =	sbarrier.arrive $0xFFFF  }
0x61: {  	_ =	shalt  }

// kernel: _impl.18.cloned.1.call-start
scs
__scs_entry_jumppad:
0x0: {  	(pc) =	sbr.rel $0x88, $3  }
0x1: {  	(tag) =	ssettag $0x0;
	lr =	simm.s32 $0x1  }
0x2: {  	[smem:$0x3F93] =	sst lr;
	_ =	strace $0xD0000000  }
0x3: {  	_ = 	snop  }
0x4: {  	_ = 	snop  }
0x5: {  	_ = 	snop  }
0x6: {  	_ = 	snop  }
0x7: {  	_ = 	snop  }
__scs_overlays_trampoline_lowered:
0x8: {  	[smem:$0x3FA2] =	sst s0  }
0x9: {  	[smem:$0x3FA3] =	sst s1  }
0xa: {  	[smem:$0x3FA4] =	sst s2  }
0xb: {  	[smem:$0x3FA5] =	sst s3  }
0xc: {  	[smem:$0x3FA6] =	sst s4  }
0xd: {  	[smem:$0x3FA7] =	sst s5  }
0xe: {  	[smem:$0x3FA8] =	sst s6  }
0xf: {  	[smem:$0x3FA9] =	sst s7  }
0x10: {  	[smem:$0x3FAA] =	sst s8  }
0x11: {  	[smem:$0x3FAB] =	sst s9;
	s0 =	simm.s32 @!p0 $0x0  }
0x12: {  	s1 =	sld [smem:$0x3F91];
	s0 =	simm.s32 @p0 $0x1  }
0x13: {  	[smem:$0x3FAC] =	sst s0;
	s0 =	simm.s32 @!p1 $0x0  }
0x14: {  	s2 =	sld [smem:$0x3F90];
	s0 =	simm.s32 @p1 $0x1  }
0x15: {  	[smem:$0x3FAD] =	sst s0;
	s0 =	simm.s32 @!p2 $0x0  }
0x16: {  	s3 =	sld [smem:$0x3FDB];
	s0 =	simm.s32 @p2 $0x1  }
0x17: {  	s4 =	simm.s32 $0x1BF5;
	[smem:$0x3FAF] =	sst s0  }
0x18: {  	s0 =	sld [smem:$0x3F92];
	_ =	swait.ge [sflag:s4], $0x0  }
0x19: {  	s7 =	sld [smem:$0x3F93]  }
0x1a: {  	s8 =	sadd.s32 $0xFFFFE003, lr  }
0x1b: {  	s9 =	sadd.s32 $0xFFFFFEF7, lr;
	s5 =	simm.s32 $0xFFFFFFFF;
	p2 =	slt.u32 s8, $0xFFFFF086  }
0x1c: {  	p1 =	slt.u32 s9, $0xF7A;
	s5 =	simm.s32 @!p2 $0x0  }
0x1d: {  	s5 =	simm.s32 @p1 $0x1;
	p0 =	seq.s32 s7, s2  }
0x1e: {  	s7 =	smul.u32 @!p0 $0xF7A, s2;
	p2 =	seq.s32 @!p0 s5, $0x0  }
0x1f: {  	s9 =	smul.u32 $0xF7A, s1;
	s8 =	simm.s32 @!p0 $0x1BF5;
	p2 =	por !p2, p0  }
0x20: {  	[sflag:s8] =	ssyncset.s32 @!p0 $0xFFFFF086;
	s6 =	sadd.s32 @!p0 s3, s7;
	s7 =	simm.s32 @!p0 $0x108  }
0x21: {  	s3 =	sadd.s32 s3, s9;
	s6 =	sadd.s32 @!p0 $0x88, s6;
	s7 =	simm.s32 @p2 $0x1082  }
0x22: {  	[simem:s7], [sflag:s8] =	dma.local @!p0 [hbm:s6], $0xF7A  }
0x23: {  	s9 =	sor.u32 $0xD0000000, s2;
	s6 =	simm.s32 $0x108;
	_ =	swait.ge @!p0 [sflag:s8], $0x0  }
0x24: {  	s3 =	sadd.s32 $0x88, s3;
	s6 =	simm.s32 @!p1 $0x1082;
	[sflag:s4] =	ssyncset.s32 $0xFFFFF086  }
0x25: {  	[simem:s6], [sflag:s4] =	dma.local [hbm:s3], $0xF7A  }
0x26: {  	[smem:$0x3F93] =	sst s1;
	(tag) =	ssettag s2;
	_ =	strace s9  }
0x27: {  	s1 =	sld [smem:$0x3FA3]  }
0x28: {  	s2 =	sld [smem:$0x3FA4]  }
0x29: {  	s4 =	sld [smem:$0x3FA6]  }
0x2a: {  	p0 =	seq.s32 s5, $0x0;
	s5 =	sld [smem:$0x3FA7]  }
0x2b: {  	s6 =	sld [smem:$0x3FA8]  }
0x2c: {  	s7 =	sld [smem:$0x3FA9]  }
0x2d: {  	s3 =	simm.s32 $0x108;
	s8 =	sld [smem:$0x3FAA]  }
0x2e: {  	s3 =	simm.s32 @!p0 $0x1082;
	s9 =	sld [smem:$0x3FAB]  }
0x2f: {  	lr =	sadd.s32 s0, s3;
	s0 =	sld [smem:$0x3FA2]  }
0x30: {  	s3 =	sld [smem:$0x3FA5]  }
0x31: {  	[smem:$0x3FAE] =	sst s10  }
0x32: {  	s10 =	sld [smem:$0x3FAC];
	_ =	sdelay $0x3  }
0x33: {  	p0 =	seq.s32 s10, $0x1;
	s10 =	sld [smem:$0x3FAE];
	_ =	sdelay $0x3  }
0x34: {  	[smem:$0x3FAE] =	sst s10  }
0x35: {  	s10 =	sld [smem:$0x3FAD];
	_ =	sdelay $0x3  }
0x36: {  	p1 =	seq.s32 s10, $0x1;
	s10 =	sld [smem:$0x3FAE];
	_ =	sdelay $0x3  }
0x37: {  	[smem:$0x3FAE] =	sst s10  }
0x38: {  	s10 =	sld [smem:$0x3FAF]  }
0x39: {  	_ = 	snop;
	(pc) =	sbr.ind lr, $3  }
0x3a: {  	_ = 	snop  }
0x3b: {  	_ = 	snop  }
0x3c: {  	p2 =	seq.s32 s10, $0x1;
	s10 =	sld [smem:$0x3FAE]  }
0x3d: {  	_ =	shalt  }
0x3e: {  	_ =	shalt  }
0x3f: {  	_ =	shalt  }
0x40: {  	_ =	shalt  }
0x41: {  	_ =	shalt  }
0x42: {  	_ =	shalt  }
0x43: {  	_ =	shalt  }
0x44: {  	_ =	shalt  }
0x45: {  	_ =	shalt  }
0x46: {  	_ =	shalt  }
0x47: {  	_ =	shalt  }
0x48: {  	_ =	shalt  }
0x49: {  	_ =	shalt  }
0x4a: {  	_ =	shalt  }
0x4b: {  	_ =	shalt  }
0x4c: {  	_ =	shalt  }
0x4d: {  	_ =	shalt  }
0x4e: {  	_ =	shalt  }
0x4f: {  	_ =	shalt  }
0x50: {  	_ =	shalt  }
0x51: {  	_ =	shalt  }
0x52: {  	_ =	shalt  }
0x53: {  	_ =	shalt  }
0x54: {  	_ =	shalt  }
0x55: {  	_ =	shalt  }
0x56: {  	_ =	shalt  }
0x57: {  	_ =	shalt  }
0x58: {  	_ =	shalt  }
0x59: {  	_ =	shalt  }
0x5a: {  	_ =	shalt  }
0x5b: {  	_ =	shalt  }
0x5c: {  	_ =	shalt  }
0x5d: {  	_ =	shalt  }
0x5e: {  	_ =	shalt  }
0x5f: {  	_ =	shalt  }
0x60: {  	_ =	shalt  }
0x61: {  	_ =	shalt  }
0x62: {  	_ =	shalt  }
0x63: {  	_ =	shalt  }
0x64: {  	_ =	shalt  }
0x65: {  	_ =	shalt  }
0x66: {  	_ =	shalt  }
0x67: {  	_ =	shalt  }
0x68: {  	_ =	shalt  }
0x69: {  	_ =	shalt  }
0x6a: {  	_ =	shalt  }
0x6b: {  	_ =	shalt  }
0x6c: {  	_ =	shalt  }
0x6d: {  	_ =	shalt  }
0x6e: {  	_ =	shalt  }
0x6f: {  	_ =	shalt  }
0x70: {  	_ =	shalt  }
0x71: {  	_ =	shalt  }
0x72: {  	_ =	shalt  }
0x73: {  	_ =	shalt  }
0x74: {  	_ =	shalt  }
0x75: {  	_ =	shalt  }
0x76: {  	_ =	shalt  }
0x77: {  	_ =	shalt  }
0x78: {  	_ =	shalt  }
0x79: {  	_ =	shalt  }
0x7a: {  	_ =	shalt  }
0x7b: {  	_ =	shalt  }
0x7c: {  	_ =	shalt  }
0x7d: {  	_ =	shalt  }
0x7e: {  	_ =	shalt  }
0x7f: {  	_ =	shalt  }
0x80: {  	_ =	shalt  }
0x81: {  	_ =	shalt  }
0x82: {  	_ =	shalt  }
0x83: {  	_ =	shalt  }
0x84: {  	_ =	shalt  }
0x85: {  	_ =	shalt  }
0x86: {  	_ =	shalt  }
0x87: {  	_ =	shalt  }
.Lfunc_end0:
.L_simem_size_0:
called_computation.3_lowered:
.L_overlay_start_0:
0x88: {  	s2 =	sld [smem:$0x3FD9]  }
0x89: {  	s3 =	sld [smem:$0x3FFE];
	_ =	sdelay $0x1  }
0x8a: {  	s1 =	srdreg.scid  }
0x8b: {  	s0 =	sand.u32 $0x1, s1  }
0x8c: {  	s17 =	sshll.u32 s0, $0xA;
	s2 =	sadd.s32 s3, s2  }
0x8d: {  	s2 =	sadd.s32 s2, s17  }
0x8e: {  	[smem:$0x3FBA] =	sst s2  }
0x8f: {  	_ = 	snop  }
0x90: {  	s2 =	sld [smem:$0x3FD0];
	(tm) =	ssettm $0x1  }
0x91: {  	s18 =	sld [smem:$0x3FFB];
	_ =	sdelay $0x3  }
0x92: {  	_ =	strace s18  }
0x93: {  	s3 =	sld [smem:$0x3FFC];
	_ =	sdelay $0x3  }
0x94: {  	_ =	strace s3  }
0x95: {  	s3 =	sld [smem:$0x3FFD];
	_ =	sdelay $0x3  }
0x96: {  	_ =	strace s3  }
0x97: {  	_ =	strace $0x8FFFFFFF  }
0x98: {  	s19 =	sld [smem:$0x3FDB];
	_ =	sdelay $0x1  }
0x99: {  	s4 =	simm.s32 $_scs_section_size  }
0x9a: {  	s5 =	simm.s32 $_size__tile_overlayer_lowered;
	s6 =	simm.s32 $_tile_overlayer_lowered  }
0x9b: {  	s22 =	simm.s32 $0x1BFF;
	s21 =	sshll.u32 s6, $0x1;
	s3 =	sadd.s32 s4, s19  }
0x9c: {  	s7 =	simm.s32 $0x0;
	s20 =	sshll.u32 s5, $0x1;
	s5 =	sadd.s32 s21, s3  }
0x9d: {  	[timem:s7], [sflag:s22] =	dma.local [hbm:s5], s20  }
0x9e: {  	_ =	swait.ge [sflag:s22], s20  }
0x9f: {  	s4 =	ssub.s32 $0x0, s20;
	[sflag:s22] =	ssyncset.done $0x0  }
0xa0: {  	[sflag:s22] =	ssyncadd.s32 s4;
	_ =	sdelay $0x1  }
0xa1: {  	s23 =	simm.s32 $0x1B8B  }
0xa2: {  	_ =	swait.ge [sflag:s23], $0x1  }
0xa3: {  	[sflag:s23] =	ssyncset.done $0x0  }
0xa4: {  	s25 =	simm.s32 $0x1B8E;
	s24 =	sld [smem:$0x3FFE];
	[sflag:s23] =	ssyncadd.s32 $0xFFFFFFFF  }
0xa5: {  	s26 =	simm.s32 $execute0_lowered;
	[smem:$0x3FD2] =	sst s25  }
0xa6: {  	s5 =	sshll.u32 s26, $0x1;
	_ =	strace $0x8000004F;
	[dreg:$0x1] =	wrdreg $0xFFFFFFFF  }
0xa7: {  	s28 =	simm.s32 $_size_execute0_lowered;
	s3 =	sadd.s32 s3, s5;
	[dreg:$0x0] =	wrdreg $0x0  }
0xa8: {  	s5 =	sshll.u32 s28, $0x1;
	[dreg:$0x2] =	wrdreg s3  }
0xa9: {  	[dreg:$0x3] =	wrdreg s5  }
0xaa: {  	[dreg:$0x4] =	wrdreg $0xC0  }
0xab: {  	_ =	task [dreg:s7], $0x5FFFF  }
0xac: {  	[dreg:$0x1] =	wrdreg $0xFFFFFFFF  }
0xad: {  	[dreg:$0x0] =	wrdreg $0x60  }
0xae: {  	[dreg:$0x2] =	wrdreg s24  }
0xaf: {  	[dreg:$0x3] =	wrdreg s2  }
0xb0: {  	[dreg:$0x4] =	wrdreg $0x9  }
0xb1: {  	_ =	task.clear_ibuf [dreg:s7], $0x5FFFF;
	_ =	strace $0x9000004F  }
0xb2: {  	s29 =	simm.s32 $0x9;
	_ =	strace $0x80000051  }
0xb3: {  	_ =	swait.ge [sflag:s29], $0x1  }
0xb4: {  	[sflag:s29] =	ssyncadd.s32 $0xFFFFFFFF  }
0xb5: {  	_ =	strace $0x90000051  }
0xb6: {  	_ =	sfence  }
0xb7: {  	s30 =	sld [smem:$0x0];
	_ =	sdelay $0x2  }
0xb8: {  	s31 =	sshll.u32 s1, $0xD;
	s1 =	sshrl.u32 s1, $0x2  }
0xb9: {  	s3 =	sand.u32 $0x4000, s31;
	s1 =	sadd.s32 s1, s30  }
0xba: {  	s0 =	sor.u32 s3, s0;
	s1 =	sshll.u32 s1, $0x11  }
0xbb: {  	s0 =	sor.u32 s1, s0  }
0xbc: {  	s0 =	sadd.s32 $0x8F2B, s0  }
0xbd: {  	[sflag:s0] =	ssyncadd.remote.s32 $0x1  }
0xbe: {  	_ =	sfence.sel $0xFFFF  }
0xbf: {  	[dreg:$0x0] =	wrdreg $0xFFFFFFFF;
	(pc) =	sbr.abs _section_cstart, $3  }
0xc0: {  	[dreg:$0x1] =	wrdreg $0xFFFFFFFF  }
0xc1: {  	_ =	task.clear_ibuf [dreg:s7], $0x2FFFF;
	_ =	strace $0x9FFFFFFF  }
0xc2: {  	(tm) =	ssettm $0x7FFFFFFF  }
0xc3: {  	_ =	shalt  }
tec
execute0_lowered:
.L_overlay_start_1:
0x0: {  	(tag) =	ssettag $0x1  }
0x1: {  	s7 =	rddreg [dreg:$0x0]  }
0x2: {  	s2 =	rddreg [dreg:$0x1]  }
0x3: {  	s0 =	rddreg [dreg:$0x2]  }
0x4: {  	s3 =	simm.s32 $0x0;
	s4 =	srdreg.scid;
	s1 =	stileid.u32  }
0x5: {  	s13 =	simm.s32 $0x80;
	s14 =	simm.s32 $0x2000;
	s15 =	simm.s32 $0xA000  }
0x6: {  	s17 =	simm.s32 $0x6000;
	s6 =	sand.u32 $0x1, s4;
	s5 =	sshll.u32 s1, $0x1  }
0x7: {  	s19 =	simm.s32 $0x0;
	[smem:$0x7FF] =	sst s3;
	s16 =	sor.u32 s6, s5  }
0x8: {  	s4 =	sadd.s32 $0x3600, s7;
	s8 =	ssub.s32 $0x2, s6;
	s6 =	smul.u32 $0x19, s16  }
0x9: {  	_ =	strace $0x80000050;
	s5 =	sadd.s32 $0x2B600, s7;
	s11 =	smul.u32 $0xC800, s16  }
0xa: {  	s9 =	sshll.u32 s16, $0x9;
	s10 =	sshrl.u32 s8, $0x1;
	s12 =	smul.u32 $0xC80, s16  }
0xb: {  	p0 =	seq.s32 s16, $0x1F;
	s16 =	simm.s32 $0x1;
	s9 =	sadd.s32 s9, s7  }
0xc: {  	s10 =	ssub.s32 s8, s10;
	s7 =	sadd.s32 $0x6B600, s9;
	s8 =	sadd.s32 $0x67600, s9  }
0xd: {  	s31 =	sadd.s32 s2, s11;
	s18 =	sadd.s32 $0xFFFE85DF, s12;
	s10 =	smax.u32 s10, $0x1  }
0xe: {  	s11 =	simm.s32 $0x2;
	s12 =	simm.s32 $0x1000;
	p1 =	sgt.u32 @!p0 s18, $0x7E  }
0xf: {  	s9 =	sadd.s32 $0xC000, s31;
	s18 =	simm.s32 $0xE000;
	p1 =	por p1, p0  }
.LBB2_1:
0x10: {  	[tilespmem:s3], [sflag:$0x2] =	stream.linear.gather [hbm4b:s7+s3], $0xC80, $0x38;
	[tilespmem:$0x12000] =	vst v63  }
0x11: {  	_ =	swait.ge [sflag:s11], $0xC80  }
0x12: {  	[sflag:s11] =	ssyncset.done $0x0  }
0x13: {  	[sflag:s11] =	ssyncadd.s32 $0xFFFFF380  }
0x14: {  	[tilespmem:s12], [sflag:$0x2] =	stream.linear.gather [hbm4b:s8+s3], $0xC80, $0x38;
	[tilespmem:$0x12000] =	vst v63  }
0x15: {  	_ =	swait.ge [sflag:s11], $0xC80  }
0x16: {  	[sflag:s11] =	ssyncset.done $0x0  }
0x17: {  	[sflag:s11] =	ssyncadd.s32 $0xFFFFF380  }
0x18: {  	[tilespmem:s14], [sflag:$0x1] =	stream.indirect.gather [hbm4b:s4+s13], $0x80, s3, s13, $0xb8;
	[tilespmem:$0x12000] =	vst v63  }
0x19: {  	s20 =	simm.s32 $0x0  }
0x1a: {  	[tilespmem:s15], [sflag:$0x1] =	stream.indirect.gather [hbm4b:s5+s13], $0x80, s12, s13, $0xb8;
	[tilespmem:$0x12000] =	vst v63  }
.LBB2_2:
0x1b: {  	_ =	swait.ge [sflag:s16], $0x4000  }
0x1c: {  	[sflag:s16] =	ssyncset.done $0x0  }
0x1d: {  	[sflag:s16] =	ssyncadd.s32 $0xFFFFC000  }
0x1e: {  	_ =	swait.ge [sflag:s16], $0x4000  }
0x1f: {  	s21 =	sshllo.u32 s20, $0x1;
	[sflag:s16] =	ssyncset.done $0x0  }
0x20: {  	s22 =	sshll.u32 s21, $0x7;
	[sflag:s16] =	ssyncadd.s32 $0xFFFFC000  }
0x21: {  	[tilespmem:s17], [sflag:$0x1] =	stream.indirect.gather [hbm4b:s4+s13], $0x80, s22, s13, $0xb8;
	[tilespmem:$0x12000] =	vst v63  }
0x22: {  	s22 =	sadd.s32 $0x1000, s22  }
0x23: {  	[tilespmem:s18], [sflag:$0x1] =	stream.indirect.gather [hbm4b:s5+s13], $0x80, s22, s13, $0xb8;
	[tilespmem:$0x12000] =	vst v63  }
0x24: {  	s22 =	simm.s32 $0x0  }
0x25: {  	v7 =	vld [tilespmem:s22+$0xA000]  }
0x26: {  	v11 =	vld [tilespmem:s22+$0xA010]  }
0x27: {  	v5 =	vld [tilespmem:s22+$0xA020]  }
0x28: {  	v4 =	vld [tilespmem:s22+$0xA030]  }
0x29: {  	v3 =	vld [tilespmem:s22+$0xA040]  }
0x2a: {  	v2 =	vld [tilespmem:s22+$0xA050]  }
0x2b: {  	v1 =	vld [tilespmem:s22+$0xA060]  }
0x2c: {  	v0 =	vld [tilespmem:s22+$0xA070]  }
0x2d: {  	v12 =	vld [tilespmem:s22+$0x2000]  }
0x2e: {  	v13 =	vld [tilespmem:s22+$0x2010]  }
0x2f: {  	v10 =	vld [tilespmem:s22+$0x2020]  }
0x30: {  	v9 =	vld [tilespmem:s22+$0x2030]  }
0x31: {  	v8 =	vld [tilespmem:s22+$0x2040]  }
0x32: {  	v6 =	vld [tilespmem:s22+$0x2050];
	v12 =	vadd.f32 v7, v12  }
0x33: {  	s23 =	sshll.u32 s20, $0x1;
	s24 =	simm.s32 $0x200;
	v11 =	vadd.f32 v11, v13;
	v7 =	vld [tilespmem:s22+$0x2060]  }
.LBB2_3:
0x34: {  	s25 =	sshra.s32 s24, $0x2;
	p2 =	sne.s32 s24, $0xFE00;
	[tilespmem:s22+$0x2000] =	vst v12;
	v5 =	vadd.f32 v5, v10;
	v10 =	vld [tilespmem:s22+$0x2070]  }
0x35: {  	v12 =	vld [tilespmem:s25+$0xA000];
	[tilespmem:s22+$0x2010] =	vst v11;
	v4 =	vadd.f32 v4, v9  }
0x36: {  	v11 =	vld [tilespmem:s25+$0xA010];
	[tilespmem:s22+$0x2020] =	vst v5;
	v3 =	vadd.f32 v3, v8  }
0x37: {  	v5 =	vld [tilespmem:s25+$0xA020];
	[tilespmem:s22+$0x2030] =	vst v4;
	v2 =	vadd.f32 v2, v6  }
0x38: {  	v4 =	vld [tilespmem:s25+$0xA030];
	[tilespmem:s22+$0x2040] =	vst v3;
	v1 =	vadd.f32 v1, v7  }
0x39: {  	v3 =	vld [tilespmem:s25+$0xA040];
	[tilespmem:s22+$0x2050] =	vst v2;
	v0 =	vadd.f32 v0, v10  }
0x3a: {  	v2 =	vld [tilespmem:s25+$0xA050];
	[tilespmem:s22+$0x2060] =	vst v1  }
0x3b: {  	v1 =	vld [tilespmem:s25+$0xA060];
	[tilespmem:s22+$0x2070] =	vst v0;
	s22 =	smov.u32 s25  }
0x3c: {  	v0 =	vld [tilespmem:s22+$0xA070]  }
0x3d: {  	v6 =	vld [tilespmem:s22+$0x2000]  }
0x3e: {  	v7 =	vld [tilespmem:s22+$0x2010]  }
.Ltmp0:
0x3f: {  	v10 =	vld [tilespmem:s22+$0x2020];
	(pc) =	sbr.rel @p2 .LBB2_3-.Ltmp0, $4  }
0x40: {  	v9 =	vld [tilespmem:s22+$0x2030]  }
0x41: {  	v8 =	vld [tilespmem:s22+$0x2040]  }
0x42: {  	v12 =	vadd.f32 v12, v6;
	v6 =	vld [tilespmem:s22+$0x2050]  }
0x43: {  	s24 =	sadd.s32 $0x200, s24;
	v11 =	vadd.f32 v11, v7;
	v7 =	vld [tilespmem:s22+$0x2060]  }
0x44: {  	[tilespmem:s22+$0x2000] =	vst v12;
	v5 =	vadd.f32 v5, v10;
	v10 =	vld [tilespmem:s22+$0x2070]  }
0x45: {  	[tilespmem:s22+$0x2010] =	vst v11;
	v4 =	vadd.f32 v4, v9  }
0x46: {  	[tilespmem:s22+$0x2020] =	vst v5;
	v3 =	vadd.f32 v3, v8  }
0x47: {  	[tilespmem:s22+$0x2030] =	vst v4;
	v2 =	vadd.f32 v2, v6  }
0x48: {  	s23 =	sadd.s32 s6, s23;
	[tilespmem:s22+$0x2040] =	vst v3;
	v1 =	vadd.f32 v1, v7  }
0x49: {  	p2 =	sgt.u32 s23, $0x30C;
	[tilespmem:s22+$0x2050] =	vst v2;
	v0 =	vadd.f32 v0, v10  }
0x4a: {  	s29 =	sshll.u32 s23, $0x7;
	s24 =	sshll.u32 @!p2 s23, $0xB;
	[tilespmem:s22+$0x2060] =	vst v1  }
0x4b: {  	s25 =	simm.s32 @!p2 $0x2000;
	[tilespmem:s22+$0x2070] =	vst v0;
	s22 =	sadd.s32 @!p2 s2, s24;
	s24 =	simm.s32 @!p2 $0x0  }
0x4c: {  	[hbm4b:s22+s24] =	stream.linear.scatter @!p2 [tilespmem:s25], [sflag:$0x3], $0x4000, $0x38;
	[tilespmem:$0x12000] =	vst v63  }
0x4d: {  	s24 =	simm.s32 @!p2 $0x3;
	s22 =	sadd.s32 $0xFFFE79DF, s29  }
0x4e: {  	_ =	swait.ge @!p2 [sflag:s24], $0x4000;
	p3 =	sgt.u32 s22, $0x7E  }
0x4f: {  	[sflag:s24] =	ssyncset.done @!p2 $0x0;
	s22 =	sshll.u32 @!p3 s23, $0xB;
	s23 =	simm.s32 @!p3 $0x0  }
0x50: {  	[sflag:s24] =	ssyncadd.s32 @!p2 $0xFFFFC000;
	s22 =	sadd.s32 @!p3 s2, s22;
	s24 =	simm.s32 @!p3 $0x2000  }
0x51: {  	[hbm4b:s22+s23] =	stream.linear.scatter @!p3 [tilespmem:s24], [sflag:$0x3], $0x1000, $0x38;
	[tilespmem:$0x12000] =	vst v63  }
0x52: {  	s22 =	simm.s32 @!p3 $0x3  }
0x53: {  	_ =	swait.ge @!p3 [sflag:s22], $0x1000  }
0x54: {  	[sflag:s22] =	ssyncset.done @!p3 $0x0  }
0x55: {  	[sflag:s22] =	ssyncadd.s32 @!p3 $0xFFFFF000  }
0x56: {  	_ =	swait.ge [sflag:s16], $0x4000  }
0x57: {  	[sflag:s16] =	ssyncset.done $0x0  }
0x58: {  	[sflag:s16] =	ssyncadd.s32 $0xFFFFC000  }
0x59: {  	_ =	swait.ge [sflag:s16], $0x4000  }
0x5a: {  	s30 =	sshll.u32 s20, $0x8;
	[sflag:s16] =	ssyncset.done $0x0  }
0x5b: {  	s31 =	sadd.s32 $0x100, s30;
	[sflag:s16] =	ssyncadd.s32 $0xFFFFC000  }
0x5c: {  	[tilespmem:s14], [sflag:$0x1] =	stream.indirect.gather [hbm4b:s4+s13], $0x80, s31, s13, $0xb8;
	[tilespmem:$0x12000] =	vst v63  }
0x5d: {  	s22 =	sadd.s32 $0x1100, s30  }
0x5e: {  	[tilespmem:s15], [sflag:$0x1] =	stream.indirect.gather [hbm4b:s5+s13], $0x80, s22, s13, $0xb8;
	[tilespmem:$0x12000] =	vst v63  }
0x5f: {  	s22 =	simm.s32 $0x0  }
0x60: {  	v7 =	vld [tilespmem:s22+$0xE000]  }
0x61: {  	v11 =	vld [tilespmem:s22+$0xE010]  }
0x62: {  	v5 =	vld [tilespmem:s22+$0xE020]  }
0x63: {  	v4 =	vld [tilespmem:s22+$0xE030]  }
0x64: {  	v3 =	vld [tilespmem:s22+$0xE040]  }
0x65: {  	v2 =	vld [tilespmem:s22+$0xE050]  }
0x66: {  	v1 =	vld [tilespmem:s22+$0xE060]  }
0x67: {  	v0 =	vld [tilespmem:s22+$0xE070]  }
0x68: {  	v12 =	vld [tilespmem:s22+$0x6000]  }
0x69: {  	v13 =	vld [tilespmem:s22+$0x6010]  }
0x6a: {  	v10 =	vld [tilespmem:s22+$0x6020]  }
0x6b: {  	v9 =	vld [tilespmem:s22+$0x6030]  }
0x6c: {  	v8 =	vld [tilespmem:s22+$0x6040]  }
0x6d: {  	v6 =	vld [tilespmem:s22+$0x6050];
	v12 =	vadd.f32 v7, v12  }
0x6e: {  	s23 =	simm.s32 $0x200;
	v11 =	vadd.f32 v11, v13;
	v7 =	vld [tilespmem:s22+$0x6060]  }
.LBB2_5:
0x6f: {  	s24 =	sshra.s32 s23, $0x2;
	p2 =	sne.s32 s23, $0xFE00;
	[tilespmem:s22+$0x6000] =	vst v12;
	v5 =	vadd.f32 v5, v10;
	v10 =	vld [tilespmem:s22+$0x6070]  }
0x70: {  	v12 =	vld [tilespmem:s24+$0xE000];
	[tilespmem:s22+$0x6010] =	vst v11;
	v4 =	vadd.f32 v4, v9  }
0x71: {  	v11 =	vld [tilespmem:s24+$0xE010];
	[tilespmem:s22+$0x6020] =	vst v5;
	v3 =	vadd.f32 v3, v8  }
0x72: {  	v5 =	vld [tilespmem:s24+$0xE020];
	[tilespmem:s22+$0x6030] =	vst v4;
	v2 =	vadd.f32 v2, v6  }
0x73: {  	v4 =	vld [tilespmem:s24+$0xE030];
	[tilespmem:s22+$0x6040] =	vst v3;
	v1 =	vadd.f32 v1, v7  }
0x74: {  	v3 =	vld [tilespmem:s24+$0xE040];
	[tilespmem:s22+$0x6050] =	vst v2;
	v0 =	vadd.f32 v0, v10  }
0x75: {  	v2 =	vld [tilespmem:s24+$0xE050];
	[tilespmem:s22+$0x6060] =	vst v1  }
0x76: {  	v1 =	vld [tilespmem:s24+$0xE060];
	[tilespmem:s22+$0x6070] =	vst v0;
	s22 =	smov.u32 s24  }
0x77: {  	v0 =	vld [tilespmem:s22+$0xE070]  }
0x78: {  	v6 =	vld [tilespmem:s22+$0x6000]  }
0x79: {  	v7 =	vld [tilespmem:s22+$0x6010]  }
.Ltmp1:
0x7a: {  	v10 =	vld [tilespmem:s22+$0x6020];
	(pc) =	sbr.rel @p2 .LBB2_5-.Ltmp1, $4  }
0x7b: {  	v9 =	vld [tilespmem:s22+$0x6030]  }
0x7c: {  	v8 =	vld [tilespmem:s22+$0x6040]  }
0x7d: {  	v12 =	vadd.f32 v12, v6;
	v6 =	vld [tilespmem:s22+$0x6050]  }
0x7e: {  	s23 =	sadd.s32 $0x200, s23;
	v11 =	vadd.f32 v11, v7;
	v7 =	vld [tilespmem:s22+$0x6060]  }
0x7f: {  	[tilespmem:s22+$0x6000] =	vst v12;
	v5 =	vadd.f32 v5, v10;
	v63 =	vld [tilespmem:s22+$0x6070]  }
0x80: {  	[tilespmem:s22+$0x6010] =	vst v11;
	v4 =	vadd.f32 v4, v9  }
0x81: {  	[tilespmem:s22+$0x6020] =	vst v5;
	v3 =	vadd.f32 v3, v8  }
0x82: {  	[tilespmem:s22+$0x6030] =	vst v4;
	v2 =	vadd.f32 v2, v6  }
0x83: {  	s21 =	sadd.s32 s6, s21;
	[tilespmem:s22+$0x6040] =	vst v3;
	v1 =	vadd.f32 v1, v7  }
0x84: {  	p2 =	sgt.u32 s21, $0x30C;
	s23 =	sshll.u32 s21, $0x7;
	[tilespmem:s22+$0x6050] =	vst v2;
	v0 =	vadd.f32 v0, v63  }
0x85: {  	s24 =	sshll.u32 @!p2 s21, $0xB;
	s25 =	simm.s32 @!p2 $0x6000;
	s23 =	sadd.s32 $0xFFFE79DF, s23;
	[tilespmem:s22+$0x6060] =	vst v1  }
0x86: {  	p3 =	sgt.u32 s23, $0x7E;
	[tilespmem:s22+$0x6070] =	vst v0;
	s22 =	sadd.s32 @!p2 s2, s24;
	s24 =	simm.s32 @!p2 $0x0  }
0x87: {  	[hbm4b:s22+s24] =	stream.linear.scatter @!p2 [tilespmem:s25], [sflag:$0x3], $0x4000, $0x38;
	[tilespmem:$0x12000] =	vst v63  }
0x88: {  	s21 =	sshll.u32 @!p3 s21, $0xB;
	s22 =	simm.s32 @!p2 $0x3  }
0x89: {  	s20 =	sadd.s32 $0x1, s20;
	s21 =	sand.u32 @!p3 $0x1FFFF800, s21;
	_ =	swait.ge @!p2 [sflag:s22], $0x4000  }
0x8a: {  	s23 =	simm.s32 @!p3 $0x6000;
	s21 =	sadd.s32 @!p3 s2, s21;
	[sflag:s22] =	ssyncset.done @!p2 $0x0  }
0x8b: {  	[sflag:s22] =	ssyncadd.s32 @!p2 $0xFFFFC000;
	s22 =	simm.s32 @!p3 $0x0;
	p2 =	sne.s32 s20, $0xC  }
0x8c: {  	[hbm4b:s21+s22] =	stream.linear.scatter @!p3 [tilespmem:s23], [sflag:$0x2], $0x1000, $0x38;
	[tilespmem:$0x12000] =	vst v63  }
.Ltmp2:
0x8d: {  	_ = 	snop;
	(pc) =	sbr.rel @p2 .LBB2_2-.Ltmp2, $4  }
0x8e: {  	s21 =	simm.s32 @!p3 $0x2  }
0x8f: {  	_ =	swait.ge @!p3 [sflag:s21], $0x1000  }
0x90: {  	[sflag:s21] =	ssyncset.done @!p3 $0x0  }
0x91: {  	[sflag:s21] =	ssyncadd.s32 @!p3 $0xFFFFF000  }
0x92: {  	_ =	swait.ge [sflag:s16], $0x4000  }
0x93: {  	[sflag:s16] =	ssyncset.done $0x0  }
0x94: {  	[sflag:s16] =	ssyncadd.s32 $0xFFFFC000  }
0x95: {  	_ =	swait.ge [sflag:s16], $0x4000  }
0x96: {  	[sflag:s16] =	ssyncset.done $0x0  }
0x97: {  	s20 =	simm.s32 $0x0;
	[sflag:s16] =	ssyncadd.s32 $0xFFFFC000  }
0x98: {  	v7 =	vld [tilespmem:s20+$0xA000]  }
0x99: {  	v11 =	vld [tilespmem:s20+$0xA010]  }
0x9a: {  	v5 =	vld [tilespmem:s20+$0xA020]  }
0x9b: {  	v4 =	vld [tilespmem:s20+$0xA030]  }
0x9c: {  	v3 =	vld [tilespmem:s20+$0xA040]  }
0x9d: {  	v2 =	vld [tilespmem:s20+$0xA050]  }
0x9e: {  	v1 =	vld [tilespmem:s20+$0xA060]  }
0x9f: {  	v0 =	vld [tilespmem:s20+$0xA070]  }
0xa0: {  	v12 =	vld [tilespmem:s20+$0x2000]  }
0xa1: {  	v13 =	vld [tilespmem:s20+$0x2010]  }
0xa2: {  	v10 =	vld [tilespmem:s20+$0x2020]  }
0xa3: {  	v9 =	vld [tilespmem:s20+$0x2030]  }
0xa4: {  	v8 =	vld [tilespmem:s20+$0x2040]  }
0xa5: {  	v6 =	vld [tilespmem:s20+$0x2050];
	v12 =	vadd.f32 v7, v12  }
0xa6: {  	s21 =	simm.s32 $0x200;
	v11 =	vadd.f32 v11, v13;
	v7 =	vld [tilespmem:s20+$0x2060]  }
.LBB2_8:
0xa7: {  	s22 =	sshra.s32 s21, $0x2;
	p2 =	sne.s32 s21, $0xFE00;
	[tilespmem:s20+$0x2000] =	vst v12;
	v5 =	vadd.f32 v5, v10;
	v10 =	vld [tilespmem:s20+$0x2070]  }
0xa8: {  	v12 =	vld [tilespmem:s22+$0xA000];
	[tilespmem:s20+$0x2010] =	vst v11;
	v4 =	vadd.f32 v4, v9  }
0xa9: {  	v11 =	vld [tilespmem:s22+$0xA010];
	[tilespmem:s20+$0x2020] =	vst v5;
	v3 =	vadd.f32 v3, v8  }
0xaa: {  	v5 =	vld [tilespmem:s22+$0xA020];
	[tilespmem:s20+$0x2030] =	vst v4;
	v2 =	vadd.f32 v2, v6  }
0xab: {  	v4 =	vld [tilespmem:s22+$0xA030];
	[tilespmem:s20+$0x2040] =	vst v3;
	v1 =	vadd.f32 v1, v7  }
0xac: {  	v3 =	vld [tilespmem:s22+$0xA040];
	[tilespmem:s20+$0x2050] =	vst v2;
	v0 =	vadd.f32 v0, v10  }
0xad: {  	v2 =	vld [tilespmem:s22+$0xA050];
	[tilespmem:s20+$0x2060] =	vst v1  }
0xae: {  	v1 =	vld [tilespmem:s22+$0xA060];
	[tilespmem:s20+$0x2070] =	vst v0;
	s20 =	smov.u32 s22  }
0xaf: {  	v0 =	vld [tilespmem:s20+$0xA070]  }
0xb0: {  	v6 =	vld [tilespmem:s20+$0x2000]  }
0xb1: {  	v7 =	vld [tilespmem:s20+$0x2010]  }
.Ltmp3:
0xb2: {  	v10 =	vld [tilespmem:s20+$0x2020];
	(pc) =	sbr.rel @p2 .LBB2_8-.Ltmp3, $4  }
0xb3: {  	v9 =	vld [tilespmem:s20+$0x2030]  }
0xb4: {  	v8 =	vld [tilespmem:s20+$0x2040]  }
0xb5: {  	v12 =	vadd.f32 v12, v6;
	v6 =	vld [tilespmem:s20+$0x2050]  }
0xb6: {  	s21 =	sadd.s32 $0x200, s21;
	v11 =	vadd.f32 v11, v7;
	v7 =	vld [tilespmem:s20+$0x2060]  }
0xb7: {  	[tilespmem:s20+$0x2000] =	vst v12;
	v5 =	vadd.f32 v5, v10;
	v63 =	vld [tilespmem:s20+$0x2070]  }
0xb8: {  	[tilespmem:s20+$0x2010] =	vst v11;
	v4 =	vadd.f32 v4, v9  }
0xb9: {  	[tilespmem:s20+$0x2020] =	vst v5;
	v3 =	vadd.f32 v3, v8  }
0xba: {  	[tilespmem:s20+$0x2030] =	vst v4;
	v2 =	vadd.f32 v2, v6  }
0xbb: {  	[tilespmem:s20+$0x2040] =	vst v3;
	v1 =	vadd.f32 v1, v7  }
0xbc: {  	[tilespmem:s20+$0x2050] =	vst v2;
	v0 =	vadd.f32 v0, v63  }
0xbd: {  	[tilespmem:s20+$0x2060] =	vst v1  }
0xbe: {  	s21 =	simm.s32 @!p0 $0x2000;
	[tilespmem:s20+$0x2070] =	vst v0;
	s20 =	simm.s32 @!p0 $0x0  }
0xbf: {  	[hbm4b:s9+s20] =	stream.linear.scatter @!p0 [tilespmem:s21], [sflag:$0x2], $0x4000, $0x38;
	[tilespmem:$0x12000] =	vst v63  }
0xc0: {  	s20 =	simm.s32 @!p0 $0x2  }
0xc1: {  	s19 =	sadd.s32 $0x1, s19;
	_ =	swait.ge @!p0 [sflag:s20], $0x4000  }
0xc2: {  	p2 =	sne.s32 s19, s10;
	[sflag:s20] =	ssyncset.done @!p0 $0x0  }
0xc3: {  	s21 =	simm.s32 @!p1 $0x2000;
	[sflag:s20] =	ssyncadd.s32 @!p0 $0xFFFFC000;
	s20 =	simm.s32 @!p1 $0x0  }
0xc4: {  	[hbm4b:s9+s20] =	stream.linear.scatter @!p1 [tilespmem:s21], [sflag:$0x2], $0x1000, $0x38;
	[tilespmem:$0x12000] =	vst v63  }
.Ltmp4:
0xc5: {  	_ = 	snop;
	(pc) =	sbr.rel @p2 .LBB2_1-.Ltmp4, $4  }
0xc6: {  	s20 =	simm.s32 @!p1 $0x2  }
0xc7: {  	_ =	swait.ge @!p1 [sflag:s20], $0x1000  }
0xc8: {  	[sflag:s20] =	ssyncset.done @!p1 $0x0  }
0xc9: {  	[sflag:s20] =	ssyncadd.s32 @!p1 $0xFFFFF000  }
0xca: {  	_ =	sfence.sel $0x180000  }
0xcb: {  	[bflag:$0x0] =	sbarrier.arrive $0xFFFF  }
0xcc: {  	p0 =	sne.s32 s1, $0x0;
	_ =	strace $0x90000050  }
0xcd: {  	s0 =	sadd.s32 @!p0 $0x100000, s0;
	[bflag:$0x2] =	sbarrier.arrive $0xFFFF  }
0xce: {  	[sflag:s0] =	ssyncadd.tile.s32 @!p0 $0x1;
	_ =	shalt  }
.Lfunc_end2:
_tile_overlayer_lowered:
.L_overlay_start_2:
0xcf: {  	(tag) =	ssettag $0x2  }
0xd0: {  	s0 =	rddreg [dreg:$0x0];
	s2 =	stileid.u32  }
0xd1: {  	s1 =	rddreg [dreg:$0x1];
	p0 =	sne.s32 s2, $0x0  }
0xd2: {  	s3 =	rddreg [dreg:$0x2];
	[bflag:$0x3] =	sbarrier.arrive $0xFFFF;
	s2 =	simm.s32 @!p0 $0x1C02  }
0xd3: {  	[timem:s3], [sflag:s2] =	dma.local @!p0 [hbm:s0], s1  }
0xd4: {  	s0 =	simm.s32 @!p0 $0x2  }
0xd5: {  	_ =	swait.ge @!p0 [sflag:s0], s1  }
0xd6: {  	s1 =	ssub.s32 @!p0 $0x0, s1;
	[sflag:s0] =	ssyncset.done @!p0 $0x0  }
0xd7: {  	[sflag:s0] =	ssyncadd.s32 @!p0 s1  }
0xd8: {  	[bflag:$0x3] =	sbarrier.arrive $0xFFFF  }
0xd9: {  	_ =	shalt  }

// kernel: _impl.9.cloned.1.call-start
scs
__scs_entry_jumppad:
0x0: {  	(pc) =	sbr.rel $0x88, $3  }
0x1: {  	(tag) =	ssettag $0x0;
	lr =	simm.s32 $0x1  }
0x2: {  	[smem:$0x3F93] =	sst lr;
	_ =	strace $0xD0000000  }
0x3: {  	_ = 	snop  }
0x4: {  	_ = 	snop  }
0x5: {  	_ = 	snop  }
0x6: {  	_ = 	snop  }
0x7: {  	_ = 	snop  }
__scs_overlays_trampoline_lowered:
0x8: {  	[smem:$0x3FA2] =	sst s0  }
0x9: {  	[smem:$0x3FA3] =	sst s1  }
0xa: {  	[smem:$0x3FA4] =	sst s2  }
0xb: {  	[smem:$0x3FA5] =	sst s3  }
0xc: {  	[smem:$0x3FA6] =	sst s4  }
0xd: {  	[smem:$0x3FA7] =	sst s5  }
0xe: {  	[smem:$0x3FA8] =	sst s6  }
0xf: {  	[smem:$0x3FA9] =	sst s7  }
0x10: {  	[smem:$0x3FAA] =	sst s8  }
0x11: {  	[smem:$0x3FAB] =	sst s9;
	s0 =	simm.s32 @!p0 $0x0  }
0x12: {  	s1 =	sld [smem:$0x3F91];
	s0 =	simm.s32 @p0 $0x1  }
0x13: {  	[smem:$0x3FAC] =	sst s0;
	s0 =	simm.s32 @!p1 $0x0  }
0x14: {  	s2 =	sld [smem:$0x3F90];
	s0 =	simm.s32 @p1 $0x1  }
0x15: {  	[smem:$0x3FAD] =	sst s0;
	s0 =	simm.s32 @!p2 $0x0  }
0x16: {  	s3 =	sld [smem:$0x3FDB];
	s0 =	simm.s32 @p2 $0x1  }
0x17: {  	s4 =	simm.s32 $0x1BF5;
	[smem:$0x3FAF] =	sst s0  }
0x18: {  	s0 =	sld [smem:$0x3F92];
	_ =	swait.ge [sflag:s4], $0x0  }
0x19: {  	s7 =	sld [smem:$0x3F93]  }
0x1a: {  	s8 =	sadd.s32 $0xFFFFE003, lr  }
0x1b: {  	s9 =	sadd.s32 $0xFFFFFEF7, lr;
	s5 =	simm.s32 $0xFFFFFFFF;
	p2 =	slt.u32 s8, $0xFFFFF086  }
0x1c: {  	p1 =	slt.u32 s9, $0xF7A;
	s5 =	simm.s32 @!p2 $0x0  }
0x1d: {  	s5 =	simm.s32 @p1 $0x1;
	p0 =	seq.s32 s7, s2  }
0x1e: {  	s7 =	smul.u32 @!p0 $0xF7A, s2;
	p2 =	seq.s32 @!p0 s5, $0x0  }
0x1f: {  	s9 =	smul.u32 $0xF7A, s1;
	s8 =	simm.s32 @!p0 $0x1BF5;
	p2 =	por !p2, p0  }
0x20: {  	[sflag:s8] =	ssyncset.s32 @!p0 $0xFFFFF086;
	s6 =	sadd.s32 @!p0 s3, s7;
	s7 =	simm.s32 @!p0 $0x108  }
0x21: {  	s3 =	sadd.s32 s3, s9;
	s6 =	sadd.s32 @!p0 $0x88, s6;
	s7 =	simm.s32 @p2 $0x1082  }
0x22: {  	[simem:s7], [sflag:s8] =	dma.local @!p0 [hbm:s6], $0xF7A  }
0x23: {  	s9 =	sor.u32 $0xD0000000, s2;
	s6 =	simm.s32 $0x108;
	_ =	swait.ge @!p0 [sflag:s8], $0x0  }
0x24: {  	s3 =	sadd.s32 $0x88, s3;
	s6 =	simm.s32 @!p1 $0x1082;
	[sflag:s4] =	ssyncset.s32 $0xFFFFF086  }
0x25: {  	[simem:s6], [sflag:s4] =	dma.local [hbm:s3], $0xF7A  }
0x26: {  	[smem:$0x3F93] =	sst s1;
	(tag) =	ssettag s2;
	_ =	strace s9  }
0x27: {  	s1 =	sld [smem:$0x3FA3]  }
0x28: {  	s2 =	sld [smem:$0x3FA4]  }
0x29: {  	s4 =	sld [smem:$0x3FA6]  }
0x2a: {  	p0 =	seq.s32 s5, $0x0;
	s5 =	sld [smem:$0x3FA7]  }
0x2b: {  	s6 =	sld [smem:$0x3FA8]  }
0x2c: {  	s7 =	sld [smem:$0x3FA9]  }
0x2d: {  	s3 =	simm.s32 $0x108;
	s8 =	sld [smem:$0x3FAA]  }
0x2e: {  	s3 =	simm.s32 @!p0 $0x1082;
	s9 =	sld [smem:$0x3FAB]  }
0x2f: {  	lr =	sadd.s32 s0, s3;
	s0 =	sld [smem:$0x3FA2]  }
0x30: {  	s3 =	sld [smem:$0x3FA5]  }
0x31: {  	[smem:$0x3FAE] =	sst s10  }
0x32: {  	s10 =	sld [smem:$0x3FAC];
	_ =	sdelay $0x3  }
0x33: {  	p0 =	seq.s32 s10, $0x1;
	s10 =	sld [smem:$0x3FAE];
	_ =	sdelay $0x3  }
0x34: {  	[smem:$0x3FAE] =	sst s10  }
0x35: {  	s10 =	sld [smem:$0x3FAD];
	_ =	sdelay $0x3  }
0x36: {  	p1 =	seq.s32 s10, $0x1;
	s10 =	sld [smem:$0x3FAE];
	_ =	sdelay $0x3  }
0x37: {  	[smem:$0x3FAE] =	sst s10  }
0x38: {  	s10 =	sld [smem:$0x3FAF]  }
0x39: {  	_ = 	snop;
	(pc) =	sbr.ind lr, $3  }
0x3a: {  	_ = 	snop  }
0x3b: {  	_ = 	snop  }
0x3c: {  	p2 =	seq.s32 s10, $0x1;
	s10 =	sld [smem:$0x3FAE]  }
0x3d: {  	_ =	shalt  }
0x3e: {  	_ =	shalt  }
0x3f: {  	_ =	shalt  }
0x40: {  	_ =	shalt  }
0x41: {  	_ =	shalt  }
0x42: {  	_ =	shalt  }
0x43: {  	_ =	shalt  }
0x44: {  	_ =	shalt  }
0x45: {  	_ =	shalt  }
0x46: {  	_ =	shalt  }
0x47: {  	_ =	shalt  }
0x48: {  	_ =	shalt  }
0x49: {  	_ =	shalt  }
0x4a: {  	_ =	shalt  }
0x4b: {  	_ =	shalt  }
0x4c: {  	_ =	shalt  }
0x4d: {  	_ =	shalt  }
0x4e: {  	_ =	shalt  }
0x4f: {  	_ =	shalt  }
0x50: {  	_ =	shalt  }
0x51: {  	_ =	shalt  }
0x52: {  	_ =	shalt  }
0x53: {  	_ =	shalt  }
0x54: {  	_ =	shalt  }
0x55: {  	_ =	shalt  }
0x56: {  	_ =	shalt  }
0x57: {  	_ =	shalt  }
0x58: {  	_ =	shalt  }
0x59: {  	_ =	shalt  }
0x5a: {  	_ =	shalt  }
0x5b: {  	_ =	shalt  }
0x5c: {  	_ =	shalt  }
0x5d: {  	_ =	shalt  }
0x5e: {  	_ =	shalt  }
0x5f: {  	_ =	shalt  }
0x60: {  	_ =	shalt  }
0x61: {  	_ =	shalt  }
0x62: {  	_ =	shalt  }
0x63: {  	_ =	shalt  }
0x64: {  	_ =	shalt  }
0x65: {  	_ =	shalt  }
0x66: {  	_ =	shalt  }
0x67: {  	_ =	shalt  }
0x68: {  	_ =	shalt  }
0x69: {  	_ =	shalt  }
0x6a: {  	_ =	shalt  }
0x6b: {  	_ =	shalt  }
0x6c: {  	_ =	shalt  }
0x6d: {  	_ =	shalt  }
0x6e: {  	_ =	shalt  }
0x6f: {  	_ =	shalt  }
0x70: {  	_ =	shalt  }
0x71: {  	_ =	shalt  }
0x72: {  	_ =	shalt  }
0x73: {  	_ =	shalt  }
0x74: {  	_ =	shalt  }
0x75: {  	_ =	shalt  }
0x76: {  	_ =	shalt  }
0x77: {  	_ =	shalt  }
0x78: {  	_ =	shalt  }
0x79: {  	_ =	shalt  }
0x7a: {  	_ =	shalt  }
0x7b: {  	_ =	shalt  }
0x7c: {  	_ =	shalt  }
0x7d: {  	_ =	shalt  }
0x7e: {  	_ =	shalt  }
0x7f: {  	_ =	shalt  }
0x80: {  	_ =	shalt  }
0x81: {  	_ =	shalt  }
0x82: {  	_ =	shalt  }
0x83: {  	_ =	shalt  }
0x84: {  	_ =	shalt  }
0x85: {  	_ =	shalt  }
0x86: {  	_ =	shalt  }
0x87: {  	_ =	shalt  }
.Lfunc_end0:
.L_simem_size_0:
called_computation_lowered:
.L_overlay_start_0:
0x88: {  	s2 =	sld [smem:$0x3FD9]  }
0x89: {  	s3 =	sld [smem:$0x3FFE];
	_ =	sdelay $0x1  }
0x8a: {  	s1 =	srdreg.scid  }
0x8b: {  	s0 =	sand.u32 $0x1, s1  }
0x8c: {  	s17 =	sshll.u32 s0, $0xA;
	s2 =	sadd.s32 s3, s2  }
0x8d: {  	s2 =	sadd.s32 s2, s17  }
0x8e: {  	[smem:$0x3FBA] =	sst s2  }
0x8f: {  	_ = 	snop  }
0x90: {  	s2 =	sld [smem:$0x3FD0];
	(tm) =	ssettm $0x1  }
0x91: {  	s18 =	sld [smem:$0x3FFB];
	_ =	sdelay $0x3  }
0x92: {  	_ =	strace s18  }
0x93: {  	s3 =	sld [smem:$0x3FFC];
	_ =	sdelay $0x3  }
0x94: {  	_ =	strace s3  }
0x95: {  	s3 =	sld [smem:$0x3FFD];
	_ =	sdelay $0x3  }
0x96: {  	_ =	strace s3  }
0x97: {  	_ =	strace $0x8FFFFFFF  }
0x98: {  	s19 =	sld [smem:$0x3FDB];
	_ =	sdelay $0x1  }
0x99: {  	s4 =	simm.s32 $_scs_section_size  }
0x9a: {  	s5 =	simm.s32 $_size__tile_overlayer_lowered;
	s6 =	simm.s32 $_tile_overlayer_lowered  }
0x9b: {  	s22 =	simm.s32 $0x1BFF;
	s21 =	sshll.u32 s6, $0x1;
	s3 =	sadd.s32 s4, s19  }
0x9c: {  	s7 =	simm.s32 $0x0;
	s20 =	sshll.u32 s5, $0x1;
	s5 =	sadd.s32 s21, s3  }
0x9d: {  	[timem:s7], [sflag:s22] =	dma.local [hbm:s5], s20  }
0x9e: {  	_ =	swait.ge [sflag:s22], s20  }
0x9f: {  	s4 =	ssub.s32 $0x0, s20;
	[sflag:s22] =	ssyncset.done $0x0  }
0xa0: {  	[sflag:s22] =	ssyncadd.s32 s4;
	_ =	sdelay $0x1  }
0xa1: {  	s23 =	simm.s32 $0x1B8B  }
0xa2: {  	_ =	swait.ge [sflag:s23], $0x1  }
0xa3: {  	[sflag:s23] =	ssyncset.done $0x0  }
0xa4: {  	s25 =	simm.s32 $0x1B8E;
	s24 =	sld [smem:$0x3FFE];
	[sflag:s23] =	ssyncadd.s32 $0xFFFFFFFF  }
0xa5: {  	s26 =	simm.s32 $execute0_lowered;
	[smem:$0x3FD2] =	sst s25  }
0xa6: {  	s5 =	sshll.u32 s26, $0x1;
	_ =	strace $0x80000046;
	[dreg:$0x1] =	wrdreg $0xFFFFFFFF  }
0xa7: {  	s28 =	simm.s32 $_size_execute0_lowered;
	s3 =	sadd.s32 s3, s5;
	[dreg:$0x0] =	wrdreg $0x0  }
0xa8: {  	s5 =	sshll.u32 s28, $0x1;
	[dreg:$0x2] =	wrdreg s3  }
0xa9: {  	[dreg:$0x3] =	wrdreg s5  }
0xaa: {  	[dreg:$0x4] =	wrdreg $0xC0  }
0xab: {  	_ =	task [dreg:s7], $0x5FFFF  }
0xac: {  	[dreg:$0x1] =	wrdreg $0xFFFFFFFF  }
0xad: {  	[dreg:$0x0] =	wrdreg $0x60  }
0xae: {  	[dreg:$0x2] =	wrdreg s24  }
0xaf: {  	[dreg:$0x3] =	wrdreg s2  }
0xb0: {  	[dreg:$0x4] =	wrdreg $0x0  }
0xb1: {  	[dreg:$0x5] =	wrdreg $0x28000  }
0xb2: {  	[dreg:$0x6] =	wrdreg $0x9  }
0xb3: {  	_ =	task.clear_ibuf [dreg:s7], $0x7FFFF;
	_ =	strace $0x90000046  }
0xb4: {  	s29 =	simm.s32 $0x9;
	_ =	strace $0x80000048  }
0xb5: {  	_ =	swait.ge [sflag:s29], $0x1  }
0xb6: {  	[sflag:s29] =	ssyncadd.s32 $0xFFFFFFFF  }
0xb7: {  	_ =	strace $0x90000048  }
0xb8: {  	_ =	sfence  }
0xb9: {  	s30 =	sld [smem:$0x0];
	_ =	sdelay $0x2  }
0xba: {  	s31 =	sshll.u32 s1, $0xD;
	s1 =	sshrl.u32 s1, $0x2  }
0xbb: {  	s3 =	sand.u32 $0x4000, s31;
	s1 =	sadd.s32 s1, s30  }
0xbc: {  	s0 =	sor.u32 s3, s0;
	s1 =	sshll.u32 s1, $0x11  }
0xbd: {  	s0 =	sor.u32 s1, s0  }
0xbe: {  	s0 =	sadd.s32 $0x8F2B, s0  }
0xbf: {  	[sflag:s0] =	ssyncadd.remote.s32 $0x1  }
0xc0: {  	_ =	sfence.sel $0xFFFF  }
0xc1: {  	[dreg:$0x0] =	wrdreg $0xFFFFFFFF;
	(pc) =	sbr.abs _section_cstart, $3  }
0xc2: {  	[dreg:$0x1] =	wrdreg $0xFFFFFFFF  }
0xc3: {  	_ =	task.clear_ibuf [dreg:s7], $0x2FFFF;
	_ =	strace $0x9FFFFFFF  }
0xc4: {  	(tm) =	ssettm $0x7FFFFFFF  }
0xc5: {  	_ =	shalt  }
tec
execute0_lowered:
.L_overlay_start_1:
0x0: {  	(tag) =	ssettag $0x1  }
0x1: {  	s5 =	rddreg [dreg:$0x0]  }
0x2: {  	s1 =	srdreg.scid;
	s9 =	rddreg [dreg:$0x1]  }
0x3: {  	s0 =	stileid.u32;
	s2 =	rddreg [dreg:$0x2]  }
0x4: {  	s3 =	rddreg [dreg:$0x3];
	s4 =	simm.s32 $0x0;
	s20 =	simm.s32 $0x11800  }
0x5: {  	s21 =	simm.s32 $0x1;
	s22 =	simm.s32 $0x2;
	s23 =	simm.s32 $0x0  }
0x6: {  	s8 =	sand.u32 $0x1, s1;
	s29 =	sshll.u32 s0, $0x1;
	s7 =	smul.u32 $0x2800, s0  }
0x7: {  	[smem:$0x7FF] =	sst s4;
	s13 =	sadd.s32 $0x1C600, s5;
	s15 =	sadd.s32 $0x2B600, s5  }
0x8: {  	s16 =	sadd.s32 $0x21600, s5;
	s18 =	sadd.s32 $0x26600, s5;
	s30 =	sshll.u32 s0, $0x6  }
0x9: {  	s1 =	sor.u32 s8, s29;
	s14 =	ssub.s32 $0x2, s8;
	p0 =	seq.s32 s8, $0x1  }
0xa: {  	s10 =	smul.u32 $0x500, s1;
	s1 =	rddreg [dreg:$0x4];
	_ =	strace $0x80000047  }
0xb: {  	s12 =	sshrl.u32 s7, $0x3;
	s17 =	sshrl.u32 s14, $0x1;
	s19 =	sadd.s32 s7, s2  }
0xc: {  	s31 =	sadd.s32 s7, s3;
	s13 =	smov.u32 @p0 s15;
	s16 =	smov.u32 @p0 s18  }
0xd: {  	s18 =	simm.s32 $0xA000;
	s6 =	sadd.s32 s12, s5;
	s14 =	ssub.s32 s14, s17  }
0xe: {  	s15 =	sshrl.u32 s31, $0x3;
	s17 =	simm.s32 $0x7800;
	s11 =	sadd.s32 s10, s5  }
0xf: {  	s5 =	sadd.s32 $0x17600, s6;
	s6 =	sor.u32 $0x1C03, s30;
	s9 =	sadd.s32 s9, s10  }
0x10: {  	s10 =	smax.u32 s14, $0x1;
	s14 =	simm.s32 $0x3;
	s7 =	sadd.s32 $0xD600, s11  }
0x11: {  	s8 =	sadd.s32 $0x3600, s11;
	s11 =	sadd.s32 s13, s12;
	s12 =	sadd.s32 s16, s12  }
0x12: {  	v0 =	vimm.f32 $1.000000000e+00;
	s13 =	sshrl.u32 s19, $0x3;
	s16 =	simm.s32 $0x5000;
	s19 =	simm.s32 $0x80  }
.LBB2_1:
0x13: {  	[spmem:s13], [sflag:s6] =	dma.local [hbm:s5], $0x500  }
0x14: {  	_ =	swait.ge [sflag:s14], $0x500  }
0x15: {  	[sflag:s14] =	ssyncset.done $0x0  }
0x16: {  	[sflag:s14] =	ssyncadd.s32 $0xFFFFFB00  }
0x17: {  	[spmem:s15], [sflag:s6] =	dma.local [hbm:s5], $0x500  }
0x18: {  	_ =	swait.ge [sflag:s14], $0x500  }
0x19: {  	[sflag:s14] =	ssyncset.done $0x0  }
0x1a: {  	[sflag:s14] =	ssyncadd.s32 $0xFFFFFB00  }
0x1b: {  	[tilespmem:s16], [sflag:$0x3] =	stream.linear.gather [hbm4b:s7+s4], $0x2800, $0x38;
	[tilespmem:$0x11880] =	vst v63  }
0x1c: {  	_ =	swait.ge [sflag:s14], $0x2800  }
0x1d: {  	[sflag:s14] =	ssyncset.done $0x0  }
0x1e: {  	[sflag:s14] =	ssyncadd.s32 $0xFFFFD800  }
0x1f: {  	[tilespmem:s17], [sflag:$0x3] =	stream.linear.gather [hbm4b:s8+s4], $0x2800, $0x38;
	[tilespmem:$0x11880] =	vst v63  }
0x20: {  	_ =	swait.ge [sflag:s14], $0x2800  }
0x21: {  	[sflag:s14] =	ssyncset.done $0x0  }
0x22: {  	[sflag:s14] =	ssyncadd.s32 $0xFFFFD800  }
0x23: {  	[tilespmem:s18], [sflag:$0x3] =	stream.linear.gather [hbm4b:s9+s4], $0x2800, $0x38;
	[tilespmem:$0x11880] =	vst v63  }
0x24: {  	_ =	swait.ge [sflag:s14], $0x2800  }
0x25: {  	[sflag:s14] =	ssyncset.done $0x0  }
0x26: {  	[sflag:s14] =	ssyncadd.s32 $0xFFFFD800  }
0x27: {  	[tilespmem:$0x11800] =	vst v0  }
0x28: {  	[tilespmem:$0x11810] =	vst v0  }
0x29: {  	[tilespmem:$0x11820] =	vst v0  }
0x2a: {  	[tilespmem:$0x11830] =	vst v0  }
0x2b: {  	[tilespmem:$0x11840] =	vst v0  }
0x2c: {  	[tilespmem:$0x11850] =	vst v0  }
0x2d: {  	[tilespmem:$0x11860] =	vst v0  }
0x2e: {  	s24 =	simm.s32 $0x0;
	[tilespmem:$0x11870] =	vst v0  }
0x2f: {  	v1 =	vld [tilespmem:s24+$0xA070];
	_ =	sdelay $0x1  }
0x30: {  	v3 =	vld [tilespmem:s24+$0x7870];
	_ =	sdelay $0x1  }
0x31: {  	v2 =	vld [tilespmem:s24+$0xA000]  }
0x32: {  	v4 =	vld [tilespmem:s24+$0xA010];
	v1 =	vmul.u32 $0x2800, v1  }
0x33: {  	v5 =	vld [tilespmem:s24+$0xA020]  }
0x34: {  	v6 =	vld [tilespmem:s24+$0xA030];
	v3 =	vadd.s32 v3, v1  }
0x35: {  	[tilespmem:s24+$0xF070] =	vst v3;
	v3 =	vld [tilespmem:s24+$0x5000]  }
0x36: {  	v7 =	vld [tilespmem:s24+$0xA040]  }
0x37: {  	v10 =	vld [tilespmem:s24+$0x7800]  }
0x38: {  	v11 =	vld [tilespmem:s24+$0x5010];
	v2 =	vmul.u32 $0x2800, v2  }
0x39: {  	v8 =	vld [tilespmem:s24+$0xA050]  }
0x3a: {  	v12 =	vld [tilespmem:s24+$0x7810];
	v3 =	vadd.s32 v3, v2  }
0x3b: {  	v13 =	vld [tilespmem:s24+$0x5020];
	[tilespmem:s24+$0xC800] =	vst v3;
	v3 =	vmul.u32 $0x2800, v4  }
0x3c: {  	v9 =	vld [tilespmem:s24+$0xA060];
	v2 =	vadd.s32 v10, v2  }
0x3d: {  	v14 =	vld [tilespmem:s24+$0x7820];
	[tilespmem:s24+$0xF000] =	vst v2;
	v2 =	vadd.s32 v11, v3  }
0x3e: {  	v10 =	vld [tilespmem:s24+$0x5030];
	[tilespmem:s24+$0xC810] =	vst v2;
	v2 =	vmul.u32 $0x2800, v5  }
0x3f: {  	v11 =	vld [tilespmem:s24+$0x7830];
	v3 =	vadd.s32 v12, v3  }
0x40: {  	v62 =	vld [tilespmem:s24+$0x5040];
	[tilespmem:s24+$0xF010] =	vst v3;
	v3 =	vadd.s32 v13, v2  }
0x41: {  	v63 =	vld [tilespmem:s24+$0x7840];
	[tilespmem:s24+$0xC820] =	vst v3;
	v3 =	vmul.u32 $0x2800, v6  }
0x42: {  	v4 =	vld [tilespmem:s24+$0x5050];
	v2 =	vadd.s32 v14, v2  }
0x43: {  	v5 =	vld [tilespmem:s24+$0x7850];
	[tilespmem:s24+$0xF020] =	vst v2;
	v2 =	vadd.s32 v10, v3;
	v10 =	vmul.u32 $0x2800, v7  }
0x44: {  	v6 =	vld [tilespmem:s24+$0x5060];
	[tilespmem:s24+$0xC830] =	vst v2;
	v2 =	vadd.s32 v11, v3  }
0x45: {  	v7 =	vld [tilespmem:s24+$0x7860];
	v3 =	vmul.u32 $0x2800, v8;
	[tilespmem:s24+$0xF030] =	vst v2;
	v2 =	vadd.s32 v62, v10  }
0x46: {  	s25 =	simm.s32 $0x80;
	s26 =	simm.s32 $0x400;
	v8 =	vld [tilespmem:s24+$0x5070];
	[tilespmem:s24+$0xC840] =	vst v2;
	v2 =	vmul.u32 $0x2800, v9;
	v9 =	vadd.s32 v63, v10  }
.LBB2_2:
0x47: {  	p0 =	sne.s32 s26, $0x9E00;
	v10 =	vld [tilespmem:s25+$0xA070];
	[tilespmem:s24+$0xF040] =	vst v9;
	v4 =	vadd.s32 v4, v3  }
0x48: {  	v9 =	vld [tilespmem:s25+$0xA000];
	[tilespmem:s24+$0xC850] =	vst v4;
	v3 =	vadd.s32 v5, v3  }
0x49: {  	v4 =	vld [tilespmem:s25+$0x7870];
	[tilespmem:s24+$0xF050] =	vst v3;
	v3 =	vadd.s32 v6, v2  }
0x4a: {  	v5 =	vld [tilespmem:s25+$0xA010];
	[tilespmem:s24+$0xC860] =	vst v3;
	v2 =	vadd.s32 v7, v2  }
0x4b: {  	v3 =	vld [tilespmem:s25+$0xA020];
	[tilespmem:s24+$0xF060] =	vst v2;
	v2 =	vadd.s32 v8, v1  }
0x4c: {  	v6 =	vld [tilespmem:s25+$0xA030];
	v1 =	vmul.u32 $0x2800, v10;
	[tilespmem:s24+$0xC870] =	vst v2;
	s24 =	smov.u32 s25  }
0x4d: {  	v7 =	vmul.u32 $0x2800, v9;
	v2 =	vld [tilespmem:s24+$0xA040]  }
0x4e: {  	v8 =	vld [tilespmem:s24+$0xA050];
	v4 =	vadd.s32 v4, v1  }
0x4f: {  	v5 =	vmul.u32 $0x2800, v5;
	v9 =	vld [tilespmem:s24+$0xA060];
	[tilespmem:s24+$0xF070] =	vst v4  }
0x50: {  	v4 =	vld [tilespmem:s24+$0x5000];
	v10 =	vmul.u32 $0x2800, v3  }
0x51: {  	v11 =	vld [tilespmem:s24+$0x7800];
	v6 =	vmul.u32 $0x2800, v6  }
0x52: {  	v12 =	vld [tilespmem:s24+$0x5010];
	v13 =	vmul.u32 $0x2800, v2  }
0x53: {  	v14 =	vld [tilespmem:s24+$0x7810];
	v3 =	vmul.u32 $0x2800, v8  }
0x54: {  	v8 =	vld [tilespmem:s24+$0x5020];
	v2 =	vmul.u32 $0x2800, v9  }
0x55: {  	v4 =	vadd.s32 v4, v7;
	v9 =	vld [tilespmem:s24+$0x7820]  }
0x56: {  	[tilespmem:s24+$0xC800] =	vst v4;
	v4 =	vadd.s32 v11, v7;
	v7 =	vld [tilespmem:s24+$0x5030]  }
0x57: {  	[tilespmem:s24+$0xF000] =	vst v4;
	v4 =	vadd.s32 v12, v5;
	v11 =	vld [tilespmem:s24+$0x7830]  }
0x58: {  	[tilespmem:s24+$0xC810] =	vst v4;
	v4 =	vadd.s32 v14, v5;
	v12 =	vld [tilespmem:s24+$0x5040]  }
0x59: {  	[tilespmem:s24+$0xF010] =	vst v4;
	v4 =	vadd.s32 v8, v10;
	v8 =	vld [tilespmem:s24+$0x7840]  }
.Ltmp0:
0x5a: {  	[tilespmem:s24+$0xC820] =	vst v4;
	v5 =	vadd.s32 v9, v10;
	v4 =	vld [tilespmem:s24+$0x5050];
	(pc) =	sbr.rel @p0 .LBB2_2-.Ltmp0, $4  }
0x5b: {  	[tilespmem:s24+$0xF020] =	vst v5;
	v7 =	vadd.s32 v7, v6;
	v5 =	vld [tilespmem:s24+$0x7850]  }
0x5c: {  	[tilespmem:s24+$0xC830] =	vst v7;
	v7 =	vadd.s32 v11, v6;
	v6 =	vld [tilespmem:s24+$0x5060]  }
0x5d: {  	[tilespmem:s24+$0xF030] =	vst v7;
	v9 =	vadd.s32 v12, v13;
	v7 =	vld [tilespmem:s24+$0x7860]  }
0x5e: {  	s25 =	sshra.s32 s26, $0x2;
	s26 =	sadd.s32 $0x200, s26;
	[tilespmem:s24+$0xC840] =	vst v9;
	v9 =	vadd.s32 v8, v13;
	v8 =	vld [tilespmem:s24+$0x5070]  }
0x5f: {  	v10 =	vld [tilespmem:s25+$0xA070];
	[tilespmem:s24+$0xF040] =	vst v9;
	v4 =	vadd.s32 v4, v3  }
0x60: {  	v9 =	vld [tilespmem:s25+$0xA000];
	[tilespmem:s24+$0xC850] =	vst v4;
	v3 =	vadd.s32 v5, v3  }
0x61: {  	v4 =	vld [tilespmem:s25+$0x7870];
	[tilespmem:s24+$0xF050] =	vst v3;
	v3 =	vadd.s32 v6, v2  }
0x62: {  	v46 =	vld [tilespmem:s25+$0xA010];
	[tilespmem:s24+$0xC860] =	vst v3;
	v2 =	vadd.s32 v7, v2  }
0x63: {  	v3 =	vld [tilespmem:s25+$0xA020];
	[tilespmem:s24+$0xF060] =	vst v2;
	v1 =	vadd.s32 v8, v1  }
0x64: {  	v2 =	vld [tilespmem:s25+$0xA030];
	[tilespmem:s24+$0xC870] =	vst v1  }
0x65: {  	v47 =	vld [tilespmem:s25+$0xA040]  }
0x66: {  	v48 =	vld [tilespmem:s25+$0xA050]  }
0x67: {  	v49 =	vld [tilespmem:s25+$0xA060]  }
0x68: {  	v50 =	vld [tilespmem:s25+$0x5000]  }
0x69: {  	v51 =	vld [tilespmem:s25+$0x7800]  }
0x6a: {  	v1 =	vmul.u32 $0x2800, v10;
	v11 =	vld [tilespmem:s25+$0x5010]  }
0x6b: {  	v9 =	vmul.u32 $0x2800, v9;
	v13 =	vld [tilespmem:s25+$0x5020]  }
0x6c: {  	v14 =	vld [tilespmem:s25+$0x7820];
	v4 =	vadd.s32 v4, v1  }
0x6d: {  	v54 =	vld [tilespmem:s25+$0x5030];
	[tilespmem:s25+$0xF070] =	vst v4;
	v52 =	vmul.u32 $0x2800, v46;
	v4 =	vadd.s32 v50, v9  }
0x6e: {  	v12 =	vld [tilespmem:s25+$0x7810];
	v3 =	vmul.u32 $0x2800, v3;
	v53 =	vadd.s32 v51, v9;
	[tilespmem:s25+$0xC800] =	vst v4  }
0x6f: {  	v56 =	vld [tilespmem:s25+$0x7830];
	v55 =	vadd.s32 v11, v52;
	[tilespmem:s25+$0xF000] =	vst v53  }
0x70: {  	v57 =	vld [tilespmem:s25+$0x5040];
	v2 =	vmul.u32 $0x2800, v2;
	v58 =	vadd.s32 v13, v3;
	[tilespmem:s25+$0xC810] =	vst v55  }
0x71: {  	v59 =	vld [tilespmem:s25+$0x7840];
	v3 =	vadd.s32 v14, v3;
	[tilespmem:s25+$0xC820] =	vst v58  }
0x72: {  	v60 =	vld [tilespmem:s25+$0x5050];
	[tilespmem:s25+$0xF020] =	vst v3;
	v3 =	vadd.s32 v54, v2  }
0x73: {  	v61 =	vld [tilespmem:s25+$0x7850];
	v4 =	vadd.s32 v12, v52;
	[tilespmem:s25+$0xC830] =	vst v3;
	v3 =	vmul.u32 $0x2800, v47  }
0x74: {  	v62 =	vld [tilespmem:s25+$0x5060];
	v2 =	vadd.s32 v56, v2;
	[tilespmem:s25+$0xF010] =	vst v4  }
0x75: {  	v63 =	vld [tilespmem:s25+$0x7860];
	v7 =	vmul.u32 $0x2800, v48;
	[tilespmem:s25+$0xF030] =	vst v2;
	v2 =	vadd.s32 v57, v3  }
0x76: {  	[tilespmem:s25+$0xC840] =	vst v2;
	v2 =	vadd.s32 v59, v3;
	v3 =	vld [tilespmem:s25+$0x5070]  }
0x77: {  	v8 =	vmul.u32 $0x2800, v49;
	[tilespmem:s25+$0xF040] =	vst v2;
	v2 =	vadd.s32 v60, v7  }
0x78: {  	[tilespmem:s25+$0xC850] =	vst v2;
	v2 =	vadd.s32 v61, v7  }
0x79: {  	[tilespmem:s25+$0xF050] =	vst v2;
	v2 =	vadd.s32 v62, v8  }
0x7a: {  	[tilespmem:s25+$0xC860] =	vst v2;
	v2 =	vadd.s32 v63, v8  }
0x7b: {  	[tilespmem:s25+$0xF060] =	vst v2;
	v1 =	vadd.s32 v3, v1  }
0x7c: {  	p0 =	por $0x1, $0x1;
	[tilespmem:s25+$0xC870] =	vst v1  }
0x7d: {  	s24 =	simm.s32 @!p0 $0x1;
	[bflag:$0x0] =	sbarrier.arrive $0xFFFF  }
0x7e: {  	_ =	swait.ge @!p0 [sflag:s24], $0x80  }
0x7f: {  	[sflag:s24] =	ssyncset.done @!p0 $0x0  }
0x80: {  	s25 =	simm.s32 @!p0 $0x2;
	[sflag:s24] =	ssyncadd.s32 @!p0 $0xFFFFFF80  }
0x81: {  	s28 =	simm.s32 $0xF000;
	_ =	swait.ge @!p0 [sflag:s25], $0x80  }
0x82: {  	s26 =	simm.s32 $0x2;
	s24 =	simm.s32 $0xC800;
	[sflag:s25] =	ssyncset.done @!p0 $0x0  }
0x83: {  	[sflag:s25] =	ssyncadd.s32 @!p0 $0xFFFFFF80;
	p0 =	por $0x1, $0x1;
	s25 =	simm.s32 $0xF080  }
0x84: {  	[spmem:s2] =	stream.indirect.scatter.add.f32 [tilespmem:s20], [sflag:$0x1], $0x1, s24, s19, $0xb8;
	[tilespmem:$0x11880] =	vst v63  }
.LBB2_4:
0x85: {  	s29 =	simm.s32 @!p0 $0x1  }
0x86: {  	s24 =	sadd.s32 $0x80, s24;
	s30 =	smov.u32 s26;
	s26 =	sadd.s32 $0x1, s26  }
0x87: {  	[spmem:s3] =	stream.indirect.scatter.add.f32 [tilespmem:s20], [sflag:$0x2], $0x1, s28, s19, $0xb8;
	[tilespmem:$0x11880] =	vst v63  }
0x88: {  	p1 =	sne.s32 s26, $0x50;
	s28 =	smov.u32 s25;
	_ =	swait.ge @!p0 [sflag:s29], $0x80  }
0x89: {  	[sflag:s29] =	ssyncset.done @!p0 $0x0  }
.Ltmp1:
0x8a: {  	[sflag:s29] =	ssyncadd.s32 @!p0 $0xFFFFFF80;
	s29 =	simm.s32 @!p0 $0x2;
	(pc) =	sbr.rel @p1 .LBB2_4-.Ltmp1, $4  }
0x8b: {  	_ =	swait.ge @!p0 [sflag:s29], $0x80  }
0x8c: {  	[sflag:s29] =	ssyncset.done @!p0 $0x0  }
0x8d: {  	s25 =	sadd.s32 $0x80, s25;
	[sflag:s29] =	ssyncadd.s32 @!p0 $0xFFFFFF80;
	p0 =	slt.u32 s30, $0x8  }
0x8e: {  	[spmem:s2] =	stream.indirect.scatter.add.f32 [tilespmem:s20], [sflag:$0x1], $0x1, s24, s19, $0xb8;
	[tilespmem:$0x11880] =	vst v63  }
0x8f: {  	s26 =	simm.s32 @!p0 $0x1  }
0x90: {  	[spmem:s3] =	stream.indirect.scatter.add.f32 [tilespmem:s20], [sflag:$0x2], $0x1, s28, s19, $0xb8;
	[tilespmem:$0x11880] =	vst v63  }
0x91: {  	_ =	swait.ge @!p0 [sflag:s26], $0x80  }
0x92: {  	[sflag:s26] =	ssyncset.done @!p0 $0x0  }
0x93: {  	[sflag:s26] =	ssyncadd.s32 @!p0 $0xFFFFFF80;
	s26 =	simm.s32 @!p0 $0x2  }
0x94: {  	_ =	swait.ge @!p0 [sflag:s26], $0x80  }
0x95: {  	[sflag:s26] =	ssyncset.done @!p0 $0x0  }
0x96: {  	s24 =	sadd.s32 $0x80, s24;
	[sflag:s26] =	ssyncadd.s32 @!p0 $0xFFFFFF80  }
0x97: {  	[spmem:s2] =	stream.indirect.scatter.add.f32 [tilespmem:s20], [sflag:$0x1], $0x1, s24, s19, $0xb8;
	[tilespmem:$0x11880] =	vst v63  }
0x98: {  	_ = 	snop  }
0x99: {  	[spmem:s3] =	stream.indirect.scatter.add.f32 [tilespmem:s20], [sflag:$0x2], $0x1, s25, s19, $0xb8;
	[tilespmem:$0x11880] =	vst v63  }
0x9a: {  	_ =	swait.ge [sflag:s21], $0x80  }
0x9b: {  	[sflag:s21] =	ssyncset.done $0x0  }
0x9c: {  	[sflag:s21] =	ssyncadd.s32 $0xFFFFFF80  }
0x9d: {  	_ =	swait.ge [sflag:s22], $0x80  }
0x9e: {  	[sflag:s22] =	ssyncset.done $0x0  }
0x9f: {  	[sflag:s22] =	ssyncadd.s32 $0xFFFFFF80  }
0xa0: {  	_ =	swait.ge [sflag:s21], $0x80  }
0xa1: {  	[sflag:s21] =	ssyncset.done $0x0  }
0xa2: {  	[sflag:s21] =	ssyncadd.s32 $0xFFFFFF80  }
0xa3: {  	_ =	swait.ge [sflag:s22], $0x80  }
0xa4: {  	[sflag:s22] =	ssyncset.done $0x0  }
0xa5: {  	[sflag:s22] =	ssyncadd.s32 $0xFFFFFF80  }
0xa6: {  	_ =	swait.ge [sflag:s21], $0x80  }
0xa7: {  	[sflag:s21] =	ssyncset.done $0x0  }
0xa8: {  	[sflag:s21] =	ssyncadd.s32 $0xFFFFFF80  }
0xa9: {  	_ =	swait.ge [sflag:s22], $0x80  }
0xaa: {  	[sflag:s22] =	ssyncset.done $0x0  }
0xab: {  	[sflag:s22] =	ssyncadd.s32 $0xFFFFFF80  }
0xac: {  	_ =	swait.ge [sflag:s21], $0x80  }
0xad: {  	[sflag:s21] =	ssyncset.done $0x0  }
0xae: {  	[sflag:s21] =	ssyncadd.s32 $0xFFFFFF80  }
0xaf: {  	_ =	swait.ge [sflag:s22], $0x80  }
0xb0: {  	[sflag:s22] =	ssyncset.done $0x0  }
0xb1: {  	[sflag:s22] =	ssyncadd.s32 $0xFFFFFF80  }
0xb2: {  	_ =	swait.ge [sflag:s21], $0x80  }
0xb3: {  	[sflag:s21] =	ssyncset.done $0x0  }
0xb4: {  	[sflag:s21] =	ssyncadd.s32 $0xFFFFFF80  }
0xb5: {  	_ =	swait.ge [sflag:s22], $0x80  }
0xb6: {  	[sflag:s22] =	ssyncset.done $0x0  }
0xb7: {  	[sflag:s22] =	ssyncadd.s32 $0xFFFFFF80  }
0xb8: {  	_ =	swait.ge [sflag:s21], $0x80  }
0xb9: {  	[sflag:s21] =	ssyncset.done $0x0  }
0xba: {  	[sflag:s21] =	ssyncadd.s32 $0xFFFFFF80  }
0xbb: {  	_ =	swait.ge [sflag:s22], $0x80  }
0xbc: {  	[sflag:s22] =	ssyncset.done $0x0  }
0xbd: {  	[sflag:s22] =	ssyncadd.s32 $0xFFFFFF80  }
0xbe: {  	_ =	swait.ge [sflag:s21], $0x80  }
0xbf: {  	[sflag:s21] =	ssyncset.done $0x0  }
0xc0: {  	[sflag:s21] =	ssyncadd.s32 $0xFFFFFF80  }
0xc1: {  	_ =	swait.ge [sflag:s22], $0x80  }
0xc2: {  	[sflag:s22] =	ssyncset.done $0x0  }
0xc3: {  	[sflag:s22] =	ssyncadd.s32 $0xFFFFFF80  }
0xc4: {  	_ =	swait.ge [sflag:s21], $0x80  }
0xc5: {  	[sflag:s21] =	ssyncset.done $0x0  }
0xc6: {  	[sflag:s21] =	ssyncadd.s32 $0xFFFFFF80  }
0xc7: {  	_ =	swait.ge [sflag:s22], $0x80  }
0xc8: {  	[sflag:s22] =	ssyncset.done $0x0  }
0xc9: {  	[sflag:s22] =	ssyncadd.s32 $0xFFFFFF80  }
0xca: {  	[bflag:$0x0] =	sbarrier.arrive $0xFFFF  }
0xcb: {  	[hbm:s11], [sflag:s6] =	dma.local [spmem:s13], $0x500  }
0xcc: {  	s23 =	sadd.s32 $0x1, s23;
	_ =	swait.ge [sflag:s14], $0x500  }
0xcd: {  	p0 =	sne.s32 s23, s10;
	[sflag:s14] =	ssyncset.done $0x0  }
.Ltmp2:
0xce: {  	[sflag:s14] =	ssyncadd.s32 $0xFFFFFB00;
	(pc) =	sbr.rel @p0 .LBB2_1-.Ltmp2, $4  }
0xcf: {  	[hbm:s12], [sflag:s6] =	dma.local [spmem:s15], $0x500  }
0xd0: {  	_ =	swait.ge [sflag:s14], $0x500  }
0xd1: {  	[sflag:s14] =	ssyncset.done $0x0  }
0xd2: {  	[sflag:s14] =	ssyncadd.s32 $0xFFFFFB00  }
0xd3: {  	_ =	sfence.sel $0x180000  }
0xd4: {  	[bflag:$0x0] =	sbarrier.arrive $0xFFFF  }
0xd5: {  	p0 =	sne.s32 s0, $0x0;
	_ =	strace $0x90000047  }
0xd6: {  	s0 =	sadd.s32 @!p0 $0x100000, s1;
	[bflag:$0x2] =	sbarrier.arrive $0xFFFF  }
0xd7: {  	[sflag:s0] =	ssyncadd.tile.s32 @!p0 $0x1;
	_ =	shalt  }
.Lfunc_end2:
_tile_overlayer_lowered:
.L_overlay_start_2:
0xd8: {  	(tag) =	ssettag $0x2  }
0xd9: {  	s0 =	rddreg [dreg:$0x0];
	s2 =	stileid.u32  }
0xda: {  	s1 =	rddreg [dreg:$0x1];
	p0 =	sne.s32 s2, $0x0  }
0xdb: {  	s3 =	rddreg [dreg:$0x2];
	[bflag:$0x3] =	sbarrier.arrive $0xFFFF;
	s2 =	simm.s32 @!p0 $0x1C03  }
0xdc: {  	[timem:s3], [sflag:s2] =	dma.local @!p0 [hbm:s0], s1  }
0xdd: {  	s0 =	simm.s32 @!p0 $0x3  }
0xde: {  	_ =	swait.ge @!p0 [sflag:s0], s1  }
0xdf: {  	s1 =	ssub.s32 @!p0 $0x0, s1;
	[sflag:s0] =	ssyncset.done @!p0 $0x0  }
0xe0: {  	[sflag:s0] =	ssyncadd.s32 @!p0 s1  }
0xe1: {  	[bflag:$0x3] =	sbarrier.arrive $0xFFFF  }
0xe2: {  	_ =	shalt  }

</sc_bundles>
